<compile_context>
chip_gen: v7x
topology: tpu7x:2x2x1
jax: 0.10.2.dev20260603
libtpu: 0.0.44.dev20260713+nightly
codegen_flags: <defaults>
</compile_context>

<pallas_src>
import functools

import jax
import jax.numpy as jnp
import numpy as np
from jax import lax
from jax.experimental import pallas as pl
from jax.experimental.pallas import tpu as pltpu
from jax.experimental.pallas import tpu_sc as plsc

F = 26
V = 100000
D = 16
B = 16384
TOTAL = B * F
NC, NS, L = 2, 16, 16
NW = NC * NS
PER_W = TOTAL // NW
CHUNK = 1664
ROWS = CHUNK // F
NCH = PER_W // CHUNK
GSZ = 128
NG = CHUNK // GSZ

_mesh = plsc.VectorSubcoreMesh(core_axis_name="c", subcore_axis_name="s")


@functools.partial(
    pl.kernel,
    mesh=_mesh,
    compiler_params=pltpu.CompilerParams(
        use_tc_tiling_on_sc=False, needs_layout_passes=False
    ),
    out_type=jax.ShapeDtypeStruct((TOTAL, D), jnp.float32),
    scratch_types=[
        pltpu.VMEM((ROWS, F), jnp.int32),
        pltpu.VMEM((CHUNK,), jnp.int32),
        pltpu.VMEM((CHUNK,), jnp.int32),
        pltpu.VMEM((CHUNK,), jnp.int32),
        pltpu.VMEM((CHUNK,), jnp.int32),
        pltpu.VMEM((CHUNK, D), jnp.float32),
        pltpu.SemaphoreType.DMA,
    ],
)
def _gather_kernel(x_hbm, rt_hbm, ct_hbm, ot_hbm, table_hbm, out_hbm,
                   x_v, rt_v, ct_v, ot_v, idx_v, rows_v, sem):
    wid = lax.axis_index("s") * NC + lax.axis_index("c")
    base = wid * PER_W

    pltpu.sync_copy(rt_hbm, rt_v)
    pltpu.sync_copy(ct_hbm, ct_v)
    pltpu.sync_copy(ot_hbm, ot_v)

    for c in range(NCH):
        start = base + c * CHUNK
        r0 = start // F
        pltpu.sync_copy(x_hbm.at[pl.ds(r0, ROWS), :], x_v)

        def vec_body(k, carry):
            s = pl.ds(k * L, L)
            vals = plsc.load_gather(x_v, [rt_v[s], ct_v[s]])
            idx_v[s] = vals + ot_v[s]
            return carry

        lax.fori_loop(0, CHUNK // L, vec_body, 0)

        gathers = []
        for j in range(NG):
            s = pl.ds(j * GSZ, GSZ)
            gathers.append(
                pltpu.async_copy(table_hbm.at[idx_v.at[s]], rows_v.at[s], sem)
            )
        for d in gathers:
            d.wait()

        pltpu.sync_copy(rows_v, out_hbm.at[pl.ds(start, CHUNK)])


_POS = np.arange(CHUNK, dtype=np.int32)
_RTAB = _POS // F
_CTAB = _POS % F
_OTAB = (_POS % F) * V


def kernel(x, tables):
    flat_tables = tables.reshape(F * V, D)
    out = _gather_kernel(
        x.astype(jnp.int32),
        jnp.asarray(_RTAB),
        jnp.asarray(_CTAB),
        jnp.asarray(_OTAB),
        flat_tables,
    )
    return out.reshape(B, F * D)

# --- scband reference (transcript-rebuilt; emitter-appended) ---
"""Pipeline reference for scband-cat-embeddings-8504035246325 (READ-ONLY COPY).

The authoritative reference and input builder live on the scoring server;
editing this copy changes nothing except your own understanding.
"""

import jax, jax.numpy as jnp
import numpy as np

N_FIELDS = 26
VOCAB = 100000
D_EMB = 16
BATCH = 16384


def setup_inputs(seed: int = 0) -> dict:
    key = jax.random.key(seed)
    k_tab, k_idx = jax.random.split(key)
    bound = 1.0 / np.sqrt(D_EMB)
    # One embedding table per categorical field, stacked into [F, V, D]
    tables = jax.random.uniform(
        k_tab, (N_FIELDS, VOCAB, D_EMB), minval=-bound, maxval=bound, dtype=jnp.float32
    )
    x = jax.random.randint(k_idx, (BATCH, N_FIELDS), 0, VOCAB, dtype=jnp.int32)
    return {"x": x, "tables": tables}


def reference(x, tables):
    # For each field f, look up tables[f][x[:, f]] -> [B, D], then concat along dim 1
    # (stack=False in the original module => torch.cat along dim=1).
    f_idx = jnp.arange(tables.shape[0])[None, :]  # [1, F]
    gathered = tables[f_idx, x]  # [B, F, D]
    return gathered.reshape(x.shape[0], -1)  # [B, F*D]

if __name__ == "__main__":
    import jax
    _d = setup_inputs()
    print(jax.jit(kernel)(*tuple(_d.values())))

</pallas_src>

<mosaic_0001>
#map = affine_map<(d0, d1) -> (0, 0)>
#map1 = affine_map<(d0, d1) -> (0)>
module attributes {stable_mosaic.version = 14 : i64} {
  func.func @_gather_kernel(%arg0: i32, %arg1: i32, %arg2: memref<16384x26xi32, #tpu.memory_space<hbm>>, %arg3: memref<1664xi32, #tpu.memory_space<hbm>>, %arg4: memref<1664xi32, #tpu.memory_space<hbm>>, %arg5: memref<1664xi32, #tpu.memory_space<hbm>>, %arg6: memref<2600000x16xf32, #tpu.memory_space<hbm>>, %arg7: memref<425984x16xf32, #tpu.memory_space<hbm>>, %arg8: memref<64x26xi32, #tpu.memory_space<vmem>>, %arg9: memref<1664xi32, #tpu.memory_space<vmem>>, %arg10: memref<1664xi32, #tpu.memory_space<vmem>>, %arg11: memref<1664xi32, #tpu.memory_space<vmem>>, %arg12: memref<1664xi32, #tpu.memory_space<vmem>>, %arg13: memref<1664x16xf32, #tpu.memory_space<vmem>>, %arg14: memref<!tpu.dma_semaphore, #tpu.memory_space<semaphore_mem>>) attributes {dimension_semantics = [#tpu.dimension_semantics<core_parallel>, #tpu.dimension_semantics<subcore_parallel>], iteration_bounds = array<i64: 2, 16>, scalar_prefetch = 0 : i64, scratch_operands = 7 : i64, tpu.core_type = #tpu.core_type<sc_vector_subcore>, window_params = [{transform_indices = #map}, {transform_indices = #map1}, {transform_indices = #map1}, {transform_indices = #map1}, {transform_indices = #map}, {transform_indices = #map}]} {
    %mul3A = arith.constant 2 : i32
    %mul3A_0 = arith.muli %arg1, %mul3A : i32
    %add3A = arith.addi %mul3A_0, %arg0 : i32
    %mul3A_1 = arith.constant 13312 : i32
    %mul3A_2 = arith.muli %add3A, %mul3A_1 : i32
    "tpu.region"() ({
      %run_scoped3A = tpu.sem_alloc : memref<!tpu.dma_semaphore, #tpu.memory_space<semaphore_mem>>
      tpu.enqueue_dma source(%arg3 : memref<1664xi32, #tpu.memory_space<hbm>>) target(%arg9 : memref<1664xi32, #tpu.memory_space<vmem>>) target_semaphore(%run_scoped3A : memref<!tpu.dma_semaphore, #tpu.memory_space<semaphore_mem>>)
      tpu.wait_dma2 semaphore(%run_scoped3A : memref<!tpu.dma_semaphore, #tpu.memory_space<semaphore_mem>>) src(%arg3 : memref<1664xi32, #tpu.memory_space<hbm>>) dst(%arg9 : memref<1664xi32, #tpu.memory_space<vmem>>)
      tpu.yield
    }) : () -> ()
    "tpu.region"() ({
      %run_scoped3A = tpu.sem_alloc : memref<!tpu.dma_semaphore, #tpu.memory_space<semaphore_mem>>
      tpu.enqueue_dma source(%arg4 : memref<1664xi32, #tpu.memory_space<hbm>>) target(%arg10 : memref<1664xi32, #tpu.memory_space<vmem>>) target_semaphore(%run_scoped3A : memref<!tpu.dma_semaphore, #tpu.memory_space<semaphore_mem>>)
      tpu.wait_dma2 semaphore(%run_scoped3A : memref<!tpu.dma_semaphore, #tpu.memory_space<semaphore_mem>>) src(%arg4 : memref<1664xi32, #tpu.memory_space<hbm>>) dst(%arg10 : memref<1664xi32, #tpu.memory_space<vmem>>)
      tpu.yield
    }) : () -> ()
    "tpu.region"() ({
      %run_scoped3A = tpu.sem_alloc : memref<!tpu.dma_semaphore, #tpu.memory_space<semaphore_mem>>
      tpu.enqueue_dma source(%arg5 : memref<1664xi32, #tpu.memory_space<hbm>>) target(%arg11 : memref<1664xi32, #tpu.memory_space<vmem>>) target_semaphore(%run_scoped3A : memref<!tpu.dma_semaphore, #tpu.memory_space<semaphore_mem>>)
      tpu.wait_dma2 semaphore(%run_scoped3A : memref<!tpu.dma_semaphore, #tpu.memory_space<semaphore_mem>>) src(%arg5 : memref<1664xi32, #tpu.memory_space<hbm>>) dst(%arg11 : memref<1664xi32, #tpu.memory_space<vmem>>)
      tpu.yield
    }) : () -> ()
    %add3A_3 = arith.constant 0 : i32
    %add3A_4 = arith.addi %mul3A_2, %add3A_3 : i32
    %jit3A = arith.constant 26 : i32
    %div3A = arith.divsi %add3A_4, %jit3A : i32
    %sign3A = arith.constant 0 : i32
    %sign3A_5 = arith.cmpi sgt, %add3A_4, %sign3A : i32
    %sign3A_6 = arith.extui %sign3A_5 : i1 to i32
    %sign3A_7 = arith.constant 0 : i32
    %sign3A_8 = arith.cmpi slt, %add3A_4, %sign3A_7 : i32
    %sign3A_9 = arith.extui %sign3A_8 : i1 to i32
    %sign3A_10 = arith.subi %sign3A_6, %sign3A_9 : i32
    %sign3A_11 = arith.constant 0 : i32
    %sign3A_12 = arith.cmpi sgt, %jit3A, %sign3A_11 : i32
    %sign3A_13 = arith.extui %sign3A_12 : i1 to i32
    %sign3A_14 = arith.constant 0 : i32
    %sign3A_15 = arith.cmpi slt, %jit3A, %sign3A_14 : i32
    %sign3A_16 = arith.extui %sign3A_15 : i1 to i32
    %sign3A_17 = arith.subi %sign3A_13, %sign3A_16 : i32
    %ne3A = arith.cmpi ne, %sign3A_10, %sign3A_17 : i32
    %rem3A = arith.remsi %add3A_4, %jit3A : i32
    %ne3A_18 = arith.constant 0 : i32
    %ne3A_19 = arith.cmpi ne, %rem3A, %ne3A_18 : i32
    %and3A = arith.andi %ne3A, %ne3A_19 : i1
    %sub3A = arith.constant 1 : i32
    %sub3A_20 = arith.subi %div3A, %sub3A : i32
    %select_n3A = arith.select %and3A, %sub3A_20, %div3A : i32
    "tpu.region"() ({
      %run_scoped3A = tpu.sem_alloc : memref<!tpu.dma_semaphore, #tpu.memory_space<semaphore_mem>>
      %dma_start3A_1912 = arith.constant 0 : i32
      %dma_start3A_1913 = tpu.memref_slice %arg2[%select_n3A, %dma_start3A_1912] : memref<16384x26xi32, #tpu.memory_space<hbm>> -> memref<64x26xi32, #tpu.memory_space<hbm>>
      %dma_start3A_1914 = arith.constant 0 : i32
      %dma_start3A_1915 = tpu.memref_slice %arg2[%select_n3A, %dma_start3A_1914] : memref<16384x26xi32, #tpu.memory_space<hbm>> -> memref<64x26xi32, #tpu.memory_space<hbm>>
      tpu.enqueue_dma source(%dma_start3A_1915 : memref<64x26xi32, #tpu.memory_space<hbm>>) target(%arg8 : memref<64x26xi32, #tpu.memory_space<vmem>>) target_semaphore(%run_scoped3A : memref<!tpu.dma_semaphore, #tpu.memory_space<semaphore_mem>>)
      %dma_wait3A_1916 = arith.constant 0 : i32
      %dma_wait3A_1917 = tpu.memref_slice %arg2[%select_n3A, %dma_wait3A_1916] : memref<16384x26xi32, #tpu.memory_space<hbm>> -> memref<64x26xi32, #tpu.memory_space<hbm>>
      %dma_wait3A_1918 = arith.constant 0 : i32
      %dma_wait3A_1919 = tpu.memref_slice %arg2[%select_n3A, %dma_wait3A_1918] : memref<16384x26xi32, #tpu.memory_space<hbm>> -> memref<64x26xi32, #tpu.memory_space<hbm>>
      tpu.wait_dma2 semaphore(%run_scoped3A : memref<!tpu.dma_semaphore, #tpu.memory_space<semaphore_mem>>) src(%dma_wait3A_1919 : memref<64x26xi32, #tpu.memory_space<hbm>>) dst(%arg8 : memref<64x26xi32, #tpu.memory_space<vmem>>)
      tpu.yield
    }) : () -> ()
    %scan3A = arith.constant 0 : i32
    %scan3A_21 = arith.constant 0 : i32
    %scan3A_22 = arith.constant 104 : i32
    %scan3A_23 = arith.addi %scan3A_21, %scan3A_22 : i32
    %scan3A_24 = arith.constant 1 : i32
    scf.for %scan3A_1912 = %scan3A_21 to %scan3A_23 step %scan3A_24  : i32 {
      %mul3A_1913 = arith.constant 16 : i32
      %mul3A_1914 = arith.muli %scan3A_1912, %mul3A_1913 : i32
      %get3A = arith.index_cast %mul3A_1914 : i32 to index
      %get3A_1915 = tpu.vector_load %arg9[%get3A] {strides = array<i32>} : memref<1664xi32, #tpu.memory_space<vmem>>, vector<16xi32>,
      %get3A_1916 = arith.index_cast %mul3A_1914 : i32 to index
      %get3A_1917 = tpu.vector_load %arg10[%get3A_1916] {strides = array<i32>} : memref<1664xi32, #tpu.memory_space<vmem>>, vector<16xi32>,
      %gather3A = tpu.vector_load_idx %arg8[%get3A_1915, %get3A_1917] : memref<64x26xi32, #tpu.memory_space<vmem>>[vector<16xi32>, vector<16xi32>], vector<16xi32>,
      %get3A_1918 = arith.index_cast %mul3A_1914 : i32 to index
      %get3A_1919 = tpu.vector_load %arg11[%get3A_1918] {strides = array<i32>} : memref<1664xi32, #tpu.memory_space<vmem>>, vector<16xi32>,
      %add3A_1920 = arith.addi %gather3A, %get3A_1919 : vector<16xi32>
      %swap3A = arith.index_cast %mul3A_1914 : i32 to index
      %swap3A_1921 = tpu.vector_load %arg12[%swap3A] {strides = array<i32>} : memref<1664xi32, #tpu.memory_space<vmem>>, vector<16xi32>,
      tpu.vector_store %arg12[%swap3A], %add3A_1920 {strides = array<i32>} : memref<1664xi32, #tpu.memory_space<vmem>>, vector<16xi32>,
    }
    %scan3A_25 = arith.constant 104 : i32
    %dma_start3A = arith.constant 0 : i32
    %dma_start3A_26 = arith.constant 0 : i32
    %dma_start3A_27 = tpu.memref_slice %arg13[%dma_start3A, %dma_start3A_26] : memref<1664x16xf32, #tpu.memory_space<vmem>> -> memref<128x16xf32, #tpu.memory_space<vmem>>
    %dma_start3A_28 = arith.constant 0 : i32
    %dma_start3A_29 = tpu.memref_slice %arg12[%dma_start3A_28] : memref<1664xi32, #tpu.memory_space<vmem>> -> memref<128xi32, #tpu.memory_space<vmem>>
    %dma_start3A_30 = arith.constant 0 : i32
    %dma_start3A_31 = arith.constant 0 : i32
    %dma_start3A_32 = tpu.memref_slice %arg6[%dma_start3A_30, %dma_start3A_31] : memref<2600000x16xf32, #tpu.memory_space<hbm>> -> memref<2600000x16xf32, #tpu.memory_space<hbm>>
    tpu.enqueue_indirect_dma source(%dma_start3A_32 : memref<2600000x16xf32, #tpu.memory_space<hbm>>) target(%dma_start3A_27 : memref<128x16xf32, #tpu.memory_space<vmem>>) offsets(%dma_start3A_29 : memref<128xi32, #tpu.memory_space<vmem>>) semaphore(%arg14 : memref<!tpu.dma_semaphore, #tpu.memory_space<semaphore_mem>>)
    %dma_start3A_33 = arith.constant 128 : i32
    %dma_start3A_34 = arith.constant 0 : i32
    %dma_start3A_35 = tpu.memref_slice %arg13[%dma_start3A_33, %dma_start3A_34] : memref<1664x16xf32, #tpu.memory_space<vmem>> -> memref<128x16xf32, #tpu.memory_space<vmem>>
    %dma_start3A_36 = arith.constant 128 : i32
    %dma_start3A_37 = tpu.memref_slice %arg12[%dma_start3A_36] : memref<1664xi32, #tpu.memory_space<vmem>> -> memref<128xi32, #tpu.memory_space<vmem>>
    %dma_start3A_38 = arith.constant 0 : i32
    %dma_start3A_39 = arith.constant 0 : i32
    %dma_start3A_40 = tpu.memref_slice %arg6[%dma_start3A_38, %dma_start3A_39] : memref<2600000x16xf32, #tpu.memory_space<hbm>> -> memref<2600000x16xf32, #tpu.memory_space<hbm>>
    tpu.enqueue_indirect_dma source(%dma_start3A_40 : memref<2600000x16xf32, #tpu.memory_space<hbm>>) target(%dma_start3A_35 : memref<128x16xf32, #tpu.memory_space<vmem>>) offsets(%dma_start3A_37 : memref<128xi32, #tpu.memory_space<vmem>>) semaphore(%arg14 : memref<!tpu.dma_semaphore, #tpu.memory_space<semaphore_mem>>)
    %dma_start3A_41 = arith.constant 256 : i32
    %dma_start3A_42 = arith.constant 0 : i32
    %dma_start3A_43 = tpu.memref_slice %arg13[%dma_start3A_41, %dma_start3A_42] : memref<1664x16xf32, #tpu.memory_space<vmem>> -> memref<128x16xf32, #tpu.memory_space<vmem>>
    %dma_start3A_44 = arith.constant 256 : i32
    %dma_start3A_45 = tpu.memref_slice %arg12[%dma_start3A_44] : memref<1664xi32, #tpu.memory_space<vmem>> -> memref<128xi32, #tpu.memory_space<vmem>>
    %dma_start3A_46 = arith.constant 0 : i32
    %dma_start3A_47 = arith.constant 0 : i32
    %dma_start3A_48 = tpu.memref_slice %arg6[%dma_start3A_46, %dma_start3A_47] : memref<2600000x16xf32, #tpu.memory_space<hbm>> -> memref<2600000x16xf32, #tpu.memory_space<hbm>>
    tpu.enqueue_indirect_dma source(%dma_start3A_48 : memref<2600000x16xf32, #tpu.memory_space<hbm>>) target(%dma_start3A_43 : memref<128x16xf32, #tpu.memory_space<vmem>>) offsets(%dma_start3A_45 : memref<128xi32, #tpu.memory_space<vmem>>) semaphore(%arg14 : memref<!tpu.dma_semaphore, #tpu.memory_space<semaphore_mem>>)
    %dma_start3A_49 = arith.constant 384 : i32
    %dma_start3A_50 = arith.constant 0 : i32
    %dma_start3A_51 = tpu.memref_slice %arg13[%dma_start3A_49, %dma_start3A_50] : memref<1664x16xf32, #tpu.memory_space<vmem>> -> memref<128x16xf32, #tpu.memory_space<vmem>>
    %dma_start3A_52 = arith.constant 384 : i32
    %dma_start3A_53 = tpu.memref_slice %arg12[%dma_start3A_52] : memref<1664xi32, #tpu.memory_space<vmem>> -> memref<128xi32, #tpu.memory_space<vmem>>
    %dma_start3A_54 = arith.constant 0 : i32
    %dma_start3A_55 = arith.constant 0 : i32
    %dma_start3A_56 = tpu.memref_slice %arg6[%dma_start3A_54, %dma_start3A_55] : memref<2600000x16xf32, #tpu.memory_space<hbm>> -> memref<2600000x16xf32, #tpu.memory_space<hbm>>
    tpu.enqueue_indirect_dma source(%dma_start3A_56 : memref<2600000x16xf32, #tpu.memory_space<hbm>>) target(%dma_start3A_51 : memref<128x16xf32, #tpu.memory_space<vmem>>) offsets(%dma_start3A_53 : memref<128xi32, #tpu.memory_space<vmem>>) semaphore(%arg14 : memref<!tpu.dma_semaphore, #tpu.memory_space<semaphore_mem>>)
    %dma_start3A_57 = arith.constant 512 : i32
    %dma_start3A_58 = arith.constant 0 : i32
    %dma_start3A_59 = tpu.memref_slice %arg13[%dma_start3A_57, %dma_start3A_58] : memref<1664x16xf32, #tpu.memory_space<vmem>> -> memref<128x16xf32, #tpu.memory_space<vmem>>
    %dma_start3A_60 = arith.constant 512 : i32
    %dma_start3A_61 = tpu.memref_slice %arg12[%dma_start3A_60] : memref<1664xi32, #tpu.memory_space<vmem>> -> memref<128xi32, #tpu.memory_space<vmem>>
    %dma_start3A_62 = arith.constant 0 : i32
    %dma_start3A_63 = arith.constant 0 : i32
    %dma_start3A_64 = tpu.memref_slice %arg6[%dma_start3A_62, %dma_start3A_63] : memref<2600000x16xf32, #tpu.memory_space<hbm>> -> memref<2600000x16xf32, #tpu.memory_space<hbm>>
    tpu.enqueue_indirect_dma source(%dma_start3A_64 : memref<2600000x16xf32, #tpu.memory_space<hbm>>) target(%dma_start3A_59 : memref<128x16xf32, #tpu.memory_space<vmem>>) offsets(%dma_start3A_61 : memref<128xi32, #tpu.memory_space<vmem>>) semaphore(%arg14 : memref<!tpu.dma_semaphore, #tpu.memory_space<semaphore_mem>>)
    %dma_start3A_65 = arith.constant 640 : i32
    %dma_start3A_66 = arith.constant 0 : i32
    %dma_start3A_67 = tpu.memref_slice %arg13[%dma_start3A_65, %dma_start3A_66] : memref<1664x16xf32, #tpu.memory_space<vmem>> -> memref<128x16xf32, #tpu.memory_space<vmem>>
    %dma_start3A_68 = arith.constant 640 : i32
    %dma_start3A_69 = tpu.memref_slice %arg12[%dma_start3A_68] : memref<1664xi32, #tpu.memory_space<vmem>> -> memref<128xi32, #tpu.memory_space<vmem>>
    %dma_start3A_70 = arith.constant 0 : i32
    %dma_start3A_71 = arith.constant 0 : i32
    %dma_start3A_72 = tpu.memref_slice %arg6[%dma_start3A_70, %dma_start3A_71] : memref<2600000x16xf32, #tpu.memory_space<hbm>> -> memref<2600000x16xf32, #tpu.memory_space<hbm>>
    tpu.enqueue_indirect_dma source(%dma_start3A_72 : memref<2600000x16xf32, #tpu.memory_space<hbm>>) target(%dma_start3A_67 : memref<128x16xf32, #tpu.memory_space<vmem>>) offsets(%dma_start3A_69 : memref<128xi32, #tpu.memory_space<vmem>>) semaphore(%arg14 : memref<!tpu.dma_semaphore, #tpu.memory_space<semaphore_mem>>)
    %dma_start3A_73 = arith.constant 768 : i32
    %dma_start3A_74 = arith.constant 0 : i32
    %dma_start3A_75 = tpu.memref_slice %arg13[%dma_start3A_73, %dma_start3A_74] : memref<1664x16xf32, #tpu.memory_space<vmem>> -> memref<128x16xf32, #tpu.memory_space<vmem>>
    %dma_start3A_76 = arith.constant 768 : i32
    %dma_start3A_77 = tpu.memref_slice %arg12[%dma_start3A_76] : memref<1664xi32, #tpu.memory_space<vmem>> -> memref<128xi32, #tpu.memory_space<vmem>>
    %dma_start3A_78 = arith.constant 0 : i32
    %dma_start3A_79 = arith.constant 0 : i32
    %dma_start3A_80 = tpu.memref_slice %arg6[%dma_start3A_78, %dma_start3A_79] : memref<2600000x16xf32, #tpu.memory_space<hbm>> -> memref<2600000x16xf32, #tpu.memory_space<hbm>>
    tpu.enqueue_indirect_dma source(%dma_start3A_80 : memref<2600000x16xf32, #tpu.memory_space<hbm>>) target(%dma_start3A_75 : memref<128x16xf32, #tpu.memory_space<vmem>>) offsets(%dma_start3A_77 : memref<128xi32, #tpu.memory_space<vmem>>) semaphore(%arg14 : memref<!tpu.dma_semaphore, #tpu.memory_space<semaphore_mem>>)
    %dma_start3A_81 = arith.constant 896 : i32
    %dma_start3A_82 = arith.constant 0 : i32
    %dma_start3A_83 = tpu.memref_slice %arg13[%dma_start3A_81, %dma_start3A_82] : memref<1664x16xf32, #tpu.memory_space<vmem>> -> memref<128x16xf32, #tpu.memory_space<vmem>>
    %dma_start3A_84 = arith.constant 896 : i32
    %dma_start3A_85 = tpu.memref_slice %arg12[%dma_start3A_84] : memref<1664xi32, #tpu.memory_space<vmem>> -> memref<128xi32, #tpu.memory_space<vmem>>
    %dma_start3A_86 = arith.constant 0 : i32
    %dma_start3A_87 = arith.constant 0 : i32
    %dma_start3A_88 = tpu.memref_slice %arg6[%dma_start3A_86, %dma_start3A_87] : memref<2600000x16xf32, #tpu.memory_space<hbm>> -> memref<2600000x16xf32, #tpu.memory_space<hbm>>
    tpu.enqueue_indirect_dma source(%dma_start3A_88 : memref<2600000x16xf32, #tpu.memory_space<hbm>>) target(%dma_start3A_83 : memref<128x16xf32, #tpu.memory_space<vmem>>) offsets(%dma_start3A_85 : memref<128xi32, #tpu.memory_space<vmem>>) semaphore(%arg14 : memref<!tpu.dma_semaphore, #tpu.memory_space<semaphore_mem>>)
    %dma_start3A_89 = arith.constant 1024 : i32
    %dma_start3A_90 = arith.constant 0 : i32
    %dma_start3A_91 = tpu.memref_slice %arg13[%dma_start3A_89, %dma_start3A_90] : memref<1664x16xf32, #tpu.memory_space<vmem>> -> memref<128x16xf32, #tpu.memory_space<vmem>>
    %dma_start3A_92 = arith.constant 1024 : i32
    %dma_start3A_93 = tpu.memref_slice %arg12[%dma_start3A_92] : memref<1664xi32, #tpu.memory_space<vmem>> -> memref<128xi32, #tpu.memory_space<vmem>>
    %dma_start3A_94 = arith.constant 0 : i32
    %dma_start3A_95 = arith.constant 0 : i32
    %dma_start3A_96 = tpu.memref_slice %arg6[%dma_start3A_94, %dma_start3A_95] : memref<2600000x16xf32, #tpu.memory_space<hbm>> -> memref<2600000x16xf32, #tpu.memory_space<hbm>>
    tpu.enqueue_indirect_dma source(%dma_start3A_96 : memref<2600000x16xf32, #tpu.memory_space<hbm>>) target(%dma_start3A_91 : memref<128x16xf32, #tpu.memory_space<vmem>>) offsets(%dma_start3A_93 : memref<128xi32, #tpu.memory_space<vmem>>) semaphore(%arg14 : memref<!tpu.dma_semaphore, #tpu.memory_space<semaphore_mem>>)
    %dma_start3A_97 = arith.constant 1152 : i32
    %dma_start3A_98 = arith.constant 0 : i32
    %dma_start3A_99 = tpu.memref_slice %arg13[%dma_start3A_97, %dma_start3A_98] : memref<1664x16xf32, #tpu.memory_space<vmem>> -> memref<128x16xf32, #tpu.memory_space<vmem>>
    %dma_start3A_100 = arith.constant 1152 : i32
    %dma_start3A_101 = tpu.memref_slice %arg12[%dma_start3A_100] : memref<1664xi32, #tpu.memory_space<vmem>> -> memref<128xi32, #tpu.memory_space<vmem>>
    %dma_start3A_102 = arith.constant 0 : i32
    %dma_start3A_103 = arith.constant 0 : i32
    %dma_start3A_104 = tpu.memref_slice %arg6[%dma_start3A_102, %dma_start3A_103] : memref<2600000x16xf32, #tpu.memory_space<hbm>> -> memref<2600000x16xf32, #tpu.memory_space<hbm>>
    tpu.enqueue_indirect_dma source(%dma_start3A_104 : memref<2600000x16xf32, #tpu.memory_space<hbm>>) target(%dma_start3A_99 : memref<128x16xf32, #tpu.memory_space<vmem>>) offsets(%dma_start3A_101 : memref<128xi32, #tpu.memory_space<vmem>>) semaphore(%arg14 : memref<!tpu.dma_semaphore, #tpu.memory_space<semaphore_mem>>)
    %dma_start3A_105 = arith.constant 1280 : i32
    %dma_start3A_106 = arith.constant 0 : i32
    %dma_start3A_107 = tpu.memref_slice %arg13[%dma_start3A_105, %dma_start3A_106] : memref<1664x16xf32, #tpu.memory_space<vmem>> -> memref<128x16xf32, #tpu.memory_space<vmem>>
    %dma_start3A_108 = arith.constant 1280 : i32
    %dma_start3A_109 = tpu.memref_slice %arg12[%dma_start3A_108] : memref<1664xi32, #tpu.memory_space<vmem>> -> memref<128xi32, #tpu.memory_space<vmem>>
    %dma_start3A_110 = arith.constant 0 : i32
    %dma_start3A_111 = arith.constant 0 : i32
    %dma_start3A_112 = tpu.memref_slice %arg6[%dma_start3A_110, %dma_start3A_111] : memref<2600000x16xf32, #tpu.memory_space<hbm>> -> memref<2600000x16xf32, #tpu.memory_space<hbm>>
    tpu.enqueue_indirect_dma source(%dma_start3A_112 : memref<2600000x16xf32, #tpu.memory_space<hbm>>) target(%dma_start3A_107 : memref<128x16xf32, #tpu.memory_space<vmem>>) offsets(%dma_start3A_109 : memref<128xi32, #tpu.memory_space<vmem>>) semaphore(%arg14 : memref<!tpu.dma_semaphore, #tpu.memory_space<semaphore_mem>>)
    %dma_start3A_113 = arith.constant 1408 : i32
    %dma_start3A_114 = arith.constant 0 : i32
    %dma_start3A_115 = tpu.memref_slice %arg13[%dma_start3A_113, %dma_start3A_114] : memref<1664x16xf32, #tpu.memory_space<vmem>> -> memref<128x16xf32, #tpu.memory_space<vmem>>
    %dma_start3A_116 = arith.constant 1408 : i32
    %dma_start3A_117 = tpu.memref_slice %arg12[%dma_start3A_116] : memref<1664xi32, #tpu.memory_space<vmem>> -> memref<128xi32, #tpu.memory_space<vmem>>
    %dma_start3A_118 = arith.constant 0 : i32
    %dma_start3A_119 = arith.constant 0 : i32
    %dma_start3A_120 = tpu.memref_slice %arg6[%dma_start3A_118, %dma_start3A_119] : memref<2600000x16xf32, #tpu.memory_space<hbm>> -> memref<2600000x16xf32, #tpu.memory_space<hbm>>
    tpu.enqueue_indirect_dma source(%dma_start3A_120 : memref<2600000x16xf32, #tpu.memory_space<hbm>>) target(%dma_start3A_115 : memref<128x16xf32, #tpu.memory_space<vmem>>) offsets(%dma_start3A_117 : memref<128xi32, #tpu.memory_space<vmem>>) semaphore(%arg14 : memref<!tpu.dma_semaphore, #tpu.memory_space<semaphore_mem>>)
    %dma_start3A_121 = arith.constant 1536 : i32
    %dma_start3A_122 = arith.constant 0 : i32
    %dma_start3A_123 = tpu.memref_slice %arg13[%dma_start3A_121, %dma_start3A_122] : memref<1664x16xf32, #tpu.memory_space<vmem>> -> memref<128x16xf32, #tpu.memory_space<vmem>>
    %dma_start3A_124 = arith.constant 1536 : i32
    %dma_start3A_125 = tpu.memref_slice %arg12[%dma_start3A_124] : memref<1664xi32, #tpu.memory_space<vmem>> -> memref<128xi32, #tpu.memory_space<vmem>>
    %dma_start3A_126 = arith.constant 0 : i32
    %dma_start3A_127 = arith.constant 0 : i32
    %dma_start3A_128 = tpu.memref_slice %arg6[%dma_start3A_126, %dma_start3A_127] : memref<2600000x16xf32, #tpu.memory_space<hbm>> -> memref<2600000x16xf32, #tpu.memory_space<hbm>>
    tpu.enqueue_indirect_dma source(%dma_start3A_128 : memref<2600000x16xf32, #tpu.memory_space<hbm>>) target(%dma_start3A_123 : memref<128x16xf32, #tpu.memory_space<vmem>>) offsets(%dma_start3A_125 : memref<128xi32, #tpu.memory_space<vmem>>) semaphore(%arg14 : memref<!tpu.dma_semaphore, #tpu.memory_space<semaphore_mem>>)
    %dma_wait3A = arith.constant 0 : i32
    %dma_wait3A_129 = arith.constant 0 : i32
    %dma_wait3A_130 = tpu.memref_slice %arg13[%dma_wait3A, %dma_wait3A_129] : memref<1664x16xf32, #tpu.memory_space<vmem>> -> memref<128x16xf32, #tpu.memory_space<vmem>>
    %dma_wait3A_131 = arith.constant 0 : i32
    %dma_wait3A_132 = tpu.memref_slice %arg12[%dma_wait3A_131] : memref<1664xi32, #tpu.memory_space<vmem>> -> memref<128xi32, #tpu.memory_space<vmem>>
    %dma_wait3A_133 = arith.constant 0 : i32
    %dma_wait3A_134 = arith.constant 0 : i32
    %dma_wait3A_135 = tpu.memref_slice %arg6[%dma_wait3A_133, %dma_wait3A_134] : memref<2600000x16xf32, #tpu.memory_space<hbm>> -> memref<2600000x16xf32, #tpu.memory_space<hbm>>
    tpu.wait_indirect_dma semaphore(%arg14 : memref<!tpu.dma_semaphore, #tpu.memory_space<semaphore_mem>>) src(%dma_wait3A_135 : memref<2600000x16xf32, #tpu.memory_space<hbm>>) dst(%dma_wait3A_130 : memref<128x16xf32, #tpu.memory_space<vmem>>)
    %dma_wait3A_136 = arith.constant 128 : i32
    %dma_wait3A_137 = arith.constant 0 : i32
    %dma_wait3A_138 = tpu.memref_slice %arg13[%dma_wait3A_136, %dma_wait3A_137] : memref<1664x16xf32, #tpu.memory_space<vmem>> -> memref<128x16xf32, #tpu.memory_space<vmem>>
    %dma_wait3A_139 = arith.constant 128 : i32
    %dma_wait3A_140 = tpu.memref_slice %arg12[%dma_wait3A_139] : memref<1664xi32, #tpu.memory_space<vmem>> -> memref<128xi32, #tpu.memory_space<vmem>>
    %dma_wait3A_141 = arith.constant 0 : i32
    %dma_wait3A_142 = arith.constant 0 : i32
    %dma_wait3A_143 = tpu.memref_slice %arg6[%dma_wait3A_141, %dma_wait3A_142] : memref<2600000x16xf32, #tpu.memory_space<hbm>> -> memref<2600000x16xf32, #tpu.memory_space<hbm>>
    tpu.wait_indirect_dma semaphore(%arg14 : memref<!tpu.dma_semaphore, #tpu.memory_space<semaphore_mem>>) src(%dma_wait3A_143 : memref<2600000x16xf32, #tpu.memory_space<hbm>>) dst(%dma_wait3A_138 : memref<128x16xf32, #tpu.memory_space<vmem>>)
    %dma_wait3A_144 = arith.constant 256 : i32
    %dma_wait3A_145 = arith.constant 0 : i32
    %dma_wait3A_146 = tpu.memref_slice %arg13[%dma_wait3A_144, %dma_wait3A_145] : memref<1664x16xf32, #tpu.memory_space<vmem>> -> memref<128x16xf32, #tpu.memory_space<vmem>>
    %dma_wait3A_147 = arith.constant 256 : i32
    %dma_wait3A_148 = tpu.memref_slice %arg12[%dma_wait3A_147] : memref<1664xi32, #tpu.memory_space<vmem>> -> memref<128xi32, #tpu.memory_space<vmem>>
    %dma_wait3A_149 = arith.constant 0 : i32
    %dma_wait3A_150 = arith.constant 0 : i32
    %dma_wait3A_151 = tpu.memref_slice %arg6[%dma_wait3A_149, %dma_wait3A_150] : memref<2600000x16xf32, #tpu.memory_space<hbm>> -> memref<2600000x16xf32, #tpu.memory_space<hbm>>
    tpu.wait_indirect_dma semaphore(%arg14 : memref<!tpu.dma_semaphore, #tpu.memory_space<semaphore_mem>>) src(%dma_wait3A_151 : memref<2600000x16xf32, #tpu.memory_space<hbm>>) dst(%dma_wait3A_146 : memref<128x16xf32, #tpu.memory_space<vmem>>)
    %dma_wait3A_152 = arith.constant 384 : i32
    %dma_wait3A_153 = arith.constant 0 : i32
    %dma_wait3A_154 = tpu.memref_slice %arg13[%dma_wait3A_152, %dma_wait3A_153] : memref<1664x16xf32, #tpu.memory_space<vmem>> -> memref<128x16xf32, #tpu.memory_space<vmem>>
    %dma_wait3A_155 = arith.constant 384 : i32
    %dma_wait3A_156 = tpu.memref_slice %arg12[%dma_wait3A_155] : memref<1664xi32, #tpu.memory_space<vmem>> -> memref<128xi32, #tpu.memory_space<vmem>>
    %dma_wait3A_157 = arith.constant 0 : i32
    %dma_wait3A_158 = arith.constant 0 : i32
    %dma_wait3A_159 = tpu.memref_slice %arg6[%dma_wait3A_157, %dma_wait3A_158] : memref<2600000x16xf32, #tpu.memory_space<hbm>> -> memref<2600000x16xf32, #tpu.memory_space<hbm>>
    tpu.wait_indirect_dma semaphore(%arg14 : memref<!tpu.dma_semaphore, #tpu.memory_space<semaphore_mem>>) src(%dma_wait3A_159 : memref<2600000x16xf32, #tpu.memory_space<hbm>>) dst(%dma_wait3A_154 : memref<128x16xf32, #tpu.memory_space<vmem>>)
    %dma_wait3A_160 = arith.constant 512 : i32
    %dma_wait3A_161 = arith.constant 0 : i32
    %dma_wait3A_162 = tpu.memref_slice %arg13[%dma_wait3A_160, %dma_wait3A_161] : memref<1664x16xf32, #tpu.memory_space<vmem>> -> memref<128x16xf32, #tpu.memory_space<vmem>>
    %dma_wait3A_163 = arith.constant 512 : i32
    %dma_wait3A_164 = tpu.memref_slice %arg12[%dma_wait3A_163] : memref<1664xi32, #tpu.memory_space<vmem>> -> memref<128xi32, #tpu.memory_space<vmem>>
    %dma_wait3A_165 = arith.constant 0 : i32
    %dma_wait3A_166 = arith.constant 0 : i32
    %dma_wait3A_167 = tpu.memref_slice %arg6[%dma_wait3A_165, %dma_wait3A_166] : memref<2600000x16xf32, #tpu.memory_space<hbm>> -> memref<2600000x16xf32, #tpu.memory_space<hbm>>
    tpu.wait_indirect_dma semaphore(%arg14 : memref<!tpu.dma_semaphore, #tpu.memory_space<semaphore_mem>>) src(%dma_wait3A_167 : memref<2600000x16xf32, #tpu.memory_space<hbm>>) dst(%dma_wait3A_162 : memref<128x16xf32, #tpu.memory_space<vmem>>)
    %dma_wait3A_168 = arith.constant 640 : i32
    %dma_wait3A_169 = arith.constant 0 : i32
    %dma_wait3A_170 = tpu.memref_slice %arg13[%dma_wait3A_168, %dma_wait3A_169] : memref<1664x16xf32, #tpu.memory_space<vmem>> -> memref<128x16xf32, #tpu.memory_space<vmem>>
    %dma_wait3A_171 = arith.constant 640 : i32
    %dma_wait3A_172 = tpu.memref_slice %arg12[%dma_wait3A_171] : memref<1664xi32, #tpu.memory_space<vmem>> -> memref<128xi32, #tpu.memory_space<vmem>>
    %dma_wait3A_173 = arith.constant 0 : i32
    %dma_wait3A_174 = arith.constant 0 : i32
    %dma_wait3A_175 = tpu.memref_slice %arg6[%dma_wait3A_173, %dma_wait3A_174] : memref<2600000x16xf32, #tpu.memory_space<hbm>> -> memref<2600000x16xf32, #tpu.memory_space<hbm>>
    tpu.wait_indirect_dma semaphore(%arg14 : memref<!tpu.dma_semaphore, #tpu.memory_space<semaphore_mem>>) src(%dma_wait3A_175 : memref<2600000x16xf32, #tpu.memory_space<hbm>>) dst(%dma_wait3A_170 : memref<128x16xf32, #tpu.memory_space<vmem>>)
    %dma_wait3A_176 = arith.constant 768 : i32
    %dma_wait3A_177 = arith.constant 0 : i32
    %dma_wait3A_178 = tpu.memref_slice %arg13[%dma_wait3A_176, %dma_wait3A_177] : memref<1664x16xf32, #tpu.memory_space<vmem>> -> memref<128x16xf32, #tpu.memory_space<vmem>>
    %dma_wait3A_179 = arith.constant 768 : i32
    %dma_wait3A_180 = tpu.memref_slice %arg12[%dma_wait3A_179] : memref<1664xi32, #tpu.memory_space<vmem>> -> memref<128xi32, #tpu.memory_space<vmem>>
    %dma_wait3A_181 = arith.constant 0 : i32
    %dma_wait3A_182 = arith.constant 0 : i32
    %dma_wait3A_183 = tpu.memref_slice %arg6[%dma_wait3A_181, %dma_wait3A_182] : memref<2600000x16xf32, #tpu.memory_space<hbm>> -> memref<2600000x16xf32, #tpu.memory_space<hbm>>
    tpu.wait_indirect_dma semaphore(%arg14 : memref<!tpu.dma_semaphore, #tpu.memory_space<semaphore_mem>>) src(%dma_wait3A_183 : memref<2600000x16xf32, #tpu.memory_space<hbm>>) dst(%dma_wait3A_178 : memref<128x16xf32, #tpu.memory_space<vmem>>)
    %dma_wait3A_184 = arith.constant 896 : i32
    %dma_wait3A_185 = arith.constant 0 : i32
    %dma_wait3A_186 = tpu.memref_slice %arg13[%dma_wait3A_184, %dma_wait3A_185] : memref<1664x16xf32, #tpu.memory_space<vmem>> -> memref<128x16xf32, #tpu.memory_space<vmem>>
    %dma_wait3A_187 = arith.constant 896 : i32
    %dma_wait3A_188 = tpu.memref_slice %arg12[%dma_wait3A_187] : memref<1664xi32, #tpu.memory_space<vmem>> -> memref<128xi32, #tpu.memory_space<vmem>>
    %dma_wait3A_189 = arith.constant 0 : i32
    %dma_wait3A_190 = arith.constant 0 : i32
    %dma_wait3A_191 = tpu.memref_slice %arg6[%dma_wait3A_189, %dma_wait3A_190] : memref<2600000x16xf32, #tpu.memory_space<hbm>> -> memref<2600000x16xf32, #tpu.memory_space<hbm>>
    tpu.wait_indirect_dma semaphore(%arg14 : memref<!tpu.dma_semaphore, #tpu.memory_space<semaphore_mem>>) src(%dma_wait3A_191 : memref<2600000x16xf32, #tpu.memory_space<hbm>>) dst(%dma_wait3A_186 : memref<128x16xf32, #tpu.memory_space<vmem>>)
    %dma_wait3A_192 = arith.constant 1024 : i32
    %dma_wait3A_193 = arith.constant 0 : i32
    %dma_wait3A_194 = tpu.memref_slice %arg13[%dma_wait3A_192, %dma_wait3A_193] : memref<1664x16xf32, #tpu.memory_space<vmem>> -> memref<128x16xf32, #tpu.memory_space<vmem>>
    %dma_wait3A_195 = arith.constant 1024 : i32
    %dma_wait3A_196 = tpu.memref_slice %arg12[%dma_wait3A_195] : memref<1664xi32, #tpu.memory_space<vmem>> -> memref<128xi32, #tpu.memory_space<vmem>>
    %dma_wait3A_197 = arith.constant 0 : i32
    %dma_wait3A_198 = arith.constant 0 : i32
    %dma_wait3A_199 = tpu.memref_slice %arg6[%dma_wait3A_197, %dma_wait3A_198] : memref<2600000x16xf32, #tpu.memory_space<hbm>> -> memref<2600000x16xf32, #tpu.memory_space<hbm>>
    tpu.wait_indirect_dma semaphore(%arg14 : memref<!tpu.dma_semaphore, #tpu.memory_space<semaphore_mem>>) src(%dma_wait3A_199 : memref<2600000x16xf32, #tpu.memory_space<hbm>>) dst(%dma_wait3A_194 : memref<128x16xf32, #tpu.memory_space<vmem>>)
    %dma_wait3A_200 = arith.constant 1152 : i32
    %dma_wait3A_201 = arith.constant 0 : i32
    %dma_wait3A_202 = tpu.memref_slice %arg13[%dma_wait3A_200, %dma_wait3A_201] : memref<1664x16xf32, #tpu.memory_space<vmem>> -> memref<128x16xf32, #tpu.memory_space<vmem>>
    %dma_wait3A_203 = arith.constant 1152 : i32
    %dma_wait3A_204 = tpu.memref_slice %arg12[%dma_wait3A_203] : memref<1664xi32, #tpu.memory_space<vmem>> -> memref<128xi32, #tpu.memory_space<vmem>>
    %dma_wait3A_205 = arith.constant 0 : i32
    %dma_wait3A_206 = arith.constant 0 : i32
    %dma_wait3A_207 = tpu.memref_slice %arg6[%dma_wait3A_205, %dma_wait3A_206] : memref<2600000x16xf32, #tpu.memory_space<hbm>> -> memref<2600000x16xf32, #tpu.memory_space<hbm>>
    tpu.wait_indirect_dma semaphore(%arg14 : memref<!tpu.dma_semaphore, #tpu.memory_space<semaphore_mem>>) src(%dma_wait3A_207 : memref<2600000x16xf32, #tpu.memory_space<hbm>>) dst(%dma_wait3A_202 : memref<128x16xf32, #tpu.memory_space<vmem>>)
    %dma_wait3A_208 = arith.constant 1280 : i32
    %dma_wait3A_209 = arith.constant 0 : i32
    %dma_wait3A_210 = tpu.memref_slice %arg13[%dma_wait3A_208, %dma_wait3A_209] : memref<1664x16xf32, #tpu.memory_space<vmem>> -> memref<128x16xf32, #tpu.memory_space<vmem>>
    %dma_wait3A_211 = arith.constant 1280 : i32
    %dma_wait3A_212 = tpu.memref_slice %arg12[%dma_wait3A_211] : memref<1664xi32, #tpu.memory_space<vmem>> -> memref<128xi32, #tpu.memory_space<vmem>>
    %dma_wait3A_213 = arith.constant 0 : i32
    %dma_wait3A_214 = arith.constant 0 : i32
    %dma_wait3A_215 = tpu.memref_slice %arg6[%dma_wait3A_213, %dma_wait3A_214] : memref<2600000x16xf32, #tpu.memory_space<hbm>> -> memref<2600000x16xf32, #tpu.memory_space<hbm>>
    tpu.wait_indirect_dma semaphore(%arg14 : memref<!tpu.dma_semaphore, #tpu.memory_space<semaphore_mem>>) src(%dma_wait3A_215 : memref<2600000x16xf32, #tpu.memory_space<hbm>>) dst(%dma_wait3A_210 : memref<128x16xf32, #tpu.memory_space<vmem>>)
    %dma_wait3A_216 = arith.constant 1408 : i32
    %dma_wait3A_217 = arith.constant 0 : i32
    %dma_wait3A_218 = tpu.memref_slice %arg13[%dma_wait3A_216, %dma_wait3A_217] : memref<1664x16xf32, #tpu.memory_space<vmem>> -> memref<128x16xf32, #tpu.memory_space<vmem>>
    %dma_wait3A_219 = arith.constant 1408 : i32
    %dma_wait3A_220 = tpu.memref_slice %arg12[%dma_wait3A_219] : memref<1664xi32, #tpu.memory_space<vmem>> -> memref<128xi32, #tpu.memory_space<vmem>>
    %dma_wait3A_221 = arith.constant 0 : i32
    %dma_wait3A_222 = arith.constant 0 : i32
    %dma_wait3A_223 = tpu.memref_slice %arg6[%dma_wait3A_221, %dma_wait3A_222] : memref<2600000x16xf32, #tpu.memory_space<hbm>> -> memref<2600000x16xf32, #tpu.memory_space<hbm>>
    tpu.wait_indirect_dma semaphore(%arg14 : memref<!tpu.dma_semaphore, #tpu.memory_space<semaphore_mem>>) src(%dma_wait3A_223 : memref<2600000x16xf32, #tpu.memory_space<hbm>>) dst(%dma_wait3A_218 : memref<128x16xf32, #tpu.memory_space<vmem>>)
    %dma_wait3A_224 = arith.constant 1536 : i32
    %dma_wait3A_225 = arith.constant 0 : i32
    %dma_wait3A_226 = tpu.memref_slice %arg13[%dma_wait3A_224, %dma_wait3A_225] : memref<1664x16xf32, #tpu.memory_space<vmem>> -> memref<128x16xf32, #tpu.memory_space<vmem>>
    %dma_wait3A_227 = arith.constant 1536 : i32
    %dma_wait3A_228 = tpu.memref_slice %arg12[%dma_wait3A_227] : memref<1664xi32, #tpu.memory_space<vmem>> -> memref<128xi32, #tpu.memory_space<vmem>>
    %dma_wait3A_229 = arith.constant 0 : i32
    %dma_wait3A_230 = arith.constant 0 : i32
    %dma_wait3A_231 = tpu.memref_slice %arg6[%dma_wait3A_229, %dma_wait3A_230] : memref<2600000x16xf32, #tpu.memory_space<hbm>> -> memref<2600000x16xf32, #tpu.memory_space<hbm>>
    tpu.wait_indirect_dma semaphore(%arg14 : memref<!tpu.dma_semaphore, #tpu.memory_space<semaphore_mem>>) src(%dma_wait3A_231 : memref<2600000x16xf32, #tpu.memory_space<hbm>>) dst(%dma_wait3A_226 : memref<128x16xf32, #tpu.memory_space<vmem>>)
    "tpu.region"() ({
      %run_scoped3A = tpu.sem_alloc : memref<!tpu.dma_semaphore, #tpu.memory_space<semaphore_mem>>
      %dma_start3A_1912 = arith.constant 0 : i32
      %dma_start3A_1913 = tpu.memref_slice %arg7[%add3A_4, %dma_start3A_1912] : memref<425984x16xf32, #tpu.memory_space<hbm>> -> memref<1664x16xf32, #tpu.memory_space<hbm>>
      %dma_start3A_1914 = arith.constant 0 : i32
      %dma_start3A_1915 = tpu.memref_slice %arg7[%add3A_4, %dma_start3A_1914] : memref<425984x16xf32, #tpu.memory_space<hbm>> -> memref<1664x16xf32, #tpu.memory_space<hbm>>
      tpu.enqueue_dma source(%arg13 : memref<1664x16xf32, #tpu.memory_space<vmem>>) target(%dma_start3A_1915 : memref<1664x16xf32, #tpu.memory_space<hbm>>) target_semaphore(%run_scoped3A : memref<!tpu.dma_semaphore, #tpu.memory_space<semaphore_mem>>)
      %dma_wait3A_1916 = arith.constant 0 : i32
      %dma_wait3A_1917 = tpu.memref_slice %arg7[%add3A_4, %dma_wait3A_1916] : memref<425984x16xf32, #tpu.memory_space<hbm>> -> memref<1664x16xf32, #tpu.memory_space<hbm>>
      %dma_wait3A_1918 = arith.constant 0 : i32
      %dma_wait3A_1919 = tpu.memref_slice %arg7[%add3A_4, %dma_wait3A_1918] : memref<425984x16xf32, #tpu.memory_space<hbm>> -> memref<1664x16xf32, #tpu.memory_space<hbm>>
      tpu.wait_dma2 semaphore(%run_scoped3A : memref<!tpu.dma_semaphore, #tpu.memory_space<semaphore_mem>>) src(%arg13 : memref<1664x16xf32, #tpu.memory_space<vmem>>) dst(%dma_wait3A_1919 : memref<1664x16xf32, #tpu.memory_space<hbm>>)
      tpu.yield
    }) : () -> ()
    %add3A_232 = arith.constant 1664 : i32
    %add3A_233 = arith.addi %mul3A_2, %add3A_232 : i32
    %jit3A_234 = arith.constant 26 : i32
    %div3A_235 = arith.divsi %add3A_233, %jit3A_234 : i32
    %sign3A_236 = arith.constant 0 : i32
    %sign3A_237 = arith.cmpi sgt, %add3A_233, %sign3A_236 : i32
    %sign3A_238 = arith.extui %sign3A_237 : i1 to i32
    %sign3A_239 = arith.constant 0 : i32
    %sign3A_240 = arith.cmpi slt, %add3A_233, %sign3A_239 : i32
    %sign3A_241 = arith.extui %sign3A_240 : i1 to i32
    %sign3A_242 = arith.subi %sign3A_238, %sign3A_241 : i32
    %sign3A_243 = arith.constant 0 : i32
    %sign3A_244 = arith.cmpi sgt, %jit3A_234, %sign3A_243 : i32
    %sign3A_245 = arith.extui %sign3A_244 : i1 to i32
    %sign3A_246 = arith.constant 0 : i32
    %sign3A_247 = arith.cmpi slt, %jit3A_234, %sign3A_246 : i32
    %sign3A_248 = arith.extui %sign3A_247 : i1 to i32
    %sign3A_249 = arith.subi %sign3A_245, %sign3A_248 : i32
    %ne3A_250 = arith.cmpi ne, %sign3A_242, %sign3A_249 : i32
    %rem3A_251 = arith.remsi %add3A_233, %jit3A_234 : i32
    %ne3A_252 = arith.constant 0 : i32
    %ne3A_253 = arith.cmpi ne, %rem3A_251, %ne3A_252 : i32
    %and3A_254 = arith.andi %ne3A_250, %ne3A_253 : i1
    %sub3A_255 = arith.constant 1 : i32
    %sub3A_256 = arith.subi %div3A_235, %sub3A_255 : i32
    %select_n3A_257 = arith.select %and3A_254, %sub3A_256, %div3A_235 : i32
    "tpu.region"() ({
      %run_scoped3A = tpu.sem_alloc : memref<!tpu.dma_semaphore, #tpu.memory_space<semaphore_mem>>
      %dma_start3A_1912 = arith.constant 0 : i32
      %dma_start3A_1913 = tpu.memref_slice %arg2[%select_n3A_257, %dma_start3A_1912] : memref<16384x26xi32, #tpu.memory_space<hbm>> -> memref<64x26xi32, #tpu.memory_space<hbm>>
      %dma_start3A_1914 = arith.constant 0 : i32
      %dma_start3A_1915 = tpu.memref_slice %arg2[%select_n3A_257, %dma_start3A_1914] : memref<16384x26xi32, #tpu.memory_space<hbm>> -> memref<64x26xi32, #tpu.memory_space<hbm>>
      tpu.enqueue_dma source(%dma_start3A_1915 : memref<64x26xi32, #tpu.memory_space<hbm>>) target(%arg8 : memref<64x26xi32, #tpu.memory_space<vmem>>) target_semaphore(%run_scoped3A : memref<!tpu.dma_semaphore, #tpu.memory_space<semaphore_mem>>)
      %dma_wait3A_1916 = arith.constant 0 : i32
      %dma_wait3A_1917 = tpu.memref_slice %arg2[%select_n3A_257, %dma_wait3A_1916] : memref<16384x26xi32, #tpu.memory_space<hbm>> -> memref<64x26xi32, #tpu.memory_space<hbm>>
      %dma_wait3A_1918 = arith.constant 0 : i32
      %dma_wait3A_1919 = tpu.memref_slice %arg2[%select_n3A_257, %dma_wait3A_1918] : memref<16384x26xi32, #tpu.memory_space<hbm>> -> memref<64x26xi32, #tpu.memory_space<hbm>>
      tpu.wait_dma2 semaphore(%run_scoped3A : memref<!tpu.dma_semaphore, #tpu.memory_space<semaphore_mem>>) src(%dma_wait3A_1919 : memref<64x26xi32, #tpu.memory_space<hbm>>) dst(%arg8 : memref<64x26xi32, #tpu.memory_space<vmem>>)
      tpu.yield
    }) : () -> ()
    %scan3A_258 = arith.constant 0 : i32
    %scan3A_259 = arith.constant 0 : i32
    %scan3A_260 = arith.constant 104 : i32
    %scan3A_261 = arith.addi %scan3A_259, %scan3A_260 : i32
    %scan3A_262 = arith.constant 1 : i32
    scf.for %scan3A_1912 = %scan3A_259 to %scan3A_261 step %scan3A_262  : i32 {
      %mul3A_1913 = arith.constant 16 : i32
      %mul3A_1914 = arith.muli %scan3A_1912, %mul3A_1913 : i32
      %get3A = arith.index_cast %mul3A_1914 : i32 to index
      %get3A_1915 = tpu.vector_load %arg9[%get3A] {strides = array<i32>} : memref<1664xi32, #tpu.memory_space<vmem>>, vector<16xi32>,
      %get3A_1916 = arith.index_cast %mul3A_1914 : i32 to index
      %get3A_1917 = tpu.vector_load %arg10[%get3A_1916] {strides = array<i32>} : memref<1664xi32, #tpu.memory_space<vmem>>, vector<16xi32>,
      %gather3A = tpu.vector_load_idx %arg8[%get3A_1915, %get3A_1917] : memref<64x26xi32, #tpu.memory_space<vmem>>[vector<16xi32>, vector<16xi32>], vector<16xi32>,
      %get3A_1918 = arith.index_cast %mul3A_1914 : i32 to index
      %get3A_1919 = tpu.vector_load %arg11[%get3A_1918] {strides = array<i32>} : memref<1664xi32, #tpu.memory_space<vmem>>, vector<16xi32>,
      %add3A_1920 = arith.addi %gather3A, %get3A_1919 : vector<16xi32>
      %swap3A = arith.index_cast %mul3A_1914 : i32 to index
      %swap3A_1921 = tpu.vector_load %arg12[%swap3A] {strides = array<i32>} : memref<1664xi32, #tpu.memory_space<vmem>>, vector<16xi32>,
      tpu.vector_store %arg12[%swap3A], %add3A_1920 {strides = array<i32>} : memref<1664xi32, #tpu.memory_space<vmem>>, vector<16xi32>,
    }
    %scan3A_263 = arith.constant 104 : i32
    %dma_start3A_264 = arith.constant 0 : i32
    %dma_start3A_265 = arith.constant 0 : i32
    %dma_start3A_266 = tpu.memref_slice %arg13[%dma_start3A_264, %dma_start3A_265] : memref<1664x16xf32, #tpu.memory_space<vmem>> -> memref<128x16xf32, #tpu.memory_space<vmem>>
    %dma_start3A_267 = arith.constant 0 : i32
    %dma_start3A_268 = tpu.memref_slice %arg12[%dma_start3A_267] : memref<1664xi32, #tpu.memory_space<vmem>> -> memref<128xi32, #tpu.memory_space<vmem>>
    %dma_start3A_269 = arith.constant 0 : i32
    %dma_start3A_270 = arith.constant 0 : i32
    %dma_start3A_271 = tpu.memref_slice %arg6[%dma_start3A_269, %dma_start3A_270] : memref<2600000x16xf32, #tpu.memory_space<hbm>> -> memref<2600000x16xf32, #tpu.memory_space<hbm>>
    tpu.enqueue_indirect_dma source(%dma_start3A_271 : memref<2600000x16xf32, #tpu.memory_space<hbm>>) target(%dma_start3A_266 : memref<128x16xf32, #tpu.memory_space<vmem>>) offsets(%dma_start3A_268 : memref<128xi32, #tpu.memory_space<vmem>>) semaphore(%arg14 : memref<!tpu.dma_semaphore, #tpu.memory_space<semaphore_mem>>)
    %dma_start3A_272 = arith.constant 128 : i32
    %dma_start3A_273 = arith.constant 0 : i32
    %dma_start3A_274 = tpu.memref_slice %arg13[%dma_start3A_272, %dma_start3A_273] : memref<1664x16xf32, #tpu.memory_space<vmem>> -> memref<128x16xf32, #tpu.memory_space<vmem>>
    %dma_start3A_275 = arith.constant 128 : i32
    %dma_start3A_276 = tpu.memref_slice %arg12[%dma_start3A_275] : memref<1664xi32, #tpu.memory_space<vmem>> -> memref<128xi32, #tpu.memory_space<vmem>>
    %dma_start3A_277 = arith.constant 0 : i32
    %dma_start3A_278 = arith.constant 0 : i32
    %dma_start3A_279 = tpu.memref_slice %arg6[%dma_start3A_277, %dma_start3A_278] : memref<2600000x16xf32, #tpu.memory_space<hbm>> -> memref<2600000x16xf32, #tpu.memory_space<hbm>>
    tpu.enqueue_indirect_dma source(%dma_start3A_279 : memref<2600000x16xf32, #tpu.memory_space<hbm>>) target(%dma_start3A_274 : memref<128x16xf32, #tpu.memory_space<vmem>>) offsets(%dma_start3A_276 : memref<128xi32, #tpu.memory_space<vmem>>) semaphore(%arg14 : memref<!tpu.dma_semaphore, #tpu.memory_space<semaphore_mem>>)
    %dma_start3A_280 = arith.constant 256 : i32
    %dma_start3A_281 = arith.constant 0 : i32
    %dma_start3A_282 = tpu.memref_slice %arg13[%dma_start3A_280, %dma_start3A_281] : memref<1664x16xf32, #tpu.memory_space<vmem>> -> memref<128x16xf32, #tpu.memory_space<vmem>>
    %dma_start3A_283 = arith.constant 256 : i32
    %dma_start3A_284 = tpu.memref_slice %arg12[%dma_start3A_283] : memref<1664xi32, #tpu.memory_space<vmem>> -> memref<128xi32, #tpu.memory_space<vmem>>
    %dma_start3A_285 = arith.constant 0 : i32
    %dma_start3A_286 = arith.constant 0 : i32
    %dma_start3A_287 = tpu.memref_slice %arg6[%dma_start3A_285, %dma_start3A_286] : memref<2600000x16xf32, #tpu.memory_space<hbm>> -> memref<2600000x16xf32, #tpu.memory_space<hbm>>
    tpu.enqueue_indirect_dma source(%dma_start3A_287 : memref<2600000x16xf32, #tpu.memory_space<hbm>>) target(%dma_start3A_282 : memref<128x16xf32, #tpu.memory_space<vmem>>) offsets(%dma_start3A_284 : memref<128xi32, #tpu.memory_space<vmem>>) semaphore(%arg14 : memref<!tpu.dma_semaphore, #tpu.memory_space<semaphore_mem>>)
    %dma_start3A_288 = arith.constant 384 : i32
    %dma_start3A_289 = arith.constant 0 : i32
    %dma_start3A_290 = tpu.memref_slice %arg13[%dma_start3A_288, %dma_start3A_289] : memref<1664x16xf32, #tpu.memory_space<vmem>> -> memref<128x16xf32, #tpu.memory_space<vmem>>
    %dma_start3A_291 = arith.constant 384 : i32
    %dma_start3A_292 = tpu.memref_slice %arg12[%dma_start3A_291] : memref<1664xi32, #tpu.memory_space<vmem>> -> memref<128xi32, #tpu.memory_space<vmem>>
    %dma_start3A_293 = arith.constant 0 : i32
    %dma_start3A_294 = arith.constant 0 : i32
    %dma_start3A_295 = tpu.memref_slice %arg6[%dma_start3A_293, %dma_start3A_294] : memref<2600000x16xf32, #tpu.memory_space<hbm>> -> memref<2600000x16xf32, #tpu.memory_space<hbm>>
    tpu.enqueue_indirect_dma source(%dma_start3A_295 : memref<2600000x16xf32, #tpu.memory_space<hbm>>) target(%dma_start3A_290 : memref<128x16xf32, #tpu.memory_space<vmem>>) offsets(%dma_start3A_292 : memref<128xi32, #tpu.memory_space<vmem>>) semaphore(%arg14 : memref<!tpu.dma_semaphore, #tpu.memory_space<semaphore_mem>>)
    %dma_start3A_296 = arith.constant 512 : i32
    %dma_start3A_297 = arith.constant 0 : i32
    %dma_start3A_298 = tpu.memref_slice %arg13[%dma_start3A_296, %dma_start3A_297] : memref<1664x16xf32, #tpu.memory_space<vmem>> -> memref<128x16xf32, #tpu.memory_space<vmem>>
    %dma_start3A_299 = arith.constant 512 : i32
    %dma_start3A_300 = tpu.memref_slice %arg12[%dma_start3A_299] : memref<1664xi32, #tpu.memory_space<vmem>> -> memref<128xi32, #tpu.memory_space<vmem>>
    %dma_start3A_301 = arith.constant 0 : i32
    %dma_start3A_302 = arith.constant 0 : i32
    %dma_start3A_303 = tpu.memref_slice %arg6[%dma_start3A_301, %dma_start3A_302] : memref<2600000x16xf32, #tpu.memory_space<hbm>> -> memref<2600000x16xf32, #tpu.memory_space<hbm>>
    tpu.enqueue_indirect_dma source(%dma_start3A_303 : memref<2600000x16xf32, #tpu.memory_space<hbm>>) target(%dma_start3A_298 : memref<128x16xf32, #tpu.memory_space<vmem>>) offsets(%dma_start3A_300 : memref<128xi32, #tpu.memory_space<vmem>>) semaphore(%arg14 : memref<!tpu.dma_semaphore, #tpu.memory_space<semaphore_mem>>)
    %dma_start3A_304 = arith.constant 640 : i32
    %dma_start3A_305 = arith.constant 0 : i32
    %dma_start3A_306 = tpu.memref_slice %arg13[%dma_start3A_304, %dma_start3A_305] : memref<1664x16xf32, #tpu.memory_space<vmem>> -> memref<128x16xf32, #tpu.memory_space<vmem>>
    %dma_start3A_307 = arith.constant 640 : i32
    %dma_start3A_308 = tpu.memref_slice %arg12[%dma_start3A_307] : memref<1664xi32, #tpu.memory_space<vmem>> -> memref<128xi32, #tpu.memory_space<vmem>>
    %dma_start3A_309 = arith.constant 0 : i32
    %dma_start3A_310 = arith.constant 0 : i32
    %dma_start3A_311 = tpu.memref_slice %arg6[%dma_start3A_309, %dma_start3A_310] : memref<2600000x16xf32, #tpu.memory_space<hbm>> -> memref<2600000x16xf32, #tpu.memory_space<hbm>>
    tpu.enqueue_indirect_dma source(%dma_start3A_311 : memref<2600000x16xf32, #tpu.memory_space<hbm>>) target(%dma_start3A_306 : memref<128x16xf32, #tpu.memory_space<vmem>>) offsets(%dma_start3A_308 : memref<128xi32, #tpu.memory_space<vmem>>) semaphore(%arg14 : memref<!tpu.dma_semaphore, #tpu.memory_space<semaphore_mem>>)
    %dma_start3A_312 = arith.constant 768 : i32
    %dma_start3A_313 = arith.constant 0 : i32
    %dma_start3A_314 = tpu.memref_slice %arg13[%dma_start3A_312, %dma_start3A_313] : memref<1664x16xf32, #tpu.memory_space<vmem>> -> memref<128x16xf32, #tpu.memory_space<vmem>>
    %dma_start3A_315 = arith.constant 768 : i32
    %dma_start3A_316 = tpu.memref_slice %arg12[%dma_start3A_315] : memref<1664xi32, #tpu.memory_space<vmem>> -> memref<128xi32, #tpu.memory_space<vmem>>
    %dma_start3A_317 = arith.constant 0 : i32
    %dma_start3A_318 = arith.constant 0 : i32
    %dma_start3A_319 = tpu.memref_slice %arg6[%dma_start3A_317, %dma_start3A_318] : memref<2600000x16xf32, #tpu.memory_space<hbm>> -> memref<2600000x16xf32, #tpu.memory_space<hbm>>
    tpu.enqueue_indirect_dma source(%dma_start3A_319 : memref<2600000x16xf32, #tpu.memory_space<hbm>>) target(%dma_start3A_314 : memref<128x16xf32, #tpu.memory_space<vmem>>) offsets(%dma_start3A_316 : memref<128xi32, #tpu.memory_space<vmem>>) semaphore(%arg14 : memref<!tpu.dma_semaphore, #tpu.memory_space<semaphore_mem>>)
    %dma_start3A_320 = arith.constant 896 : i32
    %dma_start3A_321 = arith.constant 0 : i32
    %dma_start3A_322 = tpu.memref_slice %arg13[%dma_start3A_320, %dma_start3A_321] : memref<1664x16xf32, #tpu.memory_space<vmem>> -> memref<128x16xf32, #tpu.memory_space<vmem>>
    %dma_start3A_323 = arith.constant 896 : i32
    %dma_start3A_324 = tpu.memref_slice %arg12[%dma_start3A_323] : memref<1664xi32, #tpu.memory_space<vmem>> -> memref<128xi32, #tpu.memory_space<vmem>>
    %dma_start3A_325 = arith.constant 0 : i32
    %dma_start3A_326 = arith.constant 0 : i32
    %dma_start3A_327 = tpu.memref_slice %arg6[%dma_start3A_325, %dma_start3A_326] : memref<2600000x16xf32, #tpu.memory_space<hbm>> -> memref<2600000x16xf32, #tpu.memory_space<hbm>>
    tpu.enqueue_indirect_dma source(%dma_start3A_327 : memref<2600000x16xf32, #tpu.memory_space<hbm>>) target(%dma_start3A_322 : memref<128x16xf32, #tpu.memory_space<vmem>>) offsets(%dma_start3A_324 : memref<128xi32, #tpu.memory_space<vmem>>) semaphore(%arg14 : memref<!tpu.dma_semaphore, #tpu.memory_space<semaphore_mem>>)
    %dma_start3A_328 = arith.constant 1024 : i32
    %dma_start3A_329 = arith.constant 0 : i32
    %dma_start3A_330 = tpu.memref_slice %arg13[%dma_start3A_328, %dma_start3A_329] : memref<1664x16xf32, #tpu.memory_space<vmem>> -> memref<128x16xf32, #tpu.memory_space<vmem>>
    %dma_start3A_331 = arith.constant 1024 : i32
    %dma_start3A_332 = tpu.memref_slice %arg12[%dma_start3A_331] : memref<1664xi32, #tpu.memory_space<vmem>> -> memref<128xi32, #tpu.memory_space<vmem>>
    %dma_start3A_333 = arith.constant 0 : i32
    %dma_start3A_334 = arith.constant 0 : i32
    %dma_start3A_335 = tpu.memref_slice %arg6[%dma_start3A_333, %dma_start3A_334] : memref<2600000x16xf32, #tpu.memory_space<hbm>> -> memref<2600000x16xf32, #tpu.memory_space<hbm>>
    tpu.enqueue_indirect_dma source(%dma_start3A_335 : memref<2600000x16xf32, #tpu.memory_space<hbm>>) target(%dma_start3A_330 : memref<128x16xf32, #tpu.memory_space<vmem>>) offsets(%dma_start3A_332 : memref<128xi32, #tpu.memory_space<vmem>>) semaphore(%arg14 : memref<!tpu.dma_semaphore, #tpu.memory_space<semaphore_mem>>)
    %dma_start3A_336 = arith.constant 1152 : i32
    %dma_start3A_337 = arith.constant 0 : i32
    %dma_start3A_338 = tpu.memref_slice %arg13[%dma_start3A_336, %dma_start3A_337] : memref<1664x16xf32, #tpu.memory_space<vmem>> -> memref<128x16xf32, #tpu.memory_space<vmem>>
    %dma_start3A_339 = arith.constant 1152 : i32
    %dma_start3A_340 = tpu.memref_slice %arg12[%dma_start3A_339] : memref<1664xi32, #tpu.memory_space<vmem>> -> memref<128xi32, #tpu.memory_space<vmem>>
    %dma_start3A_341 = arith.constant 0 : i32
    %dma_start3A_342 = arith.constant 0 : i32
    %dma_start3A_343 = tpu.memref_slice %arg6[%dma_start3A_341, %dma_start3A_342] : memref<2600000x16xf32, #tpu.memory_space<hbm>> -> memref<2600000x16xf32, #tpu.memory_space<hbm>>
    tpu.enqueue_indirect_dma source(%dma_start3A_343 : memref<2600000x16xf32, #tpu.memory_space<hbm>>) target(%dma_start3A_338 : memref<128x16xf32, #tpu.memory_space<vmem>>) offsets(%dma_start3A_340 : memref<128xi32, #tpu.memory_space<vmem>>) semaphore(%arg14 : memref<!tpu.dma_semaphore, #tpu.memory_space<semaphore_mem>>)
    %dma_start3A_344 = arith.constant 1280 : i32
    %dma_start3A_345 = arith.constant 0 : i32
    %dma_start3A_346 = tpu.memref_slice %arg13[%dma_start3A_344, %dma_start3A_345] : memref<1664x16xf32, #tpu.memory_space<vmem>> -> memref<128x16xf32, #tpu.memory_space<vmem>>
    %dma_start3A_347 = arith.constant 1280 : i32
    %dma_start3A_348 = tpu.memref_slice %arg12[%dma_start3A_347] : memref<1664xi32, #tpu.memory_space<vmem>> -> memref<128xi32, #tpu.memory_space<vmem>>
    %dma_start3A_349 = arith.constant 0 : i32
    %dma_start3A_350 = arith.constant 0 : i32
    %dma_start3A_351 = tpu.memref_slice %arg6[%dma_start3A_349, %dma_start3A_350] : memref<2600000x16xf32, #tpu.memory_space<hbm>> -> memref<2600000x16xf32, #tpu.memory_space<hbm>>
    tpu.enqueue_indirect_dma source(%dma_start3A_351 : memref<2600000x16xf32, #tpu.memory_space<hbm>>) target(%dma_start3A_346 : memref<128x16xf32, #tpu.memory_space<vmem>>) offsets(%dma_start3A_348 : memref<128xi32, #tpu.memory_space<vmem>>) semaphore(%arg14 : memref<!tpu.dma_semaphore, #tpu.memory_space<semaphore_mem>>)
    %dma_start3A_352 = arith.constant 1408 : i32
    %dma_start3A_353 = arith.constant 0 : i32
    %dma_start3A_354 = tpu.memref_slice %arg13[%dma_start3A_352, %dma_start3A_353] : memref<1664x16xf32, #tpu.memory_space<vmem>> -> memref<128x16xf32, #tpu.memory_space<vmem>>
    %dma_start3A_355 = arith.constant 1408 : i32
    %dma_start3A_356 = tpu.memref_slice %arg12[%dma_start3A_355] : memref<1664xi32, #tpu.memory_space<vmem>> -> memref<128xi32, #tpu.memory_space<vmem>>
    %dma_start3A_357 = arith.constant 0 : i32
    %dma_start3A_358 = arith.constant 0 : i32
    %dma_start3A_359 = tpu.memref_slice %arg6[%dma_start3A_357, %dma_start3A_358] : memref<2600000x16xf32, #tpu.memory_space<hbm>> -> memref<2600000x16xf32, #tpu.memory_space<hbm>>
    tpu.enqueue_indirect_dma source(%dma_start3A_359 : memref<2600000x16xf32, #tpu.memory_space<hbm>>) target(%dma_start3A_354 : memref<128x16xf32, #tpu.memory_space<vmem>>) offsets(%dma_start3A_356 : memref<128xi32, #tpu.memory_space<vmem>>) semaphore(%arg14 : memref<!tpu.dma_semaphore, #tpu.memory_space<semaphore_mem>>)
    %dma_start3A_360 = arith.constant 1536 : i32
    %dma_start3A_361 = arith.constant 0 : i32
    %dma_start3A_362 = tpu.memref_slice %arg13[%dma_start3A_360, %dma_start3A_361] : memref<1664x16xf32, #tpu.memory_space<vmem>> -> memref<128x16xf32, #tpu.memory_space<vmem>>
    %dma_start3A_363 = arith.constant 1536 : i32
    %dma_start3A_364 = tpu.memref_slice %arg12[%dma_start3A_363] : memref<1664xi32, #tpu.memory_space<vmem>> -> memref<128xi32, #tpu.memory_space<vmem>>
    %dma_start3A_365 = arith.constant 0 : i32
    %dma_start3A_366 = arith.constant 0 : i32
    %dma_start3A_367 = tpu.memref_slice %arg6[%dma_start3A_365, %dma_start3A_366] : memref<2600000x16xf32, #tpu.memory_space<hbm>> -> memref<2600000x16xf32, #tpu.memory_space<hbm>>
    tpu.enqueue_indirect_dma source(%dma_start3A_367 : memref<2600000x16xf32, #tpu.memory_space<hbm>>) target(%dma_start3A_362 : memref<128x16xf32, #tpu.memory_space<vmem>>) offsets(%dma_start3A_364 : memref<128xi32, #tpu.memory_space<vmem>>) semaphore(%arg14 : memref<!tpu.dma_semaphore, #tpu.memory_space<semaphore_mem>>)
    %dma_wait3A_368 = arith.constant 0 : i32
    %dma_wait3A_369 = arith.constant 0 : i32
    %dma_wait3A_370 = tpu.memref_slice %arg13[%dma_wait3A_368, %dma_wait3A_369] : memref<1664x16xf32, #tpu.memory_space<vmem>> -> memref<128x16xf32, #tpu.memory_space<vmem>>
    %dma_wait3A_371 = arith.constant 0 : i32
    %dma_wait3A_372 = tpu.memref_slice %arg12[%dma_wait3A_371] : memref<1664xi32, #tpu.memory_space<vmem>> -> memref<128xi32, #tpu.memory_space<vmem>>
    %dma_wait3A_373 = arith.constant 0 : i32
    %dma_wait3A_374 = arith.constant 0 : i32
    %dma_wait3A_375 = tpu.memref_slice %arg6[%dma_wait3A_373, %dma_wait3A_374] : memref<2600000x16xf32, #tpu.memory_space<hbm>> -> memref<2600000x16xf32, #tpu.memory_space<hbm>>
    tpu.wait_indirect_dma semaphore(%arg14 : memref<!tpu.dma_semaphore, #tpu.memory_space<semaphore_mem>>) src(%dma_wait3A_375 : memref<2600000x16xf32, #tpu.memory_space<hbm>>) dst(%dma_wait3A_370 : memref<128x16xf32, #tpu.memory_space<vmem>>)
    %dma_wait3A_376 = arith.constant 128 : i32
    %dma_wait3A_377 = arith.constant 0 : i32
    %dma_wait3A_378 = tpu.memref_slice %arg13[%dma_wait3A_376, %dma_wait3A_377] : memref<1664x16xf32, #tpu.memory_space<vmem>> -> memref<128x16xf32, #tpu.memory_space<vmem>>
    %dma_wait3A_379 = arith.constant 128 : i32
    %dma_wait3A_380 = tpu.memref_slice %arg12[%dma_wait3A_379] : memref<1664xi32, #tpu.memory_space<vmem>> -> memref<128xi32, #tpu.memory_space<vmem>>
    %dma_wait3A_381 = arith.constant 0 : i32
    %dma_wait3A_382 = arith.constant 0 : i32
    %dma_wait3A_383 = tpu.memref_slice %arg6[%dma_wait3A_381, %dma_wait3A_382] : memref<2600000x16xf32, #tpu.memory_space<hbm>> -> memref<2600000x16xf32, #tpu.memory_space<hbm>>
    tpu.wait_indirect_dma semaphore(%arg14 : memref<!tpu.dma_semaphore, #tpu.memory_space<semaphore_mem>>) src(%dma_wait3A_383 : memref<2600000x16xf32, #tpu.memory_space<hbm>>) dst(%dma_wait3A_378 : memref<128x16xf32, #tpu.memory_space<vmem>>)
    %dma_wait3A_384 = arith.constant 256 : i32
    %dma_wait3A_385 = arith.constant 0 : i32
    %dma_wait3A_386 = tpu.memref_slice %arg13[%dma_wait3A_384, %dma_wait3A_385] : memref<1664x16xf32, #tpu.memory_space<vmem>> -> memref<128x16xf32, #tpu.memory_space<vmem>>
    %dma_wait3A_387 = arith.constant 256 : i32
    %dma_wait3A_388 = tpu.memref_slice %arg12[%dma_wait3A_387] : memref<1664xi32, #tpu.memory_space<vmem>> -> memref<128xi32, #tpu.memory_space<vmem>>
    %dma_wait3A_389 = arith.constant 0 : i32
    %dma_wait3A_390 = arith.constant 0 : i32
    %dma_wait3A_391 = tpu.memref_slice %arg6[%dma_wait3A_389, %dma_wait3A_390] : memref<2600000x16xf32, #tpu.memory_space<hbm>> -> memref<2600000x16xf32, #tpu.memory_space<hbm>>
    tpu.wait_indirect_dma semaphore(%arg14 : memref<!tpu.dma_semaphore, #tpu.memory_space<semaphore_mem>>) src(%dma_wait3A_391 : memref<2600000x16xf32, #tpu.memory_space<hbm>>) dst(%dma_wait3A_386 : memref<128x16xf32, #tpu.memory_space<vmem>>)
    %dma_wait3A_392 = arith.constant 384 : i32
    %dma_wait3A_393 = arith.constant 0 : i32
    %dma_wait3A_394 = tpu.memref_slice %arg13[%dma_wait3A_392, %dma_wait3A_393] : memref<1664x16xf32, #tpu.memory_space<vmem>> -> memref<128x16xf32, #tpu.memory_space<vmem>>
    %dma_wait3A_395 = arith.constant 384 : i32
    %dma_wait3A_396 = tpu.memref_slice %arg12[%dma_wait3A_395] : memref<1664xi32, #tpu.memory_space<vmem>> -> memref<128xi32, #tpu.memory_space<vmem>>
    %dma_wait3A_397 = arith.constant 0 : i32
    %dma_wait3A_398 = arith.constant 0 : i32
    %dma_wait3A_399 = tpu.memref_slice %arg6[%dma_wait3A_397, %dma_wait3A_398] : memref<2600000x16xf32, #tpu.memory_space<hbm>> -> memref<2600000x16xf32, #tpu.memory_space<hbm>>
    tpu.wait_indirect_dma semaphore(%arg14 : memref<!tpu.dma_semaphore, #tpu.memory_space<semaphore_mem>>) src(%dma_wait3A_399 : memref<2600000x16xf32, #tpu.memory_space<hbm>>) dst(%dma_wait3A_394 : memref<128x16xf32, #tpu.memory_space<vmem>>)
    %dma_wait3A_400 = arith.constant 512 : i32
    %dma_wait3A_401 = arith.constant 0 : i32
    %dma_wait3A_402 = tpu.memref_slice %arg13[%dma_wait3A_400, %dma_wait3A_401] : memref<1664x16xf32, #tpu.memory_space<vmem>> -> memref<128x16xf32, #tpu.memory_space<vmem>>
    %dma_wait3A_403 = arith.constant 512 : i32
    %dma_wait3A_404 = tpu.memref_slice %arg12[%dma_wait3A_403] : memref<1664xi32, #tpu.memory_space<vmem>> -> memref<128xi32, #tpu.memory_space<vmem>>
    %dma_wait3A_405 = arith.constant 0 : i32
    %dma_wait3A_406 = arith.constant 0 : i32
    %dma_wait3A_407 = tpu.memref_slice %arg6[%dma_wait3A_405, %dma_wait3A_406] : memref<2600000x16xf32, #tpu.memory_space<hbm>> -> memref<2600000x16xf32, #tpu.memory_space<hbm>>
    tpu.wait_indirect_dma semaphore(%arg14 : memref<!tpu.dma_semaphore, #tpu.memory_space<semaphore_mem>>) src(%dma_wait3A_407 : memref<2600000x16xf32, #tpu.memory_space<hbm>>) dst(%dma_wait3A_402 : memref<128x16xf32, #tpu.memory_space<vmem>>)
    %dma_wait3A_408 = arith.constant 640 : i32
    %dma_wait3A_409 = arith.constant 0 : i32
    %dma_wait3A_410 = tpu.memref_slice %arg13[%dma_wait3A_408, %dma_wait3A_409] : memref<1664x16xf32, #tpu.memory_space<vmem>> -> memref<128x16xf32, #tpu.memory_space<vmem>>
    %dma_wait3A_411 = arith.constant 640 : i32
    %dma_wait3A_412 = tpu.memref_slice %arg12[%dma_wait3A_411] : memref<1664xi32, #tpu.memory_space<vmem>> -> memref<128xi32, #tpu.memory_space<vmem>>
    %dma_wait3A_413 = arith.constant 0 : i32
    %dma_wait3A_414 = arith.constant 0 : i32
    %dma_wait3A_415 = tpu.memref_slice %arg6[%dma_wait3A_413, %dma_wait3A_414] : memref<2600000x16xf32, #tpu.memory_space<hbm>> -> memref<2600000x16xf32, #tpu.memory_space<hbm>>
    tpu.wait_indirect_dma semaphore(%arg14 : memref<!tpu.dma_semaphore, #tpu.memory_space<semaphore_mem>>) src(%dma_wait3A_415 : memref<2600000x16xf32, #tpu.memory_space<hbm>>) dst(%dma_wait3A_410 : memref<128x16xf32, #tpu.memory_space<vmem>>)
    %dma_wait3A_416 = arith.constant 768 : i32
    %dma_wait3A_417 = arith.constant 0 : i32
    %dma_wait3A_418 = tpu.memref_slice %arg13[%dma_wait3A_416, %dma_wait3A_417] : memref<1664x16xf32, #tpu.memory_space<vmem>> -> memref<128x16xf32, #tpu.memory_space<vmem>>
    %dma_wait3A_419 = arith.constant 768 : i32
    %dma_wait3A_420 = tpu.memref_slice %arg12[%dma_wait3A_419] : memref<1664xi32, #tpu.memory_space<vmem>> -> memref<128xi32, #tpu.memory_space<vmem>>
    %dma_wait3A_421 = arith.constant 0 : i32
    %dma_wait3A_422 = arith.constant 0 : i32
    %dma_wait3A_423 = tpu.memref_slice %arg6[%dma_wait3A_421, %dma_wait3A_422] : memref<2600000x16xf32, #tpu.memory_space<hbm>> -> memref<2600000x16xf32, #tpu.memory_space<hbm>>
    tpu.wait_indirect_dma semaphore(%arg14 : memref<!tpu.dma_semaphore, #tpu.memory_space<semaphore_mem>>) src(%dma_wait3A_423 : memref<2600000x16xf32, #tpu.memory_space<hbm>>) dst(%dma_wait3A_418 : memref<128x16xf32, #tpu.memory_space<vmem>>)
    %dma_wait3A_424 = arith.constant 896 : i32
    %dma_wait3A_425 = arith.constant 0 : i32
    %dma_wait3A_426 = tpu.memref_slice %arg13[%dma_wait3A_424, %dma_wait3A_425] : memref<1664x16xf32, #tpu.memory_space<vmem>> -> memref<128x16xf32, #tpu.memory_space<vmem>>
    %dma_wait3A_427 = arith.constant 896 : i32
    %dma_wait3A_428 = tpu.memref_slice %arg12[%dma_wait3A_427] : memref<1664xi32, #tpu.memory_space<vmem>> -> memref<128xi32, #tpu.memory_space<vmem>>
    %dma_wait3A_429 = arith.constant 0 : i32
    %dma_wait3A_430 = arith.constant 0 : i32
    %dma_wait3A_431 = tpu.memref_slice %arg6[%dma_wait3A_429, %dma_wait3A_430] : memref<2600000x16xf32, #tpu.memory_space<hbm>> -> memref<2600000x16xf32, #tpu.memory_space<hbm>>
    tpu.wait_indirect_dma semaphore(%arg14 : memref<!tpu.dma_semaphore, #tpu.memory_space<semaphore_mem>>) src(%dma_wait3A_431 : memref<2600000x16xf32, #tpu.memory_space<hbm>>) dst(%dma_wait3A_426 : memref<128x16xf32, #tpu.memory_space<vmem>>)
    %dma_wait3A_432 = arith.constant 1024 : i32
    %dma_wait3A_433 = arith.constant 0 : i32
    %dma_wait3A_434 = tpu.memref_slice %arg13[%dma_wait3A_432, %dma_wait3A_433] : memref<1664x16xf32, #tpu.memory_space<vmem>> -> memref<128x16xf32, #tpu.memory_space<vmem>>
    %dma_wait3A_435 = arith.constant 1024 : i32
    %dma_wait3A_436 = tpu.memref_slice %arg12[%dma_wait3A_435] : memref<1664xi32, #tpu.memory_space<vmem>> -> memref<128xi32, #tpu.memory_space<vmem>>
    %dma_wait3A_437 = arith.constant 0 : i32
    %dma_wait3A_438 = arith.constant 0 : i32
    %dma_wait3A_439 = tpu.memref_slice %arg6[%dma_wait3A_437, %dma_wait3A_438] : memref<2600000x16xf32, #tpu.memory_space<hbm>> -> memref<2600000x16xf32, #tpu.memory_space<hbm>>
    tpu.wait_indirect_dma semaphore(%arg14 : memref<!tpu.dma_semaphore, #tpu.memory_space<semaphore_mem>>) src(%dma_wait3A_439 : memref<2600000x16xf32, #tpu.memory_space<hbm>>) dst(%dma_wait3A_434 : memref<128x16xf32, #tpu.memory_space<vmem>>)
    %dma_wait3A_440 = arith.constant 1152 : i32
    %dma_wait3A_441 = arith.constant 0 : i32
    %dma_wait3A_442 = tpu.memref_slice %arg13[%dma_wait3A_440, %dma_wait3A_441] : memref<1664x16xf32, #tpu.memory_space<vmem>> -> memref<128x16xf32, #tpu.memory_space<vmem>>
    %dma_wait3A_443 = arith.constant 1152 : i32
    %dma_wait3A_444 = tpu.memref_slice %arg12[%dma_wait3A_443] : memref<1664xi32, #tpu.memory_space<vmem>> -> memref<128xi32, #tpu.memory_space<vmem>>
    %dma_wait3A_445 = arith.constant 0 : i32
    %dma_wait3A_446 = arith.constant 0 : i32
    %dma_wait3A_447 = tpu.memref_slice %arg6[%dma_wait3A_445, %dma_wait3A_446] : memref<2600000x16xf32, #tpu.memory_space<hbm>> -> memref<2600000x16xf32, #tpu.memory_space<hbm>>
    tpu.wait_indirect_dma semaphore(%arg14 : memref<!tpu.dma_semaphore, #tpu.memory_space<semaphore_mem>>) src(%dma_wait3A_447 : memref<2600000x16xf32, #tpu.memory_space<hbm>>) dst(%dma_wait3A_442 : memref<128x16xf32, #tpu.memory_space<vmem>>)
    %dma_wait3A_448 = arith.constant 1280 : i32
    %dma_wait3A_449 = arith.constant 0 : i32
    %dma_wait3A_450 = tpu.memref_slice %arg13[%dma_wait3A_448, %dma_wait3A_449] : memref<1664x16xf32, #tpu.memory_space<vmem>> -> memref<128x16xf32, #tpu.memory_space<vmem>>
    %dma_wait3A_451 = arith.constant 1280 : i32
    %dma_wait3A_452 = tpu.memref_slice %arg12[%dma_wait3A_451] : memref<1664xi32, #tpu.memory_space<vmem>> -> memref<128xi32, #tpu.memory_space<vmem>>
    %dma_wait3A_453 = arith.constant 0 : i32
    %dma_wait3A_454 = arith.constant 0 : i32
    %dma_wait3A_455 = tpu.memref_slice %arg6[%dma_wait3A_453, %dma_wait3A_454] : memref<2600000x16xf32, #tpu.memory_space<hbm>> -> memref<2600000x16xf32, #tpu.memory_space<hbm>>
    tpu.wait_indirect_dma semaphore(%arg14 : memref<!tpu.dma_semaphore, #tpu.memory_space<semaphore_mem>>) src(%dma_wait3A_455 : memref<2600000x16xf32, #tpu.memory_space<hbm>>) dst(%dma_wait3A_450 : memref<128x16xf32, #tpu.memory_space<vmem>>)
    %dma_wait3A_456 = arith.constant 1408 : i32
    %dma_wait3A_457 = arith.constant 0 : i32
    %dma_wait3A_458 = tpu.memref_slice %arg13[%dma_wait3A_456, %dma_wait3A_457] : memref<1664x16xf32, #tpu.memory_space<vmem>> -> memref<128x16xf32, #tpu.memory_space<vmem>>
    %dma_wait3A_459 = arith.constant 1408 : i32
    %dma_wait3A_460 = tpu.memref_slice %arg12[%dma_wait3A_459] : memref<1664xi32, #tpu.memory_space<vmem>> -> memref<128xi32, #tpu.memory_space<vmem>>
    %dma_wait3A_461 = arith.constant 0 : i32
    %dma_wait3A_462 = arith.constant 0 : i32
    %dma_wait3A_463 = tpu.memref_slice %arg6[%dma_wait3A_461, %dma_wait3A_462] : memref<2600000x16xf32, #tpu.memory_space<hbm>> -> memref<2600000x16xf32, #tpu.memory_space<hbm>>
    tpu.wait_indirect_dma semaphore(%arg14 : memref<!tpu.dma_semaphore, #tpu.memory_space<semaphore_mem>>) src(%dma_wait3A_463 : memref<2600000x16xf32, #tpu.memory_space<hbm>>) dst(%dma_wait3A_458 : memref<128x16xf32, #tpu.memory_space<vmem>>)
    %dma_wait3A_464 = arith.constant 1536 : i32
    %dma_wait3A_465 = arith.constant 0 : i32
    %dma_wait3A_466 = tpu.memref_slice %arg13[%dma_wait3A_464, %dma_wait3A_465] : memref<1664x16xf32, #tpu.memory_space<vmem>> -> memref<128x16xf32, #tpu.memory_space<vmem>>
    %dma_wait3A_467 = arith.constant 1536 : i32
    %dma_wait3A_468 = tpu.memref_slice %arg12[%dma_wait3A_467] : memref<1664xi32, #tpu.memory_space<vmem>> -> memref<128xi32, #tpu.memory_space<vmem>>
    %dma_wait3A_469 = arith.constant 0 : i32
    %dma_wait3A_470 = arith.constant 0 : i32
    %dma_wait3A_471 = tpu.memref_slice %arg6[%dma_wait3A_469, %dma_wait3A_470] : memref<2600000x16xf32, #tpu.memory_space<hbm>> -> memref<2600000x16xf32, #tpu.memory_space<hbm>>
    tpu.wait_indirect_dma semaphore(%arg14 : memref<!tpu.dma_semaphore, #tpu.memory_space<semaphore_mem>>) src(%dma_wait3A_471 : memref<2600000x16xf32, #tpu.memory_space<hbm>>) dst(%dma_wait3A_466 : memref<128x16xf32, #tpu.memory_space<vmem>>)
    "tpu.region"() ({
      %run_scoped3A = tpu.sem_alloc : memref<!tpu.dma_semaphore, #tpu.memory_space<semaphore_mem>>
      %dma_start3A_1912 = arith.constant 0 : i32
      %dma_start3A_1913 = tpu.memref_slice %arg7[%add3A_233, %dma_start3A_1912] : memref<425984x16xf32, #tpu.memory_space<hbm>> -> memref<1664x16xf32, #tpu.memory_space<hbm>>
      %dma_start3A_1914 = arith.constant 0 : i32
      %dma_start3A_1915 = tpu.memref_slice %arg7[%add3A_233, %dma_start3A_1914] : memref<425984x16xf32, #tpu.memory_space<hbm>> -> memref<1664x16xf32, #tpu.memory_space<hbm>>
      tpu.enqueue_dma source(%arg13 : memref<1664x16xf32, #tpu.memory_space<vmem>>) target(%dma_start3A_1915 : memref<1664x16xf32, #tpu.memory_space<hbm>>) target_semaphore(%run_scoped3A : memref<!tpu.dma_semaphore, #tpu.memory_space<semaphore_mem>>)
      %dma_wait3A_1916 = arith.constant 0 : i32
      %dma_wait3A_1917 = tpu.memref_slice %arg7[%add3A_233, %dma_wait3A_1916] : memref<425984x16xf32, #tpu.memory_space<hbm>> -> memref<1664x16xf32, #tpu.memory_space<hbm>>
      %dma_wait3A_1918 = arith.constant 0 : i32
      %dma_wait3A_1919 = tpu.memref_slice %arg7[%add3A_233, %dma_wait3A_1918] : memref<425984x16xf32, #tpu.memory_space<hbm>> -> memref<1664x16xf32, #tpu.memory_space<hbm>>
      tpu.wait_dma2 semaphore(%run_scoped3A : memref<!tpu.dma_semaphore, #tpu.memory_space<semaphore_mem>>) src(%arg13 : memref<1664x16xf32, #tpu.memory_space<vmem>>) dst(%dma_wait3A_1919 : memref<1664x16xf32, #tpu.memory_space<hbm>>)
      tpu.yield
    }) : () -> ()
    %add3A_472 = arith.constant 3328 : i32
    %add3A_473 = arith.addi %mul3A_2, %add3A_472 : i32
    %jit3A_474 = arith.constant 26 : i32
    %div3A_475 = arith.divsi %add3A_473, %jit3A_474 : i32
    %sign3A_476 = arith.constant 0 : i32
    %sign3A_477 = arith.cmpi sgt, %add3A_473, %sign3A_476 : i32
    %sign3A_478 = arith.extui %sign3A_477 : i1 to i32
    %sign3A_479 = arith.constant 0 : i32
    %sign3A_480 = arith.cmpi slt, %add3A_473, %sign3A_479 : i32
    %sign3A_481 = arith.extui %sign3A_480 : i1 to i32
    %sign3A_482 = arith.subi %sign3A_478, %sign3A_481 : i32
    %sign3A_483 = arith.constant 0 : i32
    %sign3A_484 = arith.cmpi sgt, %jit3A_474, %sign3A_483 : i32
    %sign3A_485 = arith.extui %sign3A_484 : i1 to i32
    %sign3A_486 = arith.constant 0 : i32
    %sign3A_487 = arith.cmpi slt, %jit3A_474, %sign3A_486 : i32
    %sign3A_488 = arith.extui %sign3A_487 : i1 to i32
    %sign3A_489 = arith.subi %sign3A_485, %sign3A_488 : i32
    %ne3A_490 = arith.cmpi ne, %sign3A_482, %sign3A_489 : i32
    %rem3A_491 = arith.remsi %add3A_473, %jit3A_474 : i32
    %ne3A_492 = arith.constant 0 : i32
    %ne3A_493 = arith.cmpi ne, %rem3A_491, %ne3A_492 : i32
    %and3A_494 = arith.andi %ne3A_490, %ne3A_493 : i1
    %sub3A_495 = arith.constant 1 : i32
    %sub3A_496 = arith.subi %div3A_475, %sub3A_495 : i32
    %select_n3A_497 = arith.select %and3A_494, %sub3A_496, %div3A_475 : i32
    "tpu.region"() ({
      %run_scoped3A = tpu.sem_alloc : memref<!tpu.dma_semaphore, #tpu.memory_space<semaphore_mem>>
      %dma_start3A_1912 = arith.constant 0 : i32
      %dma_start3A_1913 = tpu.memref_slice %arg2[%select_n3A_497, %dma_start3A_1912] : memref<16384x26xi32, #tpu.memory_space<hbm>> -> memref<64x26xi32, #tpu.memory_space<hbm>>
      %dma_start3A_1914 = arith.constant 0 : i32
      %dma_start3A_1915 = tpu.memref_slice %arg2[%select_n3A_497, %dma_start3A_1914] : memref<16384x26xi32, #tpu.memory_space<hbm>> -> memref<64x26xi32, #tpu.memory_space<hbm>>
      tpu.enqueue_dma source(%dma_start3A_1915 : memref<64x26xi32, #tpu.memory_space<hbm>>) target(%arg8 : memref<64x26xi32, #tpu.memory_space<vmem>>) target_semaphore(%run_scoped3A : memref<!tpu.dma_semaphore, #tpu.memory_space<semaphore_mem>>)
      %dma_wait3A_1916 = arith.constant 0 : i32
      %dma_wait3A_1917 = tpu.memref_slice %arg2[%select_n3A_497, %dma_wait3A_1916] : memref<16384x26xi32, #tpu.memory_space<hbm>> -> memref<64x26xi32, #tpu.memory_space<hbm>>
      %dma_wait3A_1918 = arith.constant 0 : i32
      %dma_wait3A_1919 = tpu.memref_slice %arg2[%select_n3A_497, %dma_wait3A_1918] : memref<16384x26xi32, #tpu.memory_space<hbm>> -> memref<64x26xi32, #tpu.memory_space<hbm>>
      tpu.wait_dma2 semaphore(%run_scoped3A : memref<!tpu.dma_semaphore, #tpu.memory_space<semaphore_mem>>) src(%dma_wait3A_1919 : memref<64x26xi32, #tpu.memory_space<hbm>>) dst(%arg8 : memref<64x26xi32, #tpu.memory_space<vmem>>)
      tpu.yield
    }) : () -> ()
    %scan3A_498 = arith.constant 0 : i32
    %scan3A_499 = arith.constant 0 : i32
    %scan3A_500 = arith.constant 104 : i32
    %scan3A_501 = arith.addi %scan3A_499, %scan3A_500 : i32
    %scan3A_502 = arith.constant 1 : i32
    scf.for %scan3A_1912 = %scan3A_499 to %scan3A_501 step %scan3A_502  : i32 {
      %mul3A_1913 = arith.constant 16 : i32
      %mul3A_1914 = arith.muli %scan3A_1912, %mul3A_1913 : i32
      %get3A = arith.index_cast %mul3A_1914 : i32 to index
      %get3A_1915 = tpu.vector_load %arg9[%get3A] {strides = array<i32>} : memref<1664xi32, #tpu.memory_space<vmem>>, vector<16xi32>,
      %get3A_1916 = arith.index_cast %mul3A_1914 : i32 to index
      %get3A_1917 = tpu.vector_load %arg10[%get3A_1916] {strides = array<i32>} : memref<1664xi32, #tpu.memory_space<vmem>>, vector<16xi32>,
      %gather3A = tpu.vector_load_idx %arg8[%get3A_1915, %get3A_1917] : memref<64x26xi32, #tpu.memory_space<vmem>>[vector<16xi32>, vector<16xi32>], vector<16xi32>,
      %get3A_1918 = arith.index_cast %mul3A_1914 : i32 to index
      %get3A_1919 = tpu.vector_load %arg11[%get3A_1918] {strides = array<i32>} : memref<1664xi32, #tpu.memory_space<vmem>>, vector<16xi32>,
      %add3A_1920 = arith.addi %gather3A, %get3A_1919 : vector<16xi32>
      %swap3A = arith.index_cast %mul3A_1914 : i32 to index
      %swap3A_1921 = tpu.vector_load %arg12[%swap3A] {strides = array<i32>} : memref<1664xi32, #tpu.memory_space<vmem>>, vector<16xi32>,
      tpu.vector_store %arg12[%swap3A], %add3A_1920 {strides = array<i32>} : memref<1664xi32, #tpu.memory_space<vmem>>, vector<16xi32>,
    }
    %scan3A_503 = arith.constant 104 : i32
    %dma_start3A_504 = arith.constant 0 : i32
    %dma_start3A_505 = arith.constant 0 : i32
    %dma_start3A_506 = tpu.memref_slice %arg13[%dma_start3A_504, %dma_start3A_505] : memref<1664x16xf32, #tpu.memory_space<vmem>> -> memref<128x16xf32, #tpu.memory_space<vmem>>
    %dma_start3A_507 = arith.constant 0 : i32
    %dma_start3A_508 = tpu.memref_slice %arg12[%dma_start3A_507] : memref<1664xi32, #tpu.memory_space<vmem>> -> memref<128xi32, #tpu.memory_space<vmem>>
    %dma_start3A_509 = arith.constant 0 : i32
    %dma_start3A_510 = arith.constant 0 : i32
    %dma_start3A_511 = tpu.memref_slice %arg6[%dma_start3A_509, %dma_start3A_510] : memref<2600000x16xf32, #tpu.memory_space<hbm>> -> memref<2600000x16xf32, #tpu.memory_space<hbm>>
    tpu.enqueue_indirect_dma source(%dma_start3A_511 : memref<2600000x16xf32, #tpu.memory_space<hbm>>) target(%dma_start3A_506 : memref<128x16xf32, #tpu.memory_space<vmem>>) offsets(%dma_start3A_508 : memref<128xi32, #tpu.memory_space<vmem>>) semaphore(%arg14 : memref<!tpu.dma_semaphore, #tpu.memory_space<semaphore_mem>>)
    %dma_start3A_512 = arith.constant 128 : i32
    %dma_start3A_513 = arith.constant 0 : i32
    %dma_start3A_514 = tpu.memref_slice %arg13[%dma_start3A_512, %dma_start3A_513] : memref<1664x16xf32, #tpu.memory_space<vmem>> -> memref<128x16xf32, #tpu.memory_space<vmem>>
    %dma_start3A_515 = arith.constant 128 : i32
    %dma_start3A_516 = tpu.memref_slice %arg12[%dma_start3A_515] : memref<1664xi32, #tpu.memory_space<vmem>> -> memref<128xi32, #tpu.memory_space<vmem>>
    %dma_start3A_517 = arith.constant 0 : i32
    %dma_start3A_518 = arith.constant 0 : i32
    %dma_start3A_519 = tpu.memref_slice %arg6[%dma_start3A_517, %dma_start3A_518] : memref<2600000x16xf32, #tpu.memory_space<hbm>> -> memref<2600000x16xf32, #tpu.memory_space<hbm>>
    tpu.enqueue_indirect_dma source(%dma_start3A_519 : memref<2600000x16xf32, #tpu.memory_space<hbm>>) target(%dma_start3A_514 : memref<128x16xf32, #tpu.memory_space<vmem>>) offsets(%dma_start3A_516 : memref<128xi32, #tpu.memory_space<vmem>>) semaphore(%arg14 : memref<!tpu.dma_semaphore, #tpu.memory_space<semaphore_mem>>)
    %dma_start3A_520 = arith.constant 256 : i32
    %dma_start3A_521 = arith.constant 0 : i32
    %dma_start3A_522 = tpu.memref_slice %arg13[%dma_start3A_520, %dma_start3A_521] : memref<1664x16xf32, #tpu.memory_space<vmem>> -> memref<128x16xf32, #tpu.memory_space<vmem>>
    %dma_start3A_523 = arith.constant 256 : i32
    %dma_start3A_524 = tpu.memref_slice %arg12[%dma_start3A_523] : memref<1664xi32, #tpu.memory_space<vmem>> -> memref<128xi32, #tpu.memory_space<vmem>>
    %dma_start3A_525 = arith.constant 0 : i32
    %dma_start3A_526 = arith.constant 0 : i32
    %dma_start3A_527 = tpu.memref_slice %arg6[%dma_start3A_525, %dma_start3A_526] : memref<2600000x16xf32, #tpu.memory_space<hbm>> -> memref<2600000x16xf32, #tpu.memory_space<hbm>>
    tpu.enqueue_indirect_dma source(%dma_start3A_527 : memref<2600000x16xf32, #tpu.memory_space<hbm>>) target(%dma_start3A_522 : memref<128x16xf32, #tpu.memory_space<vmem>>) offsets(%dma_start3A_524 : memref<128xi32, #tpu.memory_space<vmem>>) semaphore(%arg14 : memref<!tpu.dma_semaphore, #tpu.memory_space<semaphore_mem>>)
    %dma_start3A_528 = arith.constant 384 : i32
    %dma_start3A_529 = arith.constant 0 : i32
    %dma_start3A_530 = tpu.memref_slice %arg13[%dma_start3A_528, %dma_start3A_529] : memref<1664x16xf32, #tpu.memory_space<vmem>> -> memref<128x16xf32, #tpu.memory_space<vmem>>
    %dma_start3A_531 = arith.constant 384 : i32
    %dma_start3A_532 = tpu.memref_slice %arg12[%dma_start3A_531] : memref<1664xi32, #tpu.memory_space<vmem>> -> memref<128xi32, #tpu.memory_space<vmem>>
    %dma_start3A_533 = arith.constant 0 : i32
    %dma_start3A_534 = arith.constant 0 : i32
    %dma_start3A_535 = tpu.memref_slice %arg6[%dma_start3A_533, %dma_start3A_534] : memref<2600000x16xf32, #tpu.memory_space<hbm>> -> memref<2600000x16xf32, #tpu.memory_space<hbm>>
    tpu.enqueue_indirect_dma source(%dma_start3A_535 : memref<2600000x16xf32, #tpu.memory_space<hbm>>) target(%dma_start3A_530 : memref<128x16xf32, #tpu.memory_space<vmem>>) offsets(%dma_start3A_532 : memref<128xi32, #tpu.memory_space<vmem>>) semaphore(%arg14 : memref<!tpu.dma_semaphore, #tpu.memory_space<semaphore_mem>>)
    %dma_start3A_536 = arith.constant 512 : i32
    %dma_start3A_537 = arith.constant 0 : i32
    %dma_start3A_538 = tpu.memref_slice %arg13[%dma_start3A_536, %dma_start3A_537] : memref<1664x16xf32, #tpu.memory_space<vmem>> -> memref<128x16xf32, #tpu.memory_space<vmem>>
    %dma_start3A_539 = arith.constant 512 : i32
    %dma_start3A_540 = tpu.memref_slice %arg12[%dma_start3A_539] : memref<1664xi32, #tpu.memory_space<vmem>> -> memref<128xi32, #tpu.memory_space<vmem>>
    %dma_start3A_541 = arith.constant 0 : i32
    %dma_start3A_542 = arith.constant 0 : i32
    %dma_start3A_543 = tpu.memref_slice %arg6[%dma_start3A_541, %dma_start3A_542] : memref<2600000x16xf32, #tpu.memory_space<hbm>> -> memref<2600000x16xf32, #tpu.memory_space<hbm>>
    tpu.enqueue_indirect_dma source(%dma_start3A_543 : memref<2600000x16xf32, #tpu.memory_space<hbm>>) target(%dma_start3A_538 : memref<128x16xf32, #tpu.memory_space<vmem>>) offsets(%dma_start3A_540 : memref<128xi32, #tpu.memory_space<vmem>>) semaphore(%arg14 : memref<!tpu.dma_semaphore, #tpu.memory_space<semaphore_mem>>)
    %dma_start3A_544 = arith.constant 640 : i32
    %dma_start3A_545 = arith.constant 0 : i32
    %dma_start3A_546 = tpu.memref_slice %arg13[%dma_start3A_544, %dma_start3A_545] : memref<1664x16xf32, #tpu.memory_space<vmem>> -> memref<128x16xf32, #tpu.memory_space<vmem>>
    %dma_start3A_547 = arith.constant 640 : i32
    %dma_start3A_548 = tpu.memref_slice %arg12[%dma_start3A_547] : memref<1664xi32, #tpu.memory_space<vmem>> -> memref<128xi32, #tpu.memory_space<vmem>>
    %dma_start3A_549 = arith.constant 0 : i32
    %dma_start3A_550 = arith.constant 0 : i32
    %dma_start3A_551 = tpu.memref_slice %arg6[%dma_start3A_549, %dma_start3A_550] : memref<2600000x16xf32, #tpu.memory_space<hbm>> -> memref<2600000x16xf32, #tpu.memory_space<hbm>>
    tpu.enqueue_indirect_dma source(%dma_start3A_551 : memref<2600000x16xf32, #tpu.memory_space<hbm>>) target(%dma_start3A_546 : memref<128x16xf32, #tpu.memory_space<vmem>>) offsets(%dma_start3A_548 : memref<128xi32, #tpu.memory_space<vmem>>) semaphore(%arg14 : memref<!tpu.dma_semaphore, #tpu.memory_space<semaphore_mem>>)
    %dma_start3A_552 = arith.constant 768 : i32
    %dma_start3A_553 = arith.constant 0 : i32
    %dma_start3A_554 = tpu.memref_slice %arg13[%dma_start3A_552, %dma_start3A_553] : memref<1664x16xf32, #tpu.memory_space<vmem>> -> memref<128x16xf32, #tpu.memory_space<vmem>>
    %dma_start3A_555 = arith.constant 768 : i32
    %dma_start3A_556 = tpu.memref_slice %arg12[%dma_start3A_555] : memref<1664xi32, #tpu.memory_space<vmem>> -> memref<128xi32, #tpu.memory_space<vmem>>
    %dma_start3A_557 = arith.constant 0 : i32
    %dma_start3A_558 = arith.constant 0 : i32
    %dma_start3A_559 = tpu.memref_slice %arg6[%dma_start3A_557, %dma_start3A_558] : memref<2600000x16xf32, #tpu.memory_space<hbm>> -> memref<2600000x16xf32, #tpu.memory_space<hbm>>
    tpu.enqueue_indirect_dma source(%dma_start3A_559 : memref<2600000x16xf32, #tpu.memory_space<hbm>>) target(%dma_start3A_554 : memref<128x16xf32, #tpu.memory_space<vmem>>) offsets(%dma_start3A_556 : memref<128xi32, #tpu.memory_space<vmem>>) semaphore(%arg14 : memref<!tpu.dma_semaphore, #tpu.memory_space<semaphore_mem>>)
    %dma_start3A_560 = arith.constant 896 : i32
    %dma_start3A_561 = arith.constant 0 : i32
    %dma_start3A_562 = tpu.memref_slice %arg13[%dma_start3A_560, %dma_start3A_561] : memref<1664x16xf32, #tpu.memory_space<vmem>> -> memref<128x16xf32, #tpu.memory_space<vmem>>
    %dma_start3A_563 = arith.constant 896 : i32
    %dma_start3A_564 = tpu.memref_slice %arg12[%dma_start3A_563] : memref<1664xi32, #tpu.memory_space<vmem>> -> memref<128xi32, #tpu.memory_space<vmem>>
    %dma_start3A_565 = arith.constant 0 : i32
    %dma_start3A_566 = arith.constant 0 : i32
    %dma_start3A_567 = tpu.memref_slice %arg6[%dma_start3A_565, %dma_start3A_566] : memref<2600000x16xf32, #tpu.memory_space<hbm>> -> memref<2600000x16xf32, #tpu.memory_space<hbm>>
    tpu.enqueue_indirect_dma source(%dma_start3A_567 : memref<2600000x16xf32, #tpu.memory_space<hbm>>) target(%dma_start3A_562 : memref<128x16xf32, #tpu.memory_space<vmem>>) offsets(%dma_start3A_564 : memref<128xi32, #tpu.memory_space<vmem>>) semaphore(%arg14 : memref<!tpu.dma_semaphore, #tpu.memory_space<semaphore_mem>>)
    %dma_start3A_568 = arith.constant 1024 : i32
    %dma_start3A_569 = arith.constant 0 : i32
    %dma_start3A_570 = tpu.memref_slice %arg13[%dma_start3A_568, %dma_start3A_569] : memref<1664x16xf32, #tpu.memory_space<vmem>> -> memref<128x16xf32, #tpu.memory_space<vmem>>
    %dma_start3A_571 = arith.constant 1024 : i32
    %dma_start3A_572 = tpu.memref_slice %arg12[%dma_start3A_571] : memref<1664xi32, #tpu.memory_space<vmem>> -> memref<128xi32, #tpu.memory_space<vmem>>
    %dma_start3A_573 = arith.constant 0 : i32
    %dma_start3A_574 = arith.constant 0 : i32
    %dma_start3A_575 = tpu.memref_slice %arg6[%dma_start3A_573, %dma_start3A_574] : memref<2600000x16xf32, #tpu.memory_space<hbm>> -> memref<2600000x16xf32, #tpu.memory_space<hbm>>
    tpu.enqueue_indirect_dma source(%dma_start3A_575 : memref<2600000x16xf32, #tpu.memory_space<hbm>>) target(%dma_start3A_570 : memref<128x16xf32, #tpu.memory_space<vmem>>) offsets(%dma_start3A_572 : memref<128xi32, #tpu.memory_space<vmem>>) semaphore(%arg14 : memref<!tpu.dma_semaphore, #tpu.memory_space<semaphore_mem>>)
    %dma_start3A_576 = arith.constant 1152 : i32
    %dma_start3A_577 = arith.constant 0 : i32
    %dma_start3A_578 = tpu.memref_slice %arg13[%dma_start3A_576, %dma_start3A_577] : memref<1664x16xf32, #tpu.memory_space<vmem>> -> memref<128x16xf32, #tpu.memory_space<vmem>>
    %dma_start3A_579 = arith.constant 1152 : i32
    %dma_start3A_580 = tpu.memref_slice %arg12[%dma_start3A_579] : memref<1664xi32, #tpu.memory_space<vmem>> -> memref<128xi32, #tpu.memory_space<vmem>>
    %dma_start3A_581 = arith.constant 0 : i32
    %dma_start3A_582 = arith.constant 0 : i32
    %dma_start3A_583 = tpu.memref_slice %arg6[%dma_start3A_581, %dma_start3A_582] : memref<2600000x16xf32, #tpu.memory_space<hbm>> -> memref<2600000x16xf32, #tpu.memory_space<hbm>>
    tpu.enqueue_indirect_dma source(%dma_start3A_583 : memref<2600000x16xf32, #tpu.memory_space<hbm>>) target(%dma_start3A_578 : memref<128x16xf32, #tpu.memory_space<vmem>>) offsets(%dma_start3A_580 : memref<128xi32, #tpu.memory_space<vmem>>) semaphore(%arg14 : memref<!tpu.dma_semaphore, #tpu.memory_space<semaphore_mem>>)
    %dma_start3A_584 = arith.constant 1280 : i32
    %dma_start3A_585 = arith.constant 0 : i32
    %dma_start3A_586 = tpu.memref_slice %arg13[%dma_start3A_584, %dma_start3A_585] : memref<1664x16xf32, #tpu.memory_space<vmem>> -> memref<128x16xf32, #tpu.memory_space<vmem>>
    %dma_start3A_587 = arith.constant 1280 : i32
    %dma_start3A_588 = tpu.memref_slice %arg12[%dma_start3A_587] : memref<1664xi32, #tpu.memory_space<vmem>> -> memref<128xi32, #tpu.memory_space<vmem>>
    %dma_start3A_589 = arith.constant 0 : i32
    %dma_start3A_590 = arith.constant 0 : i32
    %dma_start3A_591 = tpu.memref_slice %arg6[%dma_start3A_589, %dma_start3A_590] : memref<2600000x16xf32, #tpu.memory_space<hbm>> -> memref<2600000x16xf32, #tpu.memory_space<hbm>>
    tpu.enqueue_indirect_dma source(%dma_start3A_591 : memref<2600000x16xf32, #tpu.memory_space<hbm>>) target(%dma_start3A_586 : memref<128x16xf32, #tpu.memory_space<vmem>>) offsets(%dma_start3A_588 : memref<128xi32, #tpu.memory_space<vmem>>) semaphore(%arg14 : memref<!tpu.dma_semaphore, #tpu.memory_space<semaphore_mem>>)
    %dma_start3A_592 = arith.constant 1408 : i32
    %dma_start3A_593 = arith.constant 0 : i32
    %dma_start3A_594 = tpu.memref_slice %arg13[%dma_start3A_592, %dma_start3A_593] : memref<1664x16xf32, #tpu.memory_space<vmem>> -> memref<128x16xf32, #tpu.memory_space<vmem>>
    %dma_start3A_595 = arith.constant 1408 : i32
    %dma_start3A_596 = tpu.memref_slice %arg12[%dma_start3A_595] : memref<1664xi32, #tpu.memory_space<vmem>> -> memref<128xi32, #tpu.memory_space<vmem>>
    %dma_start3A_597 = arith.constant 0 : i32
    %dma_start3A_598 = arith.constant 0 : i32
    %dma_start3A_599 = tpu.memref_slice %arg6[%dma_start3A_597, %dma_start3A_598] : memref<2600000x16xf32, #tpu.memory_space<hbm>> -> memref<2600000x16xf32, #tpu.memory_space<hbm>>
    tpu.enqueue_indirect_dma source(%dma_start3A_599 : memref<2600000x16xf32, #tpu.memory_space<hbm>>) target(%dma_start3A_594 : memref<128x16xf32, #tpu.memory_space<vmem>>) offsets(%dma_start3A_596 : memref<128xi32, #tpu.memory_space<vmem>>) semaphore(%arg14 : memref<!tpu.dma_semaphore, #tpu.memory_space<semaphore_mem>>)
    %dma_start3A_600 = arith.constant 1536 : i32
    %dma_start3A_601 = arith.constant 0 : i32
    %dma_start3A_602 = tpu.memref_slice %arg13[%dma_start3A_600, %dma_start3A_601] : memref<1664x16xf32, #tpu.memory_space<vmem>> -> memref<128x16xf32, #tpu.memory_space<vmem>>
    %dma_start3A_603 = arith.constant 1536 : i32
    %dma_start3A_604 = tpu.memref_slice %arg12[%dma_start3A_603] : memref<1664xi32, #tpu.memory_space<vmem>> -> memref<128xi32, #tpu.memory_space<vmem>>
    %dma_start3A_605 = arith.constant 0 : i32
    %dma_start3A_606 = arith.constant 0 : i32
    %dma_start3A_607 = tpu.memref_slice %arg6[%dma_start3A_605, %dma_start3A_606] : memref<2600000x16xf32, #tpu.memory_space<hbm>> -> memref<2600000x16xf32, #tpu.memory_space<hbm>>
    tpu.enqueue_indirect_dma source(%dma_start3A_607 : memref<2600000x16xf32, #tpu.memory_space<hbm>>) target(%dma_start3A_602 : memref<128x16xf32, #tpu.memory_space<vmem>>) offsets(%dma_start3A_604 : memref<128xi32, #tpu.memory_space<vmem>>) semaphore(%arg14 : memref<!tpu.dma_semaphore, #tpu.memory_space<semaphore_mem>>)
    %dma_wait3A_608 = arith.constant 0 : i32
    %dma_wait3A_609 = arith.constant 0 : i32
    %dma_wait3A_610 = tpu.memref_slice %arg13[%dma_wait3A_608, %dma_wait3A_609] : memref<1664x16xf32, #tpu.memory_space<vmem>> -> memref<128x16xf32, #tpu.memory_space<vmem>>
    %dma_wait3A_611 = arith.constant 0 : i32
    %dma_wait3A_612 = tpu.memref_slice %arg12[%dma_wait3A_611] : memref<1664xi32, #tpu.memory_space<vmem>> -> memref<128xi32, #tpu.memory_space<vmem>>
    %dma_wait3A_613 = arith.constant 0 : i32
    %dma_wait3A_614 = arith.constant 0 : i32
    %dma_wait3A_615 = tpu.memref_slice %arg6[%dma_wait3A_613, %dma_wait3A_614] : memref<2600000x16xf32, #tpu.memory_space<hbm>> -> memref<2600000x16xf32, #tpu.memory_space<hbm>>
    tpu.wait_indirect_dma semaphore(%arg14 : memref<!tpu.dma_semaphore, #tpu.memory_space<semaphore_mem>>) src(%dma_wait3A_615 : memref<2600000x16xf32, #tpu.memory_space<hbm>>) dst(%dma_wait3A_610 : memref<128x16xf32, #tpu.memory_space<vmem>>)
    %dma_wait3A_616 = arith.constant 128 : i32
    %dma_wait3A_617 = arith.constant 0 : i32
    %dma_wait3A_618 = tpu.memref_slice %arg13[%dma_wait3A_616, %dma_wait3A_617] : memref<1664x16xf32, #tpu.memory_space<vmem>> -> memref<128x16xf32, #tpu.memory_space<vmem>>
    %dma_wait3A_619 = arith.constant 128 : i32
    %dma_wait3A_620 = tpu.memref_slice %arg12[%dma_wait3A_619] : memref<1664xi32, #tpu.memory_space<vmem>> -> memref<128xi32, #tpu.memory_space<vmem>>
    %dma_wait3A_621 = arith.constant 0 : i32
    %dma_wait3A_622 = arith.constant 0 : i32
    %dma_wait3A_623 = tpu.memref_slice %arg6[%dma_wait3A_621, %dma_wait3A_622] : memref<2600000x16xf32, #tpu.memory_space<hbm>> -> memref<2600000x16xf32, #tpu.memory_space<hbm>>
    tpu.wait_indirect_dma semaphore(%arg14 : memref<!tpu.dma_semaphore, #tpu.memory_space<semaphore_mem>>) src(%dma_wait3A_623 : memref<2600000x16xf32, #tpu.memory_space<hbm>>) dst(%dma_wait3A_618 : memref<128x16xf32, #tpu.memory_space<vmem>>)
    %dma_wait3A_624 = arith.constant 256 : i32
    %dma_wait3A_625 = arith.constant 0 : i32
    %dma_wait3A_626 = tpu.memref_slice %arg13[%dma_wait3A_624, %dma_wait3A_625] : memref<1664x16xf32, #tpu.memory_space<vmem>> -> memref<128x16xf32, #tpu.memory_space<vmem>>
    %dma_wait3A_627 = arith.constant 256 : i32
    %dma_wait3A_628 = tpu.memref_slice %arg12[%dma_wait3A_627] : memref<1664xi32, #tpu.memory_space<vmem>> -> memref<128xi32, #tpu.memory_space<vmem>>
    %dma_wait3A_629 = arith.constant 0 : i32
    %dma_wait3A_630 = arith.constant 0 : i32
    %dma_wait3A_631 = tpu.memref_slice %arg6[%dma_wait3A_629, %dma_wait3A_630] : memref<2600000x16xf32, #tpu.memory_space<hbm>> -> memref<2600000x16xf32, #tpu.memory_space<hbm>>
    tpu.wait_indirect_dma semaphore(%arg14 : memref<!tpu.dma_semaphore, #tpu.memory_space<semaphore_mem>>) src(%dma_wait3A_631 : memref<2600000x16xf32, #tpu.memory_space<hbm>>) dst(%dma_wait3A_626 : memref<128x16xf32, #tpu.memory_space<vmem>>)
    %dma_wait3A_632 = arith.constant 384 : i32
    %dma_wait3A_633 = arith.constant 0 : i32
    %dma_wait3A_634 = tpu.memref_slice %arg13[%dma_wait3A_632, %dma_wait3A_633] : memref<1664x16xf32, #tpu.memory_space<vmem>> -> memref<128x16xf32, #tpu.memory_space<vmem>>
    %dma_wait3A_635 = arith.constant 384 : i32
    %dma_wait3A_636 = tpu.memref_slice %arg12[%dma_wait3A_635] : memref<1664xi32, #tpu.memory_space<vmem>> -> memref<128xi32, #tpu.memory_space<vmem>>
    %dma_wait3A_637 = arith.constant 0 : i32
    %dma_wait3A_638 = arith.constant 0 : i32
    %dma_wait3A_639 = tpu.memref_slice %arg6[%dma_wait3A_637, %dma_wait3A_638] : memref<2600000x16xf32, #tpu.memory_space<hbm>> -> memref<2600000x16xf32, #tpu.memory_space<hbm>>
    tpu.wait_indirect_dma semaphore(%arg14 : memref<!tpu.dma_semaphore, #tpu.memory_space<semaphore_mem>>) src(%dma_wait3A_639 : memref<2600000x16xf32, #tpu.memory_space<hbm>>) dst(%dma_wait3A_634 : memref<128x16xf32, #tpu.memory_space<vmem>>)
    %dma_wait3A_640 = arith.constant 512 : i32
    %dma_wait3A_641 = arith.constant 0 : i32
    %dma_wait3A_642 = tpu.memref_slice %arg13[%dma_wait3A_640, %dma_wait3A_641] : memref<1664x16xf32, #tpu.memory_space<vmem>> -> memref<128x16xf32, #tpu.memory_space<vmem>>
    %dma_wait3A_643 = arith.constant 512 : i32
    %dma_wait3A_644 = tpu.memref_slice %arg12[%dma_wait3A_643] : memref<1664xi32, #tpu.memory_space<vmem>> -> memref<128xi32, #tpu.memory_space<vmem>>
    %dma_wait3A_645 = arith.constant 0 : i32
    %dma_wait3A_646 = arith.constant 0 : i32
    %dma_wait3A_647 = tpu.memref_slice %arg6[%dma_wait3A_645, %dma_wait3A_646] : memref<2600000x16xf32, #tpu.memory_space<hbm>> -> memref<2600000x16xf32, #tpu.memory_space<hbm>>
    tpu.wait_indirect_dma semaphore(%arg14 : memref<!tpu.dma_semaphore, #tpu.memory_space<semaphore_mem>>) src(%dma_wait3A_647 : memref<2600000x16xf32, #tpu.memory_space<hbm>>) dst(%dma_wait3A_642 : memref<128x16xf32, #tpu.memory_space<vmem>>)
    %dma_wait3A_648 = arith.constant 640 : i32
    %dma_wait3A_649 = arith.constant 0 : i32
    %dma_wait3A_650 = tpu.memref_slice %arg13[%dma_wait3A_648, %dma_wait3A_649] : memref<1664x16xf32, #tpu.memory_space<vmem>> -> memref<128x16xf32, #tpu.memory_space<vmem>>
    %dma_wait3A_651 = arith.constant 640 : i32
    %dma_wait3A_652 = tpu.memref_slice %arg12[%dma_wait3A_651] : memref<1664xi32, #tpu.memory_space<vmem>> -> memref<128xi32, #tpu.memory_space<vmem>>
    %dma_wait3A_653 = arith.constant 0 : i32
    %dma_wait3A_654 = arith.constant 0 : i32
    %dma_wait3A_655 = tpu.memref_slice %arg6[%dma_wait3A_653, %dma_wait3A_654] : memref<2600000x16xf32, #tpu.memory_space<hbm>> -> memref<2600000x16xf32, #tpu.memory_space<hbm>>
    tpu.wait_indirect_dma semaphore(%arg14 : memref<!tpu.dma_semaphore, #tpu.memory_space<semaphore_mem>>) src(%dma_wait3A_655 : memref<2600000x16xf32, #tpu.memory_space<hbm>>) dst(%dma_wait3A_650 : memref<128x16xf32, #tpu.memory_space<vmem>>)
    %dma_wait3A_656 = arith.constant 768 : i32
    %dma_wait3A_657 = arith.constant 0 : i32
    %dma_wait3A_658 = tpu.memref_slice %arg13[%dma_wait3A_656, %dma_wait3A_657] : memref<1664x16xf32, #tpu.memory_space<vmem>> -> memref<128x16xf32, #tpu.memory_space<vmem>>
    %dma_wait3A_659 = arith.constant 768 : i32
    %dma_wait3A_660 = tpu.memref_slice %arg12[%dma_wait3A_659] : memref<1664xi32, #tpu.memory_space<vmem>> -> memref<128xi32, #tpu.memory_space<vmem>>
    %dma_wait3A_661 = arith.constant 0 : i32
    %dma_wait3A_662 = arith.constant 0 : i32
    %dma_wait3A_663 = tpu.memref_slice %arg6[%dma_wait3A_661, %dma_wait3A_662] : memref<2600000x16xf32, #tpu.memory_space<hbm>> -> memref<2600000x16xf32, #tpu.memory_space<hbm>>
    tpu.wait_indirect_dma semaphore(%arg14 : memref<!tpu.dma_semaphore, #tpu.memory_space<semaphore_mem>>) src(%dma_wait3A_663 : memref<2600000x16xf32, #tpu.memory_space<hbm>>) dst(%dma_wait3A_658 : memref<128x16xf32, #tpu.memory_space<vmem>>)
    %dma_wait3A_664 = arith.constant 896 : i32
    %dma_wait3A_665 = arith.constant 0 : i32
    %dma_wait3A_666 = tpu.memref_slice %arg13[%dma_wait3A_664, %dma_wait3A_665] : memref<1664x16xf32, #tpu.memory_space<vmem>> -> memref<128x16xf32, #tpu.memory_space<vmem>>
    %dma_wait3A_667 = arith.constant 896 : i32
    %dma_wait3A_668 = tpu.memref_slice %arg12[%dma_wait3A_667] : memref<1664xi32, #tpu.memory_space<vmem>> -> memref<128xi32, #tpu.memory_space<vmem>>
    %dma_wait3A_669 = arith.constant 0 : i32
    %dma_wait3A_670 = arith.constant 0 : i32
    %dma_wait3A_671 = tpu.memref_slice %arg6[%dma_wait3A_669, %dma_wait3A_670] : memref<2600000x16xf32, #tpu.memory_space<hbm>> -> memref<2600000x16xf32, #tpu.memory_space<hbm>>
    tpu.wait_indirect_dma semaphore(%arg14 : memref<!tpu.dma_semaphore, #tpu.memory_space<semaphore_mem>>) src(%dma_wait3A_671 : memref<2600000x16xf32, #tpu.memory_space<hbm>>) dst(%dma_wait3A_666 : memref<128x16xf32, #tpu.memory_space<vmem>>)
    %dma_wait3A_672 = arith.constant 1024 : i32
    %dma_wait3A_673 = arith.constant 0 : i32
    %dma_wait3A_674 = tpu.memref_slice %arg13[%dma_wait3A_672, %dma_wait3A_673] : memref<1664x16xf32, #tpu.memory_space<vmem>> -> memref<128x16xf32, #tpu.memory_space<vmem>>
    %dma_wait3A_675 = arith.constant 1024 : i32
    %dma_wait3A_676 = tpu.memref_slice %arg12[%dma_wait3A_675] : memref<1664xi32, #tpu.memory_space<vmem>> -> memref<128xi32, #tpu.memory_space<vmem>>
    %dma_wait3A_677 = arith.constant 0 : i32
    %dma_wait3A_678 = arith.constant 0 : i32
    %dma_wait3A_679 = tpu.memref_slice %arg6[%dma_wait3A_677, %dma_wait3A_678] : memref<2600000x16xf32, #tpu.memory_space<hbm>> -> memref<2600000x16xf32, #tpu.memory_space<hbm>>
    tpu.wait_indirect_dma semaphore(%arg14 : memref<!tpu.dma_semaphore, #tpu.memory_space<semaphore_mem>>) src(%dma_wait3A_679 : memref<2600000x16xf32, #tpu.memory_space<hbm>>) dst(%dma_wait3A_674 : memref<128x16xf32, #tpu.memory_space<vmem>>)
    %dma_wait3A_680 = arith.constant 1152 : i32
    %dma_wait3A_681 = arith.constant 0 : i32
    %dma_wait3A_682 = tpu.memref_slice %arg13[%dma_wait3A_680, %dma_wait3A_681] : memref<1664x16xf32, #tpu.memory_space<vmem>> -> memref<128x16xf32, #tpu.memory_space<vmem>>
    %dma_wait3A_683 = arith.constant 1152 : i32
    %dma_wait3A_684 = tpu.memref_slice %arg12[%dma_wait3A_683] : memref<1664xi32, #tpu.memory_space<vmem>> -> memref<128xi32, #tpu.memory_space<vmem>>
    %dma_wait3A_685 = arith.constant 0 : i32
    %dma_wait3A_686 = arith.constant 0 : i32
    %dma_wait3A_687 = tpu.memref_slice %arg6[%dma_wait3A_685, %dma_wait3A_686] : memref<2600000x16xf32, #tpu.memory_space<hbm>> -> memref<2600000x16xf32, #tpu.memory_space<hbm>>
    tpu.wait_indirect_dma semaphore(%arg14 : memref<!tpu.dma_semaphore, #tpu.memory_space<semaphore_mem>>) src(%dma_wait3A_687 : memref<2600000x16xf32, #tpu.memory_space<hbm>>) dst(%dma_wait3A_682 : memref<128x16xf32, #tpu.memory_space<vmem>>)
    %dma_wait3A_688 = arith.constant 1280 : i32
    %dma_wait3A_689 = arith.constant 0 : i32
    %dma_wait3A_690 = tpu.memref_slice %arg13[%dma_wait3A_688, %dma_wait3A_689] : memref<1664x16xf32, #tpu.memory_space<vmem>> -> memref<128x16xf32, #tpu.memory_space<vmem>>
    %dma_wait3A_691 = arith.constant 1280 : i32
    %dma_wait3A_692 = tpu.memref_slice %arg12[%dma_wait3A_691] : memref<1664xi32, #tpu.memory_space<vmem>> -> memref<128xi32, #tpu.memory_space<vmem>>
    %dma_wait3A_693 = arith.constant 0 : i32
    %dma_wait3A_694 = arith.constant 0 : i32
    %dma_wait3A_695 = tpu.memref_slice %arg6[%dma_wait3A_693, %dma_wait3A_694] : memref<2600000x16xf32, #tpu.memory_space<hbm>> -> memref<2600000x16xf32, #tpu.memory_space<hbm>>
    tpu.wait_indirect_dma semaphore(%arg14 : memref<!tpu.dma_semaphore, #tpu.memory_space<semaphore_mem>>) src(%dma_wait3A_695 : memref<2600000x16xf32, #tpu.memory_space<hbm>>) dst(%dma_wait3A_690 : memref<128x16xf32, #tpu.memory_space<vmem>>)
    %dma_wait3A_696 = arith.constant 1408 : i32
    %dma_wait3A_697 = arith.constant 0 : i32
    %dma_wait3A_698 = tpu.memref_slice %arg13[%dma_wait3A_696, %dma_wait3A_697] : memref<1664x16xf32, #tpu.memory_space<vmem>> -> memref<128x16xf32, #tpu.memory_space<vmem>>
    %dma_wait3A_699 = arith.constant 1408 : i32
    %dma_wait3A_700 = tpu.memref_slice %arg12[%dma_wait3A_699] : memref<1664xi32, #tpu.memory_space<vmem>> -> memref<128xi32, #tpu.memory_space<vmem>>
    %dma_wait3A_701 = arith.constant 0 : i32
    %dma_wait3A_702 = arith.constant 0 : i32
    %dma_wait3A_703 = tpu.memref_slice %arg6[%dma_wait3A_701, %dma_wait3A_702] : memref<2600000x16xf32, #tpu.memory_space<hbm>> -> memref<2600000x16xf32, #tpu.memory_space<hbm>>
    tpu.wait_indirect_dma semaphore(%arg14 : memref<!tpu.dma_semaphore, #tpu.memory_space<semaphore_mem>>) src(%dma_wait3A_703 : memref<2600000x16xf32, #tpu.memory_space<hbm>>) dst(%dma_wait3A_698 : memref<128x16xf32, #tpu.memory_space<vmem>>)
    %dma_wait3A_704 = arith.constant 1536 : i32
    %dma_wait3A_705 = arith.constant 0 : i32
    %dma_wait3A_706 = tpu.memref_slice %arg13[%dma_wait3A_704, %dma_wait3A_705] : memref<1664x16xf32, #tpu.memory_space<vmem>> -> memref<128x16xf32, #tpu.memory_space<vmem>>
    %dma_wait3A_707 = arith.constant 1536 : i32
    %dma_wait3A_708 = tpu.memref_slice %arg12[%dma_wait3A_707] : memref<1664xi32, #tpu.memory_space<vmem>> -> memref<128xi32, #tpu.memory_space<vmem>>
    %dma_wait3A_709 = arith.constant 0 : i32
    %dma_wait3A_710 = arith.constant 0 : i32
    %dma_wait3A_711 = tpu.memref_slice %arg6[%dma_wait3A_709, %dma_wait3A_710] : memref<2600000x16xf32, #tpu.memory_space<hbm>> -> memref<2600000x16xf32, #tpu.memory_space<hbm>>
    tpu.wait_indirect_dma semaphore(%arg14 : memref<!tpu.dma_semaphore, #tpu.memory_space<semaphore_mem>>) src(%dma_wait3A_711 : memref<2600000x16xf32, #tpu.memory_space<hbm>>) dst(%dma_wait3A_706 : memref<128x16xf32, #tpu.memory_space<vmem>>)
    "tpu.region"() ({
      %run_scoped3A = tpu.sem_alloc : memref<!tpu.dma_semaphore, #tpu.memory_space<semaphore_mem>>
      %dma_start3A_1912 = arith.constant 0 : i32
      %dma_start3A_1913 = tpu.memref_slice %arg7[%add3A_473, %dma_start3A_1912] : memref<425984x16xf32, #tpu.memory_space<hbm>> -> memref<1664x16xf32, #tpu.memory_space<hbm>>
      %dma_start3A_1914 = arith.constant 0 : i32
      %dma_start3A_1915 = tpu.memref_slice %arg7[%add3A_473, %dma_start3A_1914] : memref<425984x16xf32, #tpu.memory_space<hbm>> -> memref<1664x16xf32, #tpu.memory_space<hbm>>
      tpu.enqueue_dma source(%arg13 : memref<1664x16xf32, #tpu.memory_space<vmem>>) target(%dma_start3A_1915 : memref<1664x16xf32, #tpu.memory_space<hbm>>) target_semaphore(%run_scoped3A : memref<!tpu.dma_semaphore, #tpu.memory_space<semaphore_mem>>)
      %dma_wait3A_1916 = arith.constant 0 : i32
      %dma_wait3A_1917 = tpu.memref_slice %arg7[%add3A_473, %dma_wait3A_1916] : memref<425984x16xf32, #tpu.memory_space<hbm>> -> memref<1664x16xf32, #tpu.memory_space<hbm>>
      %dma_wait3A_1918 = arith.constant 0 : i32
      %dma_wait3A_1919 = tpu.memref_slice %arg7[%add3A_473, %dma_wait3A_1918] : memref<425984x16xf32, #tpu.memory_space<hbm>> -> memref<1664x16xf32, #tpu.memory_space<hbm>>
      tpu.wait_dma2 semaphore(%run_scoped3A : memref<!tpu.dma_semaphore, #tpu.memory_space<semaphore_mem>>) src(%arg13 : memref<1664x16xf32, #tpu.memory_space<vmem>>) dst(%dma_wait3A_1919 : memref<1664x16xf32, #tpu.memory_space<hbm>>)
      tpu.yield
    }) : () -> ()
    %add3A_712 = arith.constant 4992 : i32
    %add3A_713 = arith.addi %mul3A_2, %add3A_712 : i32
    %jit3A_714 = arith.constant 26 : i32
    %div3A_715 = arith.divsi %add3A_713, %jit3A_714 : i32
    %sign3A_716 = arith.constant 0 : i32
    %sign3A_717 = arith.cmpi sgt, %add3A_713, %sign3A_716 : i32
    %sign3A_718 = arith.extui %sign3A_717 : i1 to i32
    %sign3A_719 = arith.constant 0 : i32
    %sign3A_720 = arith.cmpi slt, %add3A_713, %sign3A_719 : i32
    %sign3A_721 = arith.extui %sign3A_720 : i1 to i32
    %sign3A_722 = arith.subi %sign3A_718, %sign3A_721 : i32
    %sign3A_723 = arith.constant 0 : i32
    %sign3A_724 = arith.cmpi sgt, %jit3A_714, %sign3A_723 : i32
    %sign3A_725 = arith.extui %sign3A_724 : i1 to i32
    %sign3A_726 = arith.constant 0 : i32
    %sign3A_727 = arith.cmpi slt, %jit3A_714, %sign3A_726 : i32
    %sign3A_728 = arith.extui %sign3A_727 : i1 to i32
    %sign3A_729 = arith.subi %sign3A_725, %sign3A_728 : i32
    %ne3A_730 = arith.cmpi ne, %sign3A_722, %sign3A_729 : i32
    %rem3A_731 = arith.remsi %add3A_713, %jit3A_714 : i32
    %ne3A_732 = arith.constant 0 : i32
    %ne3A_733 = arith.cmpi ne, %rem3A_731, %ne3A_732 : i32
    %and3A_734 = arith.andi %ne3A_730, %ne3A_733 : i1
    %sub3A_735 = arith.constant 1 : i32
    %sub3A_736 = arith.subi %div3A_715, %sub3A_735 : i32
    %select_n3A_737 = arith.select %and3A_734, %sub3A_736, %div3A_715 : i32
    "tpu.region"() ({
      %run_scoped3A = tpu.sem_alloc : memref<!tpu.dma_semaphore, #tpu.memory_space<semaphore_mem>>
      %dma_start3A_1912 = arith.constant 0 : i32
      %dma_start3A_1913 = tpu.memref_slice %arg2[%select_n3A_737, %dma_start3A_1912] : memref<16384x26xi32, #tpu.memory_space<hbm>> -> memref<64x26xi32, #tpu.memory_space<hbm>>
      %dma_start3A_1914 = arith.constant 0 : i32
      %dma_start3A_1915 = tpu.memref_slice %arg2[%select_n3A_737, %dma_start3A_1914] : memref<16384x26xi32, #tpu.memory_space<hbm>> -> memref<64x26xi32, #tpu.memory_space<hbm>>
      tpu.enqueue_dma source(%dma_start3A_1915 : memref<64x26xi32, #tpu.memory_space<hbm>>) target(%arg8 : memref<64x26xi32, #tpu.memory_space<vmem>>) target_semaphore(%run_scoped3A : memref<!tpu.dma_semaphore, #tpu.memory_space<semaphore_mem>>)
      %dma_wait3A_1916 = arith.constant 0 : i32
      %dma_wait3A_1917 = tpu.memref_slice %arg2[%select_n3A_737, %dma_wait3A_1916] : memref<16384x26xi32, #tpu.memory_space<hbm>> -> memref<64x26xi32, #tpu.memory_space<hbm>>
      %dma_wait3A_1918 = arith.constant 0 : i32
      %dma_wait3A_1919 = tpu.memref_slice %arg2[%select_n3A_737, %dma_wait3A_1918] : memref<16384x26xi32, #tpu.memory_space<hbm>> -> memref<64x26xi32, #tpu.memory_space<hbm>>
      tpu.wait_dma2 semaphore(%run_scoped3A : memref<!tpu.dma_semaphore, #tpu.memory_space<semaphore_mem>>) src(%dma_wait3A_1919 : memref<64x26xi32, #tpu.memory_space<hbm>>) dst(%arg8 : memref<64x26xi32, #tpu.memory_space<vmem>>)
      tpu.yield
    }) : () -> ()
    %scan3A_738 = arith.constant 0 : i32
    %scan3A_739 = arith.constant 0 : i32
    %scan3A_740 = arith.constant 104 : i32
    %scan3A_741 = arith.addi %scan3A_739, %scan3A_740 : i32
    %scan3A_742 = arith.constant 1 : i32
    scf.for %scan3A_1912 = %scan3A_739 to %scan3A_741 step %scan3A_742  : i32 {
      %mul3A_1913 = arith.constant 16 : i32
      %mul3A_1914 = arith.muli %scan3A_1912, %mul3A_1913 : i32
      %get3A = arith.index_cast %mul3A_1914 : i32 to index
      %get3A_1915 = tpu.vector_load %arg9[%get3A] {strides = array<i32>} : memref<1664xi32, #tpu.memory_space<vmem>>, vector<16xi32>,
      %get3A_1916 = arith.index_cast %mul3A_1914 : i32 to index
      %get3A_1917 = tpu.vector_load %arg10[%get3A_1916] {strides = array<i32>} : memref<1664xi32, #tpu.memory_space<vmem>>, vector<16xi32>,
      %gather3A = tpu.vector_load_idx %arg8[%get3A_1915, %get3A_1917] : memref<64x26xi32, #tpu.memory_space<vmem>>[vector<16xi32>, vector<16xi32>], vector<16xi32>,
      %get3A_1918 = arith.index_cast %mul3A_1914 : i32 to index
      %get3A_1919 = tpu.vector_load %arg11[%get3A_1918] {strides = array<i32>} : memref<1664xi32, #tpu.memory_space<vmem>>, vector<16xi32>,
      %add3A_1920 = arith.addi %gather3A, %get3A_1919 : vector<16xi32>
      %swap3A = arith.index_cast %mul3A_1914 : i32 to index
      %swap3A_1921 = tpu.vector_load %arg12[%swap3A] {strides = array<i32>} : memref<1664xi32, #tpu.memory_space<vmem>>, vector<16xi32>,
      tpu.vector_store %arg12[%swap3A], %add3A_1920 {strides = array<i32>} : memref<1664xi32, #tpu.memory_space<vmem>>, vector<16xi32>,
    }
    %scan3A_743 = arith.constant 104 : i32
    %dma_start3A_744 = arith.constant 0 : i32
    %dma_start3A_745 = arith.constant 0 : i32
    %dma_start3A_746 = tpu.memref_slice %arg13[%dma_start3A_744, %dma_start3A_745] : memref<1664x16xf32, #tpu.memory_space<vmem>> -> memref<128x16xf32, #tpu.memory_space<vmem>>
    %dma_start3A_747 = arith.constant 0 : i32
    %dma_start3A_748 = tpu.memref_slice %arg12[%dma_start3A_747] : memref<1664xi32, #tpu.memory_space<vmem>> -> memref<128xi32, #tpu.memory_space<vmem>>
    %dma_start3A_749 = arith.constant 0 : i32
    %dma_start3A_750 = arith.constant 0 : i32
    %dma_start3A_751 = tpu.memref_slice %arg6[%dma_start3A_749, %dma_start3A_750] : memref<2600000x16xf32, #tpu.memory_space<hbm>> -> memref<2600000x16xf32, #tpu.memory_space<hbm>>
    tpu.enqueue_indirect_dma source(%dma_start3A_751 : memref<2600000x16xf32, #tpu.memory_space<hbm>>) target(%dma_start3A_746 : memref<128x16xf32, #tpu.memory_space<vmem>>) offsets(%dma_start3A_748 : memref<128xi32, #tpu.memory_space<vmem>>) semaphore(%arg14 : memref<!tpu.dma_semaphore, #tpu.memory_space<semaphore_mem>>)
    %dma_start3A_752 = arith.constant 128 : i32
    %dma_start3A_753 = arith.constant 0 : i32
    %dma_start3A_754 = tpu.memref_slice %arg13[%dma_start3A_752, %dma_start3A_753] : memref<1664x16xf32, #tpu.memory_space<vmem>> -> memref<128x16xf32, #tpu.memory_space<vmem>>
    %dma_start3A_755 = arith.constant 128 : i32
    %dma_start3A_756 = tpu.memref_slice %arg12[%dma_start3A_755] : memref<1664xi32, #tpu.memory_space<vmem>> -> memref<128xi32, #tpu.memory_space<vmem>>
    %dma_start3A_757 = arith.constant 0 : i32
    %dma_start3A_758 = arith.constant 0 : i32
    %dma_start3A_759 = tpu.memref_slice %arg6[%dma_start3A_757, %dma_start3A_758] : memref<2600000x16xf32, #tpu.memory_space<hbm>> -> memref<2600000x16xf32, #tpu.memory_space<hbm>>
    tpu.enqueue_indirect_dma source(%dma_start3A_759 : memref<2600000x16xf32, #tpu.memory_space<hbm>>) target(%dma_start3A_754 : memref<128x16xf32, #tpu.memory_space<vmem>>) offsets(%dma_start3A_756 : memref<128xi32, #tpu.memory_space<vmem>>) semaphore(%arg14 : memref<!tpu.dma_semaphore, #tpu.memory_space<semaphore_mem>>)
    %dma_start3A_760 = arith.constant 256 : i32
    %dma_start3A_761 = arith.constant 0 : i32
    %dma_start3A_762 = tpu.memref_slice %arg13[%dma_start3A_760, %dma_start3A_761] : memref<1664x16xf32, #tpu.memory_space<vmem>> -> memref<128x16xf32, #tpu.memory_space<vmem>>
    %dma_start3A_763 = arith.constant 256 : i32
    %dma_start3A_764 = tpu.memref_slice %arg12[%dma_start3A_763] : memref<1664xi32, #tpu.memory_space<vmem>> -> memref<128xi32, #tpu.memory_space<vmem>>
    %dma_start3A_765 = arith.constant 0 : i32
    %dma_start3A_766 = arith.constant 0 : i32
    %dma_start3A_767 = tpu.memref_slice %arg6[%dma_start3A_765, %dma_start3A_766] : memref<2600000x16xf32, #tpu.memory_space<hbm>> -> memref<2600000x16xf32, #tpu.memory_space<hbm>>
    tpu.enqueue_indirect_dma source(%dma_start3A_767 : memref<2600000x16xf32, #tpu.memory_space<hbm>>) target(%dma_start3A_762 : memref<128x16xf32, #tpu.memory_space<vmem>>) offsets(%dma_start3A_764 : memref<128xi32, #tpu.memory_space<vmem>>) semaphore(%arg14 : memref<!tpu.dma_semaphore, #tpu.memory_space<semaphore_mem>>)
    %dma_start3A_768 = arith.constant 384 : i32
    %dma_start3A_769 = arith.constant 0 : i32
    %dma_start3A_770 = tpu.memref_slice %arg13[%dma_start3A_768, %dma_start3A_769] : memref<1664x16xf32, #tpu.memory_space<vmem>> -> memref<128x16xf32, #tpu.memory_space<vmem>>
    %dma_start3A_771 = arith.constant 384 : i32
    %dma_start3A_772 = tpu.memref_slice %arg12[%dma_start3A_771] : memref<1664xi32, #tpu.memory_space<vmem>> -> memref<128xi32, #tpu.memory_space<vmem>>
    %dma_start3A_773 = arith.constant 0 : i32
    %dma_start3A_774 = arith.constant 0 : i32
    %dma_start3A_775 = tpu.memref_slice %arg6[%dma_start3A_773, %dma_start3A_774] : memref<2600000x16xf32, #tpu.memory_space<hbm>> -> memref<2600000x16xf32, #tpu.memory_space<hbm>>
    tpu.enqueue_indirect_dma source(%dma_start3A_775 : memref<2600000x16xf32, #tpu.memory_space<hbm>>) target(%dma_start3A_770 : memref<128x16xf32, #tpu.memory_space<vmem>>) offsets(%dma_start3A_772 : memref<128xi32, #tpu.memory_space<vmem>>) semaphore(%arg14 : memref<!tpu.dma_semaphore, #tpu.memory_space<semaphore_mem>>)
    %dma_start3A_776 = arith.constant 512 : i32
    %dma_start3A_777 = arith.constant 0 : i32
    %dma_start3A_778 = tpu.memref_slice %arg13[%dma_start3A_776, %dma_start3A_777] : memref<1664x16xf32, #tpu.memory_space<vmem>> -> memref<128x16xf32, #tpu.memory_space<vmem>>
    %dma_start3A_779 = arith.constant 512 : i32
    %dma_start3A_780 = tpu.memref_slice %arg12[%dma_start3A_779] : memref<1664xi32, #tpu.memory_space<vmem>> -> memref<128xi32, #tpu.memory_space<vmem>>
    %dma_start3A_781 = arith.constant 0 : i32
    %dma_start3A_782 = arith.constant 0 : i32
    %dma_start3A_783 = tpu.memref_slice %arg6[%dma_start3A_781, %dma_start3A_782] : memref<2600000x16xf32, #tpu.memory_space<hbm>> -> memref<2600000x16xf32, #tpu.memory_space<hbm>>
    tpu.enqueue_indirect_dma source(%dma_start3A_783 : memref<2600000x16xf32, #tpu.memory_space<hbm>>) target(%dma_start3A_778 : memref<128x16xf32, #tpu.memory_space<vmem>>) offsets(%dma_start3A_780 : memref<128xi32, #tpu.memory_space<vmem>>) semaphore(%arg14 : memref<!tpu.dma_semaphore, #tpu.memory_space<semaphore_mem>>)
    %dma_start3A_784 = arith.constant 640 : i32
    %dma_start3A_785 = arith.constant 0 : i32
    %dma_start3A_786 = tpu.memref_slice %arg13[%dma_start3A_784, %dma_start3A_785] : memref<1664x16xf32, #tpu.memory_space<vmem>> -> memref<128x16xf32, #tpu.memory_space<vmem>>
    %dma_start3A_787 = arith.constant 640 : i32
    %dma_start3A_788 = tpu.memref_slice %arg12[%dma_start3A_787] : memref<1664xi32, #tpu.memory_space<vmem>> -> memref<128xi32, #tpu.memory_space<vmem>>
    %dma_start3A_789 = arith.constant 0 : i32
    %dma_start3A_790 = arith.constant 0 : i32
    %dma_start3A_791 = tpu.memref_slice %arg6[%dma_start3A_789, %dma_start3A_790] : memref<2600000x16xf32, #tpu.memory_space<hbm>> -> memref<2600000x16xf32, #tpu.memory_space<hbm>>
    tpu.enqueue_indirect_dma source(%dma_start3A_791 : memref<2600000x16xf32, #tpu.memory_space<hbm>>) target(%dma_start3A_786 : memref<128x16xf32, #tpu.memory_space<vmem>>) offsets(%dma_start3A_788 : memref<128xi32, #tpu.memory_space<vmem>>) semaphore(%arg14 : memref<!tpu.dma_semaphore, #tpu.memory_space<semaphore_mem>>)
    %dma_start3A_792 = arith.constant 768 : i32
    %dma_start3A_793 = arith.constant 0 : i32
    %dma_start3A_794 = tpu.memref_slice %arg13[%dma_start3A_792, %dma_start3A_793] : memref<1664x16xf32, #tpu.memory_space<vmem>> -> memref<128x16xf32, #tpu.memory_space<vmem>>
    %dma_start3A_795 = arith.constant 768 : i32
    %dma_start3A_796 = tpu.memref_slice %arg12[%dma_start3A_795] : memref<1664xi32, #tpu.memory_space<vmem>> -> memref<128xi32, #tpu.memory_space<vmem>>
    %dma_start3A_797 = arith.constant 0 : i32
    %dma_start3A_798 = arith.constant 0 : i32
    %dma_start3A_799 = tpu.memref_slice %arg6[%dma_start3A_797, %dma_start3A_798] : memref<2600000x16xf32, #tpu.memory_space<hbm>> -> memref<2600000x16xf32, #tpu.memory_space<hbm>>
    tpu.enqueue_indirect_dma source(%dma_start3A_799 : memref<2600000x16xf32, #tpu.memory_space<hbm>>) target(%dma_start3A_794 : memref<128x16xf32, #tpu.memory_space<vmem>>) offsets(%dma_start3A_796 : memref<128xi32, #tpu.memory_space<vmem>>) semaphore(%arg14 : memref<!tpu.dma_semaphore, #tpu.memory_space<semaphore_mem>>)
    %dma_start3A_800 = arith.constant 896 : i32
    %dma_start3A_801 = arith.constant 0 : i32
    %dma_start3A_802 = tpu.memref_slice %arg13[%dma_start3A_800, %dma_start3A_801] : memref<1664x16xf32, #tpu.memory_space<vmem>> -> memref<128x16xf32, #tpu.memory_space<vmem>>
    %dma_start3A_803 = arith.constant 896 : i32
    %dma_start3A_804 = tpu.memref_slice %arg12[%dma_start3A_803] : memref<1664xi32, #tpu.memory_space<vmem>> -> memref<128xi32, #tpu.memory_space<vmem>>
    %dma_start3A_805 = arith.constant 0 : i32
    %dma_start3A_806 = arith.constant 0 : i32
    %dma_start3A_807 = tpu.memref_slice %arg6[%dma_start3A_805, %dma_start3A_806] : memref<2600000x16xf32, #tpu.memory_space<hbm>> -> memref<2600000x16xf32, #tpu.memory_space<hbm>>
    tpu.enqueue_indirect_dma source(%dma_start3A_807 : memref<2600000x16xf32, #tpu.memory_space<hbm>>) target(%dma_start3A_802 : memref<128x16xf32, #tpu.memory_space<vmem>>) offsets(%dma_start3A_804 : memref<128xi32, #tpu.memory_space<vmem>>) semaphore(%arg14 : memref<!tpu.dma_semaphore, #tpu.memory_space<semaphore_mem>>)
    %dma_start3A_808 = arith.constant 1024 : i32
    %dma_start3A_809 = arith.constant 0 : i32
    %dma_start3A_810 = tpu.memref_slice %arg13[%dma_start3A_808, %dma_start3A_809] : memref<1664x16xf32, #tpu.memory_space<vmem>> -> memref<128x16xf32, #tpu.memory_space<vmem>>
    %dma_start3A_811 = arith.constant 1024 : i32
    %dma_start3A_812 = tpu.memref_slice %arg12[%dma_start3A_811] : memref<1664xi32, #tpu.memory_space<vmem>> -> memref<128xi32, #tpu.memory_space<vmem>>
    %dma_start3A_813 = arith.constant 0 : i32
    %dma_start3A_814 = arith.constant 0 : i32
    %dma_start3A_815 = tpu.memref_slice %arg6[%dma_start3A_813, %dma_start3A_814] : memref<2600000x16xf32, #tpu.memory_space<hbm>> -> memref<2600000x16xf32, #tpu.memory_space<hbm>>
    tpu.enqueue_indirect_dma source(%dma_start3A_815 : memref<2600000x16xf32, #tpu.memory_space<hbm>>) target(%dma_start3A_810 : memref<128x16xf32, #tpu.memory_space<vmem>>) offsets(%dma_start3A_812 : memref<128xi32, #tpu.memory_space<vmem>>) semaphore(%arg14 : memref<!tpu.dma_semaphore, #tpu.memory_space<semaphore_mem>>)
    %dma_start3A_816 = arith.constant 1152 : i32
    %dma_start3A_817 = arith.constant 0 : i32
    %dma_start3A_818 = tpu.memref_slice %arg13[%dma_start3A_816, %dma_start3A_817] : memref<1664x16xf32, #tpu.memory_space<vmem>> -> memref<128x16xf32, #tpu.memory_space<vmem>>
    %dma_start3A_819 = arith.constant 1152 : i32
    %dma_start3A_820 = tpu.memref_slice %arg12[%dma_start3A_819] : memref<1664xi32, #tpu.memory_space<vmem>> -> memref<128xi32, #tpu.memory_space<vmem>>
    %dma_start3A_821 = arith.constant 0 : i32
    %dma_start3A_822 = arith.constant 0 : i32
    %dma_start3A_823 = tpu.memref_slice %arg6[%dma_start3A_821, %dma_start3A_822] : memref<2600000x16xf32, #tpu.memory_space<hbm>> -> memref<2600000x16xf32, #tpu.memory_space<hbm>>
    tpu.enqueue_indirect_dma source(%dma_start3A_823 : memref<2600000x16xf32, #tpu.memory_space<hbm>>) target(%dma_start3A_818 : memref<128x16xf32, #tpu.memory_space<vmem>>) offsets(%dma_start3A_820 : memref<128xi32, #tpu.memory_space<vmem>>) semaphore(%arg14 : memref<!tpu.dma_semaphore, #tpu.memory_space<semaphore_mem>>)
    %dma_start3A_824 = arith.constant 1280 : i32
    %dma_start3A_825 = arith.constant 0 : i32
    %dma_start3A_826 = tpu.memref_slice %arg13[%dma_start3A_824, %dma_start3A_825] : memref<1664x16xf32, #tpu.memory_space<vmem>> -> memref<128x16xf32, #tpu.memory_space<vmem>>
    %dma_start3A_827 = arith.constant 1280 : i32
    %dma_start3A_828 = tpu.memref_slice %arg12[%dma_start3A_827] : memref<1664xi32, #tpu.memory_space<vmem>> -> memref<128xi32, #tpu.memory_space<vmem>>
    %dma_start3A_829 = arith.constant 0 : i32
    %dma_start3A_830 = arith.constant 0 : i32
    %dma_start3A_831 = tpu.memref_slice %arg6[%dma_start3A_829, %dma_start3A_830] : memref<2600000x16xf32, #tpu.memory_space<hbm>> -> memref<2600000x16xf32, #tpu.memory_space<hbm>>
    tpu.enqueue_indirect_dma source(%dma_start3A_831 : memref<2600000x16xf32, #tpu.memory_space<hbm>>) target(%dma_start3A_826 : memref<128x16xf32, #tpu.memory_space<vmem>>) offsets(%dma_start3A_828 : memref<128xi32, #tpu.memory_space<vmem>>) semaphore(%arg14 : memref<!tpu.dma_semaphore, #tpu.memory_space<semaphore_mem>>)
    %dma_start3A_832 = arith.constant 1408 : i32
    %dma_start3A_833 = arith.constant 0 : i32
    %dma_start3A_834 = tpu.memref_slice %arg13[%dma_start3A_832, %dma_start3A_833] : memref<1664x16xf32, #tpu.memory_space<vmem>> -> memref<128x16xf32, #tpu.memory_space<vmem>>
    %dma_start3A_835 = arith.constant 1408 : i32
    %dma_start3A_836 = tpu.memref_slice %arg12[%dma_start3A_835] : memref<1664xi32, #tpu.memory_space<vmem>> -> memref<128xi32, #tpu.memory_space<vmem>>
    %dma_start3A_837 = arith.constant 0 : i32
    %dma_start3A_838 = arith.constant 0 : i32
    %dma_start3A_839 = tpu.memref_slice %arg6[%dma_start3A_837, %dma_start3A_838] : memref<2600000x16xf32, #tpu.memory_space<hbm>> -> memref<2600000x16xf32, #tpu.memory_space<hbm>>
    tpu.enqueue_indirect_dma source(%dma_start3A_839 : memref<2600000x16xf32, #tpu.memory_space<hbm>>) target(%dma_start3A_834 : memref<128x16xf32, #tpu.memory_space<vmem>>) offsets(%dma_start3A_836 : memref<128xi32, #tpu.memory_space<vmem>>) semaphore(%arg14 : memref<!tpu.dma_semaphore, #tpu.memory_space<semaphore_mem>>)
    %dma_start3A_840 = arith.constant 1536 : i32
    %dma_start3A_841 = arith.constant 0 : i32
    %dma_start3A_842 = tpu.memref_slice %arg13[%dma_start3A_840, %dma_start3A_841] : memref<1664x16xf32, #tpu.memory_space<vmem>> -> memref<128x16xf32, #tpu.memory_space<vmem>>
    %dma_start3A_843 = arith.constant 1536 : i32
    %dma_start3A_844 = tpu.memref_slice %arg12[%dma_start3A_843] : memref<1664xi32, #tpu.memory_space<vmem>> -> memref<128xi32, #tpu.memory_space<vmem>>
    %dma_start3A_845 = arith.constant 0 : i32
    %dma_start3A_846 = arith.constant 0 : i32
    %dma_start3A_847 = tpu.memref_slice %arg6[%dma_start3A_845, %dma_start3A_846] : memref<2600000x16xf32, #tpu.memory_space<hbm>> -> memref<2600000x16xf32, #tpu.memory_space<hbm>>
    tpu.enqueue_indirect_dma source(%dma_start3A_847 : memref<2600000x16xf32, #tpu.memory_space<hbm>>) target(%dma_start3A_842 : memref<128x16xf32, #tpu.memory_space<vmem>>) offsets(%dma_start3A_844 : memref<128xi32, #tpu.memory_space<vmem>>) semaphore(%arg14 : memref<!tpu.dma_semaphore, #tpu.memory_space<semaphore_mem>>)
    %dma_wait3A_848 = arith.constant 0 : i32
    %dma_wait3A_849 = arith.constant 0 : i32
    %dma_wait3A_850 = tpu.memref_slice %arg13[%dma_wait3A_848, %dma_wait3A_849] : memref<1664x16xf32, #tpu.memory_space<vmem>> -> memref<128x16xf32, #tpu.memory_space<vmem>>
    %dma_wait3A_851 = arith.constant 0 : i32
    %dma_wait3A_852 = tpu.memref_slice %arg12[%dma_wait3A_851] : memref<1664xi32, #tpu.memory_space<vmem>> -> memref<128xi32, #tpu.memory_space<vmem>>
    %dma_wait3A_853 = arith.constant 0 : i32
    %dma_wait3A_854 = arith.constant 0 : i32
    %dma_wait3A_855 = tpu.memref_slice %arg6[%dma_wait3A_853, %dma_wait3A_854] : memref<2600000x16xf32, #tpu.memory_space<hbm>> -> memref<2600000x16xf32, #tpu.memory_space<hbm>>
    tpu.wait_indirect_dma semaphore(%arg14 : memref<!tpu.dma_semaphore, #tpu.memory_space<semaphore_mem>>) src(%dma_wait3A_855 : memref<2600000x16xf32, #tpu.memory_space<hbm>>) dst(%dma_wait3A_850 : memref<128x16xf32, #tpu.memory_space<vmem>>)
    %dma_wait3A_856 = arith.constant 128 : i32
    %dma_wait3A_857 = arith.constant 0 : i32
    %dma_wait3A_858 = tpu.memref_slice %arg13[%dma_wait3A_856, %dma_wait3A_857] : memref<1664x16xf32, #tpu.memory_space<vmem>> -> memref<128x16xf32, #tpu.memory_space<vmem>>
    %dma_wait3A_859 = arith.constant 128 : i32
    %dma_wait3A_860 = tpu.memref_slice %arg12[%dma_wait3A_859] : memref<1664xi32, #tpu.memory_space<vmem>> -> memref<128xi32, #tpu.memory_space<vmem>>
    %dma_wait3A_861 = arith.constant 0 : i32
    %dma_wait3A_862 = arith.constant 0 : i32
    %dma_wait3A_863 = tpu.memref_slice %arg6[%dma_wait3A_861, %dma_wait3A_862] : memref<2600000x16xf32, #tpu.memory_space<hbm>> -> memref<2600000x16xf32, #tpu.memory_space<hbm>>
    tpu.wait_indirect_dma semaphore(%arg14 : memref<!tpu.dma_semaphore, #tpu.memory_space<semaphore_mem>>) src(%dma_wait3A_863 : memref<2600000x16xf32, #tpu.memory_space<hbm>>) dst(%dma_wait3A_858 : memref<128x16xf32, #tpu.memory_space<vmem>>)
    %dma_wait3A_864 = arith.constant 256 : i32
    %dma_wait3A_865 = arith.constant 0 : i32
    %dma_wait3A_866 = tpu.memref_slice %arg13[%dma_wait3A_864, %dma_wait3A_865] : memref<1664x16xf32, #tpu.memory_space<vmem>> -> memref<128x16xf32, #tpu.memory_space<vmem>>
    %dma_wait3A_867 = arith.constant 256 : i32
    %dma_wait3A_868 = tpu.memref_slice %arg12[%dma_wait3A_867] : memref<1664xi32, #tpu.memory_space<vmem>> -> memref<128xi32, #tpu.memory_space<vmem>>
    %dma_wait3A_869 = arith.constant 0 : i32
    %dma_wait3A_870 = arith.constant 0 : i32
    %dma_wait3A_871 = tpu.memref_slice %arg6[%dma_wait3A_869, %dma_wait3A_870] : memref<2600000x16xf32, #tpu.memory_space<hbm>> -> memref<2600000x16xf32, #tpu.memory_space<hbm>>
    tpu.wait_indirect_dma semaphore(%arg14 : memref<!tpu.dma_semaphore, #tpu.memory_space<semaphore_mem>>) src(%dma_wait3A_871 : memref<2600000x16xf32, #tpu.memory_space<hbm>>) dst(%dma_wait3A_866 : memref<128x16xf32, #tpu.memory_space<vmem>>)
    %dma_wait3A_872 = arith.constant 384 : i32
    %dma_wait3A_873 = arith.constant 0 : i32
    %dma_wait3A_874 = tpu.memref_slice %arg13[%dma_wait3A_872, %dma_wait3A_873] : memref<1664x16xf32, #tpu.memory_space<vmem>> -> memref<128x16xf32, #tpu.memory_space<vmem>>
    %dma_wait3A_875 = arith.constant 384 : i32
    %dma_wait3A_876 = tpu.memref_slice %arg12[%dma_wait3A_875] : memref<1664xi32, #tpu.memory_space<vmem>> -> memref<128xi32, #tpu.memory_space<vmem>>
    %dma_wait3A_877 = arith.constant 0 : i32
    %dma_wait3A_878 = arith.constant 0 : i32
    %dma_wait3A_879 = tpu.memref_slice %arg6[%dma_wait3A_877, %dma_wait3A_878] : memref<2600000x16xf32, #tpu.memory_space<hbm>> -> memref<2600000x16xf32, #tpu.memory_space<hbm>>
    tpu.wait_indirect_dma semaphore(%arg14 : memref<!tpu.dma_semaphore, #tpu.memory_space<semaphore_mem>>) src(%dma_wait3A_879 : memref<2600000x16xf32, #tpu.memory_space<hbm>>) dst(%dma_wait3A_874 : memref<128x16xf32, #tpu.memory_space<vmem>>)
    %dma_wait3A_880 = arith.constant 512 : i32
    %dma_wait3A_881 = arith.constant 0 : i32
    %dma_wait3A_882 = tpu.memref_slice %arg13[%dma_wait3A_880, %dma_wait3A_881] : memref<1664x16xf32, #tpu.memory_space<vmem>> -> memref<128x16xf32, #tpu.memory_space<vmem>>
    %dma_wait3A_883 = arith.constant 512 : i32
    %dma_wait3A_884 = tpu.memref_slice %arg12[%dma_wait3A_883] : memref<1664xi32, #tpu.memory_space<vmem>> -> memref<128xi32, #tpu.memory_space<vmem>>
    %dma_wait3A_885 = arith.constant 0 : i32
    %dma_wait3A_886 = arith.constant 0 : i32
    %dma_wait3A_887 = tpu.memref_slice %arg6[%dma_wait3A_885, %dma_wait3A_886] : memref<2600000x16xf32, #tpu.memory_space<hbm>> -> memref<2600000x16xf32, #tpu.memory_space<hbm>>
    tpu.wait_indirect_dma semaphore(%arg14 : memref<!tpu.dma_semaphore, #tpu.memory_space<semaphore_mem>>) src(%dma_wait3A_887 : memref<2600000x16xf32, #tpu.memory_space<hbm>>) dst(%dma_wait3A_882 : memref<128x16xf32, #tpu.memory_space<vmem>>)
    %dma_wait3A_888 = arith.constant 640 : i32
    %dma_wait3A_889 = arith.constant 0 : i32
    %dma_wait3A_890 = tpu.memref_slice %arg13[%dma_wait3A_888, %dma_wait3A_889] : memref<1664x16xf32, #tpu.memory_space<vmem>> -> memref<128x16xf32, #tpu.memory_space<vmem>>
    %dma_wait3A_891 = arith.constant 640 : i32
    %dma_wait3A_892 = tpu.memref_slice %arg12[%dma_wait3A_891] : memref<1664xi32, #tpu.memory_space<vmem>> -> memref<128xi32, #tpu.memory_space<vmem>>
    %dma_wait3A_893 = arith.constant 0 : i32
    %dma_wait3A_894 = arith.constant 0 : i32
    %dma_wait3A_895 = tpu.memref_slice %arg6[%dma_wait3A_893, %dma_wait3A_894] : memref<2600000x16xf32, #tpu.memory_space<hbm>> -> memref<2600000x16xf32, #tpu.memory_space<hbm>>
    tpu.wait_indirect_dma semaphore(%arg14 : memref<!tpu.dma_semaphore, #tpu.memory_space<semaphore_mem>>) src(%dma_wait3A_895 : memref<2600000x16xf32, #tpu.memory_space<hbm>>) dst(%dma_wait3A_890 : memref<128x16xf32, #tpu.memory_space<vmem>>)
    %dma_wait3A_896 = arith.constant 768 : i32
    %dma_wait3A_897 = arith.constant 0 : i32
    %dma_wait3A_898 = tpu.memref_slice %arg13[%dma_wait3A_896, %dma_wait3A_897] : memref<1664x16xf32, #tpu.memory_space<vmem>> -> memref<128x16xf32, #tpu.memory_space<vmem>>
    %dma_wait3A_899 = arith.constant 768 : i32
    %dma_wait3A_900 = tpu.memref_slice %arg12[%dma_wait3A_899] : memref<1664xi32, #tpu.memory_space<vmem>> -> memref<128xi32, #tpu.memory_space<vmem>>
    %dma_wait3A_901 = arith.constant 0 : i32
    %dma_wait3A_902 = arith.constant 0 : i32
    %dma_wait3A_903 = tpu.memref_slice %arg6[%dma_wait3A_901, %dma_wait3A_902] : memref<2600000x16xf32, #tpu.memory_space<hbm>> -> memref<2600000x16xf32, #tpu.memory_space<hbm>>
    tpu.wait_indirect_dma semaphore(%arg14 : memref<!tpu.dma_semaphore, #tpu.memory_space<semaphore_mem>>) src(%dma_wait3A_903 : memref<2600000x16xf32, #tpu.memory_space<hbm>>) dst(%dma_wait3A_898 : memref<128x16xf32, #tpu.memory_space<vmem>>)
    %dma_wait3A_904 = arith.constant 896 : i32
    %dma_wait3A_905 = arith.constant 0 : i32
    %dma_wait3A_906 = tpu.memref_slice %arg13[%dma_wait3A_904, %dma_wait3A_905] : memref<1664x16xf32, #tpu.memory_space<vmem>> -> memref<128x16xf32, #tpu.memory_space<vmem>>
    %dma_wait3A_907 = arith.constant 896 : i32
    %dma_wait3A_908 = tpu.memref_slice %arg12[%dma_wait3A_907] : memref<1664xi32, #tpu.memory_space<vmem>> -> memref<128xi32, #tpu.memory_space<vmem>>
    %dma_wait3A_909 = arith.constant 0 : i32
    %dma_wait3A_910 = arith.constant 0 : i32
    %dma_wait3A_911 = tpu.memref_slice %arg6[%dma_wait3A_909, %dma_wait3A_910] : memref<2600000x16xf32, #tpu.memory_space<hbm>> -> memref<2600000x16xf32, #tpu.memory_space<hbm>>
    tpu.wait_indirect_dma semaphore(%arg14 : memref<!tpu.dma_semaphore, #tpu.memory_space<semaphore_mem>>) src(%dma_wait3A_911 : memref<2600000x16xf32, #tpu.memory_space<hbm>>) dst(%dma_wait3A_906 : memref<128x16xf32, #tpu.memory_space<vmem>>)
    %dma_wait3A_912 = arith.constant 1024 : i32
    %dma_wait3A_913 = arith.constant 0 : i32
    %dma_wait3A_914 = tpu.memref_slice %arg13[%dma_wait3A_912, %dma_wait3A_913] : memref<1664x16xf32, #tpu.memory_space<vmem>> -> memref<128x16xf32, #tpu.memory_space<vmem>>
    %dma_wait3A_915 = arith.constant 1024 : i32
    %dma_wait3A_916 = tpu.memref_slice %arg12[%dma_wait3A_915] : memref<1664xi32, #tpu.memory_space<vmem>> -> memref<128xi32, #tpu.memory_space<vmem>>
    %dma_wait3A_917 = arith.constant 0 : i32
    %dma_wait3A_918 = arith.constant 0 : i32
    %dma_wait3A_919 = tpu.memref_slice %arg6[%dma_wait3A_917, %dma_wait3A_918] : memref<2600000x16xf32, #tpu.memory_space<hbm>> -> memref<2600000x16xf32, #tpu.memory_space<hbm>>
    tpu.wait_indirect_dma semaphore(%arg14 : memref<!tpu.dma_semaphore, #tpu.memory_space<semaphore_mem>>) src(%dma_wait3A_919 : memref<2600000x16xf32, #tpu.memory_space<hbm>>) dst(%dma_wait3A_914 : memref<128x16xf32, #tpu.memory_space<vmem>>)
    %dma_wait3A_920 = arith.constant 1152 : i32
    %dma_wait3A_921 = arith.constant 0 : i32
    %dma_wait3A_922 = tpu.memref_slice %arg13[%dma_wait3A_920, %dma_wait3A_921] : memref<1664x16xf32, #tpu.memory_space<vmem>> -> memref<128x16xf32, #tpu.memory_space<vmem>>
    %dma_wait3A_923 = arith.constant 1152 : i32
    %dma_wait3A_924 = tpu.memref_slice %arg12[%dma_wait3A_923] : memref<1664xi32, #tpu.memory_space<vmem>> -> memref<128xi32, #tpu.memory_space<vmem>>
    %dma_wait3A_925 = arith.constant 0 : i32
    %dma_wait3A_926 = arith.constant 0 : i32
    %dma_wait3A_927 = tpu.memref_slice %arg6[%dma_wait3A_925, %dma_wait3A_926] : memref<2600000x16xf32, #tpu.memory_space<hbm>> -> memref<2600000x16xf32, #tpu.memory_space<hbm>>
    tpu.wait_indirect_dma semaphore(%arg14 : memref<!tpu.dma_semaphore, #tpu.memory_space<semaphore_mem>>) src(%dma_wait3A_927 : memref<2600000x16xf32, #tpu.memory_space<hbm>>) dst(%dma_wait3A_922 : memref<128x16xf32, #tpu.memory_space<vmem>>)
    %dma_wait3A_928 = arith.constant 1280 : i32
    %dma_wait3A_929 = arith.constant 0 : i32
    %dma_wait3A_930 = tpu.memref_slice %arg13[%dma_wait3A_928, %dma_wait3A_929] : memref<1664x16xf32, #tpu.memory_space<vmem>> -> memref<128x16xf32, #tpu.memory_space<vmem>>
    %dma_wait3A_931 = arith.constant 1280 : i32
    %dma_wait3A_932 = tpu.memref_slice %arg12[%dma_wait3A_931] : memref<1664xi32, #tpu.memory_space<vmem>> -> memref<128xi32, #tpu.memory_space<vmem>>
    %dma_wait3A_933 = arith.constant 0 : i32
    %dma_wait3A_934 = arith.constant 0 : i32
    %dma_wait3A_935 = tpu.memref_slice %arg6[%dma_wait3A_933, %dma_wait3A_934] : memref<2600000x16xf32, #tpu.memory_space<hbm>> -> memref<2600000x16xf32, #tpu.memory_space<hbm>>
    tpu.wait_indirect_dma semaphore(%arg14 : memref<!tpu.dma_semaphore, #tpu.memory_space<semaphore_mem>>) src(%dma_wait3A_935 : memref<2600000x16xf32, #tpu.memory_space<hbm>>) dst(%dma_wait3A_930 : memref<128x16xf32, #tpu.memory_space<vmem>>)
    %dma_wait3A_936 = arith.constant 1408 : i32
    %dma_wait3A_937 = arith.constant 0 : i32
    %dma_wait3A_938 = tpu.memref_slice %arg13[%dma_wait3A_936, %dma_wait3A_937] : memref<1664x16xf32, #tpu.memory_space<vmem>> -> memref<128x16xf32, #tpu.memory_space<vmem>>
    %dma_wait3A_939 = arith.constant 1408 : i32
    %dma_wait3A_940 = tpu.memref_slice %arg12[%dma_wait3A_939] : memref<1664xi32, #tpu.memory_space<vmem>> -> memref<128xi32, #tpu.memory_space<vmem>>
    %dma_wait3A_941 = arith.constant 0 : i32
    %dma_wait3A_942 = arith.constant 0 : i32
    %dma_wait3A_943 = tpu.memref_slice %arg6[%dma_wait3A_941, %dma_wait3A_942] : memref<2600000x16xf32, #tpu.memory_space<hbm>> -> memref<2600000x16xf32, #tpu.memory_space<hbm>>
    tpu.wait_indirect_dma semaphore(%arg14 : memref<!tpu.dma_semaphore, #tpu.memory_space<semaphore_mem>>) src(%dma_wait3A_943 : memref<2600000x16xf32, #tpu.memory_space<hbm>>) dst(%dma_wait3A_938 : memref<128x16xf32, #tpu.memory_space<vmem>>)
    %dma_wait3A_944 = arith.constant 1536 : i32
    %dma_wait3A_945 = arith.constant 0 : i32
    %dma_wait3A_946 = tpu.memref_slice %arg13[%dma_wait3A_944, %dma_wait3A_945] : memref<1664x16xf32, #tpu.memory_space<vmem>> -> memref<128x16xf32, #tpu.memory_space<vmem>>
    %dma_wait3A_947 = arith.constant 1536 : i32
    %dma_wait3A_948 = tpu.memref_slice %arg12[%dma_wait3A_947] : memref<1664xi32, #tpu.memory_space<vmem>> -> memref<128xi32, #tpu.memory_space<vmem>>
    %dma_wait3A_949 = arith.constant 0 : i32
    %dma_wait3A_950 = arith.constant 0 : i32
    %dma_wait3A_951 = tpu.memref_slice %arg6[%dma_wait3A_949, %dma_wait3A_950] : memref<2600000x16xf32, #tpu.memory_space<hbm>> -> memref<2600000x16xf32, #tpu.memory_space<hbm>>
    tpu.wait_indirect_dma semaphore(%arg14 : memref<!tpu.dma_semaphore, #tpu.memory_space<semaphore_mem>>) src(%dma_wait3A_951 : memref<2600000x16xf32, #tpu.memory_space<hbm>>) dst(%dma_wait3A_946 : memref<128x16xf32, #tpu.memory_space<vmem>>)
    "tpu.region"() ({
      %run_scoped3A = tpu.sem_alloc : memref<!tpu.dma_semaphore, #tpu.memory_space<semaphore_mem>>
      %dma_start3A_1912 = arith.constant 0 : i32
      %dma_start3A_1913 = tpu.memref_slice %arg7[%add3A_713, %dma_start3A_1912] : memref<425984x16xf32, #tpu.memory_space<hbm>> -> memref<1664x16xf32, #tpu.memory_space<hbm>>
      %dma_start3A_1914 = arith.constant 0 : i32
      %dma_start3A_1915 = tpu.memref_slice %arg7[%add3A_713, %dma_start3A_1914] : memref<425984x16xf32, #tpu.memory_space<hbm>> -> memref<1664x16xf32, #tpu.memory_space<hbm>>
      tpu.enqueue_dma source(%arg13 : memref<1664x16xf32, #tpu.memory_space<vmem>>) target(%dma_start3A_1915 : memref<1664x16xf32, #tpu.memory_space<hbm>>) target_semaphore(%run_scoped3A : memref<!tpu.dma_semaphore, #tpu.memory_space<semaphore_mem>>)
      %dma_wait3A_1916 = arith.constant 0 : i32
      %dma_wait3A_1917 = tpu.memref_slice %arg7[%add3A_713, %dma_wait3A_1916] : memref<425984x16xf32, #tpu.memory_space<hbm>> -> memref<1664x16xf32, #tpu.memory_space<hbm>>
      %dma_wait3A_1918 = arith.constant 0 : i32
      %dma_wait3A_1919 = tpu.memref_slice %arg7[%add3A_713, %dma_wait3A_1918] : memref<425984x16xf32, #tpu.memory_space<hbm>> -> memref<1664x16xf32, #tpu.memory_space<hbm>>
      tpu.wait_dma2 semaphore(%run_scoped3A : memref<!tpu.dma_semaphore, #tpu.memory_space<semaphore_mem>>) src(%arg13 : memref<1664x16xf32, #tpu.memory_space<vmem>>) dst(%dma_wait3A_1919 : memref<1664x16xf32, #tpu.memory_space<hbm>>)
      tpu.yield
    }) : () -> ()
    %add3A_952 = arith.constant 6656 : i32
    %add3A_953 = arith.addi %mul3A_2, %add3A_952 : i32
    %jit3A_954 = arith.constant 26 : i32
    %div3A_955 = arith.divsi %add3A_953, %jit3A_954 : i32
    %sign3A_956 = arith.constant 0 : i32
    %sign3A_957 = arith.cmpi sgt, %add3A_953, %sign3A_956 : i32
    %sign3A_958 = arith.extui %sign3A_957 : i1 to i32
    %sign3A_959 = arith.constant 0 : i32
    %sign3A_960 = arith.cmpi slt, %add3A_953, %sign3A_959 : i32
    %sign3A_961 = arith.extui %sign3A_960 : i1 to i32
    %sign3A_962 = arith.subi %sign3A_958, %sign3A_961 : i32
    %sign3A_963 = arith.constant 0 : i32
    %sign3A_964 = arith.cmpi sgt, %jit3A_954, %sign3A_963 : i32
    %sign3A_965 = arith.extui %sign3A_964 : i1 to i32
    %sign3A_966 = arith.constant 0 : i32
    %sign3A_967 = arith.cmpi slt, %jit3A_954, %sign3A_966 : i32
    %sign3A_968 = arith.extui %sign3A_967 : i1 to i32
    %sign3A_969 = arith.subi %sign3A_965, %sign3A_968 : i32
    %ne3A_970 = arith.cmpi ne, %sign3A_962, %sign3A_969 : i32
    %rem3A_971 = arith.remsi %add3A_953, %jit3A_954 : i32
    %ne3A_972 = arith.constant 0 : i32
    %ne3A_973 = arith.cmpi ne, %rem3A_971, %ne3A_972 : i32
    %and3A_974 = arith.andi %ne3A_970, %ne3A_973 : i1
    %sub3A_975 = arith.constant 1 : i32
    %sub3A_976 = arith.subi %div3A_955, %sub3A_975 : i32
    %select_n3A_977 = arith.select %and3A_974, %sub3A_976, %div3A_955 : i32
    "tpu.region"() ({
      %run_scoped3A = tpu.sem_alloc : memref<!tpu.dma_semaphore, #tpu.memory_space<semaphore_mem>>
      %dma_start3A_1912 = arith.constant 0 : i32
      %dma_start3A_1913 = tpu.memref_slice %arg2[%select_n3A_977, %dma_start3A_1912] : memref<16384x26xi32, #tpu.memory_space<hbm>> -> memref<64x26xi32, #tpu.memory_space<hbm>>
      %dma_start3A_1914 = arith.constant 0 : i32
      %dma_start3A_1915 = tpu.memref_slice %arg2[%select_n3A_977, %dma_start3A_1914] : memref<16384x26xi32, #tpu.memory_space<hbm>> -> memref<64x26xi32, #tpu.memory_space<hbm>>
      tpu.enqueue_dma source(%dma_start3A_1915 : memref<64x26xi32, #tpu.memory_space<hbm>>) target(%arg8 : memref<64x26xi32, #tpu.memory_space<vmem>>) target_semaphore(%run_scoped3A : memref<!tpu.dma_semaphore, #tpu.memory_space<semaphore_mem>>)
      %dma_wait3A_1916 = arith.constant 0 : i32
      %dma_wait3A_1917 = tpu.memref_slice %arg2[%select_n3A_977, %dma_wait3A_1916] : memref<16384x26xi32, #tpu.memory_space<hbm>> -> memref<64x26xi32, #tpu.memory_space<hbm>>
      %dma_wait3A_1918 = arith.constant 0 : i32
      %dma_wait3A_1919 = tpu.memref_slice %arg2[%select_n3A_977, %dma_wait3A_1918] : memref<16384x26xi32, #tpu.memory_space<hbm>> -> memref<64x26xi32, #tpu.memory_space<hbm>>
      tpu.wait_dma2 semaphore(%run_scoped3A : memref<!tpu.dma_semaphore, #tpu.memory_space<semaphore_mem>>) src(%dma_wait3A_1919 : memref<64x26xi32, #tpu.memory_space<hbm>>) dst(%arg8 : memref<64x26xi32, #tpu.memory_space<vmem>>)
      tpu.yield
    }) : () -> ()
    %scan3A_978 = arith.constant 0 : i32
    %scan3A_979 = arith.constant 0 : i32
    %scan3A_980 = arith.constant 104 : i32
    %scan3A_981 = arith.addi %scan3A_979, %scan3A_980 : i32
    %scan3A_982 = arith.constant 1 : i32
    scf.for %scan3A_1912 = %scan3A_979 to %scan3A_981 step %scan3A_982  : i32 {
      %mul3A_1913 = arith.constant 16 : i32
      %mul3A_1914 = arith.muli %scan3A_1912, %mul3A_1913 : i32
      %get3A = arith.index_cast %mul3A_1914 : i32 to index
      %get3A_1915 = tpu.vector_load %arg9[%get3A] {strides = array<i32>} : memref<1664xi32, #tpu.memory_space<vmem>>, vector<16xi32>,
      %get3A_1916 = arith.index_cast %mul3A_1914 : i32 to index
      %get3A_1917 = tpu.vector_load %arg10[%get3A_1916] {strides = array<i32>} : memref<1664xi32, #tpu.memory_space<vmem>>, vector<16xi32>,
      %gather3A = tpu.vector_load_idx %arg8[%get3A_1915, %get3A_1917] : memref<64x26xi32, #tpu.memory_space<vmem>>[vector<16xi32>, vector<16xi32>], vector<16xi32>,
      %get3A_1918 = arith.index_cast %mul3A_1914 : i32 to index
      %get3A_1919 = tpu.vector_load %arg11[%get3A_1918] {strides = array<i32>} : memref<1664xi32, #tpu.memory_space<vmem>>, vector<16xi32>,
      %add3A_1920 = arith.addi %gather3A, %get3A_1919 : vector<16xi32>
      %swap3A = arith.index_cast %mul3A_1914 : i32 to index
      %swap3A_1921 = tpu.vector_load %arg12[%swap3A] {strides = array<i32>} : memref<1664xi32, #tpu.memory_space<vmem>>, vector<16xi32>,
      tpu.vector_store %arg12[%swap3A], %add3A_1920 {strides = array<i32>} : memref<1664xi32, #tpu.memory_space<vmem>>, vector<16xi32>,
    }
    %scan3A_983 = arith.constant 104 : i32
    %dma_start3A_984 = arith.constant 0 : i32
    %dma_start3A_985 = arith.constant 0 : i32
    %dma_start3A_986 = tpu.memref_slice %arg13[%dma_start3A_984, %dma_start3A_985] : memref<1664x16xf32, #tpu.memory_space<vmem>> -> memref<128x16xf32, #tpu.memory_space<vmem>>
    %dma_start3A_987 = arith.constant 0 : i32
    %dma_start3A_988 = tpu.memref_slice %arg12[%dma_start3A_987] : memref<1664xi32, #tpu.memory_space<vmem>> -> memref<128xi32, #tpu.memory_space<vmem>>
    %dma_start3A_989 = arith.constant 0 : i32
    %dma_start3A_990 = arith.constant 0 : i32
    %dma_start3A_991 = tpu.memref_slice %arg6[%dma_start3A_989, %dma_start3A_990] : memref<2600000x16xf32, #tpu.memory_space<hbm>> -> memref<2600000x16xf32, #tpu.memory_space<hbm>>
    tpu.enqueue_indirect_dma source(%dma_start3A_991 : memref<2600000x16xf32, #tpu.memory_space<hbm>>) target(%dma_start3A_986 : memref<128x16xf32, #tpu.memory_space<vmem>>) offsets(%dma_start3A_988 : memref<128xi32, #tpu.memory_space<vmem>>) semaphore(%arg14 : memref<!tpu.dma_semaphore, #tpu.memory_space<semaphore_mem>>)
    %dma_start3A_992 = arith.constant 128 : i32
    %dma_start3A_993 = arith.constant 0 : i32
    %dma_start3A_994 = tpu.memref_slice %arg13[%dma_start3A_992, %dma_start3A_993] : memref<1664x16xf32, #tpu.memory_space<vmem>> -> memref<128x16xf32, #tpu.memory_space<vmem>>
    %dma_start3A_995 = arith.constant 128 : i32
    %dma_start3A_996 = tpu.memref_slice %arg12[%dma_start3A_995] : memref<1664xi32, #tpu.memory_space<vmem>> -> memref<128xi32, #tpu.memory_space<vmem>>
    %dma_start3A_997 = arith.constant 0 : i32
    %dma_start3A_998 = arith.constant 0 : i32
    %dma_start3A_999 = tpu.memref_slice %arg6[%dma_start3A_997, %dma_start3A_998] : memref<2600000x16xf32, #tpu.memory_space<hbm>> -> memref<2600000x16xf32, #tpu.memory_space<hbm>>
    tpu.enqueue_indirect_dma source(%dma_start3A_999 : memref<2600000x16xf32, #tpu.memory_space<hbm>>) target(%dma_start3A_994 : memref<128x16xf32, #tpu.memory_space<vmem>>) offsets(%dma_start3A_996 : memref<128xi32, #tpu.memory_space<vmem>>) semaphore(%arg14 : memref<!tpu.dma_semaphore, #tpu.memory_space<semaphore_mem>>)
    %dma_start3A_1000 = arith.constant 256 : i32
    %dma_start3A_1001 = arith.constant 0 : i32
    %dma_start3A_1002 = tpu.memref_slice %arg13[%dma_start3A_1000, %dma_start3A_1001] : memref<1664x16xf32, #tpu.memory_space<vmem>> -> memref<128x16xf32, #tpu.memory_space<vmem>>
    %dma_start3A_1003 = arith.constant 256 : i32
    %dma_start3A_1004 = tpu.memref_slice %arg12[%dma_start3A_1003] : memref<1664xi32, #tpu.memory_space<vmem>> -> memref<128xi32, #tpu.memory_space<vmem>>
    %dma_start3A_1005 = arith.constant 0 : i32
    %dma_start3A_1006 = arith.constant 0 : i32
    %dma_start3A_1007 = tpu.memref_slice %arg6[%dma_start3A_1005, %dma_start3A_1006] : memref<2600000x16xf32, #tpu.memory_space<hbm>> -> memref<2600000x16xf32, #tpu.memory_space<hbm>>
    tpu.enqueue_indirect_dma source(%dma_start3A_1007 : memref<2600000x16xf32, #tpu.memory_space<hbm>>) target(%dma_start3A_1002 : memref<128x16xf32, #tpu.memory_space<vmem>>) offsets(%dma_start3A_1004 : memref<128xi32, #tpu.memory_space<vmem>>) semaphore(%arg14 : memref<!tpu.dma_semaphore, #tpu.memory_space<semaphore_mem>>)
    %dma_start3A_1008 = arith.constant 384 : i32
    %dma_start3A_1009 = arith.constant 0 : i32
    %dma_start3A_1010 = tpu.memref_slice %arg13[%dma_start3A_1008, %dma_start3A_1009] : memref<1664x16xf32, #tpu.memory_space<vmem>> -> memref<128x16xf32, #tpu.memory_space<vmem>>
    %dma_start3A_1011 = arith.constant 384 : i32
    %dma_start3A_1012 = tpu.memref_slice %arg12[%dma_start3A_1011] : memref<1664xi32, #tpu.memory_space<vmem>> -> memref<128xi32, #tpu.memory_space<vmem>>
    %dma_start3A_1013 = arith.constant 0 : i32
    %dma_start3A_1014 = arith.constant 0 : i32
    %dma_start3A_1015 = tpu.memref_slice %arg6[%dma_start3A_1013, %dma_start3A_1014] : memref<2600000x16xf32, #tpu.memory_space<hbm>> -> memref<2600000x16xf32, #tpu.memory_space<hbm>>
    tpu.enqueue_indirect_dma source(%dma_start3A_1015 : memref<2600000x16xf32, #tpu.memory_space<hbm>>) target(%dma_start3A_1010 : memref<128x16xf32, #tpu.memory_space<vmem>>) offsets(%dma_start3A_1012 : memref<128xi32, #tpu.memory_space<vmem>>) semaphore(%arg14 : memref<!tpu.dma_semaphore, #tpu.memory_space<semaphore_mem>>)
    %dma_start3A_1016 = arith.constant 512 : i32
    %dma_start3A_1017 = arith.constant 0 : i32
    %dma_start3A_1018 = tpu.memref_slice %arg13[%dma_start3A_1016, %dma_start3A_1017] : memref<1664x16xf32, #tpu.memory_space<vmem>> -> memref<128x16xf32, #tpu.memory_space<vmem>>
    %dma_start3A_1019 = arith.constant 512 : i32
    %dma_start3A_1020 = tpu.memref_slice %arg12[%dma_start3A_1019] : memref<1664xi32, #tpu.memory_space<vmem>> -> memref<128xi32, #tpu.memory_space<vmem>>
    %dma_start3A_1021 = arith.constant 0 : i32
    %dma_start3A_1022 = arith.constant 0 : i32
    %dma_start3A_1023 = tpu.memref_slice %arg6[%dma_start3A_1021, %dma_start3A_1022] : memref<2600000x16xf32, #tpu.memory_space<hbm>> -> memref<2600000x16xf32, #tpu.memory_space<hbm>>
    tpu.enqueue_indirect_dma source(%dma_start3A_1023 : memref<2600000x16xf32, #tpu.memory_space<hbm>>) target(%dma_start3A_1018 : memref<128x16xf32, #tpu.memory_space<vmem>>) offsets(%dma_start3A_1020 : memref<128xi32, #tpu.memory_space<vmem>>) semaphore(%arg14 : memref<!tpu.dma_semaphore, #tpu.memory_space<semaphore_mem>>)
    %dma_start3A_1024 = arith.constant 640 : i32
    %dma_start3A_1025 = arith.constant 0 : i32
    %dma_start3A_1026 = tpu.memref_slice %arg13[%dma_start3A_1024, %dma_start3A_1025] : memref<1664x16xf32, #tpu.memory_space<vmem>> -> memref<128x16xf32, #tpu.memory_space<vmem>>
    %dma_start3A_1027 = arith.constant 640 : i32
    %dma_start3A_1028 = tpu.memref_slice %arg12[%dma_start3A_1027] : memref<1664xi32, #tpu.memory_space<vmem>> -> memref<128xi32, #tpu.memory_space<vmem>>
    %dma_start3A_1029 = arith.constant 0 : i32
    %dma_start3A_1030 = arith.constant 0 : i32
    %dma_start3A_1031 = tpu.memref_slice %arg6[%dma_start3A_1029, %dma_start3A_1030] : memref<2600000x16xf32, #tpu.memory_space<hbm>> -> memref<2600000x16xf32, #tpu.memory_space<hbm>>
    tpu.enqueue_indirect_dma source(%dma_start3A_1031 : memref<2600000x16xf32, #tpu.memory_space<hbm>>) target(%dma_start3A_1026 : memref<128x16xf32, #tpu.memory_space<vmem>>) offsets(%dma_start3A_1028 : memref<128xi32, #tpu.memory_space<vmem>>) semaphore(%arg14 : memref<!tpu.dma_semaphore, #tpu.memory_space<semaphore_mem>>)
    %dma_start3A_1032 = arith.constant 768 : i32
    %dma_start3A_1033 = arith.constant 0 : i32
    %dma_start3A_1034 = tpu.memref_slice %arg13[%dma_start3A_1032, %dma_start3A_1033] : memref<1664x16xf32, #tpu.memory_space<vmem>> -> memref<128x16xf32, #tpu.memory_space<vmem>>
    %dma_start3A_1035 = arith.constant 768 : i32
    %dma_start3A_1036 = tpu.memref_slice %arg12[%dma_start3A_1035] : memref<1664xi32, #tpu.memory_space<vmem>> -> memref<128xi32, #tpu.memory_space<vmem>>
    %dma_start3A_1037 = arith.constant 0 : i32
    %dma_start3A_1038 = arith.constant 0 : i32
    %dma_start3A_1039 = tpu.memref_slice %arg6[%dma_start3A_1037, %dma_start3A_1038] : memref<2600000x16xf32, #tpu.memory_space<hbm>> -> memref<2600000x16xf32, #tpu.memory_space<hbm>>
    tpu.enqueue_indirect_dma source(%dma_start3A_1039 : memref<2600000x16xf32, #tpu.memory_space<hbm>>) target(%dma_start3A_1034 : memref<128x16xf32, #tpu.memory_space<vmem>>) offsets(%dma_start3A_1036 : memref<128xi32, #tpu.memory_space<vmem>>) semaphore(%arg14 : memref<!tpu.dma_semaphore, #tpu.memory_space<semaphore_mem>>)
    %dma_start3A_1040 = arith.constant 896 : i32
    %dma_start3A_1041 = arith.constant 0 : i32
    %dma_start3A_1042 = tpu.memref_slice %arg13[%dma_start3A_1040, %dma_start3A_1041] : memref<1664x16xf32, #tpu.memory_space<vmem>> -> memref<128x16xf32, #tpu.memory_space<vmem>>
    %dma_start3A_1043 = arith.constant 896 : i32
    %dma_start3A_1044 = tpu.memref_slice %arg12[%dma_start3A_1043] : memref<1664xi32, #tpu.memory_space<vmem>> -> memref<128xi32, #tpu.memory_space<vmem>>
    %dma_start3A_1045 = arith.constant 0 : i32
    %dma_start3A_1046 = arith.constant 0 : i32
    %dma_start3A_1047 = tpu.memref_slice %arg6[%dma_start3A_1045, %dma_start3A_1046] : memref<2600000x16xf32, #tpu.memory_space<hbm>> -> memref<2600000x16xf32, #tpu.memory_space<hbm>>
    tpu.enqueue_indirect_dma source(%dma_start3A_1047 : memref<2600000x16xf32, #tpu.memory_space<hbm>>) target(%dma_start3A_1042 : memref<128x16xf32, #tpu.memory_space<vmem>>) offsets(%dma_start3A_1044 : memref<128xi32, #tpu.memory_space<vmem>>) semaphore(%arg14 : memref<!tpu.dma_semaphore, #tpu.memory_space<semaphore_mem>>)
    %dma_start3A_1048 = arith.constant 1024 : i32
    %dma_start3A_1049 = arith.constant 0 : i32
    %dma_start3A_1050 = tpu.memref_slice %arg13[%dma_start3A_1048, %dma_start3A_1049] : memref<1664x16xf32, #tpu.memory_space<vmem>> -> memref<128x16xf32, #tpu.memory_space<vmem>>
    %dma_start3A_1051 = arith.constant 1024 : i32
    %dma_start3A_1052 = tpu.memref_slice %arg12[%dma_start3A_1051] : memref<1664xi32, #tpu.memory_space<vmem>> -> memref<128xi32, #tpu.memory_space<vmem>>
    %dma_start3A_1053 = arith.constant 0 : i32
    %dma_start3A_1054 = arith.constant 0 : i32
    %dma_start3A_1055 = tpu.memref_slice %arg6[%dma_start3A_1053, %dma_start3A_1054] : memref<2600000x16xf32, #tpu.memory_space<hbm>> -> memref<2600000x16xf32, #tpu.memory_space<hbm>>
    tpu.enqueue_indirect_dma source(%dma_start3A_1055 : memref<2600000x16xf32, #tpu.memory_space<hbm>>) target(%dma_start3A_1050 : memref<128x16xf32, #tpu.memory_space<vmem>>) offsets(%dma_start3A_1052 : memref<128xi32, #tpu.memory_space<vmem>>) semaphore(%arg14 : memref<!tpu.dma_semaphore, #tpu.memory_space<semaphore_mem>>)
    %dma_start3A_1056 = arith.constant 1152 : i32
    %dma_start3A_1057 = arith.constant 0 : i32
    %dma_start3A_1058 = tpu.memref_slice %arg13[%dma_start3A_1056, %dma_start3A_1057] : memref<1664x16xf32, #tpu.memory_space<vmem>> -> memref<128x16xf32, #tpu.memory_space<vmem>>
    %dma_start3A_1059 = arith.constant 1152 : i32
    %dma_start3A_1060 = tpu.memref_slice %arg12[%dma_start3A_1059] : memref<1664xi32, #tpu.memory_space<vmem>> -> memref<128xi32, #tpu.memory_space<vmem>>
    %dma_start3A_1061 = arith.constant 0 : i32
    %dma_start3A_1062 = arith.constant 0 : i32
    %dma_start3A_1063 = tpu.memref_slice %arg6[%dma_start3A_1061, %dma_start3A_1062] : memref<2600000x16xf32, #tpu.memory_space<hbm>> -> memref<2600000x16xf32, #tpu.memory_space<hbm>>
    tpu.enqueue_indirect_dma source(%dma_start3A_1063 : memref<2600000x16xf32, #tpu.memory_space<hbm>>) target(%dma_start3A_1058 : memref<128x16xf32, #tpu.memory_space<vmem>>) offsets(%dma_start3A_1060 : memref<128xi32, #tpu.memory_space<vmem>>) semaphore(%arg14 : memref<!tpu.dma_semaphore, #tpu.memory_space<semaphore_mem>>)
    %dma_start3A_1064 = arith.constant 1280 : i32
    %dma_start3A_1065 = arith.constant 0 : i32
    %dma_start3A_1066 = tpu.memref_slice %arg13[%dma_start3A_1064, %dma_start3A_1065] : memref<1664x16xf32, #tpu.memory_space<vmem>> -> memref<128x16xf32, #tpu.memory_space<vmem>>
    %dma_start3A_1067 = arith.constant 1280 : i32
    %dma_start3A_1068 = tpu.memref_slice %arg12[%dma_start3A_1067] : memref<1664xi32, #tpu.memory_space<vmem>> -> memref<128xi32, #tpu.memory_space<vmem>>
    %dma_start3A_1069 = arith.constant 0 : i32
    %dma_start3A_1070 = arith.constant 0 : i32
    %dma_start3A_1071 = tpu.memref_slice %arg6[%dma_start3A_1069, %dma_start3A_1070] : memref<2600000x16xf32, #tpu.memory_space<hbm>> -> memref<2600000x16xf32, #tpu.memory_space<hbm>>
    tpu.enqueue_indirect_dma source(%dma_start3A_1071 : memref<2600000x16xf32, #tpu.memory_space<hbm>>) target(%dma_start3A_1066 : memref<128x16xf32, #tpu.memory_space<vmem>>) offsets(%dma_start3A_1068 : memref<128xi32, #tpu.memory_space<vmem>>) semaphore(%arg14 : memref<!tpu.dma_semaphore, #tpu.memory_space<semaphore_mem>>)
    %dma_start3A_1072 = arith.constant 1408 : i32
    %dma_start3A_1073 = arith.constant 0 : i32
    %dma_start3A_1074 = tpu.memref_slice %arg13[%dma_start3A_1072, %dma_start3A_1073] : memref<1664x16xf32, #tpu.memory_space<vmem>> -> memref<128x16xf32, #tpu.memory_space<vmem>>
    %dma_start3A_1075 = arith.constant 1408 : i32
    %dma_start3A_1076 = tpu.memref_slice %arg12[%dma_start3A_1075] : memref<1664xi32, #tpu.memory_space<vmem>> -> memref<128xi32, #tpu.memory_space<vmem>>
    %dma_start3A_1077 = arith.constant 0 : i32
    %dma_start3A_1078 = arith.constant 0 : i32
    %dma_start3A_1079 = tpu.memref_slice %arg6[%dma_start3A_1077, %dma_start3A_1078] : memref<2600000x16xf32, #tpu.memory_space<hbm>> -> memref<2600000x16xf32, #tpu.memory_space<hbm>>
    tpu.enqueue_indirect_dma source(%dma_start3A_1079 : memref<2600000x16xf32, #tpu.memory_space<hbm>>) target(%dma_start3A_1074 : memref<128x16xf32, #tpu.memory_space<vmem>>) offsets(%dma_start3A_1076 : memref<128xi32, #tpu.memory_space<vmem>>) semaphore(%arg14 : memref<!tpu.dma_semaphore, #tpu.memory_space<semaphore_mem>>)
    %dma_start3A_1080 = arith.constant 1536 : i32
    %dma_start3A_1081 = arith.constant 0 : i32
    %dma_start3A_1082 = tpu.memref_slice %arg13[%dma_start3A_1080, %dma_start3A_1081] : memref<1664x16xf32, #tpu.memory_space<vmem>> -> memref<128x16xf32, #tpu.memory_space<vmem>>
    %dma_start3A_1083 = arith.constant 1536 : i32
    %dma_start3A_1084 = tpu.memref_slice %arg12[%dma_start3A_1083] : memref<1664xi32, #tpu.memory_space<vmem>> -> memref<128xi32, #tpu.memory_space<vmem>>
    %dma_start3A_1085 = arith.constant 0 : i32
    %dma_start3A_1086 = arith.constant 0 : i32
    %dma_start3A_1087 = tpu.memref_slice %arg6[%dma_start3A_1085, %dma_start3A_1086] : memref<2600000x16xf32, #tpu.memory_space<hbm>> -> memref<2600000x16xf32, #tpu.memory_space<hbm>>
    tpu.enqueue_indirect_dma source(%dma_start3A_1087 : memref<2600000x16xf32, #tpu.memory_space<hbm>>) target(%dma_start3A_1082 : memref<128x16xf32, #tpu.memory_space<vmem>>) offsets(%dma_start3A_1084 : memref<128xi32, #tpu.memory_space<vmem>>) semaphore(%arg14 : memref<!tpu.dma_semaphore, #tpu.memory_space<semaphore_mem>>)
    %dma_wait3A_1088 = arith.constant 0 : i32
    %dma_wait3A_1089 = arith.constant 0 : i32
    %dma_wait3A_1090 = tpu.memref_slice %arg13[%dma_wait3A_1088, %dma_wait3A_1089] : memref<1664x16xf32, #tpu.memory_space<vmem>> -> memref<128x16xf32, #tpu.memory_space<vmem>>
    %dma_wait3A_1091 = arith.constant 0 : i32
    %dma_wait3A_1092 = tpu.memref_slice %arg12[%dma_wait3A_1091] : memref<1664xi32, #tpu.memory_space<vmem>> -> memref<128xi32, #tpu.memory_space<vmem>>
    %dma_wait3A_1093 = arith.constant 0 : i32
    %dma_wait3A_1094 = arith.constant 0 : i32
    %dma_wait3A_1095 = tpu.memref_slice %arg6[%dma_wait3A_1093, %dma_wait3A_1094] : memref<2600000x16xf32, #tpu.memory_space<hbm>> -> memref<2600000x16xf32, #tpu.memory_space<hbm>>
    tpu.wait_indirect_dma semaphore(%arg14 : memref<!tpu.dma_semaphore, #tpu.memory_space<semaphore_mem>>) src(%dma_wait3A_1095 : memref<2600000x16xf32, #tpu.memory_space<hbm>>) dst(%dma_wait3A_1090 : memref<128x16xf32, #tpu.memory_space<vmem>>)
    %dma_wait3A_1096 = arith.constant 128 : i32
    %dma_wait3A_1097 = arith.constant 0 : i32
    %dma_wait3A_1098 = tpu.memref_slice %arg13[%dma_wait3A_1096, %dma_wait3A_1097] : memref<1664x16xf32, #tpu.memory_space<vmem>> -> memref<128x16xf32, #tpu.memory_space<vmem>>
    %dma_wait3A_1099 = arith.constant 128 : i32
    %dma_wait3A_1100 = tpu.memref_slice %arg12[%dma_wait3A_1099] : memref<1664xi32, #tpu.memory_space<vmem>> -> memref<128xi32, #tpu.memory_space<vmem>>
    %dma_wait3A_1101 = arith.constant 0 : i32
    %dma_wait3A_1102 = arith.constant 0 : i32
    %dma_wait3A_1103 = tpu.memref_slice %arg6[%dma_wait3A_1101, %dma_wait3A_1102] : memref<2600000x16xf32, #tpu.memory_space<hbm>> -> memref<2600000x16xf32, #tpu.memory_space<hbm>>
    tpu.wait_indirect_dma semaphore(%arg14 : memref<!tpu.dma_semaphore, #tpu.memory_space<semaphore_mem>>) src(%dma_wait3A_1103 : memref<2600000x16xf32, #tpu.memory_space<hbm>>) dst(%dma_wait3A_1098 : memref<128x16xf32, #tpu.memory_space<vmem>>)
    %dma_wait3A_1104 = arith.constant 256 : i32
    %dma_wait3A_1105 = arith.constant 0 : i32
    %dma_wait3A_1106 = tpu.memref_slice %arg13[%dma_wait3A_1104, %dma_wait3A_1105] : memref<1664x16xf32, #tpu.memory_space<vmem>> -> memref<128x16xf32, #tpu.memory_space<vmem>>
    %dma_wait3A_1107 = arith.constant 256 : i32
    %dma_wait3A_1108 = tpu.memref_slice %arg12[%dma_wait3A_1107] : memref<1664xi32, #tpu.memory_space<vmem>> -> memref<128xi32, #tpu.memory_space<vmem>>
    %dma_wait3A_1109 = arith.constant 0 : i32
    %dma_wait3A_1110 = arith.constant 0 : i32
    %dma_wait3A_1111 = tpu.memref_slice %arg6[%dma_wait3A_1109, %dma_wait3A_1110] : memref<2600000x16xf32, #tpu.memory_space<hbm>> -> memref<2600000x16xf32, #tpu.memory_space<hbm>>
    tpu.wait_indirect_dma semaphore(%arg14 : memref<!tpu.dma_semaphore, #tpu.memory_space<semaphore_mem>>) src(%dma_wait3A_1111 : memref<2600000x16xf32, #tpu.memory_space<hbm>>) dst(%dma_wait3A_1106 : memref<128x16xf32, #tpu.memory_space<vmem>>)
    %dma_wait3A_1112 = arith.constant 384 : i32
    %dma_wait3A_1113 = arith.constant 0 : i32
    %dma_wait3A_1114 = tpu.memref_slice %arg13[%dma_wait3A_1112, %dma_wait3A_1113] : memref<1664x16xf32, #tpu.memory_space<vmem>> -> memref<128x16xf32, #tpu.memory_space<vmem>>
    %dma_wait3A_1115 = arith.constant 384 : i32
    %dma_wait3A_1116 = tpu.memref_slice %arg12[%dma_wait3A_1115] : memref<1664xi32, #tpu.memory_space<vmem>> -> memref<128xi32, #tpu.memory_space<vmem>>
    %dma_wait3A_1117 = arith.constant 0 : i32
    %dma_wait3A_1118 = arith.constant 0 : i32
    %dma_wait3A_1119 = tpu.memref_slice %arg6[%dma_wait3A_1117, %dma_wait3A_1118] : memref<2600000x16xf32, #tpu.memory_space<hbm>> -> memref<2600000x16xf32, #tpu.memory_space<hbm>>
    tpu.wait_indirect_dma semaphore(%arg14 : memref<!tpu.dma_semaphore, #tpu.memory_space<semaphore_mem>>) src(%dma_wait3A_1119 : memref<2600000x16xf32, #tpu.memory_space<hbm>>) dst(%dma_wait3A_1114 : memref<128x16xf32, #tpu.memory_space<vmem>>)
    %dma_wait3A_1120 = arith.constant 512 : i32
    %dma_wait3A_1121 = arith.constant 0 : i32
    %dma_wait3A_1122 = tpu.memref_slice %arg13[%dma_wait3A_1120, %dma_wait3A_1121] : memref<1664x16xf32, #tpu.memory_space<vmem>> -> memref<128x16xf32, #tpu.memory_space<vmem>>
    %dma_wait3A_1123 = arith.constant 512 : i32
    %dma_wait3A_1124 = tpu.memref_slice %arg12[%dma_wait3A_1123] : memref<1664xi32, #tpu.memory_space<vmem>> -> memref<128xi32, #tpu.memory_space<vmem>>
    %dma_wait3A_1125 = arith.constant 0 : i32
    %dma_wait3A_1126 = arith.constant 0 : i32
    %dma_wait3A_1127 = tpu.memref_slice %arg6[%dma_wait3A_1125, %dma_wait3A_1126] : memref<2600000x16xf32, #tpu.memory_space<hbm>> -> memref<2600000x16xf32, #tpu.memory_space<hbm>>
    tpu.wait_indirect_dma semaphore(%arg14 : memref<!tpu.dma_semaphore, #tpu.memory_space<semaphore_mem>>) src(%dma_wait3A_1127 : memref<2600000x16xf32, #tpu.memory_space<hbm>>) dst(%dma_wait3A_1122 : memref<128x16xf32, #tpu.memory_space<vmem>>)
    %dma_wait3A_1128 = arith.constant 640 : i32
    %dma_wait3A_1129 = arith.constant 0 : i32
    %dma_wait3A_1130 = tpu.memref_slice %arg13[%dma_wait3A_1128, %dma_wait3A_1129] : memref<1664x16xf32, #tpu.memory_space<vmem>> -> memref<128x16xf32, #tpu.memory_space<vmem>>
    %dma_wait3A_1131 = arith.constant 640 : i32
    %dma_wait3A_1132 = tpu.memref_slice %arg12[%dma_wait3A_1131] : memref<1664xi32, #tpu.memory_space<vmem>> -> memref<128xi32, #tpu.memory_space<vmem>>
    %dma_wait3A_1133 = arith.constant 0 : i32
    %dma_wait3A_1134 = arith.constant 0 : i32
    %dma_wait3A_1135 = tpu.memref_slice %arg6[%dma_wait3A_1133, %dma_wait3A_1134] : memref<2600000x16xf32, #tpu.memory_space<hbm>> -> memref<2600000x16xf32, #tpu.memory_space<hbm>>
    tpu.wait_indirect_dma semaphore(%arg14 : memref<!tpu.dma_semaphore, #tpu.memory_space<semaphore_mem>>) src(%dma_wait3A_1135 : memref<2600000x16xf32, #tpu.memory_space<hbm>>) dst(%dma_wait3A_1130 : memref<128x16xf32, #tpu.memory_space<vmem>>)
    %dma_wait3A_1136 = arith.constant 768 : i32
    %dma_wait3A_1137 = arith.constant 0 : i32
    %dma_wait3A_1138 = tpu.memref_slice %arg13[%dma_wait3A_1136, %dma_wait3A_1137] : memref<1664x16xf32, #tpu.memory_space<vmem>> -> memref<128x16xf32, #tpu.memory_space<vmem>>
    %dma_wait3A_1139 = arith.constant 768 : i32
    %dma_wait3A_1140 = tpu.memref_slice %arg12[%dma_wait3A_1139] : memref<1664xi32, #tpu.memory_space<vmem>> -> memref<128xi32, #tpu.memory_space<vmem>>
    %dma_wait3A_1141 = arith.constant 0 : i32
    %dma_wait3A_1142 = arith.constant 0 : i32
    %dma_wait3A_1143 = tpu.memref_slice %arg6[%dma_wait3A_1141, %dma_wait3A_1142] : memref<2600000x16xf32, #tpu.memory_space<hbm>> -> memref<2600000x16xf32, #tpu.memory_space<hbm>>
    tpu.wait_indirect_dma semaphore(%arg14 : memref<!tpu.dma_semaphore, #tpu.memory_space<semaphore_mem>>) src(%dma_wait3A_1143 : memref<2600000x16xf32, #tpu.memory_space<hbm>>) dst(%dma_wait3A_1138 : memref<128x16xf32, #tpu.memory_space<vmem>>)
    %dma_wait3A_1144 = arith.constant 896 : i32
    %dma_wait3A_1145 = arith.constant 0 : i32
    %dma_wait3A_1146 = tpu.memref_slice %arg13[%dma_wait3A_1144, %dma_wait3A_1145] : memref<1664x16xf32, #tpu.memory_space<vmem>> -> memref<128x16xf32, #tpu.memory_space<vmem>>
    %dma_wait3A_1147 = arith.constant 896 : i32
    %dma_wait3A_1148 = tpu.memref_slice %arg12[%dma_wait3A_1147] : memref<1664xi32, #tpu.memory_space<vmem>> -> memref<128xi32, #tpu.memory_space<vmem>>
    %dma_wait3A_1149 = arith.constant 0 : i32
    %dma_wait3A_1150 = arith.constant 0 : i32
    %dma_wait3A_1151 = tpu.memref_slice %arg6[%dma_wait3A_1149, %dma_wait3A_1150] : memref<2600000x16xf32, #tpu.memory_space<hbm>> -> memref<2600000x16xf32, #tpu.memory_space<hbm>>
    tpu.wait_indirect_dma semaphore(%arg14 : memref<!tpu.dma_semaphore, #tpu.memory_space<semaphore_mem>>) src(%dma_wait3A_1151 : memref<2600000x16xf32, #tpu.memory_space<hbm>>) dst(%dma_wait3A_1146 : memref<128x16xf32, #tpu.memory_space<vmem>>)
    %dma_wait3A_1152 = arith.constant 1024 : i32
    %dma_wait3A_1153 = arith.constant 0 : i32
    %dma_wait3A_1154 = tpu.memref_slice %arg13[%dma_wait3A_1152, %dma_wait3A_1153] : memref<1664x16xf32, #tpu.memory_space<vmem>> -> memref<128x16xf32, #tpu.memory_space<vmem>>
    %dma_wait3A_1155 = arith.constant 1024 : i32
    %dma_wait3A_1156 = tpu.memref_slice %arg12[%dma_wait3A_1155] : memref<1664xi32, #tpu.memory_space<vmem>> -> memref<128xi32, #tpu.memory_space<vmem>>
    %dma_wait3A_1157 = arith.constant 0 : i32
    %dma_wait3A_1158 = arith.constant 0 : i32
    %dma_wait3A_1159 = tpu.memref_slice %arg6[%dma_wait3A_1157, %dma_wait3A_1158] : memref<2600000x16xf32, #tpu.memory_space<hbm>> -> memref<2600000x16xf32, #tpu.memory_space<hbm>>
    tpu.wait_indirect_dma semaphore(%arg14 : memref<!tpu.dma_semaphore, #tpu.memory_space<semaphore_mem>>) src(%dma_wait3A_1159 : memref<2600000x16xf32, #tpu.memory_space<hbm>>) dst(%dma_wait3A_1154 : memref<128x16xf32, #tpu.memory_space<vmem>>)
    %dma_wait3A_1160 = arith.constant 1152 : i32
    %dma_wait3A_1161 = arith.constant 0 : i32
    %dma_wait3A_1162 = tpu.memref_slice %arg13[%dma_wait3A_1160, %dma_wait3A_1161] : memref<1664x16xf32, #tpu.memory_space<vmem>> -> memref<128x16xf32, #tpu.memory_space<vmem>>
    %dma_wait3A_1163 = arith.constant 1152 : i32
    %dma_wait3A_1164 = tpu.memref_slice %arg12[%dma_wait3A_1163] : memref<1664xi32, #tpu.memory_space<vmem>> -> memref<128xi32, #tpu.memory_space<vmem>>
    %dma_wait3A_1165 = arith.constant 0 : i32
    %dma_wait3A_1166 = arith.constant 0 : i32
    %dma_wait3A_1167 = tpu.memref_slice %arg6[%dma_wait3A_1165, %dma_wait3A_1166] : memref<2600000x16xf32, #tpu.memory_space<hbm>> -> memref<2600000x16xf32, #tpu.memory_space<hbm>>
    tpu.wait_indirect_dma semaphore(%arg14 : memref<!tpu.dma_semaphore, #tpu.memory_space<semaphore_mem>>) src(%dma_wait3A_1167 : memref<2600000x16xf32, #tpu.memory_space<hbm>>) dst(%dma_wait3A_1162 : memref<128x16xf32, #tpu.memory_space<vmem>>)
    %dma_wait3A_1168 = arith.constant 1280 : i32
    %dma_wait3A_1169 = arith.constant 0 : i32
    %dma_wait3A_1170 = tpu.memref_slice %arg13[%dma_wait3A_1168, %dma_wait3A_1169] : memref<1664x16xf32, #tpu.memory_space<vmem>> -> memref<128x16xf32, #tpu.memory_space<vmem>>
    %dma_wait3A_1171 = arith.constant 1280 : i32
    %dma_wait3A_1172 = tpu.memref_slice %arg12[%dma_wait3A_1171] : memref<1664xi32, #tpu.memory_space<vmem>> -> memref<128xi32, #tpu.memory_space<vmem>>
    %dma_wait3A_1173 = arith.constant 0 : i32
    %dma_wait3A_1174 = arith.constant 0 : i32
    %dma_wait3A_1175 = tpu.memref_slice %arg6[%dma_wait3A_1173, %dma_wait3A_1174] : memref<2600000x16xf32, #tpu.memory_space<hbm>> -> memref<2600000x16xf32, #tpu.memory_space<hbm>>
    tpu.wait_indirect_dma semaphore(%arg14 : memref<!tpu.dma_semaphore, #tpu.memory_space<semaphore_mem>>) src(%dma_wait3A_1175 : memref<2600000x16xf32, #tpu.memory_space<hbm>>) dst(%dma_wait3A_1170 : memref<128x16xf32, #tpu.memory_space<vmem>>)
    %dma_wait3A_1176 = arith.constant 1408 : i32
    %dma_wait3A_1177 = arith.constant 0 : i32
    %dma_wait3A_1178 = tpu.memref_slice %arg13[%dma_wait3A_1176, %dma_wait3A_1177] : memref<1664x16xf32, #tpu.memory_space<vmem>> -> memref<128x16xf32, #tpu.memory_space<vmem>>
    %dma_wait3A_1179 = arith.constant 1408 : i32
    %dma_wait3A_1180 = tpu.memref_slice %arg12[%dma_wait3A_1179] : memref<1664xi32, #tpu.memory_space<vmem>> -> memref<128xi32, #tpu.memory_space<vmem>>
    %dma_wait3A_1181 = arith.constant 0 : i32
    %dma_wait3A_1182 = arith.constant 0 : i32
    %dma_wait3A_1183 = tpu.memref_slice %arg6[%dma_wait3A_1181, %dma_wait3A_1182] : memref<2600000x16xf32, #tpu.memory_space<hbm>> -> memref<2600000x16xf32, #tpu.memory_space<hbm>>
    tpu.wait_indirect_dma semaphore(%arg14 : memref<!tpu.dma_semaphore, #tpu.memory_space<semaphore_mem>>) src(%dma_wait3A_1183 : memref<2600000x16xf32, #tpu.memory_space<hbm>>) dst(%dma_wait3A_1178 : memref<128x16xf32, #tpu.memory_space<vmem>>)
    %dma_wait3A_1184 = arith.constant 1536 : i32
    %dma_wait3A_1185 = arith.constant 0 : i32
    %dma_wait3A_1186 = tpu.memref_slice %arg13[%dma_wait3A_1184, %dma_wait3A_1185] : memref<1664x16xf32, #tpu.memory_space<vmem>> -> memref<128x16xf32, #tpu.memory_space<vmem>>
    %dma_wait3A_1187 = arith.constant 1536 : i32
    %dma_wait3A_1188 = tpu.memref_slice %arg12[%dma_wait3A_1187] : memref<1664xi32, #tpu.memory_space<vmem>> -> memref<128xi32, #tpu.memory_space<vmem>>
    %dma_wait3A_1189 = arith.constant 0 : i32
    %dma_wait3A_1190 = arith.constant 0 : i32
    %dma_wait3A_1191 = tpu.memref_slice %arg6[%dma_wait3A_1189, %dma_wait3A_1190] : memref<2600000x16xf32, #tpu.memory_space<hbm>> -> memref<2600000x16xf32, #tpu.memory_space<hbm>>
    tpu.wait_indirect_dma semaphore(%arg14 : memref<!tpu.dma_semaphore, #tpu.memory_space<semaphore_mem>>) src(%dma_wait3A_1191 : memref<2600000x16xf32, #tpu.memory_space<hbm>>) dst(%dma_wait3A_1186 : memref<128x16xf32, #tpu.memory_space<vmem>>)
    "tpu.region"() ({
      %run_scoped3A = tpu.sem_alloc : memref<!tpu.dma_semaphore, #tpu.memory_space<semaphore_mem>>
      %dma_start3A_1912 = arith.constant 0 : i32
      %dma_start3A_1913 = tpu.memref_slice %arg7[%add3A_953, %dma_start3A_1912] : memref<425984x16xf32, #tpu.memory_space<hbm>> -> memref<1664x16xf32, #tpu.memory_space<hbm>>
      %dma_start3A_1914 = arith.constant 0 : i32
      %dma_start3A_1915 = tpu.memref_slice %arg7[%add3A_953, %dma_start3A_1914] : memref<425984x16xf32, #tpu.memory_space<hbm>> -> memref<1664x16xf32, #tpu.memory_space<hbm>>
      tpu.enqueue_dma source(%arg13 : memref<1664x16xf32, #tpu.memory_space<vmem>>) target(%dma_start3A_1915 : memref<1664x16xf32, #tpu.memory_space<hbm>>) target_semaphore(%run_scoped3A : memref<!tpu.dma_semaphore, #tpu.memory_space<semaphore_mem>>)
      %dma_wait3A_1916 = arith.constant 0 : i32
      %dma_wait3A_1917 = tpu.memref_slice %arg7[%add3A_953, %dma_wait3A_1916] : memref<425984x16xf32, #tpu.memory_space<hbm>> -> memref<1664x16xf32, #tpu.memory_space<hbm>>
      %dma_wait3A_1918 = arith.constant 0 : i32
      %dma_wait3A_1919 = tpu.memref_slice %arg7[%add3A_953, %dma_wait3A_1918] : memref<425984x16xf32, #tpu.memory_space<hbm>> -> memref<1664x16xf32, #tpu.memory_space<hbm>>
      tpu.wait_dma2 semaphore(%run_scoped3A : memref<!tpu.dma_semaphore, #tpu.memory_space<semaphore_mem>>) src(%arg13 : memref<1664x16xf32, #tpu.memory_space<vmem>>) dst(%dma_wait3A_1919 : memref<1664x16xf32, #tpu.memory_space<hbm>>)
      tpu.yield
    }) : () -> ()
    %add3A_1192 = arith.constant 8320 : i32
    %add3A_1193 = arith.addi %mul3A_2, %add3A_1192 : i32
    %jit3A_1194 = arith.constant 26 : i32
    %div3A_1195 = arith.divsi %add3A_1193, %jit3A_1194 : i32
    %sign3A_1196 = arith.constant 0 : i32
    %sign3A_1197 = arith.cmpi sgt, %add3A_1193, %sign3A_1196 : i32
    %sign3A_1198 = arith.extui %sign3A_1197 : i1 to i32
    %sign3A_1199 = arith.constant 0 : i32
    %sign3A_1200 = arith.cmpi slt, %add3A_1193, %sign3A_1199 : i32
    %sign3A_1201 = arith.extui %sign3A_1200 : i1 to i32
    %sign3A_1202 = arith.subi %sign3A_1198, %sign3A_1201 : i32
    %sign3A_1203 = arith.constant 0 : i32
    %sign3A_1204 = arith.cmpi sgt, %jit3A_1194, %sign3A_1203 : i32
    %sign3A_1205 = arith.extui %sign3A_1204 : i1 to i32
    %sign3A_1206 = arith.constant 0 : i32
    %sign3A_1207 = arith.cmpi slt, %jit3A_1194, %sign3A_1206 : i32
    %sign3A_1208 = arith.extui %sign3A_1207 : i1 to i32
    %sign3A_1209 = arith.subi %sign3A_1205, %sign3A_1208 : i32
    %ne3A_1210 = arith.cmpi ne, %sign3A_1202, %sign3A_1209 : i32
    %rem3A_1211 = arith.remsi %add3A_1193, %jit3A_1194 : i32
    %ne3A_1212 = arith.constant 0 : i32
    %ne3A_1213 = arith.cmpi ne, %rem3A_1211, %ne3A_1212 : i32
    %and3A_1214 = arith.andi %ne3A_1210, %ne3A_1213 : i1
    %sub3A_1215 = arith.constant 1 : i32
    %sub3A_1216 = arith.subi %div3A_1195, %sub3A_1215 : i32
    %select_n3A_1217 = arith.select %and3A_1214, %sub3A_1216, %div3A_1195 : i32
    "tpu.region"() ({
      %run_scoped3A = tpu.sem_alloc : memref<!tpu.dma_semaphore, #tpu.memory_space<semaphore_mem>>
      %dma_start3A_1912 = arith.constant 0 : i32
      %dma_start3A_1913 = tpu.memref_slice %arg2[%select_n3A_1217, %dma_start3A_1912] : memref<16384x26xi32, #tpu.memory_space<hbm>> -> memref<64x26xi32, #tpu.memory_space<hbm>>
      %dma_start3A_1914 = arith.constant 0 : i32
      %dma_start3A_1915 = tpu.memref_slice %arg2[%select_n3A_1217, %dma_start3A_1914] : memref<16384x26xi32, #tpu.memory_space<hbm>> -> memref<64x26xi32, #tpu.memory_space<hbm>>
      tpu.enqueue_dma source(%dma_start3A_1915 : memref<64x26xi32, #tpu.memory_space<hbm>>) target(%arg8 : memref<64x26xi32, #tpu.memory_space<vmem>>) target_semaphore(%run_scoped3A : memref<!tpu.dma_semaphore, #tpu.memory_space<semaphore_mem>>)
      %dma_wait3A_1916 = arith.constant 0 : i32
      %dma_wait3A_1917 = tpu.memref_slice %arg2[%select_n3A_1217, %dma_wait3A_1916] : memref<16384x26xi32, #tpu.memory_space<hbm>> -> memref<64x26xi32, #tpu.memory_space<hbm>>
      %dma_wait3A_1918 = arith.constant 0 : i32
      %dma_wait3A_1919 = tpu.memref_slice %arg2[%select_n3A_1217, %dma_wait3A_1918] : memref<16384x26xi32, #tpu.memory_space<hbm>> -> memref<64x26xi32, #tpu.memory_space<hbm>>
      tpu.wait_dma2 semaphore(%run_scoped3A : memref<!tpu.dma_semaphore, #tpu.memory_space<semaphore_mem>>) src(%dma_wait3A_1919 : memref<64x26xi32, #tpu.memory_space<hbm>>) dst(%arg8 : memref<64x26xi32, #tpu.memory_space<vmem>>)
      tpu.yield
    }) : () -> ()
    %scan3A_1218 = arith.constant 0 : i32
    %scan3A_1219 = arith.constant 0 : i32
    %scan3A_1220 = arith.constant 104 : i32
    %scan3A_1221 = arith.addi %scan3A_1219, %scan3A_1220 : i32
    %scan3A_1222 = arith.constant 1 : i32
    scf.for %scan3A_1912 = %scan3A_1219 to %scan3A_1221 step %scan3A_1222  : i32 {
      %mul3A_1913 = arith.constant 16 : i32
      %mul3A_1914 = arith.muli %scan3A_1912, %mul3A_1913 : i32
      %get3A = arith.index_cast %mul3A_1914 : i32 to index
      %get3A_1915 = tpu.vector_load %arg9[%get3A] {strides = array<i32>} : memref<1664xi32, #tpu.memory_space<vmem>>, vector<16xi32>,
      %get3A_1916 = arith.index_cast %mul3A_1914 : i32 to index
      %get3A_1917 = tpu.vector_load %arg10[%get3A_1916] {strides = array<i32>} : memref<1664xi32, #tpu.memory_space<vmem>>, vector<16xi32>,
      %gather3A = tpu.vector_load_idx %arg8[%get3A_1915, %get3A_1917] : memref<64x26xi32, #tpu.memory_space<vmem>>[vector<16xi32>, vector<16xi32>], vector<16xi32>,
      %get3A_1918 = arith.index_cast %mul3A_1914 : i32 to index
      %get3A_1919 = tpu.vector_load %arg11[%get3A_1918] {strides = array<i32>} : memref<1664xi32, #tpu.memory_space<vmem>>, vector<16xi32>,
      %add3A_1920 = arith.addi %gather3A, %get3A_1919 : vector<16xi32>
      %swap3A = arith.index_cast %mul3A_1914 : i32 to index
      %swap3A_1921 = tpu.vector_load %arg12[%swap3A] {strides = array<i32>} : memref<1664xi32, #tpu.memory_space<vmem>>, vector<16xi32>,
      tpu.vector_store %arg12[%swap3A], %add3A_1920 {strides = array<i32>} : memref<1664xi32, #tpu.memory_space<vmem>>, vector<16xi32>,
    }
    %scan3A_1223 = arith.constant 104 : i32
    %dma_start3A_1224 = arith.constant 0 : i32
    %dma_start3A_1225 = arith.constant 0 : i32
    %dma_start3A_1226 = tpu.memref_slice %arg13[%dma_start3A_1224, %dma_start3A_1225] : memref<1664x16xf32, #tpu.memory_space<vmem>> -> memref<128x16xf32, #tpu.memory_space<vmem>>
    %dma_start3A_1227 = arith.constant 0 : i32
    %dma_start3A_1228 = tpu.memref_slice %arg12[%dma_start3A_1227] : memref<1664xi32, #tpu.memory_space<vmem>> -> memref<128xi32, #tpu.memory_space<vmem>>
    %dma_start3A_1229 = arith.constant 0 : i32
    %dma_start3A_1230 = arith.constant 0 : i32
    %dma_start3A_1231 = tpu.memref_slice %arg6[%dma_start3A_1229, %dma_start3A_1230] : memref<2600000x16xf32, #tpu.memory_space<hbm>> -> memref<2600000x16xf32, #tpu.memory_space<hbm>>
    tpu.enqueue_indirect_dma source(%dma_start3A_1231 : memref<2600000x16xf32, #tpu.memory_space<hbm>>) target(%dma_start3A_1226 : memref<128x16xf32, #tpu.memory_space<vmem>>) offsets(%dma_start3A_1228 : memref<128xi32, #tpu.memory_space<vmem>>) semaphore(%arg14 : memref<!tpu.dma_semaphore, #tpu.memory_space<semaphore_mem>>)
    %dma_start3A_1232 = arith.constant 128 : i32
    %dma_start3A_1233 = arith.constant 0 : i32
    %dma_start3A_1234 = tpu.memref_slice %arg13[%dma_start3A_1232, %dma_start3A_1233] : memref<1664x16xf32, #tpu.memory_space<vmem>> -> memref<128x16xf32, #tpu.memory_space<vmem>>
    %dma_start3A_1235 = arith.constant 128 : i32
    %dma_start3A_1236 = tpu.memref_slice %arg12[%dma_start3A_1235] : memref<1664xi32, #tpu.memory_space<vmem>> -> memref<128xi32, #tpu.memory_space<vmem>>
    %dma_start3A_1237 = arith.constant 0 : i32
    %dma_start3A_1238 = arith.constant 0 : i32
    %dma_start3A_1239 = tpu.memref_slice %arg6[%dma_start3A_1237, %dma_start3A_1238] : memref<2600000x16xf32, #tpu.memory_space<hbm>> -> memref<2600000x16xf32, #tpu.memory_space<hbm>>
    tpu.enqueue_indirect_dma source(%dma_start3A_1239 : memref<2600000x16xf32, #tpu.memory_space<hbm>>) target(%dma_start3A_1234 : memref<128x16xf32, #tpu.memory_space<vmem>>) offsets(%dma_start3A_1236 : memref<128xi32, #tpu.memory_space<vmem>>) semaphore(%arg14 : memref<!tpu.dma_semaphore, #tpu.memory_space<semaphore_mem>>)
    %dma_start3A_1240 = arith.constant 256 : i32
    %dma_start3A_1241 = arith.constant 0 : i32
    %dma_start3A_1242 = tpu.memref_slice %arg13[%dma_start3A_1240, %dma_start3A_1241] : memref<1664x16xf32, #tpu.memory_space<vmem>> -> memref<128x16xf32, #tpu.memory_space<vmem>>
    %dma_start3A_1243 = arith.constant 256 : i32
    %dma_start3A_1244 = tpu.memref_slice %arg12[%dma_start3A_1243] : memref<1664xi32, #tpu.memory_space<vmem>> -> memref<128xi32, #tpu.memory_space<vmem>>
    %dma_start3A_1245 = arith.constant 0 : i32
    %dma_start3A_1246 = arith.constant 0 : i32
    %dma_start3A_1247 = tpu.memref_slice %arg6[%dma_start3A_1245, %dma_start3A_1246] : memref<2600000x16xf32, #tpu.memory_space<hbm>> -> memref<2600000x16xf32, #tpu.memory_space<hbm>>
    tpu.enqueue_indirect_dma source(%dma_start3A_1247 : memref<2600000x16xf32, #tpu.memory_space<hbm>>) target(%dma_start3A_1242 : memref<128x16xf32, #tpu.memory_space<vmem>>) offsets(%dma_start3A_1244 : memref<128xi32, #tpu.memory_space<vmem>>) semaphore(%arg14 : memref<!tpu.dma_semaphore, #tpu.memory_space<semaphore_mem>>)
    %dma_start3A_1248 = arith.constant 384 : i32
    %dma_start3A_1249 = arith.constant 0 : i32
    %dma_start3A_1250 = tpu.memref_slice %arg13[%dma_start3A_1248, %dma_start3A_1249] : memref<1664x16xf32, #tpu.memory_space<vmem>> -> memref<128x16xf32, #tpu.memory_space<vmem>>
    %dma_start3A_1251 = arith.constant 384 : i32
    %dma_start3A_1252 = tpu.memref_slice %arg12[%dma_start3A_1251] : memref<1664xi32, #tpu.memory_space<vmem>> -> memref<128xi32, #tpu.memory_space<vmem>>
    %dma_start3A_1253 = arith.constant 0 : i32
    %dma_start3A_1254 = arith.constant 0 : i32
    %dma_start3A_1255 = tpu.memref_slice %arg6[%dma_start3A_1253, %dma_start3A_1254] : memref<2600000x16xf32, #tpu.memory_space<hbm>> -> memref<2600000x16xf32, #tpu.memory_space<hbm>>
    tpu.enqueue_indirect_dma source(%dma_start3A_1255 : memref<2600000x16xf32, #tpu.memory_space<hbm>>) target(%dma_start3A_1250 : memref<128x16xf32, #tpu.memory_space<vmem>>) offsets(%dma_start3A_1252 : memref<128xi32, #tpu.memory_space<vmem>>) semaphore(%arg14 : memref<!tpu.dma_semaphore, #tpu.memory_space<semaphore_mem>>)
    %dma_start3A_1256 = arith.constant 512 : i32
    %dma_start3A_1257 = arith.constant 0 : i32
    %dma_start3A_1258 = tpu.memref_slice %arg13[%dma_start3A_1256, %dma_start3A_1257] : memref<1664x16xf32, #tpu.memory_space<vmem>> -> memref<128x16xf32, #tpu.memory_space<vmem>>
    %dma_start3A_1259 = arith.constant 512 : i32
    %dma_start3A_1260 = tpu.memref_slice %arg12[%dma_start3A_1259] : memref<1664xi32, #tpu.memory_space<vmem>> -> memref<128xi32, #tpu.memory_space<vmem>>
    %dma_start3A_1261 = arith.constant 0 : i32
    %dma_start3A_1262 = arith.constant 0 : i32
    %dma_start3A_1263 = tpu.memref_slice %arg6[%dma_start3A_1261, %dma_start3A_1262] : memref<2600000x16xf32, #tpu.memory_space<hbm>> -> memref<2600000x16xf32, #tpu.memory_space<hbm>>
    tpu.enqueue_indirect_dma source(%dma_start3A_1263 : memref<2600000x16xf32, #tpu.memory_space<hbm>>) target(%dma_start3A_1258 : memref<128x16xf32, #tpu.memory_space<vmem>>) offsets(%dma_start3A_1260 : memref<128xi32, #tpu.memory_space<vmem>>) semaphore(%arg14 : memref<!tpu.dma_semaphore, #tpu.memory_space<semaphore_mem>>)
    %dma_start3A_1264 = arith.constant 640 : i32
    %dma_start3A_1265 = arith.constant 0 : i32
    %dma_start3A_1266 = tpu.memref_slice %arg13[%dma_start3A_1264, %dma_start3A_1265] : memref<1664x16xf32, #tpu.memory_space<vmem>> -> memref<128x16xf32, #tpu.memory_space<vmem>>
    %dma_start3A_1267 = arith.constant 640 : i32
    %dma_start3A_1268 = tpu.memref_slice %arg12[%dma_start3A_1267] : memref<1664xi32, #tpu.memory_space<vmem>> -> memref<128xi32, #tpu.memory_space<vmem>>
    %dma_start3A_1269 = arith.constant 0 : i32
    %dma_start3A_1270 = arith.constant 0 : i32
    %dma_start3A_1271 = tpu.memref_slice %arg6[%dma_start3A_1269, %dma_start3A_1270] : memref<2600000x16xf32, #tpu.memory_space<hbm>> -> memref<2600000x16xf32, #tpu.memory_space<hbm>>
    tpu.enqueue_indirect_dma source(%dma_start3A_1271 : memref<2600000x16xf32, #tpu.memory_space<hbm>>) target(%dma_start3A_1266 : memref<128x16xf32, #tpu.memory_space<vmem>>) offsets(%dma_start3A_1268 : memref<128xi32, #tpu.memory_space<vmem>>) semaphore(%arg14 : memref<!tpu.dma_semaphore, #tpu.memory_space<semaphore_mem>>)
    %dma_start3A_1272 = arith.constant 768 : i32
    %dma_start3A_1273 = arith.constant 0 : i32
    %dma_start3A_1274 = tpu.memref_slice %arg13[%dma_start3A_1272, %dma_start3A_1273] : memref<1664x16xf32, #tpu.memory_space<vmem>> -> memref<128x16xf32, #tpu.memory_space<vmem>>
    %dma_start3A_1275 = arith.constant 768 : i32
    %dma_start3A_1276 = tpu.memref_slice %arg12[%dma_start3A_1275] : memref<1664xi32, #tpu.memory_space<vmem>> -> memref<128xi32, #tpu.memory_space<vmem>>
    %dma_start3A_1277 = arith.constant 0 : i32
    %dma_start3A_1278 = arith.constant 0 : i32
    %dma_start3A_1279 = tpu.memref_slice %arg6[%dma_start3A_1277, %dma_start3A_1278] : memref<2600000x16xf32, #tpu.memory_space<hbm>> -> memref<2600000x16xf32, #tpu.memory_space<hbm>>
    tpu.enqueue_indirect_dma source(%dma_start3A_1279 : memref<2600000x16xf32, #tpu.memory_space<hbm>>) target(%dma_start3A_1274 : memref<128x16xf32, #tpu.memory_space<vmem>>) offsets(%dma_start3A_1276 : memref<128xi32, #tpu.memory_space<vmem>>) semaphore(%arg14 : memref<!tpu.dma_semaphore, #tpu.memory_space<semaphore_mem>>)
    %dma_start3A_1280 = arith.constant 896 : i32
    %dma_start3A_1281 = arith.constant 0 : i32
    %dma_start3A_1282 = tpu.memref_slice %arg13[%dma_start3A_1280, %dma_start3A_1281] : memref<1664x16xf32, #tpu.memory_space<vmem>> -> memref<128x16xf32, #tpu.memory_space<vmem>>
    %dma_start3A_1283 = arith.constant 896 : i32
    %dma_start3A_1284 = tpu.memref_slice %arg12[%dma_start3A_1283] : memref<1664xi32, #tpu.memory_space<vmem>> -> memref<128xi32, #tpu.memory_space<vmem>>
    %dma_start3A_1285 = arith.constant 0 : i32
    %dma_start3A_1286 = arith.constant 0 : i32
    %dma_start3A_1287 = tpu.memref_slice %arg6[%dma_start3A_1285, %dma_start3A_1286] : memref<2600000x16xf32, #tpu.memory_space<hbm>> -> memref<2600000x16xf32, #tpu.memory_space<hbm>>
    tpu.enqueue_indirect_dma source(%dma_start3A_1287 : memref<2600000x16xf32, #tpu.memory_space<hbm>>) target(%dma_start3A_1282 : memref<128x16xf32, #tpu.memory_space<vmem>>) offsets(%dma_start3A_1284 : memref<128xi32, #tpu.memory_space<vmem>>) semaphore(%arg14 : memref<!tpu.dma_semaphore, #tpu.memory_space<semaphore_mem>>)
    %dma_start3A_1288 = arith.constant 1024 : i32
    %dma_start3A_1289 = arith.constant 0 : i32
    %dma_start3A_1290 = tpu.memref_slice %arg13[%dma_start3A_1288, %dma_start3A_1289] : memref<1664x16xf32, #tpu.memory_space<vmem>> -> memref<128x16xf32, #tpu.memory_space<vmem>>
    %dma_start3A_1291 = arith.constant 1024 : i32
    %dma_start3A_1292 = tpu.memref_slice %arg12[%dma_start3A_1291] : memref<1664xi32, #tpu.memory_space<vmem>> -> memref<128xi32, #tpu.memory_space<vmem>>
    %dma_start3A_1293 = arith.constant 0 : i32
    %dma_start3A_1294 = arith.constant 0 : i32
    %dma_start3A_1295 = tpu.memref_slice %arg6[%dma_start3A_1293, %dma_start3A_1294] : memref<2600000x16xf32, #tpu.memory_space<hbm>> -> memref<2600000x16xf32, #tpu.memory_space<hbm>>
    tpu.enqueue_indirect_dma source(%dma_start3A_1295 : memref<2600000x16xf32, #tpu.memory_space<hbm>>) target(%dma_start3A_1290 : memref<128x16xf32, #tpu.memory_space<vmem>>) offsets(%dma_start3A_1292 : memref<128xi32, #tpu.memory_space<vmem>>) semaphore(%arg14 : memref<!tpu.dma_semaphore, #tpu.memory_space<semaphore_mem>>)
    %dma_start3A_1296 = arith.constant 1152 : i32
    %dma_start3A_1297 = arith.constant 0 : i32
    %dma_start3A_1298 = tpu.memref_slice %arg13[%dma_start3A_1296, %dma_start3A_1297] : memref<1664x16xf32, #tpu.memory_space<vmem>> -> memref<128x16xf32, #tpu.memory_space<vmem>>
    %dma_start3A_1299 = arith.constant 1152 : i32
    %dma_start3A_1300 = tpu.memref_slice %arg12[%dma_start3A_1299] : memref<1664xi32, #tpu.memory_space<vmem>> -> memref<128xi32, #tpu.memory_space<vmem>>
    %dma_start3A_1301 = arith.constant 0 : i32
    %dma_start3A_1302 = arith.constant 0 : i32
    %dma_start3A_1303 = tpu.memref_slice %arg6[%dma_start3A_1301, %dma_start3A_1302] : memref<2600000x16xf32, #tpu.memory_space<hbm>> -> memref<2600000x16xf32, #tpu.memory_space<hbm>>
    tpu.enqueue_indirect_dma source(%dma_start3A_1303 : memref<2600000x16xf32, #tpu.memory_space<hbm>>) target(%dma_start3A_1298 : memref<128x16xf32, #tpu.memory_space<vmem>>) offsets(%dma_start3A_1300 : memref<128xi32, #tpu.memory_space<vmem>>) semaphore(%arg14 : memref<!tpu.dma_semaphore, #tpu.memory_space<semaphore_mem>>)
    %dma_start3A_1304 = arith.constant 1280 : i32
    %dma_start3A_1305 = arith.constant 0 : i32
    %dma_start3A_1306 = tpu.memref_slice %arg13[%dma_start3A_1304, %dma_start3A_1305] : memref<1664x16xf32, #tpu.memory_space<vmem>> -> memref<128x16xf32, #tpu.memory_space<vmem>>
    %dma_start3A_1307 = arith.constant 1280 : i32
    %dma_start3A_1308 = tpu.memref_slice %arg12[%dma_start3A_1307] : memref<1664xi32, #tpu.memory_space<vmem>> -> memref<128xi32, #tpu.memory_space<vmem>>
    %dma_start3A_1309 = arith.constant 0 : i32
    %dma_start3A_1310 = arith.constant 0 : i32
    %dma_start3A_1311 = tpu.memref_slice %arg6[%dma_start3A_1309, %dma_start3A_1310] : memref<2600000x16xf32, #tpu.memory_space<hbm>> -> memref<2600000x16xf32, #tpu.memory_space<hbm>>
    tpu.enqueue_indirect_dma source(%dma_start3A_1311 : memref<2600000x16xf32, #tpu.memory_space<hbm>>) target(%dma_start3A_1306 : memref<128x16xf32, #tpu.memory_space<vmem>>) offsets(%dma_start3A_1308 : memref<128xi32, #tpu.memory_space<vmem>>) semaphore(%arg14 : memref<!tpu.dma_semaphore, #tpu.memory_space<semaphore_mem>>)
    %dma_start3A_1312 = arith.constant 1408 : i32
    %dma_start3A_1313 = arith.constant 0 : i32
    %dma_start3A_1314 = tpu.memref_slice %arg13[%dma_start3A_1312, %dma_start3A_1313] : memref<1664x16xf32, #tpu.memory_space<vmem>> -> memref<128x16xf32, #tpu.memory_space<vmem>>
    %dma_start3A_1315 = arith.constant 1408 : i32
    %dma_start3A_1316 = tpu.memref_slice %arg12[%dma_start3A_1315] : memref<1664xi32, #tpu.memory_space<vmem>> -> memref<128xi32, #tpu.memory_space<vmem>>
    %dma_start3A_1317 = arith.constant 0 : i32
    %dma_start3A_1318 = arith.constant 0 : i32
    %dma_start3A_1319 = tpu.memref_slice %arg6[%dma_start3A_1317, %dma_start3A_1318] : memref<2600000x16xf32, #tpu.memory_space<hbm>> -> memref<2600000x16xf32, #tpu.memory_space<hbm>>
    tpu.enqueue_indirect_dma source(%dma_start3A_1319 : memref<2600000x16xf32, #tpu.memory_space<hbm>>) target(%dma_start3A_1314 : memref<128x16xf32, #tpu.memory_space<vmem>>) offsets(%dma_start3A_1316 : memref<128xi32, #tpu.memory_space<vmem>>) semaphore(%arg14 : memref<!tpu.dma_semaphore, #tpu.memory_space<semaphore_mem>>)
    %dma_start3A_1320 = arith.constant 1536 : i32
    %dma_start3A_1321 = arith.constant 0 : i32
    %dma_start3A_1322 = tpu.memref_slice %arg13[%dma_start3A_1320, %dma_start3A_1321] : memref<1664x16xf32, #tpu.memory_space<vmem>> -> memref<128x16xf32, #tpu.memory_space<vmem>>
    %dma_start3A_1323 = arith.constant 1536 : i32
    %dma_start3A_1324 = tpu.memref_slice %arg12[%dma_start3A_1323] : memref<1664xi32, #tpu.memory_space<vmem>> -> memref<128xi32, #tpu.memory_space<vmem>>
    %dma_start3A_1325 = arith.constant 0 : i32
    %dma_start3A_1326 = arith.constant 0 : i32
    %dma_start3A_1327 = tpu.memref_slice %arg6[%dma_start3A_1325, %dma_start3A_1326] : memref<2600000x16xf32, #tpu.memory_space<hbm>> -> memref<2600000x16xf32, #tpu.memory_space<hbm>>
    tpu.enqueue_indirect_dma source(%dma_start3A_1327 : memref<2600000x16xf32, #tpu.memory_space<hbm>>) target(%dma_start3A_1322 : memref<128x16xf32, #tpu.memory_space<vmem>>) offsets(%dma_start3A_1324 : memref<128xi32, #tpu.memory_space<vmem>>) semaphore(%arg14 : memref<!tpu.dma_semaphore, #tpu.memory_space<semaphore_mem>>)
    %dma_wait3A_1328 = arith.constant 0 : i32
    %dma_wait3A_1329 = arith.constant 0 : i32
    %dma_wait3A_1330 = tpu.memref_slice %arg13[%dma_wait3A_1328, %dma_wait3A_1329] : memref<1664x16xf32, #tpu.memory_space<vmem>> -> memref<128x16xf32, #tpu.memory_space<vmem>>
    %dma_wait3A_1331 = arith.constant 0 : i32
    %dma_wait3A_1332 = tpu.memref_slice %arg12[%dma_wait3A_1331] : memref<1664xi32, #tpu.memory_space<vmem>> -> memref<128xi32, #tpu.memory_space<vmem>>
    %dma_wait3A_1333 = arith.constant 0 : i32
    %dma_wait3A_1334 = arith.constant 0 : i32
    %dma_wait3A_1335 = tpu.memref_slice %arg6[%dma_wait3A_1333, %dma_wait3A_1334] : memref<2600000x16xf32, #tpu.memory_space<hbm>> -> memref<2600000x16xf32, #tpu.memory_space<hbm>>
    tpu.wait_indirect_dma semaphore(%arg14 : memref<!tpu.dma_semaphore, #tpu.memory_space<semaphore_mem>>) src(%dma_wait3A_1335 : memref<2600000x16xf32, #tpu.memory_space<hbm>>) dst(%dma_wait3A_1330 : memref<128x16xf32, #tpu.memory_space<vmem>>)
    %dma_wait3A_1336 = arith.constant 128 : i32
    %dma_wait3A_1337 = arith.constant 0 : i32
    %dma_wait3A_1338 = tpu.memref_slice %arg13[%dma_wait3A_1336, %dma_wait3A_1337] : memref<1664x16xf32, #tpu.memory_space<vmem>> -> memref<128x16xf32, #tpu.memory_space<vmem>>
    %dma_wait3A_1339 = arith.constant 128 : i32
    %dma_wait3A_1340 = tpu.memref_slice %arg12[%dma_wait3A_1339] : memref<1664xi32, #tpu.memory_space<vmem>> -> memref<128xi32, #tpu.memory_space<vmem>>
    %dma_wait3A_1341 = arith.constant 0 : i32
    %dma_wait3A_1342 = arith.constant 0 : i32
    %dma_wait3A_1343 = tpu.memref_slice %arg6[%dma_wait3A_1341, %dma_wait3A_1342] : memref<2600000x16xf32, #tpu.memory_space<hbm>> -> memref<2600000x16xf32, #tpu.memory_space<hbm>>
    tpu.wait_indirect_dma semaphore(%arg14 : memref<!tpu.dma_semaphore, #tpu.memory_space<semaphore_mem>>) src(%dma_wait3A_1343 : memref<2600000x16xf32, #tpu.memory_space<hbm>>) dst(%dma_wait3A_1338 : memref<128x16xf32, #tpu.memory_space<vmem>>)
    %dma_wait3A_1344 = arith.constant 256 : i32
    %dma_wait3A_1345 = arith.constant 0 : i32
    %dma_wait3A_1346 = tpu.memref_slice %arg13[%dma_wait3A_1344, %dma_wait3A_1345] : memref<1664x16xf32, #tpu.memory_space<vmem>> -> memref<128x16xf32, #tpu.memory_space<vmem>>
    %dma_wait3A_1347 = arith.constant 256 : i32
    %dma_wait3A_1348 = tpu.memref_slice %arg12[%dma_wait3A_1347] : memref<1664xi32, #tpu.memory_space<vmem>> -> memref<128xi32, #tpu.memory_space<vmem>>
    %dma_wait3A_1349 = arith.constant 0 : i32
    %dma_wait3A_1350 = arith.constant 0 : i32
    %dma_wait3A_1351 = tpu.memref_slice %arg6[%dma_wait3A_1349, %dma_wait3A_1350] : memref<2600000x16xf32, #tpu.memory_space<hbm>> -> memref<2600000x16xf32, #tpu.memory_space<hbm>>
    tpu.wait_indirect_dma semaphore(%arg14 : memref<!tpu.dma_semaphore, #tpu.memory_space<semaphore_mem>>) src(%dma_wait3A_1351 : memref<2600000x16xf32, #tpu.memory_space<hbm>>) dst(%dma_wait3A_1346 : memref<128x16xf32, #tpu.memory_space<vmem>>)
    %dma_wait3A_1352 = arith.constant 384 : i32
    %dma_wait3A_1353 = arith.constant 0 : i32
    %dma_wait3A_1354 = tpu.memref_slice %arg13[%dma_wait3A_1352, %dma_wait3A_1353] : memref<1664x16xf32, #tpu.memory_space<vmem>> -> memref<128x16xf32, #tpu.memory_space<vmem>>
    %dma_wait3A_1355 = arith.constant 384 : i32
    %dma_wait3A_1356 = tpu.memref_slice %arg12[%dma_wait3A_1355] : memref<1664xi32, #tpu.memory_space<vmem>> -> memref<128xi32, #tpu.memory_space<vmem>>
    %dma_wait3A_1357 = arith.constant 0 : i32
    %dma_wait3A_1358 = arith.constant 0 : i32
    %dma_wait3A_1359 = tpu.memref_slice %arg6[%dma_wait3A_1357, %dma_wait3A_1358] : memref<2600000x16xf32, #tpu.memory_space<hbm>> -> memref<2600000x16xf32, #tpu.memory_space<hbm>>
    tpu.wait_indirect_dma semaphore(%arg14 : memref<!tpu.dma_semaphore, #tpu.memory_space<semaphore_mem>>) src(%dma_wait3A_1359 : memref<2600000x16xf32, #tpu.memory_space<hbm>>) dst(%dma_wait3A_1354 : memref<128x16xf32, #tpu.memory_space<vmem>>)
    %dma_wait3A_1360 = arith.constant 512 : i32
    %dma_wait3A_1361 = arith.constant 0 : i32
    %dma_wait3A_1362 = tpu.memref_slice %arg13[%dma_wait3A_1360, %dma_wait3A_1361] : memref<1664x16xf32, #tpu.memory_space<vmem>> -> memref<128x16xf32, #tpu.memory_space<vmem>>
    %dma_wait3A_1363 = arith.constant 512 : i32
    %dma_wait3A_1364 = tpu.memref_slice %arg12[%dma_wait3A_1363] : memref<1664xi32, #tpu.memory_space<vmem>> -> memref<128xi32, #tpu.memory_space<vmem>>
    %dma_wait3A_1365 = arith.constant 0 : i32
    %dma_wait3A_1366 = arith.constant 0 : i32
    %dma_wait3A_1367 = tpu.memref_slice %arg6[%dma_wait3A_1365, %dma_wait3A_1366] : memref<2600000x16xf32, #tpu.memory_space<hbm>> -> memref<2600000x16xf32, #tpu.memory_space<hbm>>
    tpu.wait_indirect_dma semaphore(%arg14 : memref<!tpu.dma_semaphore, #tpu.memory_space<semaphore_mem>>) src(%dma_wait3A_1367 : memref<2600000x16xf32, #tpu.memory_space<hbm>>) dst(%dma_wait3A_1362 : memref<128x16xf32, #tpu.memory_space<vmem>>)
    %dma_wait3A_1368 = arith.constant 640 : i32
    %dma_wait3A_1369 = arith.constant 0 : i32
    %dma_wait3A_1370 = tpu.memref_slice %arg13[%dma_wait3A_1368, %dma_wait3A_1369] : memref<1664x16xf32, #tpu.memory_space<vmem>> -> memref<128x16xf32, #tpu.memory_space<vmem>>
    %dma_wait3A_1371 = arith.constant 640 : i32
    %dma_wait3A_1372 = tpu.memref_slice %arg12[%dma_wait3A_1371] : memref<1664xi32, #tpu.memory_space<vmem>> -> memref<128xi32, #tpu.memory_space<vmem>>
    %dma_wait3A_1373 = arith.constant 0 : i32
    %dma_wait3A_1374 = arith.constant 0 : i32
    %dma_wait3A_1375 = tpu.memref_slice %arg6[%dma_wait3A_1373, %dma_wait3A_1374] : memref<2600000x16xf32, #tpu.memory_space<hbm>> -> memref<2600000x16xf32, #tpu.memory_space<hbm>>
    tpu.wait_indirect_dma semaphore(%arg14 : memref<!tpu.dma_semaphore, #tpu.memory_space<semaphore_mem>>) src(%dma_wait3A_1375 : memref<2600000x16xf32, #tpu.memory_space<hbm>>) dst(%dma_wait3A_1370 : memref<128x16xf32, #tpu.memory_space<vmem>>)
    %dma_wait3A_1376 = arith.constant 768 : i32
    %dma_wait3A_1377 = arith.constant 0 : i32
    %dma_wait3A_1378 = tpu.memref_slice %arg13[%dma_wait3A_1376, %dma_wait3A_1377] : memref<1664x16xf32, #tpu.memory_space<vmem>> -> memref<128x16xf32, #tpu.memory_space<vmem>>
    %dma_wait3A_1379 = arith.constant 768 : i32
    %dma_wait3A_1380 = tpu.memref_slice %arg12[%dma_wait3A_1379] : memref<1664xi32, #tpu.memory_space<vmem>> -> memref<128xi32, #tpu.memory_space<vmem>>
    %dma_wait3A_1381 = arith.constant 0 : i32
    %dma_wait3A_1382 = arith.constant 0 : i32
    %dma_wait3A_1383 = tpu.memref_slice %arg6[%dma_wait3A_1381, %dma_wait3A_1382] : memref<2600000x16xf32, #tpu.memory_space<hbm>> -> memref<2600000x16xf32, #tpu.memory_space<hbm>>
    tpu.wait_indirect_dma semaphore(%arg14 : memref<!tpu.dma_semaphore, #tpu.memory_space<semaphore_mem>>) src(%dma_wait3A_1383 : memref<2600000x16xf32, #tpu.memory_space<hbm>>) dst(%dma_wait3A_1378 : memref<128x16xf32, #tpu.memory_space<vmem>>)
    %dma_wait3A_1384 = arith.constant 896 : i32
    %dma_wait3A_1385 = arith.constant 0 : i32
    %dma_wait3A_1386 = tpu.memref_slice %arg13[%dma_wait3A_1384, %dma_wait3A_1385] : memref<1664x16xf32, #tpu.memory_space<vmem>> -> memref<128x16xf32, #tpu.memory_space<vmem>>
    %dma_wait3A_1387 = arith.constant 896 : i32
    %dma_wait3A_1388 = tpu.memref_slice %arg12[%dma_wait3A_1387] : memref<1664xi32, #tpu.memory_space<vmem>> -> memref<128xi32, #tpu.memory_space<vmem>>
    %dma_wait3A_1389 = arith.constant 0 : i32
    %dma_wait3A_1390 = arith.constant 0 : i32
    %dma_wait3A_1391 = tpu.memref_slice %arg6[%dma_wait3A_1389, %dma_wait3A_1390] : memref<2600000x16xf32, #tpu.memory_space<hbm>> -> memref<2600000x16xf32, #tpu.memory_space<hbm>>
    tpu.wait_indirect_dma semaphore(%arg14 : memref<!tpu.dma_semaphore, #tpu.memory_space<semaphore_mem>>) src(%dma_wait3A_1391 : memref<2600000x16xf32, #tpu.memory_space<hbm>>) dst(%dma_wait3A_1386 : memref<128x16xf32, #tpu.memory_space<vmem>>)
    %dma_wait3A_1392 = arith.constant 1024 : i32
    %dma_wait3A_1393 = arith.constant 0 : i32
    %dma_wait3A_1394 = tpu.memref_slice %arg13[%dma_wait3A_1392, %dma_wait3A_1393] : memref<1664x16xf32, #tpu.memory_space<vmem>> -> memref<128x16xf32, #tpu.memory_space<vmem>>
    %dma_wait3A_1395 = arith.constant 1024 : i32
    %dma_wait3A_1396 = tpu.memref_slice %arg12[%dma_wait3A_1395] : memref<1664xi32, #tpu.memory_space<vmem>> -> memref<128xi32, #tpu.memory_space<vmem>>
    %dma_wait3A_1397 = arith.constant 0 : i32
    %dma_wait3A_1398 = arith.constant 0 : i32
    %dma_wait3A_1399 = tpu.memref_slice %arg6[%dma_wait3A_1397, %dma_wait3A_1398] : memref<2600000x16xf32, #tpu.memory_space<hbm>> -> memref<2600000x16xf32, #tpu.memory_space<hbm>>
    tpu.wait_indirect_dma semaphore(%arg14 : memref<!tpu.dma_semaphore, #tpu.memory_space<semaphore_mem>>) src(%dma_wait3A_1399 : memref<2600000x16xf32, #tpu.memory_space<hbm>>) dst(%dma_wait3A_1394 : memref<128x16xf32, #tpu.memory_space<vmem>>)
    %dma_wait3A_1400 = arith.constant 1152 : i32
    %dma_wait3A_1401 = arith.constant 0 : i32
    %dma_wait3A_1402 = tpu.memref_slice %arg13[%dma_wait3A_1400, %dma_wait3A_1401] : memref<1664x16xf32, #tpu.memory_space<vmem>> -> memref<128x16xf32, #tpu.memory_space<vmem>>
    %dma_wait3A_1403 = arith.constant 1152 : i32
    %dma_wait3A_1404 = tpu.memref_slice %arg12[%dma_wait3A_1403] : memref<1664xi32, #tpu.memory_space<vmem>> -> memref<128xi32, #tpu.memory_space<vmem>>
    %dma_wait3A_1405 = arith.constant 0 : i32
    %dma_wait3A_1406 = arith.constant 0 : i32
    %dma_wait3A_1407 = tpu.memref_slice %arg6[%dma_wait3A_1405, %dma_wait3A_1406] : memref<2600000x16xf32, #tpu.memory_space<hbm>> -> memref<2600000x16xf32, #tpu.memory_space<hbm>>
    tpu.wait_indirect_dma semaphore(%arg14 : memref<!tpu.dma_semaphore, #tpu.memory_space<semaphore_mem>>) src(%dma_wait3A_1407 : memref<2600000x16xf32, #tpu.memory_space<hbm>>) dst(%dma_wait3A_1402 : memref<128x16xf32, #tpu.memory_space<vmem>>)
    %dma_wait3A_1408 = arith.constant 1280 : i32
    %dma_wait3A_1409 = arith.constant 0 : i32
    %dma_wait3A_1410 = tpu.memref_slice %arg13[%dma_wait3A_1408, %dma_wait3A_1409] : memref<1664x16xf32, #tpu.memory_space<vmem>> -> memref<128x16xf32, #tpu.memory_space<vmem>>
    %dma_wait3A_1411 = arith.constant 1280 : i32
    %dma_wait3A_1412 = tpu.memref_slice %arg12[%dma_wait3A_1411] : memref<1664xi32, #tpu.memory_space<vmem>> -> memref<128xi32, #tpu.memory_space<vmem>>
    %dma_wait3A_1413 = arith.constant 0 : i32
    %dma_wait3A_1414 = arith.constant 0 : i32
    %dma_wait3A_1415 = tpu.memref_slice %arg6[%dma_wait3A_1413, %dma_wait3A_1414] : memref<2600000x16xf32, #tpu.memory_space<hbm>> -> memref<2600000x16xf32, #tpu.memory_space<hbm>>
    tpu.wait_indirect_dma semaphore(%arg14 : memref<!tpu.dma_semaphore, #tpu.memory_space<semaphore_mem>>) src(%dma_wait3A_1415 : memref<2600000x16xf32, #tpu.memory_space<hbm>>) dst(%dma_wait3A_1410 : memref<128x16xf32, #tpu.memory_space<vmem>>)
    %dma_wait3A_1416 = arith.constant 1408 : i32
    %dma_wait3A_1417 = arith.constant 0 : i32
    %dma_wait3A_1418 = tpu.memref_slice %arg13[%dma_wait3A_1416, %dma_wait3A_1417] : memref<1664x16xf32, #tpu.memory_space<vmem>> -> memref<128x16xf32, #tpu.memory_space<vmem>>
    %dma_wait3A_1419 = arith.constant 1408 : i32
    %dma_wait3A_1420 = tpu.memref_slice %arg12[%dma_wait3A_1419] : memref<1664xi32, #tpu.memory_space<vmem>> -> memref<128xi32, #tpu.memory_space<vmem>>
    %dma_wait3A_1421 = arith.constant 0 : i32
    %dma_wait3A_1422 = arith.constant 0 : i32
    %dma_wait3A_1423 = tpu.memref_slice %arg6[%dma_wait3A_1421, %dma_wait3A_1422] : memref<2600000x16xf32, #tpu.memory_space<hbm>> -> memref<2600000x16xf32, #tpu.memory_space<hbm>>
    tpu.wait_indirect_dma semaphore(%arg14 : memref<!tpu.dma_semaphore, #tpu.memory_space<semaphore_mem>>) src(%dma_wait3A_1423 : memref<2600000x16xf32, #tpu.memory_space<hbm>>) dst(%dma_wait3A_1418 : memref<128x16xf32, #tpu.memory_space<vmem>>)
    %dma_wait3A_1424 = arith.constant 1536 : i32
    %dma_wait3A_1425 = arith.constant 0 : i32
    %dma_wait3A_1426 = tpu.memref_slice %arg13[%dma_wait3A_1424, %dma_wait3A_1425] : memref<1664x16xf32, #tpu.memory_space<vmem>> -> memref<128x16xf32, #tpu.memory_space<vmem>>
    %dma_wait3A_1427 = arith.constant 1536 : i32
    %dma_wait3A_1428 = tpu.memref_slice %arg12[%dma_wait3A_1427] : memref<1664xi32, #tpu.memory_space<vmem>> -> memref<128xi32, #tpu.memory_space<vmem>>
    %dma_wait3A_1429 = arith.constant 0 : i32
    %dma_wait3A_1430 = arith.constant 0 : i32
    %dma_wait3A_1431 = tpu.memref_slice %arg6[%dma_wait3A_1429, %dma_wait3A_1430] : memref<2600000x16xf32, #tpu.memory_space<hbm>> -> memref<2600000x16xf32, #tpu.memory_space<hbm>>
    tpu.wait_indirect_dma semaphore(%arg14 : memref<!tpu.dma_semaphore, #tpu.memory_space<semaphore_mem>>) src(%dma_wait3A_1431 : memref<2600000x16xf32, #tpu.memory_space<hbm>>) dst(%dma_wait3A_1426 : memref<128x16xf32, #tpu.memory_space<vmem>>)
    "tpu.region"() ({
      %run_scoped3A = tpu.sem_alloc : memref<!tpu.dma_semaphore, #tpu.memory_space<semaphore_mem>>
      %dma_start3A_1912 = arith.constant 0 : i32
      %dma_start3A_1913 = tpu.memref_slice %arg7[%add3A_1193, %dma_start3A_1912] : memref<425984x16xf32, #tpu.memory_space<hbm>> -> memref<1664x16xf32, #tpu.memory_space<hbm>>
      %dma_start3A_1914 = arith.constant 0 : i32
      %dma_start3A_1915 = tpu.memref_slice %arg7[%add3A_1193, %dma_start3A_1914] : memref<425984x16xf32, #tpu.memory_space<hbm>> -> memref<1664x16xf32, #tpu.memory_space<hbm>>
      tpu.enqueue_dma source(%arg13 : memref<1664x16xf32, #tpu.memory_space<vmem>>) target(%dma_start3A_1915 : memref<1664x16xf32, #tpu.memory_space<hbm>>) target_semaphore(%run_scoped3A : memref<!tpu.dma_semaphore, #tpu.memory_space<semaphore_mem>>)
      %dma_wait3A_1916 = arith.constant 0 : i32
      %dma_wait3A_1917 = tpu.memref_slice %arg7[%add3A_1193, %dma_wait3A_1916] : memref<425984x16xf32, #tpu.memory_space<hbm>> -> memref<1664x16xf32, #tpu.memory_space<hbm>>
      %dma_wait3A_1918 = arith.constant 0 : i32
      %dma_wait3A_1919 = tpu.memref_slice %arg7[%add3A_1193, %dma_wait3A_1918] : memref<425984x16xf32, #tpu.memory_space<hbm>> -> memref<1664x16xf32, #tpu.memory_space<hbm>>
      tpu.wait_dma2 semaphore(%run_scoped3A : memref<!tpu.dma_semaphore, #tpu.memory_space<semaphore_mem>>) src(%arg13 : memref<1664x16xf32, #tpu.memory_space<vmem>>) dst(%dma_wait3A_1919 : memref<1664x16xf32, #tpu.memory_space<hbm>>)
      tpu.yield
    }) : () -> ()
    %add3A_1432 = arith.constant 9984 : i32
    %add3A_1433 = arith.addi %mul3A_2, %add3A_1432 : i32
    %jit3A_1434 = arith.constant 26 : i32
    %div3A_1435 = arith.divsi %add3A_1433, %jit3A_1434 : i32
    %sign3A_1436 = arith.constant 0 : i32
    %sign3A_1437 = arith.cmpi sgt, %add3A_1433, %sign3A_1436 : i32
    %sign3A_1438 = arith.extui %sign3A_1437 : i1 to i32
    %sign3A_1439 = arith.constant 0 : i32
    %sign3A_1440 = arith.cmpi slt, %add3A_1433, %sign3A_1439 : i32
    %sign3A_1441 = arith.extui %sign3A_1440 : i1 to i32
    %sign3A_1442 = arith.subi %sign3A_1438, %sign3A_1441 : i32
    %sign3A_1443 = arith.constant 0 : i32
    %sign3A_1444 = arith.cmpi sgt, %jit3A_1434, %sign3A_1443 : i32
    %sign3A_1445 = arith.extui %sign3A_1444 : i1 to i32
    %sign3A_1446 = arith.constant 0 : i32
    %sign3A_1447 = arith.cmpi slt, %jit3A_1434, %sign3A_1446 : i32
    %sign3A_1448 = arith.extui %sign3A_1447 : i1 to i32
    %sign3A_1449 = arith.subi %sign3A_1445, %sign3A_1448 : i32
    %ne3A_1450 = arith.cmpi ne, %sign3A_1442, %sign3A_1449 : i32
    %rem3A_1451 = arith.remsi %add3A_1433, %jit3A_1434 : i32
    %ne3A_1452 = arith.constant 0 : i32
    %ne3A_1453 = arith.cmpi ne, %rem3A_1451, %ne3A_1452 : i32
    %and3A_1454 = arith.andi %ne3A_1450, %ne3A_1453 : i1
    %sub3A_1455 = arith.constant 1 : i32
    %sub3A_1456 = arith.subi %div3A_1435, %sub3A_1455 : i32
    %select_n3A_1457 = arith.select %and3A_1454, %sub3A_1456, %div3A_1435 : i32
    "tpu.region"() ({
      %run_scoped3A = tpu.sem_alloc : memref<!tpu.dma_semaphore, #tpu.memory_space<semaphore_mem>>
      %dma_start3A_1912 = arith.constant 0 : i32
      %dma_start3A_1913 = tpu.memref_slice %arg2[%select_n3A_1457, %dma_start3A_1912] : memref<16384x26xi32, #tpu.memory_space<hbm>> -> memref<64x26xi32, #tpu.memory_space<hbm>>
      %dma_start3A_1914 = arith.constant 0 : i32
      %dma_start3A_1915 = tpu.memref_slice %arg2[%select_n3A_1457, %dma_start3A_1914] : memref<16384x26xi32, #tpu.memory_space<hbm>> -> memref<64x26xi32, #tpu.memory_space<hbm>>
      tpu.enqueue_dma source(%dma_start3A_1915 : memref<64x26xi32, #tpu.memory_space<hbm>>) target(%arg8 : memref<64x26xi32, #tpu.memory_space<vmem>>) target_semaphore(%run_scoped3A : memref<!tpu.dma_semaphore, #tpu.memory_space<semaphore_mem>>)
      %dma_wait3A_1916 = arith.constant 0 : i32
      %dma_wait3A_1917 = tpu.memref_slice %arg2[%select_n3A_1457, %dma_wait3A_1916] : memref<16384x26xi32, #tpu.memory_space<hbm>> -> memref<64x26xi32, #tpu.memory_space<hbm>>
      %dma_wait3A_1918 = arith.constant 0 : i32
      %dma_wait3A_1919 = tpu.memref_slice %arg2[%select_n3A_1457, %dma_wait3A_1918] : memref<16384x26xi32, #tpu.memory_space<hbm>> -> memref<64x26xi32, #tpu.memory_space<hbm>>
      tpu.wait_dma2 semaphore(%run_scoped3A : memref<!tpu.dma_semaphore, #tpu.memory_space<semaphore_mem>>) src(%dma_wait3A_1919 : memref<64x26xi32, #tpu.memory_space<hbm>>) dst(%arg8 : memref<64x26xi32, #tpu.memory_space<vmem>>)
      tpu.yield
    }) : () -> ()
    %scan3A_1458 = arith.constant 0 : i32
    %scan3A_1459 = arith.constant 0 : i32
    %scan3A_1460 = arith.constant 104 : i32
    %scan3A_1461 = arith.addi %scan3A_1459, %scan3A_1460 : i32
    %scan3A_1462 = arith.constant 1 : i32
    scf.for %scan3A_1912 = %scan3A_1459 to %scan3A_1461 step %scan3A_1462  : i32 {
      %mul3A_1913 = arith.constant 16 : i32
      %mul3A_1914 = arith.muli %scan3A_1912, %mul3A_1913 : i32
      %get3A = arith.index_cast %mul3A_1914 : i32 to index
      %get3A_1915 = tpu.vector_load %arg9[%get3A] {strides = array<i32>} : memref<1664xi32, #tpu.memory_space<vmem>>, vector<16xi32>,
      %get3A_1916 = arith.index_cast %mul3A_1914 : i32 to index
      %get3A_1917 = tpu.vector_load %arg10[%get3A_1916] {strides = array<i32>} : memref<1664xi32, #tpu.memory_space<vmem>>, vector<16xi32>,
      %gather3A = tpu.vector_load_idx %arg8[%get3A_1915, %get3A_1917] : memref<64x26xi32, #tpu.memory_space<vmem>>[vector<16xi32>, vector<16xi32>], vector<16xi32>,
      %get3A_1918 = arith.index_cast %mul3A_1914 : i32 to index
      %get3A_1919 = tpu.vector_load %arg11[%get3A_1918] {strides = array<i32>} : memref<1664xi32, #tpu.memory_space<vmem>>, vector<16xi32>,
      %add3A_1920 = arith.addi %gather3A, %get3A_1919 : vector<16xi32>
      %swap3A = arith.index_cast %mul3A_1914 : i32 to index
      %swap3A_1921 = tpu.vector_load %arg12[%swap3A] {strides = array<i32>} : memref<1664xi32, #tpu.memory_space<vmem>>, vector<16xi32>,
      tpu.vector_store %arg12[%swap3A], %add3A_1920 {strides = array<i32>} : memref<1664xi32, #tpu.memory_space<vmem>>, vector<16xi32>,
    }
    %scan3A_1463 = arith.constant 104 : i32
    %dma_start3A_1464 = arith.constant 0 : i32
    %dma_start3A_1465 = arith.constant 0 : i32
    %dma_start3A_1466 = tpu.memref_slice %arg13[%dma_start3A_1464, %dma_start3A_1465] : memref<1664x16xf32, #tpu.memory_space<vmem>> -> memref<128x16xf32, #tpu.memory_space<vmem>>
    %dma_start3A_1467 = arith.constant 0 : i32
    %dma_start3A_1468 = tpu.memref_slice %arg12[%dma_start3A_1467] : memref<1664xi32, #tpu.memory_space<vmem>> -> memref<128xi32, #tpu.memory_space<vmem>>
    %dma_start3A_1469 = arith.constant 0 : i32
    %dma_start3A_1470 = arith.constant 0 : i32
    %dma_start3A_1471 = tpu.memref_slice %arg6[%dma_start3A_1469, %dma_start3A_1470] : memref<2600000x16xf32, #tpu.memory_space<hbm>> -> memref<2600000x16xf32, #tpu.memory_space<hbm>>
    tpu.enqueue_indirect_dma source(%dma_start3A_1471 : memref<2600000x16xf32, #tpu.memory_space<hbm>>) target(%dma_start3A_1466 : memref<128x16xf32, #tpu.memory_space<vmem>>) offsets(%dma_start3A_1468 : memref<128xi32, #tpu.memory_space<vmem>>) semaphore(%arg14 : memref<!tpu.dma_semaphore, #tpu.memory_space<semaphore_mem>>)
    %dma_start3A_1472 = arith.constant 128 : i32
    %dma_start3A_1473 = arith.constant 0 : i32
    %dma_start3A_1474 = tpu.memref_slice %arg13[%dma_start3A_1472, %dma_start3A_1473] : memref<1664x16xf32, #tpu.memory_space<vmem>> -> memref<128x16xf32, #tpu.memory_space<vmem>>
    %dma_start3A_1475 = arith.constant 128 : i32
    %dma_start3A_1476 = tpu.memref_slice %arg12[%dma_start3A_1475] : memref<1664xi32, #tpu.memory_space<vmem>> -> memref<128xi32, #tpu.memory_space<vmem>>
    %dma_start3A_1477 = arith.constant 0 : i32
    %dma_start3A_1478 = arith.constant 0 : i32
    %dma_start3A_1479 = tpu.memref_slice %arg6[%dma_start3A_1477, %dma_start3A_1478] : memref<2600000x16xf32, #tpu.memory_space<hbm>> -> memref<2600000x16xf32, #tpu.memory_space<hbm>>
    tpu.enqueue_indirect_dma source(%dma_start3A_1479 : memref<2600000x16xf32, #tpu.memory_space<hbm>>) target(%dma_start3A_1474 : memref<128x16xf32, #tpu.memory_space<vmem>>) offsets(%dma_start3A_1476 : memref<128xi32, #tpu.memory_space<vmem>>) semaphore(%arg14 : memref<!tpu.dma_semaphore, #tpu.memory_space<semaphore_mem>>)
    %dma_start3A_1480 = arith.constant 256 : i32
    %dma_start3A_1481 = arith.constant 0 : i32
    %dma_start3A_1482 = tpu.memref_slice %arg13[%dma_start3A_1480, %dma_start3A_1481] : memref<1664x16xf32, #tpu.memory_space<vmem>> -> memref<128x16xf32, #tpu.memory_space<vmem>>
    %dma_start3A_1483 = arith.constant 256 : i32
    %dma_start3A_1484 = tpu.memref_slice %arg12[%dma_start3A_1483] : memref<1664xi32, #tpu.memory_space<vmem>> -> memref<128xi32, #tpu.memory_space<vmem>>
    %dma_start3A_1485 = arith.constant 0 : i32
    %dma_start3A_1486 = arith.constant 0 : i32
    %dma_start3A_1487 = tpu.memref_slice %arg6[%dma_start3A_1485, %dma_start3A_1486] : memref<2600000x16xf32, #tpu.memory_space<hbm>> -> memref<2600000x16xf32, #tpu.memory_space<hbm>>
    tpu.enqueue_indirect_dma source(%dma_start3A_1487 : memref<2600000x16xf32, #tpu.memory_space<hbm>>) target(%dma_start3A_1482 : memref<128x16xf32, #tpu.memory_space<vmem>>) offsets(%dma_start3A_1484 : memref<128xi32, #tpu.memory_space<vmem>>) semaphore(%arg14 : memref<!tpu.dma_semaphore, #tpu.memory_space<semaphore_mem>>)
    %dma_start3A_1488 = arith.constant 384 : i32
    %dma_start3A_1489 = arith.constant 0 : i32
    %dma_start3A_1490 = tpu.memref_slice %arg13[%dma_start3A_1488, %dma_start3A_1489] : memref<1664x16xf32, #tpu.memory_space<vmem>> -> memref<128x16xf32, #tpu.memory_space<vmem>>
    %dma_start3A_1491 = arith.constant 384 : i32
    %dma_start3A_1492 = tpu.memref_slice %arg12[%dma_start3A_1491] : memref<1664xi32, #tpu.memory_space<vmem>> -> memref<128xi32, #tpu.memory_space<vmem>>
    %dma_start3A_1493 = arith.constant 0 : i32
    %dma_start3A_1494 = arith.constant 0 : i32
    %dma_start3A_1495 = tpu.memref_slice %arg6[%dma_start3A_1493, %dma_start3A_1494] : memref<2600000x16xf32, #tpu.memory_space<hbm>> -> memref<2600000x16xf32, #tpu.memory_space<hbm>>
    tpu.enqueue_indirect_dma source(%dma_start3A_1495 : memref<2600000x16xf32, #tpu.memory_space<hbm>>) target(%dma_start3A_1490 : memref<128x16xf32, #tpu.memory_space<vmem>>) offsets(%dma_start3A_1492 : memref<128xi32, #tpu.memory_space<vmem>>) semaphore(%arg14 : memref<!tpu.dma_semaphore, #tpu.memory_space<semaphore_mem>>)
    %dma_start3A_1496 = arith.constant 512 : i32
    %dma_start3A_1497 = arith.constant 0 : i32
    %dma_start3A_1498 = tpu.memref_slice %arg13[%dma_start3A_1496, %dma_start3A_1497] : memref<1664x16xf32, #tpu.memory_space<vmem>> -> memref<128x16xf32, #tpu.memory_space<vmem>>
    %dma_start3A_1499 = arith.constant 512 : i32
    %dma_start3A_1500 = tpu.memref_slice %arg12[%dma_start3A_1499] : memref<1664xi32, #tpu.memory_space<vmem>> -> memref<128xi32, #tpu.memory_space<vmem>>
    %dma_start3A_1501 = arith.constant 0 : i32
    %dma_start3A_1502 = arith.constant 0 : i32
    %dma_start3A_1503 = tpu.memref_slice %arg6[%dma_start3A_1501, %dma_start3A_1502] : memref<2600000x16xf32, #tpu.memory_space<hbm>> -> memref<2600000x16xf32, #tpu.memory_space<hbm>>
    tpu.enqueue_indirect_dma source(%dma_start3A_1503 : memref<2600000x16xf32, #tpu.memory_space<hbm>>) target(%dma_start3A_1498 : memref<128x16xf32, #tpu.memory_space<vmem>>) offsets(%dma_start3A_1500 : memref<128xi32, #tpu.memory_space<vmem>>) semaphore(%arg14 : memref<!tpu.dma_semaphore, #tpu.memory_space<semaphore_mem>>)
    %dma_start3A_1504 = arith.constant 640 : i32
    %dma_start3A_1505 = arith.constant 0 : i32
    %dma_start3A_1506 = tpu.memref_slice %arg13[%dma_start3A_1504, %dma_start3A_1505] : memref<1664x16xf32, #tpu.memory_space<vmem>> -> memref<128x16xf32, #tpu.memory_space<vmem>>
    %dma_start3A_1507 = arith.constant 640 : i32
    %dma_start3A_1508 = tpu.memref_slice %arg12[%dma_start3A_1507] : memref<1664xi32, #tpu.memory_space<vmem>> -> memref<128xi32, #tpu.memory_space<vmem>>
    %dma_start3A_1509 = arith.constant 0 : i32
    %dma_start3A_1510 = arith.constant 0 : i32
    %dma_start3A_1511 = tpu.memref_slice %arg6[%dma_start3A_1509, %dma_start3A_1510] : memref<2600000x16xf32, #tpu.memory_space<hbm>> -> memref<2600000x16xf32, #tpu.memory_space<hbm>>
    tpu.enqueue_indirect_dma source(%dma_start3A_1511 : memref<2600000x16xf32, #tpu.memory_space<hbm>>) target(%dma_start3A_1506 : memref<128x16xf32, #tpu.memory_space<vmem>>) offsets(%dma_start3A_1508 : memref<128xi32, #tpu.memory_space<vmem>>) semaphore(%arg14 : memref<!tpu.dma_semaphore, #tpu.memory_space<semaphore_mem>>)
    %dma_start3A_1512 = arith.constant 768 : i32
    %dma_start3A_1513 = arith.constant 0 : i32
    %dma_start3A_1514 = tpu.memref_slice %arg13[%dma_start3A_1512, %dma_start3A_1513] : memref<1664x16xf32, #tpu.memory_space<vmem>> -> memref<128x16xf32, #tpu.memory_space<vmem>>
    %dma_start3A_1515 = arith.constant 768 : i32
    %dma_start3A_1516 = tpu.memref_slice %arg12[%dma_start3A_1515] : memref<1664xi32, #tpu.memory_space<vmem>> -> memref<128xi32, #tpu.memory_space<vmem>>
    %dma_start3A_1517 = arith.constant 0 : i32
    %dma_start3A_1518 = arith.constant 0 : i32
    %dma_start3A_1519 = tpu.memref_slice %arg6[%dma_start3A_1517, %dma_start3A_1518] : memref<2600000x16xf32, #tpu.memory_space<hbm>> -> memref<2600000x16xf32, #tpu.memory_space<hbm>>
    tpu.enqueue_indirect_dma source(%dma_start3A_1519 : memref<2600000x16xf32, #tpu.memory_space<hbm>>) target(%dma_start3A_1514 : memref<128x16xf32, #tpu.memory_space<vmem>>) offsets(%dma_start3A_1516 : memref<128xi32, #tpu.memory_space<vmem>>) semaphore(%arg14 : memref<!tpu.dma_semaphore, #tpu.memory_space<semaphore_mem>>)
    %dma_start3A_1520 = arith.constant 896 : i32
    %dma_start3A_1521 = arith.constant 0 : i32
    %dma_start3A_1522 = tpu.memref_slice %arg13[%dma_start3A_1520, %dma_start3A_1521] : memref<1664x16xf32, #tpu.memory_space<vmem>> -> memref<128x16xf32, #tpu.memory_space<vmem>>
    %dma_start3A_1523 = arith.constant 896 : i32
    %dma_start3A_1524 = tpu.memref_slice %arg12[%dma_start3A_1523] : memref<1664xi32, #tpu.memory_space<vmem>> -> memref<128xi32, #tpu.memory_space<vmem>>
    %dma_start3A_1525 = arith.constant 0 : i32
    %dma_start3A_1526 = arith.constant 0 : i32
    %dma_start3A_1527 = tpu.memref_slice %arg6[%dma_start3A_1525, %dma_start3A_1526] : memref<2600000x16xf32, #tpu.memory_space<hbm>> -> memref<2600000x16xf32, #tpu.memory_space<hbm>>
    tpu.enqueue_indirect_dma source(%dma_start3A_1527 : memref<2600000x16xf32, #tpu.memory_space<hbm>>) target(%dma_start3A_1522 : memref<128x16xf32, #tpu.memory_space<vmem>>) offsets(%dma_start3A_1524 : memref<128xi32, #tpu.memory_space<vmem>>) semaphore(%arg14 : memref<!tpu.dma_semaphore, #tpu.memory_space<semaphore_mem>>)
    %dma_start3A_1528 = arith.constant 1024 : i32
    %dma_start3A_1529 = arith.constant 0 : i32
    %dma_start3A_1530 = tpu.memref_slice %arg13[%dma_start3A_1528, %dma_start3A_1529] : memref<1664x16xf32, #tpu.memory_space<vmem>> -> memref<128x16xf32, #tpu.memory_space<vmem>>
    %dma_start3A_1531 = arith.constant 1024 : i32
    %dma_start3A_1532 = tpu.memref_slice %arg12[%dma_start3A_1531] : memref<1664xi32, #tpu.memory_space<vmem>> -> memref<128xi32, #tpu.memory_space<vmem>>
    %dma_start3A_1533 = arith.constant 0 : i32
    %dma_start3A_1534 = arith.constant 0 : i32
    %dma_start3A_1535 = tpu.memref_slice %arg6[%dma_start3A_1533, %dma_start3A_1534] : memref<2600000x16xf32, #tpu.memory_space<hbm>> -> memref<2600000x16xf32, #tpu.memory_space<hbm>>
    tpu.enqueue_indirect_dma source(%dma_start3A_1535 : memref<2600000x16xf32, #tpu.memory_space<hbm>>) target(%dma_start3A_1530 : memref<128x16xf32, #tpu.memory_space<vmem>>) offsets(%dma_start3A_1532 : memref<128xi32, #tpu.memory_space<vmem>>) semaphore(%arg14 : memref<!tpu.dma_semaphore, #tpu.memory_space<semaphore_mem>>)
    %dma_start3A_1536 = arith.constant 1152 : i32
    %dma_start3A_1537 = arith.constant 0 : i32
    %dma_start3A_1538 = tpu.memref_slice %arg13[%dma_start3A_1536, %dma_start3A_1537] : memref<1664x16xf32, #tpu.memory_space<vmem>> -> memref<128x16xf32, #tpu.memory_space<vmem>>
    %dma_start3A_1539 = arith.constant 1152 : i32
    %dma_start3A_1540 = tpu.memref_slice %arg12[%dma_start3A_1539] : memref<1664xi32, #tpu.memory_space<vmem>> -> memref<128xi32, #tpu.memory_space<vmem>>
    %dma_start3A_1541 = arith.constant 0 : i32
    %dma_start3A_1542 = arith.constant 0 : i32
    %dma_start3A_1543 = tpu.memref_slice %arg6[%dma_start3A_1541, %dma_start3A_1542] : memref<2600000x16xf32, #tpu.memory_space<hbm>> -> memref<2600000x16xf32, #tpu.memory_space<hbm>>
    tpu.enqueue_indirect_dma source(%dma_start3A_1543 : memref<2600000x16xf32, #tpu.memory_space<hbm>>) target(%dma_start3A_1538 : memref<128x16xf32, #tpu.memory_space<vmem>>) offsets(%dma_start3A_1540 : memref<128xi32, #tpu.memory_space<vmem>>) semaphore(%arg14 : memref<!tpu.dma_semaphore, #tpu.memory_space<semaphore_mem>>)
    %dma_start3A_1544 = arith.constant 1280 : i32
    %dma_start3A_1545 = arith.constant 0 : i32
    %dma_start3A_1546 = tpu.memref_slice %arg13[%dma_start3A_1544, %dma_start3A_1545] : memref<1664x16xf32, #tpu.memory_space<vmem>> -> memref<128x16xf32, #tpu.memory_space<vmem>>
    %dma_start3A_1547 = arith.constant 1280 : i32
    %dma_start3A_1548 = tpu.memref_slice %arg12[%dma_start3A_1547] : memref<1664xi32, #tpu.memory_space<vmem>> -> memref<128xi32, #tpu.memory_space<vmem>>
    %dma_start3A_1549 = arith.constant 0 : i32
    %dma_start3A_1550 = arith.constant 0 : i32
    %dma_start3A_1551 = tpu.memref_slice %arg6[%dma_start3A_1549, %dma_start3A_1550] : memref<2600000x16xf32, #tpu.memory_space<hbm>> -> memref<2600000x16xf32, #tpu.memory_space<hbm>>
    tpu.enqueue_indirect_dma source(%dma_start3A_1551 : memref<2600000x16xf32, #tpu.memory_space<hbm>>) target(%dma_start3A_1546 : memref<128x16xf32, #tpu.memory_space<vmem>>) offsets(%dma_start3A_1548 : memref<128xi32, #tpu.memory_space<vmem>>) semaphore(%arg14 : memref<!tpu.dma_semaphore, #tpu.memory_space<semaphore_mem>>)
    %dma_start3A_1552 = arith.constant 1408 : i32
    %dma_start3A_1553 = arith.constant 0 : i32
    %dma_start3A_1554 = tpu.memref_slice %arg13[%dma_start3A_1552, %dma_start3A_1553] : memref<1664x16xf32, #tpu.memory_space<vmem>> -> memref<128x16xf32, #tpu.memory_space<vmem>>
    %dma_start3A_1555 = arith.constant 1408 : i32
    %dma_start3A_1556 = tpu.memref_slice %arg12[%dma_start3A_1555] : memref<1664xi32, #tpu.memory_space<vmem>> -> memref<128xi32, #tpu.memory_space<vmem>>
    %dma_start3A_1557 = arith.constant 0 : i32
    %dma_start3A_1558 = arith.constant 0 : i32
    %dma_start3A_1559 = tpu.memref_slice %arg6[%dma_start3A_1557, %dma_start3A_1558] : memref<2600000x16xf32, #tpu.memory_space<hbm>> -> memref<2600000x16xf32, #tpu.memory_space<hbm>>
    tpu.enqueue_indirect_dma source(%dma_start3A_1559 : memref<2600000x16xf32, #tpu.memory_space<hbm>>) target(%dma_start3A_1554 : memref<128x16xf32, #tpu.memory_space<vmem>>) offsets(%dma_start3A_1556 : memref<128xi32, #tpu.memory_space<vmem>>) semaphore(%arg14 : memref<!tpu.dma_semaphore, #tpu.memory_space<semaphore_mem>>)
    %dma_start3A_1560 = arith.constant 1536 : i32
    %dma_start3A_1561 = arith.constant 0 : i32
    %dma_start3A_1562 = tpu.memref_slice %arg13[%dma_start3A_1560, %dma_start3A_1561] : memref<1664x16xf32, #tpu.memory_space<vmem>> -> memref<128x16xf32, #tpu.memory_space<vmem>>
    %dma_start3A_1563 = arith.constant 1536 : i32
    %dma_start3A_1564 = tpu.memref_slice %arg12[%dma_start3A_1563] : memref<1664xi32, #tpu.memory_space<vmem>> -> memref<128xi32, #tpu.memory_space<vmem>>
    %dma_start3A_1565 = arith.constant 0 : i32
    %dma_start3A_1566 = arith.constant 0 : i32
    %dma_start3A_1567 = tpu.memref_slice %arg6[%dma_start3A_1565, %dma_start3A_1566] : memref<2600000x16xf32, #tpu.memory_space<hbm>> -> memref<2600000x16xf32, #tpu.memory_space<hbm>>
    tpu.enqueue_indirect_dma source(%dma_start3A_1567 : memref<2600000x16xf32, #tpu.memory_space<hbm>>) target(%dma_start3A_1562 : memref<128x16xf32, #tpu.memory_space<vmem>>) offsets(%dma_start3A_1564 : memref<128xi32, #tpu.memory_space<vmem>>) semaphore(%arg14 : memref<!tpu.dma_semaphore, #tpu.memory_space<semaphore_mem>>)
    %dma_wait3A_1568 = arith.constant 0 : i32
    %dma_wait3A_1569 = arith.constant 0 : i32
    %dma_wait3A_1570 = tpu.memref_slice %arg13[%dma_wait3A_1568, %dma_wait3A_1569] : memref<1664x16xf32, #tpu.memory_space<vmem>> -> memref<128x16xf32, #tpu.memory_space<vmem>>
    %dma_wait3A_1571 = arith.constant 0 : i32
    %dma_wait3A_1572 = tpu.memref_slice %arg12[%dma_wait3A_1571] : memref<1664xi32, #tpu.memory_space<vmem>> -> memref<128xi32, #tpu.memory_space<vmem>>
    %dma_wait3A_1573 = arith.constant 0 : i32
    %dma_wait3A_1574 = arith.constant 0 : i32
    %dma_wait3A_1575 = tpu.memref_slice %arg6[%dma_wait3A_1573, %dma_wait3A_1574] : memref<2600000x16xf32, #tpu.memory_space<hbm>> -> memref<2600000x16xf32, #tpu.memory_space<hbm>>
    tpu.wait_indirect_dma semaphore(%arg14 : memref<!tpu.dma_semaphore, #tpu.memory_space<semaphore_mem>>) src(%dma_wait3A_1575 : memref<2600000x16xf32, #tpu.memory_space<hbm>>) dst(%dma_wait3A_1570 : memref<128x16xf32, #tpu.memory_space<vmem>>)
    %dma_wait3A_1576 = arith.constant 128 : i32
    %dma_wait3A_1577 = arith.constant 0 : i32
    %dma_wait3A_1578 = tpu.memref_slice %arg13[%dma_wait3A_1576, %dma_wait3A_1577] : memref<1664x16xf32, #tpu.memory_space<vmem>> -> memref<128x16xf32, #tpu.memory_space<vmem>>
    %dma_wait3A_1579 = arith.constant 128 : i32
    %dma_wait3A_1580 = tpu.memref_slice %arg12[%dma_wait3A_1579] : memref<1664xi32, #tpu.memory_space<vmem>> -> memref<128xi32, #tpu.memory_space<vmem>>
    %dma_wait3A_1581 = arith.constant 0 : i32
    %dma_wait3A_1582 = arith.constant 0 : i32
    %dma_wait3A_1583 = tpu.memref_slice %arg6[%dma_wait3A_1581, %dma_wait3A_1582] : memref<2600000x16xf32, #tpu.memory_space<hbm>> -> memref<2600000x16xf32, #tpu.memory_space<hbm>>
    tpu.wait_indirect_dma semaphore(%arg14 : memref<!tpu.dma_semaphore, #tpu.memory_space<semaphore_mem>>) src(%dma_wait3A_1583 : memref<2600000x16xf32, #tpu.memory_space<hbm>>) dst(%dma_wait3A_1578 : memref<128x16xf32, #tpu.memory_space<vmem>>)
    %dma_wait3A_1584 = arith.constant 256 : i32
    %dma_wait3A_1585 = arith.constant 0 : i32
    %dma_wait3A_1586 = tpu.memref_slice %arg13[%dma_wait3A_1584, %dma_wait3A_1585] : memref<1664x16xf32, #tpu.memory_space<vmem>> -> memref<128x16xf32, #tpu.memory_space<vmem>>
    %dma_wait3A_1587 = arith.constant 256 : i32
    %dma_wait3A_1588 = tpu.memref_slice %arg12[%dma_wait3A_1587] : memref<1664xi32, #tpu.memory_space<vmem>> -> memref<128xi32, #tpu.memory_space<vmem>>
    %dma_wait3A_1589 = arith.constant 0 : i32
    %dma_wait3A_1590 = arith.constant 0 : i32
    %dma_wait3A_1591 = tpu.memref_slice %arg6[%dma_wait3A_1589, %dma_wait3A_1590] : memref<2600000x16xf32, #tpu.memory_space<hbm>> -> memref<2600000x16xf32, #tpu.memory_space<hbm>>
    tpu.wait_indirect_dma semaphore(%arg14 : memref<!tpu.dma_semaphore, #tpu.memory_space<semaphore_mem>>) src(%dma_wait3A_1591 : memref<2600000x16xf32, #tpu.memory_space<hbm>>) dst(%dma_wait3A_1586 : memref<128x16xf32, #tpu.memory_space<vmem>>)
    %dma_wait3A_1592 = arith.constant 384 : i32
    %dma_wait3A_1593 = arith.constant 0 : i32
    %dma_wait3A_1594 = tpu.memref_slice %arg13[%dma_wait3A_1592, %dma_wait3A_1593] : memref<1664x16xf32, #tpu.memory_space<vmem>> -> memref<128x16xf32, #tpu.memory_space<vmem>>
    %dma_wait3A_1595 = arith.constant 384 : i32
    %dma_wait3A_1596 = tpu.memref_slice %arg12[%dma_wait3A_1595] : memref<1664xi32, #tpu.memory_space<vmem>> -> memref<128xi32, #tpu.memory_space<vmem>>
    %dma_wait3A_1597 = arith.constant 0 : i32
    %dma_wait3A_1598 = arith.constant 0 : i32
    %dma_wait3A_1599 = tpu.memref_slice %arg6[%dma_wait3A_1597, %dma_wait3A_1598] : memref<2600000x16xf32, #tpu.memory_space<hbm>> -> memref<2600000x16xf32, #tpu.memory_space<hbm>>
    tpu.wait_indirect_dma semaphore(%arg14 : memref<!tpu.dma_semaphore, #tpu.memory_space<semaphore_mem>>) src(%dma_wait3A_1599 : memref<2600000x16xf32, #tpu.memory_space<hbm>>) dst(%dma_wait3A_1594 : memref<128x16xf32, #tpu.memory_space<vmem>>)
    %dma_wait3A_1600 = arith.constant 512 : i32
    %dma_wait3A_1601 = arith.constant 0 : i32
    %dma_wait3A_1602 = tpu.memref_slice %arg13[%dma_wait3A_1600, %dma_wait3A_1601] : memref<1664x16xf32, #tpu.memory_space<vmem>> -> memref<128x16xf32, #tpu.memory_space<vmem>>
    %dma_wait3A_1603 = arith.constant 512 : i32
    %dma_wait3A_1604 = tpu.memref_slice %arg12[%dma_wait3A_1603] : memref<1664xi32, #tpu.memory_space<vmem>> -> memref<128xi32, #tpu.memory_space<vmem>>
    %dma_wait3A_1605 = arith.constant 0 : i32
    %dma_wait3A_1606 = arith.constant 0 : i32
    %dma_wait3A_1607 = tpu.memref_slice %arg6[%dma_wait3A_1605, %dma_wait3A_1606] : memref<2600000x16xf32, #tpu.memory_space<hbm>> -> memref<2600000x16xf32, #tpu.memory_space<hbm>>
    tpu.wait_indirect_dma semaphore(%arg14 : memref<!tpu.dma_semaphore, #tpu.memory_space<semaphore_mem>>) src(%dma_wait3A_1607 : memref<2600000x16xf32, #tpu.memory_space<hbm>>) dst(%dma_wait3A_1602 : memref<128x16xf32, #tpu.memory_space<vmem>>)
    %dma_wait3A_1608 = arith.constant 640 : i32
    %dma_wait3A_1609 = arith.constant 0 : i32
    %dma_wait3A_1610 = tpu.memref_slice %arg13[%dma_wait3A_1608, %dma_wait3A_1609] : memref<1664x16xf32, #tpu.memory_space<vmem>> -> memref<128x16xf32, #tpu.memory_space<vmem>>
    %dma_wait3A_1611 = arith.constant 640 : i32
    %dma_wait3A_1612 = tpu.memref_slice %arg12[%dma_wait3A_1611] : memref<1664xi32, #tpu.memory_space<vmem>> -> memref<128xi32, #tpu.memory_space<vmem>>
    %dma_wait3A_1613 = arith.constant 0 : i32
    %dma_wait3A_1614 = arith.constant 0 : i32
    %dma_wait3A_1615 = tpu.memref_slice %arg6[%dma_wait3A_1613, %dma_wait3A_1614] : memref<2600000x16xf32, #tpu.memory_space<hbm>> -> memref<2600000x16xf32, #tpu.memory_space<hbm>>
    tpu.wait_indirect_dma semaphore(%arg14 : memref<!tpu.dma_semaphore, #tpu.memory_space<semaphore_mem>>) src(%dma_wait3A_1615 : memref<2600000x16xf32, #tpu.memory_space<hbm>>) dst(%dma_wait3A_1610 : memref<128x16xf32, #tpu.memory_space<vmem>>)
    %dma_wait3A_1616 = arith.constant 768 : i32
    %dma_wait3A_1617 = arith.constant 0 : i32
    %dma_wait3A_1618 = tpu.memref_slice %arg13[%dma_wait3A_1616, %dma_wait3A_1617] : memref<1664x16xf32, #tpu.memory_space<vmem>> -> memref<128x16xf32, #tpu.memory_space<vmem>>
    %dma_wait3A_1619 = arith.constant 768 : i32
    %dma_wait3A_1620 = tpu.memref_slice %arg12[%dma_wait3A_1619] : memref<1664xi32, #tpu.memory_space<vmem>> -> memref<128xi32, #tpu.memory_space<vmem>>
    %dma_wait3A_1621 = arith.constant 0 : i32
    %dma_wait3A_1622 = arith.constant 0 : i32
    %dma_wait3A_1623 = tpu.memref_slice %arg6[%dma_wait3A_1621, %dma_wait3A_1622] : memref<2600000x16xf32, #tpu.memory_space<hbm>> -> memref<2600000x16xf32, #tpu.memory_space<hbm>>
    tpu.wait_indirect_dma semaphore(%arg14 : memref<!tpu.dma_semaphore, #tpu.memory_space<semaphore_mem>>) src(%dma_wait3A_1623 : memref<2600000x16xf32, #tpu.memory_space<hbm>>) dst(%dma_wait3A_1618 : memref<128x16xf32, #tpu.memory_space<vmem>>)
    %dma_wait3A_1624 = arith.constant 896 : i32
    %dma_wait3A_1625 = arith.constant 0 : i32
    %dma_wait3A_1626 = tpu.memref_slice %arg13[%dma_wait3A_1624, %dma_wait3A_1625] : memref<1664x16xf32, #tpu.memory_space<vmem>> -> memref<128x16xf32, #tpu.memory_space<vmem>>
    %dma_wait3A_1627 = arith.constant 896 : i32
    %dma_wait3A_1628 = tpu.memref_slice %arg12[%dma_wait3A_1627] : memref<1664xi32, #tpu.memory_space<vmem>> -> memref<128xi32, #tpu.memory_space<vmem>>
    %dma_wait3A_1629 = arith.constant 0 : i32
    %dma_wait3A_1630 = arith.constant 0 : i32
    %dma_wait3A_1631 = tpu.memref_slice %arg6[%dma_wait3A_1629, %dma_wait3A_1630] : memref<2600000x16xf32, #tpu.memory_space<hbm>> -> memref<2600000x16xf32, #tpu.memory_space<hbm>>
    tpu.wait_indirect_dma semaphore(%arg14 : memref<!tpu.dma_semaphore, #tpu.memory_space<semaphore_mem>>) src(%dma_wait3A_1631 : memref<2600000x16xf32, #tpu.memory_space<hbm>>) dst(%dma_wait3A_1626 : memref<128x16xf32, #tpu.memory_space<vmem>>)
    %dma_wait3A_1632 = arith.constant 1024 : i32
    %dma_wait3A_1633 = arith.constant 0 : i32
    %dma_wait3A_1634 = tpu.memref_slice %arg13[%dma_wait3A_1632, %dma_wait3A_1633] : memref<1664x16xf32, #tpu.memory_space<vmem>> -> memref<128x16xf32, #tpu.memory_space<vmem>>
    %dma_wait3A_1635 = arith.constant 1024 : i32
    %dma_wait3A_1636 = tpu.memref_slice %arg12[%dma_wait3A_1635] : memref<1664xi32, #tpu.memory_space<vmem>> -> memref<128xi32, #tpu.memory_space<vmem>>
    %dma_wait3A_1637 = arith.constant 0 : i32
    %dma_wait3A_1638 = arith.constant 0 : i32
    %dma_wait3A_1639 = tpu.memref_slice %arg6[%dma_wait3A_1637, %dma_wait3A_1638] : memref<2600000x16xf32, #tpu.memory_space<hbm>> -> memref<2600000x16xf32, #tpu.memory_space<hbm>>
    tpu.wait_indirect_dma semaphore(%arg14 : memref<!tpu.dma_semaphore, #tpu.memory_space<semaphore_mem>>) src(%dma_wait3A_1639 : memref<2600000x16xf32, #tpu.memory_space<hbm>>) dst(%dma_wait3A_1634 : memref<128x16xf32, #tpu.memory_space<vmem>>)
    %dma_wait3A_1640 = arith.constant 1152 : i32
    %dma_wait3A_1641 = arith.constant 0 : i32
    %dma_wait3A_1642 = tpu.memref_slice %arg13[%dma_wait3A_1640, %dma_wait3A_1641] : memref<1664x16xf32, #tpu.memory_space<vmem>> -> memref<128x16xf32, #tpu.memory_space<vmem>>
    %dma_wait3A_1643 = arith.constant 1152 : i32
    %dma_wait3A_1644 = tpu.memref_slice %arg12[%dma_wait3A_1643] : memref<1664xi32, #tpu.memory_space<vmem>> -> memref<128xi32, #tpu.memory_space<vmem>>
    %dma_wait3A_1645 = arith.constant 0 : i32
    %dma_wait3A_1646 = arith.constant 0 : i32
    %dma_wait3A_1647 = tpu.memref_slice %arg6[%dma_wait3A_1645, %dma_wait3A_1646] : memref<2600000x16xf32, #tpu.memory_space<hbm>> -> memref<2600000x16xf32, #tpu.memory_space<hbm>>
    tpu.wait_indirect_dma semaphore(%arg14 : memref<!tpu.dma_semaphore, #tpu.memory_space<semaphore_mem>>) src(%dma_wait3A_1647 : memref<2600000x16xf32, #tpu.memory_space<hbm>>) dst(%dma_wait3A_1642 : memref<128x16xf32, #tpu.memory_space<vmem>>)
    %dma_wait3A_1648 = arith.constant 1280 : i32
    %dma_wait3A_1649 = arith.constant 0 : i32
    %dma_wait3A_1650 = tpu.memref_slice %arg13[%dma_wait3A_1648, %dma_wait3A_1649] : memref<1664x16xf32, #tpu.memory_space<vmem>> -> memref<128x16xf32, #tpu.memory_space<vmem>>
    %dma_wait3A_1651 = arith.constant 1280 : i32
    %dma_wait3A_1652 = tpu.memref_slice %arg12[%dma_wait3A_1651] : memref<1664xi32, #tpu.memory_space<vmem>> -> memref<128xi32, #tpu.memory_space<vmem>>
    %dma_wait3A_1653 = arith.constant 0 : i32
    %dma_wait3A_1654 = arith.constant 0 : i32
    %dma_wait3A_1655 = tpu.memref_slice %arg6[%dma_wait3A_1653, %dma_wait3A_1654] : memref<2600000x16xf32, #tpu.memory_space<hbm>> -> memref<2600000x16xf32, #tpu.memory_space<hbm>>
    tpu.wait_indirect_dma semaphore(%arg14 : memref<!tpu.dma_semaphore, #tpu.memory_space<semaphore_mem>>) src(%dma_wait3A_1655 : memref<2600000x16xf32, #tpu.memory_space<hbm>>) dst(%dma_wait3A_1650 : memref<128x16xf32, #tpu.memory_space<vmem>>)
    %dma_wait3A_1656 = arith.constant 1408 : i32
    %dma_wait3A_1657 = arith.constant 0 : i32
    %dma_wait3A_1658 = tpu.memref_slice %arg13[%dma_wait3A_1656, %dma_wait3A_1657] : memref<1664x16xf32, #tpu.memory_space<vmem>> -> memref<128x16xf32, #tpu.memory_space<vmem>>
    %dma_wait3A_1659 = arith.constant 1408 : i32
    %dma_wait3A_1660 = tpu.memref_slice %arg12[%dma_wait3A_1659] : memref<1664xi32, #tpu.memory_space<vmem>> -> memref<128xi32, #tpu.memory_space<vmem>>
    %dma_wait3A_1661 = arith.constant 0 : i32
    %dma_wait3A_1662 = arith.constant 0 : i32
    %dma_wait3A_1663 = tpu.memref_slice %arg6[%dma_wait3A_1661, %dma_wait3A_1662] : memref<2600000x16xf32, #tpu.memory_space<hbm>> -> memref<2600000x16xf32, #tpu.memory_space<hbm>>
    tpu.wait_indirect_dma semaphore(%arg14 : memref<!tpu.dma_semaphore, #tpu.memory_space<semaphore_mem>>) src(%dma_wait3A_1663 : memref<2600000x16xf32, #tpu.memory_space<hbm>>) dst(%dma_wait3A_1658 : memref<128x16xf32, #tpu.memory_space<vmem>>)
    %dma_wait3A_1664 = arith.constant 1536 : i32
    %dma_wait3A_1665 = arith.constant 0 : i32
    %dma_wait3A_1666 = tpu.memref_slice %arg13[%dma_wait3A_1664, %dma_wait3A_1665] : memref<1664x16xf32, #tpu.memory_space<vmem>> -> memref<128x16xf32, #tpu.memory_space<vmem>>
    %dma_wait3A_1667 = arith.constant 1536 : i32
    %dma_wait3A_1668 = tpu.memref_slice %arg12[%dma_wait3A_1667] : memref<1664xi32, #tpu.memory_space<vmem>> -> memref<128xi32, #tpu.memory_space<vmem>>
    %dma_wait3A_1669 = arith.constant 0 : i32
    %dma_wait3A_1670 = arith.constant 0 : i32
    %dma_wait3A_1671 = tpu.memref_slice %arg6[%dma_wait3A_1669, %dma_wait3A_1670] : memref<2600000x16xf32, #tpu.memory_space<hbm>> -> memref<2600000x16xf32, #tpu.memory_space<hbm>>
    tpu.wait_indirect_dma semaphore(%arg14 : memref<!tpu.dma_semaphore, #tpu.memory_space<semaphore_mem>>) src(%dma_wait3A_1671 : memref<2600000x16xf32, #tpu.memory_space<hbm>>) dst(%dma_wait3A_1666 : memref<128x16xf32, #tpu.memory_space<vmem>>)
    "tpu.region"() ({
      %run_scoped3A = tpu.sem_alloc : memref<!tpu.dma_semaphore, #tpu.memory_space<semaphore_mem>>
      %dma_start3A_1912 = arith.constant 0 : i32
      %dma_start3A_1913 = tpu.memref_slice %arg7[%add3A_1433, %dma_start3A_1912] : memref<425984x16xf32, #tpu.memory_space<hbm>> -> memref<1664x16xf32, #tpu.memory_space<hbm>>
      %dma_start3A_1914 = arith.constant 0 : i32
      %dma_start3A_1915 = tpu.memref_slice %arg7[%add3A_1433, %dma_start3A_1914] : memref<425984x16xf32, #tpu.memory_space<hbm>> -> memref<1664x16xf32, #tpu.memory_space<hbm>>
      tpu.enqueue_dma source(%arg13 : memref<1664x16xf32, #tpu.memory_space<vmem>>) target(%dma_start3A_1915 : memref<1664x16xf32, #tpu.memory_space<hbm>>) target_semaphore(%run_scoped3A : memref<!tpu.dma_semaphore, #tpu.memory_space<semaphore_mem>>)
      %dma_wait3A_1916 = arith.constant 0 : i32
      %dma_wait3A_1917 = tpu.memref_slice %arg7[%add3A_1433, %dma_wait3A_1916] : memref<425984x16xf32, #tpu.memory_space<hbm>> -> memref<1664x16xf32, #tpu.memory_space<hbm>>
      %dma_wait3A_1918 = arith.constant 0 : i32
      %dma_wait3A_1919 = tpu.memref_slice %arg7[%add3A_1433, %dma_wait3A_1918] : memref<425984x16xf32, #tpu.memory_space<hbm>> -> memref<1664x16xf32, #tpu.memory_space<hbm>>
      tpu.wait_dma2 semaphore(%run_scoped3A : memref<!tpu.dma_semaphore, #tpu.memory_space<semaphore_mem>>) src(%arg13 : memref<1664x16xf32, #tpu.memory_space<vmem>>) dst(%dma_wait3A_1919 : memref<1664x16xf32, #tpu.memory_space<hbm>>)
      tpu.yield
    }) : () -> ()
    %add3A_1672 = arith.constant 11648 : i32
    %add3A_1673 = arith.addi %mul3A_2, %add3A_1672 : i32
    %jit3A_1674 = arith.constant 26 : i32
    %div3A_1675 = arith.divsi %add3A_1673, %jit3A_1674 : i32
    %sign3A_1676 = arith.constant 0 : i32
    %sign3A_1677 = arith.cmpi sgt, %add3A_1673, %sign3A_1676 : i32
    %sign3A_1678 = arith.extui %sign3A_1677 : i1 to i32
    %sign3A_1679 = arith.constant 0 : i32
    %sign3A_1680 = arith.cmpi slt, %add3A_1673, %sign3A_1679 : i32
    %sign3A_1681 = arith.extui %sign3A_1680 : i1 to i32
    %sign3A_1682 = arith.subi %sign3A_1678, %sign3A_1681 : i32
    %sign3A_1683 = arith.constant 0 : i32
    %sign3A_1684 = arith.cmpi sgt, %jit3A_1674, %sign3A_1683 : i32
    %sign3A_1685 = arith.extui %sign3A_1684 : i1 to i32
    %sign3A_1686 = arith.constant 0 : i32
    %sign3A_1687 = arith.cmpi slt, %jit3A_1674, %sign3A_1686 : i32
    %sign3A_1688 = arith.extui %sign3A_1687 : i1 to i32
    %sign3A_1689 = arith.subi %sign3A_1685, %sign3A_1688 : i32
    %ne3A_1690 = arith.cmpi ne, %sign3A_1682, %sign3A_1689 : i32
    %rem3A_1691 = arith.remsi %add3A_1673, %jit3A_1674 : i32
    %ne3A_1692 = arith.constant 0 : i32
    %ne3A_1693 = arith.cmpi ne, %rem3A_1691, %ne3A_1692 : i32
    %and3A_1694 = arith.andi %ne3A_1690, %ne3A_1693 : i1
    %sub3A_1695 = arith.constant 1 : i32
    %sub3A_1696 = arith.subi %div3A_1675, %sub3A_1695 : i32
    %select_n3A_1697 = arith.select %and3A_1694, %sub3A_1696, %div3A_1675 : i32
    "tpu.region"() ({
      %run_scoped3A = tpu.sem_alloc : memref<!tpu.dma_semaphore, #tpu.memory_space<semaphore_mem>>
      %dma_start3A_1912 = arith.constant 0 : i32
      %dma_start3A_1913 = tpu.memref_slice %arg2[%select_n3A_1697, %dma_start3A_1912] : memref<16384x26xi32, #tpu.memory_space<hbm>> -> memref<64x26xi32, #tpu.memory_space<hbm>>
      %dma_start3A_1914 = arith.constant 0 : i32
      %dma_start3A_1915 = tpu.memref_slice %arg2[%select_n3A_1697, %dma_start3A_1914] : memref<16384x26xi32, #tpu.memory_space<hbm>> -> memref<64x26xi32, #tpu.memory_space<hbm>>
      tpu.enqueue_dma source(%dma_start3A_1915 : memref<64x26xi32, #tpu.memory_space<hbm>>) target(%arg8 : memref<64x26xi32, #tpu.memory_space<vmem>>) target_semaphore(%run_scoped3A : memref<!tpu.dma_semaphore, #tpu.memory_space<semaphore_mem>>)
      %dma_wait3A_1916 = arith.constant 0 : i32
      %dma_wait3A_1917 = tpu.memref_slice %arg2[%select_n3A_1697, %dma_wait3A_1916] : memref<16384x26xi32, #tpu.memory_space<hbm>> -> memref<64x26xi32, #tpu.memory_space<hbm>>
      %dma_wait3A_1918 = arith.constant 0 : i32
      %dma_wait3A_1919 = tpu.memref_slice %arg2[%select_n3A_1697, %dma_wait3A_1918] : memref<16384x26xi32, #tpu.memory_space<hbm>> -> memref<64x26xi32, #tpu.memory_space<hbm>>
      tpu.wait_dma2 semaphore(%run_scoped3A : memref<!tpu.dma_semaphore, #tpu.memory_space<semaphore_mem>>) src(%dma_wait3A_1919 : memref<64x26xi32, #tpu.memory_space<hbm>>) dst(%arg8 : memref<64x26xi32, #tpu.memory_space<vmem>>)
      tpu.yield
    }) : () -> ()
    %scan3A_1698 = arith.constant 0 : i32
    %scan3A_1699 = arith.constant 0 : i32
    %scan3A_1700 = arith.constant 104 : i32
    %scan3A_1701 = arith.addi %scan3A_1699, %scan3A_1700 : i32
    %scan3A_1702 = arith.constant 1 : i32
    scf.for %scan3A_1912 = %scan3A_1699 to %scan3A_1701 step %scan3A_1702  : i32 {
      %mul3A_1913 = arith.constant 16 : i32
      %mul3A_1914 = arith.muli %scan3A_1912, %mul3A_1913 : i32
      %get3A = arith.index_cast %mul3A_1914 : i32 to index
      %get3A_1915 = tpu.vector_load %arg9[%get3A] {strides = array<i32>} : memref<1664xi32, #tpu.memory_space<vmem>>, vector<16xi32>,
      %get3A_1916 = arith.index_cast %mul3A_1914 : i32 to index
      %get3A_1917 = tpu.vector_load %arg10[%get3A_1916] {strides = array<i32>} : memref<1664xi32, #tpu.memory_space<vmem>>, vector<16xi32>,
      %gather3A = tpu.vector_load_idx %arg8[%get3A_1915, %get3A_1917] : memref<64x26xi32, #tpu.memory_space<vmem>>[vector<16xi32>, vector<16xi32>], vector<16xi32>,
      %get3A_1918 = arith.index_cast %mul3A_1914 : i32 to index
      %get3A_1919 = tpu.vector_load %arg11[%get3A_1918] {strides = array<i32>} : memref<1664xi32, #tpu.memory_space<vmem>>, vector<16xi32>,
      %add3A_1920 = arith.addi %gather3A, %get3A_1919 : vector<16xi32>
      %swap3A = arith.index_cast %mul3A_1914 : i32 to index
      %swap3A_1921 = tpu.vector_load %arg12[%swap3A] {strides = array<i32>} : memref<1664xi32, #tpu.memory_space<vmem>>, vector<16xi32>,
      tpu.vector_store %arg12[%swap3A], %add3A_1920 {strides = array<i32>} : memref<1664xi32, #tpu.memory_space<vmem>>, vector<16xi32>,
    }
    %scan3A_1703 = arith.constant 104 : i32
    %dma_start3A_1704 = arith.constant 0 : i32
    %dma_start3A_1705 = arith.constant 0 : i32
    %dma_start3A_1706 = tpu.memref_slice %arg13[%dma_start3A_1704, %dma_start3A_1705] : memref<1664x16xf32, #tpu.memory_space<vmem>> -> memref<128x16xf32, #tpu.memory_space<vmem>>
    %dma_start3A_1707 = arith.constant 0 : i32
    %dma_start3A_1708 = tpu.memref_slice %arg12[%dma_start3A_1707] : memref<1664xi32, #tpu.memory_space<vmem>> -> memref<128xi32, #tpu.memory_space<vmem>>
    %dma_start3A_1709 = arith.constant 0 : i32
    %dma_start3A_1710 = arith.constant 0 : i32
    %dma_start3A_1711 = tpu.memref_slice %arg6[%dma_start3A_1709, %dma_start3A_1710] : memref<2600000x16xf32, #tpu.memory_space<hbm>> -> memref<2600000x16xf32, #tpu.memory_space<hbm>>
    tpu.enqueue_indirect_dma source(%dma_start3A_1711 : memref<2600000x16xf32, #tpu.memory_space<hbm>>) target(%dma_start3A_1706 : memref<128x16xf32, #tpu.memory_space<vmem>>) offsets(%dma_start3A_1708 : memref<128xi32, #tpu.memory_space<vmem>>) semaphore(%arg14 : memref<!tpu.dma_semaphore, #tpu.memory_space<semaphore_mem>>)
    %dma_start3A_1712 = arith.constant 128 : i32
    %dma_start3A_1713 = arith.constant 0 : i32
    %dma_start3A_1714 = tpu.memref_slice %arg13[%dma_start3A_1712, %dma_start3A_1713] : memref<1664x16xf32, #tpu.memory_space<vmem>> -> memref<128x16xf32, #tpu.memory_space<vmem>>
    %dma_start3A_1715 = arith.constant 128 : i32
    %dma_start3A_1716 = tpu.memref_slice %arg12[%dma_start3A_1715] : memref<1664xi32, #tpu.memory_space<vmem>> -> memref<128xi32, #tpu.memory_space<vmem>>
    %dma_start3A_1717 = arith.constant 0 : i32
    %dma_start3A_1718 = arith.constant 0 : i32
    %dma_start3A_1719 = tpu.memref_slice %arg6[%dma_start3A_1717, %dma_start3A_1718] : memref<2600000x16xf32, #tpu.memory_space<hbm>> -> memref<2600000x16xf32, #tpu.memory_space<hbm>>
    tpu.enqueue_indirect_dma source(%dma_start3A_1719 : memref<2600000x16xf32, #tpu.memory_space<hbm>>) target(%dma_start3A_1714 : memref<128x16xf32, #tpu.memory_space<vmem>>) offsets(%dma_start3A_1716 : memref<128xi32, #tpu.memory_space<vmem>>) semaphore(%arg14 : memref<!tpu.dma_semaphore, #tpu.memory_space<semaphore_mem>>)
    %dma_start3A_1720 = arith.constant 256 : i32
    %dma_start3A_1721 = arith.constant 0 : i32
    %dma_start3A_1722 = tpu.memref_slice %arg13[%dma_start3A_1720, %dma_start3A_1721] : memref<1664x16xf32, #tpu.memory_space<vmem>> -> memref<128x16xf32, #tpu.memory_space<vmem>>
    %dma_start3A_1723 = arith.constant 256 : i32
    %dma_start3A_1724 = tpu.memref_slice %arg12[%dma_start3A_1723] : memref<1664xi32, #tpu.memory_space<vmem>> -> memref<128xi32, #tpu.memory_space<vmem>>
    %dma_start3A_1725 = arith.constant 0 : i32
    %dma_start3A_1726 = arith.constant 0 : i32
    %dma_start3A_1727 = tpu.memref_slice %arg6[%dma_start3A_1725, %dma_start3A_1726] : memref<2600000x16xf32, #tpu.memory_space<hbm>> -> memref<2600000x16xf32, #tpu.memory_space<hbm>>
    tpu.enqueue_indirect_dma source(%dma_start3A_1727 : memref<2600000x16xf32, #tpu.memory_space<hbm>>) target(%dma_start3A_1722 : memref<128x16xf32, #tpu.memory_space<vmem>>) offsets(%dma_start3A_1724 : memref<128xi32, #tpu.memory_space<vmem>>) semaphore(%arg14 : memref<!tpu.dma_semaphore, #tpu.memory_space<semaphore_mem>>)
    %dma_start3A_1728 = arith.constant 384 : i32
    %dma_start3A_1729 = arith.constant 0 : i32
    %dma_start3A_1730 = tpu.memref_slice %arg13[%dma_start3A_1728, %dma_start3A_1729] : memref<1664x16xf32, #tpu.memory_space<vmem>> -> memref<128x16xf32, #tpu.memory_space<vmem>>
    %dma_start3A_1731 = arith.constant 384 : i32
    %dma_start3A_1732 = tpu.memref_slice %arg12[%dma_start3A_1731] : memref<1664xi32, #tpu.memory_space<vmem>> -> memref<128xi32, #tpu.memory_space<vmem>>
    %dma_start3A_1733 = arith.constant 0 : i32
    %dma_start3A_1734 = arith.constant 0 : i32
    %dma_start3A_1735 = tpu.memref_slice %arg6[%dma_start3A_1733, %dma_start3A_1734] : memref<2600000x16xf32, #tpu.memory_space<hbm>> -> memref<2600000x16xf32, #tpu.memory_space<hbm>>
    tpu.enqueue_indirect_dma source(%dma_start3A_1735 : memref<2600000x16xf32, #tpu.memory_space<hbm>>) target(%dma_start3A_1730 : memref<128x16xf32, #tpu.memory_space<vmem>>) offsets(%dma_start3A_1732 : memref<128xi32, #tpu.memory_space<vmem>>) semaphore(%arg14 : memref<!tpu.dma_semaphore, #tpu.memory_space<semaphore_mem>>)
    %dma_start3A_1736 = arith.constant 512 : i32
    %dma_start3A_1737 = arith.constant 0 : i32
    %dma_start3A_1738 = tpu.memref_slice %arg13[%dma_start3A_1736, %dma_start3A_1737] : memref<1664x16xf32, #tpu.memory_space<vmem>> -> memref<128x16xf32, #tpu.memory_space<vmem>>
    %dma_start3A_1739 = arith.constant 512 : i32
    %dma_start3A_1740 = tpu.memref_slice %arg12[%dma_start3A_1739] : memref<1664xi32, #tpu.memory_space<vmem>> -> memref<128xi32, #tpu.memory_space<vmem>>
    %dma_start3A_1741 = arith.constant 0 : i32
    %dma_start3A_1742 = arith.constant 0 : i32
    %dma_start3A_1743 = tpu.memref_slice %arg6[%dma_start3A_1741, %dma_start3A_1742] : memref<2600000x16xf32, #tpu.memory_space<hbm>> -> memref<2600000x16xf32, #tpu.memory_space<hbm>>
    tpu.enqueue_indirect_dma source(%dma_start3A_1743 : memref<2600000x16xf32, #tpu.memory_space<hbm>>) target(%dma_start3A_1738 : memref<128x16xf32, #tpu.memory_space<vmem>>) offsets(%dma_start3A_1740 : memref<128xi32, #tpu.memory_space<vmem>>) semaphore(%arg14 : memref<!tpu.dma_semaphore, #tpu.memory_space<semaphore_mem>>)
    %dma_start3A_1744 = arith.constant 640 : i32
    %dma_start3A_1745 = arith.constant 0 : i32
    %dma_start3A_1746 = tpu.memref_slice %arg13[%dma_start3A_1744, %dma_start3A_1745] : memref<1664x16xf32, #tpu.memory_space<vmem>> -> memref<128x16xf32, #tpu.memory_space<vmem>>
    %dma_start3A_1747 = arith.constant 640 : i32
    %dma_start3A_1748 = tpu.memref_slice %arg12[%dma_start3A_1747] : memref<1664xi32, #tpu.memory_space<vmem>> -> memref<128xi32, #tpu.memory_space<vmem>>
    %dma_start3A_1749 = arith.constant 0 : i32
    %dma_start3A_1750 = arith.constant 0 : i32
    %dma_start3A_1751 = tpu.memref_slice %arg6[%dma_start3A_1749, %dma_start3A_1750] : memref<2600000x16xf32, #tpu.memory_space<hbm>> -> memref<2600000x16xf32, #tpu.memory_space<hbm>>
    tpu.enqueue_indirect_dma source(%dma_start3A_1751 : memref<2600000x16xf32, #tpu.memory_space<hbm>>) target(%dma_start3A_1746 : memref<128x16xf32, #tpu.memory_space<vmem>>) offsets(%dma_start3A_1748 : memref<128xi32, #tpu.memory_space<vmem>>) semaphore(%arg14 : memref<!tpu.dma_semaphore, #tpu.memory_space<semaphore_mem>>)
    %dma_start3A_1752 = arith.constant 768 : i32
    %dma_start3A_1753 = arith.constant 0 : i32
    %dma_start3A_1754 = tpu.memref_slice %arg13[%dma_start3A_1752, %dma_start3A_1753] : memref<1664x16xf32, #tpu.memory_space<vmem>> -> memref<128x16xf32, #tpu.memory_space<vmem>>
    %dma_start3A_1755 = arith.constant 768 : i32
    %dma_start3A_1756 = tpu.memref_slice %arg12[%dma_start3A_1755] : memref<1664xi32, #tpu.memory_space<vmem>> -> memref<128xi32, #tpu.memory_space<vmem>>
    %dma_start3A_1757 = arith.constant 0 : i32
    %dma_start3A_1758 = arith.constant 0 : i32
    %dma_start3A_1759 = tpu.memref_slice %arg6[%dma_start3A_1757, %dma_start3A_1758] : memref<2600000x16xf32, #tpu.memory_space<hbm>> -> memref<2600000x16xf32, #tpu.memory_space<hbm>>
    tpu.enqueue_indirect_dma source(%dma_start3A_1759 : memref<2600000x16xf32, #tpu.memory_space<hbm>>) target(%dma_start3A_1754 : memref<128x16xf32, #tpu.memory_space<vmem>>) offsets(%dma_start3A_1756 : memref<128xi32, #tpu.memory_space<vmem>>) semaphore(%arg14 : memref<!tpu.dma_semaphore, #tpu.memory_space<semaphore_mem>>)
    %dma_start3A_1760 = arith.constant 896 : i32
    %dma_start3A_1761 = arith.constant 0 : i32
    %dma_start3A_1762 = tpu.memref_slice %arg13[%dma_start3A_1760, %dma_start3A_1761] : memref<1664x16xf32, #tpu.memory_space<vmem>> -> memref<128x16xf32, #tpu.memory_space<vmem>>
    %dma_start3A_1763 = arith.constant 896 : i32
    %dma_start3A_1764 = tpu.memref_slice %arg12[%dma_start3A_1763] : memref<1664xi32, #tpu.memory_space<vmem>> -> memref<128xi32, #tpu.memory_space<vmem>>
    %dma_start3A_1765 = arith.constant 0 : i32
    %dma_start3A_1766 = arith.constant 0 : i32
    %dma_start3A_1767 = tpu.memref_slice %arg6[%dma_start3A_1765, %dma_start3A_1766] : memref<2600000x16xf32, #tpu.memory_space<hbm>> -> memref<2600000x16xf32, #tpu.memory_space<hbm>>
    tpu.enqueue_indirect_dma source(%dma_start3A_1767 : memref<2600000x16xf32, #tpu.memory_space<hbm>>) target(%dma_start3A_1762 : memref<128x16xf32, #tpu.memory_space<vmem>>) offsets(%dma_start3A_1764 : memref<128xi32, #tpu.memory_space<vmem>>) semaphore(%arg14 : memref<!tpu.dma_semaphore, #tpu.memory_space<semaphore_mem>>)
    %dma_start3A_1768 = arith.constant 1024 : i32
    %dma_start3A_1769 = arith.constant 0 : i32
    %dma_start3A_1770 = tpu.memref_slice %arg13[%dma_start3A_1768, %dma_start3A_1769] : memref<1664x16xf32, #tpu.memory_space<vmem>> -> memref<128x16xf32, #tpu.memory_space<vmem>>
    %dma_start3A_1771 = arith.constant 1024 : i32
    %dma_start3A_1772 = tpu.memref_slice %arg12[%dma_start3A_1771] : memref<1664xi32, #tpu.memory_space<vmem>> -> memref<128xi32, #tpu.memory_space<vmem>>
    %dma_start3A_1773 = arith.constant 0 : i32
    %dma_start3A_1774 = arith.constant 0 : i32
    %dma_start3A_1775 = tpu.memref_slice %arg6[%dma_start3A_1773, %dma_start3A_1774] : memref<2600000x16xf32, #tpu.memory_space<hbm>> -> memref<2600000x16xf32, #tpu.memory_space<hbm>>
    tpu.enqueue_indirect_dma source(%dma_start3A_1775 : memref<2600000x16xf32, #tpu.memory_space<hbm>>) target(%dma_start3A_1770 : memref<128x16xf32, #tpu.memory_space<vmem>>) offsets(%dma_start3A_1772 : memref<128xi32, #tpu.memory_space<vmem>>) semaphore(%arg14 : memref<!tpu.dma_semaphore, #tpu.memory_space<semaphore_mem>>)
    %dma_start3A_1776 = arith.constant 1152 : i32
    %dma_start3A_1777 = arith.constant 0 : i32
    %dma_start3A_1778 = tpu.memref_slice %arg13[%dma_start3A_1776, %dma_start3A_1777] : memref<1664x16xf32, #tpu.memory_space<vmem>> -> memref<128x16xf32, #tpu.memory_space<vmem>>
    %dma_start3A_1779 = arith.constant 1152 : i32
    %dma_start3A_1780 = tpu.memref_slice %arg12[%dma_start3A_1779] : memref<1664xi32, #tpu.memory_space<vmem>> -> memref<128xi32, #tpu.memory_space<vmem>>
    %dma_start3A_1781 = arith.constant 0 : i32
    %dma_start3A_1782 = arith.constant 0 : i32
    %dma_start3A_1783 = tpu.memref_slice %arg6[%dma_start3A_1781, %dma_start3A_1782] : memref<2600000x16xf32, #tpu.memory_space<hbm>> -> memref<2600000x16xf32, #tpu.memory_space<hbm>>
    tpu.enqueue_indirect_dma source(%dma_start3A_1783 : memref<2600000x16xf32, #tpu.memory_space<hbm>>) target(%dma_start3A_1778 : memref<128x16xf32, #tpu.memory_space<vmem>>) offsets(%dma_start3A_1780 : memref<128xi32, #tpu.memory_space<vmem>>) semaphore(%arg14 : memref<!tpu.dma_semaphore, #tpu.memory_space<semaphore_mem>>)
    %dma_start3A_1784 = arith.constant 1280 : i32
    %dma_start3A_1785 = arith.constant 0 : i32
    %dma_start3A_1786 = tpu.memref_slice %arg13[%dma_start3A_1784, %dma_start3A_1785] : memref<1664x16xf32, #tpu.memory_space<vmem>> -> memref<128x16xf32, #tpu.memory_space<vmem>>
    %dma_start3A_1787 = arith.constant 1280 : i32
    %dma_start3A_1788 = tpu.memref_slice %arg12[%dma_start3A_1787] : memref<1664xi32, #tpu.memory_space<vmem>> -> memref<128xi32, #tpu.memory_space<vmem>>
    %dma_start3A_1789 = arith.constant 0 : i32
    %dma_start3A_1790 = arith.constant 0 : i32
    %dma_start3A_1791 = tpu.memref_slice %arg6[%dma_start3A_1789, %dma_start3A_1790] : memref<2600000x16xf32, #tpu.memory_space<hbm>> -> memref<2600000x16xf32, #tpu.memory_space<hbm>>
    tpu.enqueue_indirect_dma source(%dma_start3A_1791 : memref<2600000x16xf32, #tpu.memory_space<hbm>>) target(%dma_start3A_1786 : memref<128x16xf32, #tpu.memory_space<vmem>>) offsets(%dma_start3A_1788 : memref<128xi32, #tpu.memory_space<vmem>>) semaphore(%arg14 : memref<!tpu.dma_semaphore, #tpu.memory_space<semaphore_mem>>)
    %dma_start3A_1792 = arith.constant 1408 : i32
    %dma_start3A_1793 = arith.constant 0 : i32
    %dma_start3A_1794 = tpu.memref_slice %arg13[%dma_start3A_1792, %dma_start3A_1793] : memref<1664x16xf32, #tpu.memory_space<vmem>> -> memref<128x16xf32, #tpu.memory_space<vmem>>
    %dma_start3A_1795 = arith.constant 1408 : i32
    %dma_start3A_1796 = tpu.memref_slice %arg12[%dma_start3A_1795] : memref<1664xi32, #tpu.memory_space<vmem>> -> memref<128xi32, #tpu.memory_space<vmem>>
    %dma_start3A_1797 = arith.constant 0 : i32
    %dma_start3A_1798 = arith.constant 0 : i32
    %dma_start3A_1799 = tpu.memref_slice %arg6[%dma_start3A_1797, %dma_start3A_1798] : memref<2600000x16xf32, #tpu.memory_space<hbm>> -> memref<2600000x16xf32, #tpu.memory_space<hbm>>
    tpu.enqueue_indirect_dma source(%dma_start3A_1799 : memref<2600000x16xf32, #tpu.memory_space<hbm>>) target(%dma_start3A_1794 : memref<128x16xf32, #tpu.memory_space<vmem>>) offsets(%dma_start3A_1796 : memref<128xi32, #tpu.memory_space<vmem>>) semaphore(%arg14 : memref<!tpu.dma_semaphore, #tpu.memory_space<semaphore_mem>>)
    %dma_start3A_1800 = arith.constant 1536 : i32
    %dma_start3A_1801 = arith.constant 0 : i32
    %dma_start3A_1802 = tpu.memref_slice %arg13[%dma_start3A_1800, %dma_start3A_1801] : memref<1664x16xf32, #tpu.memory_space<vmem>> -> memref<128x16xf32, #tpu.memory_space<vmem>>
    %dma_start3A_1803 = arith.constant 1536 : i32
    %dma_start3A_1804 = tpu.memref_slice %arg12[%dma_start3A_1803] : memref<1664xi32, #tpu.memory_space<vmem>> -> memref<128xi32, #tpu.memory_space<vmem>>
    %dma_start3A_1805 = arith.constant 0 : i32
    %dma_start3A_1806 = arith.constant 0 : i32
    %dma_start3A_1807 = tpu.memref_slice %arg6[%dma_start3A_1805, %dma_start3A_1806] : memref<2600000x16xf32, #tpu.memory_space<hbm>> -> memref<2600000x16xf32, #tpu.memory_space<hbm>>
    tpu.enqueue_indirect_dma source(%dma_start3A_1807 : memref<2600000x16xf32, #tpu.memory_space<hbm>>) target(%dma_start3A_1802 : memref<128x16xf32, #tpu.memory_space<vmem>>) offsets(%dma_start3A_1804 : memref<128xi32, #tpu.memory_space<vmem>>) semaphore(%arg14 : memref<!tpu.dma_semaphore, #tpu.memory_space<semaphore_mem>>)
    %dma_wait3A_1808 = arith.constant 0 : i32
    %dma_wait3A_1809 = arith.constant 0 : i32
    %dma_wait3A_1810 = tpu.memref_slice %arg13[%dma_wait3A_1808, %dma_wait3A_1809] : memref<1664x16xf32, #tpu.memory_space<vmem>> -> memref<128x16xf32, #tpu.memory_space<vmem>>
    %dma_wait3A_1811 = arith.constant 0 : i32
    %dma_wait3A_1812 = tpu.memref_slice %arg12[%dma_wait3A_1811] : memref<1664xi32, #tpu.memory_space<vmem>> -> memref<128xi32, #tpu.memory_space<vmem>>
    %dma_wait3A_1813 = arith.constant 0 : i32
    %dma_wait3A_1814 = arith.constant 0 : i32
    %dma_wait3A_1815 = tpu.memref_slice %arg6[%dma_wait3A_1813, %dma_wait3A_1814] : memref<2600000x16xf32, #tpu.memory_space<hbm>> -> memref<2600000x16xf32, #tpu.memory_space<hbm>>
    tpu.wait_indirect_dma semaphore(%arg14 : memref<!tpu.dma_semaphore, #tpu.memory_space<semaphore_mem>>) src(%dma_wait3A_1815 : memref<2600000x16xf32, #tpu.memory_space<hbm>>) dst(%dma_wait3A_1810 : memref<128x16xf32, #tpu.memory_space<vmem>>)
    %dma_wait3A_1816 = arith.constant 128 : i32
    %dma_wait3A_1817 = arith.constant 0 : i32
    %dma_wait3A_1818 = tpu.memref_slice %arg13[%dma_wait3A_1816, %dma_wait3A_1817] : memref<1664x16xf32, #tpu.memory_space<vmem>> -> memref<128x16xf32, #tpu.memory_space<vmem>>
    %dma_wait3A_1819 = arith.constant 128 : i32
    %dma_wait3A_1820 = tpu.memref_slice %arg12[%dma_wait3A_1819] : memref<1664xi32, #tpu.memory_space<vmem>> -> memref<128xi32, #tpu.memory_space<vmem>>
    %dma_wait3A_1821 = arith.constant 0 : i32
    %dma_wait3A_1822 = arith.constant 0 : i32
    %dma_wait3A_1823 = tpu.memref_slice %arg6[%dma_wait3A_1821, %dma_wait3A_1822] : memref<2600000x16xf32, #tpu.memory_space<hbm>> -> memref<2600000x16xf32, #tpu.memory_space<hbm>>
    tpu.wait_indirect_dma semaphore(%arg14 : memref<!tpu.dma_semaphore, #tpu.memory_space<semaphore_mem>>) src(%dma_wait3A_1823 : memref<2600000x16xf32, #tpu.memory_space<hbm>>) dst(%dma_wait3A_1818 : memref<128x16xf32, #tpu.memory_space<vmem>>)
    %dma_wait3A_1824 = arith.constant 256 : i32
    %dma_wait3A_1825 = arith.constant 0 : i32
    %dma_wait3A_1826 = tpu.memref_slice %arg13[%dma_wait3A_1824, %dma_wait3A_1825] : memref<1664x16xf32, #tpu.memory_space<vmem>> -> memref<128x16xf32, #tpu.memory_space<vmem>>
    %dma_wait3A_1827 = arith.constant 256 : i32
    %dma_wait3A_1828 = tpu.memref_slice %arg12[%dma_wait3A_1827] : memref<1664xi32, #tpu.memory_space<vmem>> -> memref<128xi32, #tpu.memory_space<vmem>>
    %dma_wait3A_1829 = arith.constant 0 : i32
    %dma_wait3A_1830 = arith.constant 0 : i32
    %dma_wait3A_1831 = tpu.memref_slice %arg6[%dma_wait3A_1829, %dma_wait3A_1830] : memref<2600000x16xf32, #tpu.memory_space<hbm>> -> memref<2600000x16xf32, #tpu.memory_space<hbm>>
    tpu.wait_indirect_dma semaphore(%arg14 : memref<!tpu.dma_semaphore, #tpu.memory_space<semaphore_mem>>) src(%dma_wait3A_1831 : memref<2600000x16xf32, #tpu.memory_space<hbm>>) dst(%dma_wait3A_1826 : memref<128x16xf32, #tpu.memory_space<vmem>>)
    %dma_wait3A_1832 = arith.constant 384 : i32
    %dma_wait3A_1833 = arith.constant 0 : i32
    %dma_wait3A_1834 = tpu.memref_slice %arg13[%dma_wait3A_1832, %dma_wait3A_1833] : memref<1664x16xf32, #tpu.memory_space<vmem>> -> memref<128x16xf32, #tpu.memory_space<vmem>>
    %dma_wait3A_1835 = arith.constant 384 : i32
    %dma_wait3A_1836 = tpu.memref_slice %arg12[%dma_wait3A_1835] : memref<1664xi32, #tpu.memory_space<vmem>> -> memref<128xi32, #tpu.memory_space<vmem>>
    %dma_wait3A_1837 = arith.constant 0 : i32
    %dma_wait3A_1838 = arith.constant 0 : i32
    %dma_wait3A_1839 = tpu.memref_slice %arg6[%dma_wait3A_1837, %dma_wait3A_1838] : memref<2600000x16xf32, #tpu.memory_space<hbm>> -> memref<2600000x16xf32, #tpu.memory_space<hbm>>
    tpu.wait_indirect_dma semaphore(%arg14 : memref<!tpu.dma_semaphore, #tpu.memory_space<semaphore_mem>>) src(%dma_wait3A_1839 : memref<2600000x16xf32, #tpu.memory_space<hbm>>) dst(%dma_wait3A_1834 : memref<128x16xf32, #tpu.memory_space<vmem>>)
    %dma_wait3A_1840 = arith.constant 512 : i32
    %dma_wait3A_1841 = arith.constant 0 : i32
    %dma_wait3A_1842 = tpu.memref_slice %arg13[%dma_wait3A_1840, %dma_wait3A_1841] : memref<1664x16xf32, #tpu.memory_space<vmem>> -> memref<128x16xf32, #tpu.memory_space<vmem>>
    %dma_wait3A_1843 = arith.constant 512 : i32
    %dma_wait3A_1844 = tpu.memref_slice %arg12[%dma_wait3A_1843] : memref<1664xi32, #tpu.memory_space<vmem>> -> memref<128xi32, #tpu.memory_space<vmem>>
    %dma_wait3A_1845 = arith.constant 0 : i32
    %dma_wait3A_1846 = arith.constant 0 : i32
    %dma_wait3A_1847 = tpu.memref_slice %arg6[%dma_wait3A_1845, %dma_wait3A_1846] : memref<2600000x16xf32, #tpu.memory_space<hbm>> -> memref<2600000x16xf32, #tpu.memory_space<hbm>>
    tpu.wait_indirect_dma semaphore(%arg14 : memref<!tpu.dma_semaphore, #tpu.memory_space<semaphore_mem>>) src(%dma_wait3A_1847 : memref<2600000x16xf32, #tpu.memory_space<hbm>>) dst(%dma_wait3A_1842 : memref<128x16xf32, #tpu.memory_space<vmem>>)
    %dma_wait3A_1848 = arith.constant 640 : i32
    %dma_wait3A_1849 = arith.constant 0 : i32
    %dma_wait3A_1850 = tpu.memref_slice %arg13[%dma_wait3A_1848, %dma_wait3A_1849] : memref<1664x16xf32, #tpu.memory_space<vmem>> -> memref<128x16xf32, #tpu.memory_space<vmem>>
    %dma_wait3A_1851 = arith.constant 640 : i32
    %dma_wait3A_1852 = tpu.memref_slice %arg12[%dma_wait3A_1851] : memref<1664xi32, #tpu.memory_space<vmem>> -> memref<128xi32, #tpu.memory_space<vmem>>
    %dma_wait3A_1853 = arith.constant 0 : i32
    %dma_wait3A_1854 = arith.constant 0 : i32
    %dma_wait3A_1855 = tpu.memref_slice %arg6[%dma_wait3A_1853, %dma_wait3A_1854] : memref<2600000x16xf32, #tpu.memory_space<hbm>> -> memref<2600000x16xf32, #tpu.memory_space<hbm>>
    tpu.wait_indirect_dma semaphore(%arg14 : memref<!tpu.dma_semaphore, #tpu.memory_space<semaphore_mem>>) src(%dma_wait3A_1855 : memref<2600000x16xf32, #tpu.memory_space<hbm>>) dst(%dma_wait3A_1850 : memref<128x16xf32, #tpu.memory_space<vmem>>)
    %dma_wait3A_1856 = arith.constant 768 : i32
    %dma_wait3A_1857 = arith.constant 0 : i32
    %dma_wait3A_1858 = tpu.memref_slice %arg13[%dma_wait3A_1856, %dma_wait3A_1857] : memref<1664x16xf32, #tpu.memory_space<vmem>> -> memref<128x16xf32, #tpu.memory_space<vmem>>
    %dma_wait3A_1859 = arith.constant 768 : i32
    %dma_wait3A_1860 = tpu.memref_slice %arg12[%dma_wait3A_1859] : memref<1664xi32, #tpu.memory_space<vmem>> -> memref<128xi32, #tpu.memory_space<vmem>>
    %dma_wait3A_1861 = arith.constant 0 : i32
    %dma_wait3A_1862 = arith.constant 0 : i32
    %dma_wait3A_1863 = tpu.memref_slice %arg6[%dma_wait3A_1861, %dma_wait3A_1862] : memref<2600000x16xf32, #tpu.memory_space<hbm>> -> memref<2600000x16xf32, #tpu.memory_space<hbm>>
    tpu.wait_indirect_dma semaphore(%arg14 : memref<!tpu.dma_semaphore, #tpu.memory_space<semaphore_mem>>) src(%dma_wait3A_1863 : memref<2600000x16xf32, #tpu.memory_space<hbm>>) dst(%dma_wait3A_1858 : memref<128x16xf32, #tpu.memory_space<vmem>>)
    %dma_wait3A_1864 = arith.constant 896 : i32
    %dma_wait3A_1865 = arith.constant 0 : i32
    %dma_wait3A_1866 = tpu.memref_slice %arg13[%dma_wait3A_1864, %dma_wait3A_1865] : memref<1664x16xf32, #tpu.memory_space<vmem>> -> memref<128x16xf32, #tpu.memory_space<vmem>>
    %dma_wait3A_1867 = arith.constant 896 : i32
    %dma_wait3A_1868 = tpu.memref_slice %arg12[%dma_wait3A_1867] : memref<1664xi32, #tpu.memory_space<vmem>> -> memref<128xi32, #tpu.memory_space<vmem>>
    %dma_wait3A_1869 = arith.constant 0 : i32
    %dma_wait3A_1870 = arith.constant 0 : i32
    %dma_wait3A_1871 = tpu.memref_slice %arg6[%dma_wait3A_1869, %dma_wait3A_1870] : memref<2600000x16xf32, #tpu.memory_space<hbm>> -> memref<2600000x16xf32, #tpu.memory_space<hbm>>
    tpu.wait_indirect_dma semaphore(%arg14 : memref<!tpu.dma_semaphore, #tpu.memory_space<semaphore_mem>>) src(%dma_wait3A_1871 : memref<2600000x16xf32, #tpu.memory_space<hbm>>) dst(%dma_wait3A_1866 : memref<128x16xf32, #tpu.memory_space<vmem>>)
    %dma_wait3A_1872 = arith.constant 1024 : i32
    %dma_wait3A_1873 = arith.constant 0 : i32
    %dma_wait3A_1874 = tpu.memref_slice %arg13[%dma_wait3A_1872, %dma_wait3A_1873] : memref<1664x16xf32, #tpu.memory_space<vmem>> -> memref<128x16xf32, #tpu.memory_space<vmem>>
    %dma_wait3A_1875 = arith.constant 1024 : i32
    %dma_wait3A_1876 = tpu.memref_slice %arg12[%dma_wait3A_1875] : memref<1664xi32, #tpu.memory_space<vmem>> -> memref<128xi32, #tpu.memory_space<vmem>>
    %dma_wait3A_1877 = arith.constant 0 : i32
    %dma_wait3A_1878 = arith.constant 0 : i32
    %dma_wait3A_1879 = tpu.memref_slice %arg6[%dma_wait3A_1877, %dma_wait3A_1878] : memref<2600000x16xf32, #tpu.memory_space<hbm>> -> memref<2600000x16xf32, #tpu.memory_space<hbm>>
    tpu.wait_indirect_dma semaphore(%arg14 : memref<!tpu.dma_semaphore, #tpu.memory_space<semaphore_mem>>) src(%dma_wait3A_1879 : memref<2600000x16xf32, #tpu.memory_space<hbm>>) dst(%dma_wait3A_1874 : memref<128x16xf32, #tpu.memory_space<vmem>>)
    %dma_wait3A_1880 = arith.constant 1152 : i32
    %dma_wait3A_1881 = arith.constant 0 : i32
    %dma_wait3A_1882 = tpu.memref_slice %arg13[%dma_wait3A_1880, %dma_wait3A_1881] : memref<1664x16xf32, #tpu.memory_space<vmem>> -> memref<128x16xf32, #tpu.memory_space<vmem>>
    %dma_wait3A_1883 = arith.constant 1152 : i32
    %dma_wait3A_1884 = tpu.memref_slice %arg12[%dma_wait3A_1883] : memref<1664xi32, #tpu.memory_space<vmem>> -> memref<128xi32, #tpu.memory_space<vmem>>
    %dma_wait3A_1885 = arith.constant 0 : i32
    %dma_wait3A_1886 = arith.constant 0 : i32
    %dma_wait3A_1887 = tpu.memref_slice %arg6[%dma_wait3A_1885, %dma_wait3A_1886] : memref<2600000x16xf32, #tpu.memory_space<hbm>> -> memref<2600000x16xf32, #tpu.memory_space<hbm>>
    tpu.wait_indirect_dma semaphore(%arg14 : memref<!tpu.dma_semaphore, #tpu.memory_space<semaphore_mem>>) src(%dma_wait3A_1887 : memref<2600000x16xf32, #tpu.memory_space<hbm>>) dst(%dma_wait3A_1882 : memref<128x16xf32, #tpu.memory_space<vmem>>)
    %dma_wait3A_1888 = arith.constant 1280 : i32
    %dma_wait3A_1889 = arith.constant 0 : i32
    %dma_wait3A_1890 = tpu.memref_slice %arg13[%dma_wait3A_1888, %dma_wait3A_1889] : memref<1664x16xf32, #tpu.memory_space<vmem>> -> memref<128x16xf32, #tpu.memory_space<vmem>>
    %dma_wait3A_1891 = arith.constant 1280 : i32
    %dma_wait3A_1892 = tpu.memref_slice %arg12[%dma_wait3A_1891] : memref<1664xi32, #tpu.memory_space<vmem>> -> memref<128xi32, #tpu.memory_space<vmem>>
    %dma_wait3A_1893 = arith.constant 0 : i32
    %dma_wait3A_1894 = arith.constant 0 : i32
    %dma_wait3A_1895 = tpu.memref_slice %arg6[%dma_wait3A_1893, %dma_wait3A_1894] : memref<2600000x16xf32, #tpu.memory_space<hbm>> -> memref<2600000x16xf32, #tpu.memory_space<hbm>>
    tpu.wait_indirect_dma semaphore(%arg14 : memref<!tpu.dma_semaphore, #tpu.memory_space<semaphore_mem>>) src(%dma_wait3A_1895 : memref<2600000x16xf32, #tpu.memory_space<hbm>>) dst(%dma_wait3A_1890 : memref<128x16xf32, #tpu.memory_space<vmem>>)
    %dma_wait3A_1896 = arith.constant 1408 : i32
    %dma_wait3A_1897 = arith.constant 0 : i32
    %dma_wait3A_1898 = tpu.memref_slice %arg13[%dma_wait3A_1896, %dma_wait3A_1897] : memref<1664x16xf32, #tpu.memory_space<vmem>> -> memref<128x16xf32, #tpu.memory_space<vmem>>
    %dma_wait3A_1899 = arith.constant 1408 : i32
    %dma_wait3A_1900 = tpu.memref_slice %arg12[%dma_wait3A_1899] : memref<1664xi32, #tpu.memory_space<vmem>> -> memref<128xi32, #tpu.memory_space<vmem>>
    %dma_wait3A_1901 = arith.constant 0 : i32
    %dma_wait3A_1902 = arith.constant 0 : i32
    %dma_wait3A_1903 = tpu.memref_slice %arg6[%dma_wait3A_1901, %dma_wait3A_1902] : memref<2600000x16xf32, #tpu.memory_space<hbm>> -> memref<2600000x16xf32, #tpu.memory_space<hbm>>
    tpu.wait_indirect_dma semaphore(%arg14 : memref<!tpu.dma_semaphore, #tpu.memory_space<semaphore_mem>>) src(%dma_wait3A_1903 : memref<2600000x16xf32, #tpu.memory_space<hbm>>) dst(%dma_wait3A_1898 : memref<128x16xf32, #tpu.memory_space<vmem>>)
    %dma_wait3A_1904 = arith.constant 1536 : i32
    %dma_wait3A_1905 = arith.constant 0 : i32
    %dma_wait3A_1906 = tpu.memref_slice %arg13[%dma_wait3A_1904, %dma_wait3A_1905] : memref<1664x16xf32, #tpu.memory_space<vmem>> -> memref<128x16xf32, #tpu.memory_space<vmem>>
    %dma_wait3A_1907 = arith.constant 1536 : i32
    %dma_wait3A_1908 = tpu.memref_slice %arg12[%dma_wait3A_1907] : memref<1664xi32, #tpu.memory_space<vmem>> -> memref<128xi32, #tpu.memory_space<vmem>>
    %dma_wait3A_1909 = arith.constant 0 : i32
    %dma_wait3A_1910 = arith.constant 0 : i32
    %dma_wait3A_1911 = tpu.memref_slice %arg6[%dma_wait3A_1909, %dma_wait3A_1910] : memref<2600000x16xf32, #tpu.memory_space<hbm>> -> memref<2600000x16xf32, #tpu.memory_space<hbm>>
    tpu.wait_indirect_dma semaphore(%arg14 : memref<!tpu.dma_semaphore, #tpu.memory_space<semaphore_mem>>) src(%dma_wait3A_1911 : memref<2600000x16xf32, #tpu.memory_space<hbm>>) dst(%dma_wait3A_1906 : memref<128x16xf32, #tpu.memory_space<vmem>>)
    "tpu.region"() ({
      %run_scoped3A = tpu.sem_alloc : memref<!tpu.dma_semaphore, #tpu.memory_space<semaphore_mem>>
      %dma_start3A_1912 = arith.constant 0 : i32
      %dma_start3A_1913 = tpu.memref_slice %arg7[%add3A_1673, %dma_start3A_1912] : memref<425984x16xf32, #tpu.memory_space<hbm>> -> memref<1664x16xf32, #tpu.memory_space<hbm>>
      %dma_start3A_1914 = arith.constant 0 : i32
      %dma_start3A_1915 = tpu.memref_slice %arg7[%add3A_1673, %dma_start3A_1914] : memref<425984x16xf32, #tpu.memory_space<hbm>> -> memref<1664x16xf32, #tpu.memory_space<hbm>>
      tpu.enqueue_dma source(%arg13 : memref<1664x16xf32, #tpu.memory_space<vmem>>) target(%dma_start3A_1915 : memref<1664x16xf32, #tpu.memory_space<hbm>>) target_semaphore(%run_scoped3A : memref<!tpu.dma_semaphore, #tpu.memory_space<semaphore_mem>>)
      %dma_wait3A_1916 = arith.constant 0 : i32
      %dma_wait3A_1917 = tpu.memref_slice %arg7[%add3A_1673, %dma_wait3A_1916] : memref<425984x16xf32, #tpu.memory_space<hbm>> -> memref<1664x16xf32, #tpu.memory_space<hbm>>
      %dma_wait3A_1918 = arith.constant 0 : i32
      %dma_wait3A_1919 = tpu.memref_slice %arg7[%add3A_1673, %dma_wait3A_1918] : memref<425984x16xf32, #tpu.memory_space<hbm>> -> memref<1664x16xf32, #tpu.memory_space<hbm>>
      tpu.wait_dma2 semaphore(%run_scoped3A : memref<!tpu.dma_semaphore, #tpu.memory_space<semaphore_mem>>) src(%arg13 : memref<1664x16xf32, #tpu.memory_space<vmem>>) dst(%dma_wait3A_1919 : memref<1664x16xf32, #tpu.memory_space<hbm>>)
      tpu.yield
    }) : () -> ()
    return
  }
}

</mosaic_0001>

<sc_bundles>
// kernel: kernel.3.cloned.1.call-start
scs
__scs_entry_jumppad:
0x0: {  	(pc) =	sbr.rel $0x88, $3  }
0x1: {  	(tag) =	ssettag $0x0;
	lr =	simm.s32 $0x1  }
0x2: {  	[smem:$0x3F9F] =	sst lr;
	_ =	strace $0xD0000000  }
0x3: {  	_ = 	snop  }
0x4: {  	_ = 	snop  }
0x5: {  	_ = 	snop  }
0x6: {  	_ = 	snop  }
0x7: {  	_ = 	snop  }
__scs_overlays_trampoline_lowered:
0x8: {  	[smem:$0x3FAE] =	sst s0  }
0x9: {  	[smem:$0x3FAF] =	sst s1  }
0xa: {  	[smem:$0x3FB0] =	sst s2  }
0xb: {  	[smem:$0x3FB1] =	sst s3  }
0xc: {  	[smem:$0x3FB2] =	sst s4  }
0xd: {  	[smem:$0x3FB3] =	sst s5  }
0xe: {  	[smem:$0x3FB4] =	sst s6  }
0xf: {  	[smem:$0x3FB5] =	sst s7  }
0x10: {  	[smem:$0x3FB6] =	sst s8  }
0x11: {  	[smem:$0x3FB7] =	sst s9;
	s0 =	simm.s32 @!p0 $0x0  }
0x12: {  	s1 =	sld [smem:$0x3F9D];
	s0 =	simm.s32 @p0 $0x1  }
0x13: {  	[smem:$0x3FB8] =	sst s0;
	s0 =	simm.s32 @!p1 $0x0  }
0x14: {  	s2 =	sld [smem:$0x3F9C];
	s0 =	simm.s32 @p1 $0x1  }
0x15: {  	[smem:$0x3FB9] =	sst s0;
	s0 =	simm.s32 @!p2 $0x0  }
0x16: {  	s3 =	sld [smem:$0x3FDB];
	s0 =	simm.s32 @p2 $0x1  }
0x17: {  	s4 =	simm.s32 $0x1BF5;
	[smem:$0x3FBB] =	sst s0  }
0x18: {  	s0 =	sld [smem:$0x3F9E];
	_ =	swait.ge [sflag:s4], $0x0  }
0x19: {  	s7 =	sld [smem:$0x3F9F]  }
0x1a: {  	s8 =	sadd.s32 $0xFFFFE003, lr  }
0x1b: {  	s9 =	sadd.s32 $0xFFFFFEF7, lr;
	s5 =	simm.s32 $0xFFFFFFFF;
	p2 =	slt.u32 s8, $0xFFFFF086  }
0x1c: {  	p1 =	slt.u32 s9, $0xF7A;
	s5 =	simm.s32 @!p2 $0x0  }
0x1d: {  	s5 =	simm.s32 @p1 $0x1;
	p0 =	seq.s32 s7, s2  }
0x1e: {  	s7 =	smul.u32 @!p0 $0xF7A, s2;
	p2 =	seq.s32 @!p0 s5, $0x0  }
0x1f: {  	s9 =	smul.u32 $0xF7A, s1;
	s8 =	simm.s32 @!p0 $0x1BF5;
	p2 =	por !p2, p0  }
0x20: {  	[sflag:s8] =	ssyncset.s32 @!p0 $0xFFFFF086;
	s6 =	sadd.s32 @!p0 s3, s7;
	s7 =	simm.s32 @!p0 $0x108  }
0x21: {  	s3 =	sadd.s32 s3, s9;
	s6 =	sadd.s32 @!p0 $0x88, s6;
	s7 =	simm.s32 @p2 $0x1082  }
0x22: {  	[simem:s7], [sflag:s8] =	dma.local @!p0 [hbm:s6], $0xF7A  }
0x23: {  	s9 =	sor.u32 $0xD0000000, s2;
	s6 =	simm.s32 $0x108;
	_ =	swait.ge @!p0 [sflag:s8], $0x0  }
0x24: {  	s3 =	sadd.s32 $0x88, s3;
	s6 =	simm.s32 @!p1 $0x1082;
	[sflag:s4] =	ssyncset.s32 $0xFFFFF086  }
0x25: {  	[simem:s6], [sflag:s4] =	dma.local [hbm:s3], $0xF7A  }
0x26: {  	[smem:$0x3F9F] =	sst s1;
	(tag) =	ssettag s2;
	_ =	strace s9  }
0x27: {  	s1 =	sld [smem:$0x3FAF]  }
0x28: {  	s2 =	sld [smem:$0x3FB0]  }
0x29: {  	s4 =	sld [smem:$0x3FB2]  }
0x2a: {  	p0 =	seq.s32 s5, $0x0;
	s5 =	sld [smem:$0x3FB3]  }
0x2b: {  	s6 =	sld [smem:$0x3FB4]  }
0x2c: {  	s7 =	sld [smem:$0x3FB5]  }
0x2d: {  	s3 =	simm.s32 $0x108;
	s8 =	sld [smem:$0x3FB6]  }
0x2e: {  	s3 =	simm.s32 @!p0 $0x1082;
	s9 =	sld [smem:$0x3FB7]  }
0x2f: {  	lr =	sadd.s32 s0, s3;
	s0 =	sld [smem:$0x3FAE]  }
0x30: {  	s3 =	sld [smem:$0x3FB1]  }
0x31: {  	[smem:$0x3FBA] =	sst s10  }
0x32: {  	s10 =	sld [smem:$0x3FB8];
	_ =	sdelay $0x3  }
0x33: {  	p0 =	seq.s32 s10, $0x1;
	s10 =	sld [smem:$0x3FBA];
	_ =	sdelay $0x3  }
0x34: {  	[smem:$0x3FBA] =	sst s10  }
0x35: {  	s10 =	sld [smem:$0x3FB9];
	_ =	sdelay $0x3  }
0x36: {  	p1 =	seq.s32 s10, $0x1;
	s10 =	sld [smem:$0x3FBA];
	_ =	sdelay $0x3  }
0x37: {  	[smem:$0x3FBA] =	sst s10  }
0x38: {  	s10 =	sld [smem:$0x3FBB]  }
0x39: {  	_ = 	snop;
	(pc) =	sbr.ind lr, $3  }
0x3a: {  	_ = 	snop  }
0x3b: {  	_ = 	snop  }
0x3c: {  	p2 =	seq.s32 s10, $0x1;
	s10 =	sld [smem:$0x3FBA]  }
0x3d: {  	_ =	shalt  }
0x3e: {  	_ =	shalt  }
0x3f: {  	_ =	shalt  }
0x40: {  	_ =	shalt  }
0x41: {  	_ =	shalt  }
0x42: {  	_ =	shalt  }
0x43: {  	_ =	shalt  }
0x44: {  	_ =	shalt  }
0x45: {  	_ =	shalt  }
0x46: {  	_ =	shalt  }
0x47: {  	_ =	shalt  }
0x48: {  	_ =	shalt  }
0x49: {  	_ =	shalt  }
0x4a: {  	_ =	shalt  }
0x4b: {  	_ =	shalt  }
0x4c: {  	_ =	shalt  }
0x4d: {  	_ =	shalt  }
0x4e: {  	_ =	shalt  }
0x4f: {  	_ =	shalt  }
0x50: {  	_ =	shalt  }
0x51: {  	_ =	shalt  }
0x52: {  	_ =	shalt  }
0x53: {  	_ =	shalt  }
0x54: {  	_ =	shalt  }
0x55: {  	_ =	shalt  }
0x56: {  	_ =	shalt  }
0x57: {  	_ =	shalt  }
0x58: {  	_ =	shalt  }
0x59: {  	_ =	shalt  }
0x5a: {  	_ =	shalt  }
0x5b: {  	_ =	shalt  }
0x5c: {  	_ =	shalt  }
0x5d: {  	_ =	shalt  }
0x5e: {  	_ =	shalt  }
0x5f: {  	_ =	shalt  }
0x60: {  	_ =	shalt  }
0x61: {  	_ =	shalt  }
0x62: {  	_ =	shalt  }
0x63: {  	_ =	shalt  }
0x64: {  	_ =	shalt  }
0x65: {  	_ =	shalt  }
0x66: {  	_ =	shalt  }
0x67: {  	_ =	shalt  }
0x68: {  	_ =	shalt  }
0x69: {  	_ =	shalt  }
0x6a: {  	_ =	shalt  }
0x6b: {  	_ =	shalt  }
0x6c: {  	_ =	shalt  }
0x6d: {  	_ =	shalt  }
0x6e: {  	_ =	shalt  }
0x6f: {  	_ =	shalt  }
0x70: {  	_ =	shalt  }
0x71: {  	_ =	shalt  }
0x72: {  	_ =	shalt  }
0x73: {  	_ =	shalt  }
0x74: {  	_ =	shalt  }
0x75: {  	_ =	shalt  }
0x76: {  	_ =	shalt  }
0x77: {  	_ =	shalt  }
0x78: {  	_ =	shalt  }
0x79: {  	_ =	shalt  }
0x7a: {  	_ =	shalt  }
0x7b: {  	_ =	shalt  }
0x7c: {  	_ =	shalt  }
0x7d: {  	_ =	shalt  }
0x7e: {  	_ =	shalt  }
0x7f: {  	_ =	shalt  }
0x80: {  	_ =	shalt  }
0x81: {  	_ =	shalt  }
0x82: {  	_ =	shalt  }
0x83: {  	_ =	shalt  }
0x84: {  	_ =	shalt  }
0x85: {  	_ =	shalt  }
0x86: {  	_ =	shalt  }
0x87: {  	_ =	shalt  }
.Lfunc_end0:
.L_simem_size_0:
called_computation_lowered:
.L_overlay_start_0:
0x88: {  	s2 =	sld [smem:$0x3FD9]  }
0x89: {  	s3 =	sld [smem:$0x3FFE];
	_ =	sdelay $0x1  }
0x8a: {  	s1 =	srdreg.scid  }
0x8b: {  	s0 =	sand.u32 $0x1, s1  }
0x8c: {  	s17 =	sshll.u32 s0, $0xA;
	s2 =	sadd.s32 s3, s2  }
0x8d: {  	s2 =	sadd.s32 s2, s17  }
0x8e: {  	[smem:$0x3FC6] =	sst s2  }
0x8f: {  	_ = 	snop  }
0x90: {  	s2 =	sld [smem:$0x3FD0];
	(tm) =	ssettm $0x1  }
0x91: {  	s18 =	sld [smem:$0x3FFB];
	_ =	sdelay $0x3  }
0x92: {  	_ =	strace s18  }
0x93: {  	s3 =	sld [smem:$0x3FFC];
	_ =	sdelay $0x3  }
0x94: {  	_ =	strace s3  }
0x95: {  	s3 =	sld [smem:$0x3FFD];
	_ =	sdelay $0x3  }
0x96: {  	_ =	strace s3  }
0x97: {  	_ =	strace $0x8FFFFFFF  }
0x98: {  	s19 =	sld [smem:$0x3FDB];
	_ =	sdelay $0x1  }
0x99: {  	s4 =	simm.s32 $_scs_section_size  }
0x9a: {  	s5 =	simm.s32 $_size__tile_overlayer_lowered;
	s6 =	simm.s32 $_tile_overlayer_lowered  }
0x9b: {  	s22 =	simm.s32 $0x1BFF;
	s21 =	sshll.u32 s6, $0x1;
	s3 =	sadd.s32 s4, s19  }
0x9c: {  	s7 =	simm.s32 $0x0;
	s20 =	sshll.u32 s5, $0x1;
	s5 =	sadd.s32 s21, s3  }
0x9d: {  	[timem:s7], [sflag:s22] =	dma.local [hbm:s5], s20  }
0x9e: {  	_ =	swait.ge [sflag:s22], s20  }
0x9f: {  	s4 =	ssub.s32 $0x0, s20;
	[sflag:s22] =	ssyncset.done $0x0  }
0xa0: {  	[sflag:s22] =	ssyncadd.s32 s4;
	_ =	sdelay $0x1  }
0xa1: {  	s23 =	simm.s32 $0x1B8B  }
0xa2: {  	_ =	swait.ge [sflag:s23], $0x1  }
0xa3: {  	[sflag:s23] =	ssyncset.done $0x0  }
0xa4: {  	s25 =	simm.s32 $0x1B8E;
	s24 =	sld [smem:$0x3FFE];
	[sflag:s23] =	ssyncadd.s32 $0xFFFFFFFF  }
0xa5: {  	s26 =	simm.s32 $execute0_lowered;
	[smem:$0x3FD2] =	sst s25  }
0xa6: {  	s5 =	sshll.u32 s26, $0x1;
	_ =	strace $0x80000046;
	[dreg:$0x1] =	wrdreg $0xFFFFFFFF  }
0xa7: {  	s28 =	simm.s32 $_size_execute0_lowered;
	s3 =	sadd.s32 s3, s5;
	[dreg:$0x0] =	wrdreg $0x0  }
0xa8: {  	s5 =	sshll.u32 s28, $0x1;
	[dreg:$0x2] =	wrdreg s3  }
0xa9: {  	[dreg:$0x3] =	wrdreg s5  }
0xaa: {  	[dreg:$0x4] =	wrdreg $0xC0  }
0xab: {  	_ =	task [dreg:s7], $0x5FFFF  }
0xac: {  	[dreg:$0x1] =	wrdreg $0xFFFFFFFF  }
0xad: {  	[dreg:$0x0] =	wrdreg $0x60  }
0xae: {  	[dreg:$0x2] =	wrdreg s24  }
0xaf: {  	[dreg:$0x3] =	wrdreg s2  }
0xb0: {  	[dreg:$0x4] =	wrdreg $0x9  }
0xb1: {  	_ =	task.clear_ibuf [dreg:s7], $0x5FFFF;
	_ =	strace $0x90000046  }
0xb2: {  	s29 =	simm.s32 $0x9;
	_ =	strace $0x80000048  }
0xb3: {  	_ =	swait.ge [sflag:s29], $0x1  }
0xb4: {  	[sflag:s29] =	ssyncadd.s32 $0xFFFFFFFF  }
0xb5: {  	_ =	strace $0x90000048  }
0xb6: {  	_ =	sfence  }
0xb7: {  	s30 =	sld [smem:$0x0];
	_ =	sdelay $0x2  }
0xb8: {  	s31 =	sshll.u32 s1, $0xD;
	s1 =	sshrl.u32 s1, $0x2  }
0xb9: {  	s3 =	sand.u32 $0x4000, s31;
	s1 =	sadd.s32 s1, s30  }
0xba: {  	s0 =	sor.u32 s3, s0;
	s1 =	sshll.u32 s1, $0x11  }
0xbb: {  	s0 =	sor.u32 s1, s0  }
0xbc: {  	s0 =	sadd.s32 $0x8F2B, s0  }
0xbd: {  	[sflag:s0] =	ssyncadd.remote.s32 $0x1  }
0xbe: {  	_ =	sfence.sel $0xFFFF  }
0xbf: {  	[dreg:$0x0] =	wrdreg $0xFFFFFFFF;
	(pc) =	sbr.abs _section_cstart, $3  }
0xc0: {  	[dreg:$0x1] =	wrdreg $0xFFFFFFFF  }
0xc1: {  	_ =	task.clear_ibuf [dreg:s7], $0x2FFFF;
	_ =	strace $0x9FFFFFFF  }
0xc2: {  	(tm) =	ssettm $0x7FFFFFFF  }
0xc3: {  	_ =	shalt  }
tec
execute0_lowered:
.L_overlay_start_1:
0x0: {  	(tag) =	ssettag $0x1  }
0x1: {  	s1 =	rddreg [dreg:$0x0]  }
0x2: {  	s0 =	rddreg [dreg:$0x1];
	s3 =	srdreg.scid  }
0x3: {  	s4 =	stileid.u32;
	s2 =	simm.s32 $0x0;
	s29 =	simm.s32 $0x80  }
0x4: {  	s31 =	simm.s32 $0x2200;
	s28 =	simm.s32 $0x1D00;
	s30 =	simm.s32 $0x0  }
0x5: {  	s3 =	sand.u32 $0x1, s3;
	s4 =	sshll.u32 s4, $0x1;
	[smem:$0x7FF] =	sst s2  }
0x6: {  	s5 =	sadd.s32 $0xC00, s1;
	s6 =	sadd.s32 $0x11000, s1;
	s15 =	sadd.s32 $0x10E00, s1  }
0x7: {  	s16 =	sadd.s32 $0x10C00, s1;
	_ =	strace $0x80000047;
	[dreg:$0x3] =	wrdreg s6  }
0x8: {  	s4 =	sor.u32 s3, s4;
	[dreg:$0x4] =	wrdreg s15;
	s3 =	ssub.s32 $0x2, s3  }
0x9: {  	[dreg:$0x5] =	wrdreg s16;
	s6 =	sadd.s32 $0x27AD000, s1;
	s7 =	smul.u32 $0x3400, s4  }
0xa: {  	s8 =	sshrl.u32 s3, $0x1;
	s18 =	sshll.u32 s4, $0xB;
	s4 =	smul.u32 $0x6800, s4  }
0xb: {  	s1 =	ssub.s32 s3, s8;
	s8 =	sadd.s32 s5, s18;
	s9 =	sadd.s32 $0x680, s7  }
0xc: {  	s10 =	sadd.s32 $0xD00, s7;
	[dreg:$0x6] =	wrdreg s8;
	s17 =	smulhi.u32 $0x9D89D8A, s9  }
0xd: {  	s4 =	sadd.s32 s0, s4;
	s20 =	sadd.s32 $0x1380, s7;
	s19 =	smulhi.u32 $0x9D89D8A, s10  }
0xe: {  	s24 =	sadd.s32 $0x1A00, s7;
	s12 =	sadd.s32 $0x2080, s7;
	s22 =	smulhi.u32 $0x9D89D8A, s20  }
0xf: {  	s16 =	sadd.s32 $0x2700, s7;
	[dreg:$0x7] =	wrdreg s4;
	s26 =	smulhi.u32 $0x9D89D8A, s24  }
0x10: {  	s21 =	sshll.u32 s9, $0x1;
	s25 =	sshll.u32 s10, $0x1;
	s14 =	smulhi.u32 $0x9D89D8A, s12  }
0x11: {  	s18 =	smulhi.u32 $0x9D89D8A, s16;
	s10 =	simm.s32 $0x5200;
	s4 =	sadd.s32 s0, s21  }
0x12: {  	s21 =	sshll.u32 s12, $0x1;
	s12 =	simm.s32 $0x5A00;
	s3 =	sshll.u32 s17, $0x2  }
0x13: {  	s8 =	sshll.u32 s19, $0x2;
	[dreg:$0x9] =	wrdreg s4;
	s9 =	sshll.u32 s22, $0x2  }
0x14: {  	s13 =	sshll.u32 s26, $0x2;
	s4 =	sshll.u32 s24, $0x1;
	s17 =	sshll.u32 s14, $0x2  }
0x15: {  	s22 =	sshll.u32 s18, $0x2;
	s26 =	smax.u32 s1, $0x1;
	s14 =	simm.s32 $0x6200  }
0x16: {  	s18 =	simm.s32 $0x7200;
	s3 =	sadd.s32 s5, s3;
	[dreg:$0x16] =	wrdreg s26  }
0x17: {  	s23 =	sadd.s32 s5, s8;
	s8 =	sadd.s32 s0, s25;
	[dreg:$0x8] =	wrdreg s3  }
0x18: {  	s11 =	sadd.s32 s5, s9;
	s15 =	sadd.s32 s5, s13;
	[dreg:$0xa] =	wrdreg s23  }
0x19: {  	s4 =	sadd.s32 s0, s4;
	s19 =	sadd.s32 s5, s17;
	[dreg:$0xb] =	wrdreg s8  }
0x1a: {  	s24 =	sadd.s32 s5, s22;
	s9 =	simm.s32 $0x1E80;
	[dreg:$0xc] =	wrdreg s11  }
0x1b: {  	s13 =	simm.s32 $0x1F80;
	s17 =	simm.s32 $0x2080;
	[dreg:$0xe] =	wrdreg s15  }
0x1c: {  	s22 =	simm.s32 $0x8200;
	s3 =	sshll.u32 s20, $0x1;
	[dreg:$0xf] =	wrdreg s4  }
0x1d: {  	[dreg:$0x10] =	wrdreg s19;
	s20 =	sadd.s32 $0x2D80, s7;
	s7 =	sadd.s32 s0, s21  }
0x1e: {  	[dreg:$0x12] =	wrdreg s24;
	s8 =	simm.s32 $0x4A00;
	s11 =	simm.s32 $0x1F00  }
0x1f: {  	s15 =	simm.s32 $0x2000;
	s19 =	simm.s32 $0x2100;
	s21 =	simm.s32 $0x2180  }
0x20: {  	s3 =	sadd.s32 s0, s3;
	s23 =	smulhi.u32 $0x9D89D8A, s20;
	[dreg:$0x11] =	wrdreg s7  }
0x21: {  	s4 =	sshll.u32 s20, $0x1;
	s7 =	simm.s32 $0x1E00;
	s20 =	simm.s32 $0x7A00  }
0x22: {  	[dreg:$0xd] =	wrdreg s3;
	s3 =	sshll.u32 s16, $0x1;
	s16 =	simm.s32 $0x6A00  }
0x23: {  	s3 =	sadd.s32 s0, s3;
	s25 =	sshll.u32 s23, $0x2;
	s0 =	sadd.s32 s0, s4  }
0x24: {  	s4 =	simm.s32 $0x1D80;
	s23 =	simm.s32 $0x1;
	[dreg:$0x13] =	wrdreg s3  }
0x25: {  	s3 =	sadd.s32 s5, s25;
	[dreg:$0x15] =	wrdreg s0;
	s25 =	simm.s32 $0x2  }
0x26: {  	s5 =	simm.s32 $0x4200;
	[dreg:$0x14] =	wrdreg s3;
	s3 =	simm.s32 $0x3A00  }
.LBB2_1:
0x27: {  	s0 =	rddreg [dreg:$0x3];
	s1 =	simm.s32 $0x800  }
0x28: {  	[tilespmem:s1], [sflag:$0x2] =	stream.linear.gather [hbm4b:s0+s2], $0x680, $0x38;
	[tilespmem:$0x8A00] =	vst v63  }
0x29: {  	_ =	swait.ge [sflag:s25], $0x680  }
0x2a: {  	[sflag:s25] =	ssyncset.done $0x0  }
0x2b: {  	s26 =	simm.s32 $0xE80;
	s24 =	rddreg [dreg:$0x4];
	[sflag:s25] =	ssyncadd.s32 $0xFFFFF980  }
0x2c: {  	[tilespmem:s26], [sflag:$0x2] =	stream.linear.gather [hbm4b:s24+s2], $0x680, $0x38;
	[tilespmem:$0x8A00] =	vst v63  }
0x2d: {  	_ =	swait.ge [sflag:s25], $0x680  }
0x2e: {  	[sflag:s25] =	ssyncset.done $0x0  }
0x2f: {  	s24 =	simm.s32 $0x1500;
	s1 =	rddreg [dreg:$0x5];
	[sflag:s25] =	ssyncadd.s32 $0xFFFFF980  }
0x30: {  	[tilespmem:s24], [sflag:$0x2] =	stream.linear.gather [hbm4b:s1+s2], $0x680, $0x38;
	[tilespmem:$0x8A00] =	vst v63  }
0x31: {  	_ =	swait.ge [sflag:s25], $0x680  }
0x32: {  	[sflag:s25] =	ssyncset.done $0x0  }
0x33: {  	s26 =	rddreg [dreg:$0x6];
	[sflag:s25] =	ssyncadd.s32 $0xFFFFF980  }
0x34: {  	[tilespmem:s2], [sflag:$0x2] =	stream.linear.gather [hbm4b:s26+s2], $0x800, $0x38;
	[tilespmem:$0x8A00] =	vst v63  }
0x35: {  	_ =	swait.ge [sflag:s25], $0x800  }
0x36: {  	[sflag:s25] =	ssyncset.done $0x0  }
0x37: {  	s1 =	simm.s32 $0x0;
	[sflag:s25] =	ssyncadd.s32 $0xFFFFF800  }
0x38: {  	v0 =	vld [tilespmem:s1+$0x800]  }
0x39: {  	v1 =	vld [tilespmem:s1+$0xE80];
	_ =	sdelay $0x4  }
0x3a: {  	s0 =	simm.s32 $0x10;
	v2 =	vand.u32 $0xFFFFFFF8, v1;
	v0 =	vshll.u32 v0, $0x5  }
0x3b: {  	v1 =	vand.u32 $0x7, v1;
	v0 =	vadd.s32 v0, v2;
	v2 =	vld [tilespmem:s0+$0x800]  }
0x3c: {  	v0 =	vor.u32 v1, v0;
	v1 =	vld [tilespmem:s0+$0xE80];
	_ =	sdelay $0x3  }
0x3d: {  	v4 =	vshll.u32 v2, $0x5;
	v2 =	vld [tilespmem:s1+$0x1500]  }
0x3e: {  	v0 =	vld.idx.msk [tilespmem:v0+s2+$0x0], $0xffff;
	v3 =	vand.u32 $0xFFFFFFF8, v1  }
0x3f: {  	s24 =	simm.s32 $0x20;
	v5 =	vand.u32 $0x7, v1;
	v3 =	vadd.s32 v4, v3  }
0x40: {  	s26 =	simm.s32 $0xC0;
	v1 =	vld [tilespmem:s24+$0x800];
	v3 =	vor.u32 v5, v3  }
.LBB2_2:
0x41: {  	p0 =	sne.s32 s26, $0x19C0;
	v4 =	vld [tilespmem:s24+$0xE80];
	_ =	sdelay $0x1  }
0x42: {  	v0 =	vadd.s32 v0, v2  }
.Ltmp0:
0x43: {  	[tilespmem:s1+$0x1B80] =	vst v0;
	s1 =	smov.u32 s0;
	s0 =	smov.u32 s24;
	(pc) =	sbr.rel @p0 .LBB2_2-.Ltmp0, $4  }
0x44: {  	v0 =	vld.idx.msk [tilespmem:v3+s2+$0x0], $0xffff  }
0x45: {  	v1 =	vshll.u32 v1, $0x5;
	v3 =	vand.u32 $0xFFFFFFF8, v4;
	v2 =	vld [tilespmem:s1+$0x1500]  }
0x46: {  	s24 =	sshra.s32 s26, $0x2;
	v4 =	vand.u32 $0x7, v4;
	v3 =	vadd.s32 v1, v3  }
0x47: {  	s26 =	sadd.s32 $0x40, s26;
	v1 =	vld [tilespmem:s24+$0x800];
	v3 =	vor.u32 v4, v3  }
0x48: {  	v4 =	vld [tilespmem:s24+$0xE80];
	_ =	sdelay $0x1  }
0x49: {  	v0 =	vadd.s32 v0, v2  }
0x4a: {  	[tilespmem:s1+$0x1B80] =	vst v0  }
0x4b: {  	v0 =	vld.idx.msk [tilespmem:v3+s2+$0x0], $0xffff  }
0x4c: {  	v1 =	vshll.u32 v1, $0x5;
	v3 =	vld [tilespmem:s0+$0x1500];
	v2 =	vand.u32 $0xFFFFFFF8, v4  }
0x4d: {  	v4 =	vand.u32 $0x7, v4;
	v1 =	vadd.s32 v1, v2  }
0x4e: {  	v1 =	vor.u32 v4, v1;
	_ =	sdelay $0x2  }
0x4f: {  	v0 =	vadd.s32 v0, v3  }
0x50: {  	[tilespmem:s0+$0x1B80] =	vst v0  }
0x51: {  	v0 =	vld.idx.msk [tilespmem:v1+s2+$0x0], $0xffff  }
0x52: {  	v1 =	vld [tilespmem:s24+$0x1500];
	_ =	sdelay $0x4  }
0x53: {  	v0 =	vadd.s32 v0, v1  }
0x54: {  	s1 =	simm.s32 $0x1B80;
	[tilespmem:s24+$0x1B80] =	vst v0  }
0x55: {  	[tilespmem:s31], [sflag:$0x1] =	stream.indirect.gather [hbm4b:s6+s29], $0x10, s1, s29, $0xb8;
	[tilespmem:$0x8A00] =	vst v63  }
0x56: {  	s26 =	simm.s32 $0x2A00;
	s24 =	simm.s32 $0x1C00  }
0x57: {  	[tilespmem:s26], [sflag:$0x1] =	stream.indirect.gather [hbm4b:s6+s29], $0x10, s24, s29, $0xb8;
	[tilespmem:$0x8A00] =	vst v63  }
0x58: {  	s24 =	simm.s32 $0x1C80;
	s26 =	simm.s32 $0x3200  }
0x59: {  	[tilespmem:s26], [sflag:$0x1] =	stream.indirect.gather [hbm4b:s6+s29], $0x10, s24, s29, $0xb8;
	[tilespmem:$0x8A00] =	vst v63  }
0x5a: {  	_ = 	snop  }
0x5b: {  	[tilespmem:s3], [sflag:$0x1] =	stream.indirect.gather [hbm4b:s6+s29], $0x10, s28, s29, $0xb8;
	[tilespmem:$0x8A00] =	vst v63  }
0x5c: {  	_ = 	snop  }
0x5d: {  	[tilespmem:s5], [sflag:$0x1] =	stream.indirect.gather [hbm4b:s6+s29], $0x10, s4, s29, $0xb8;
	[tilespmem:$0x8A00] =	vst v63  }
0x5e: {  	_ = 	snop  }
0x5f: {  	[tilespmem:s8], [sflag:$0x1] =	stream.indirect.gather [hbm4b:s6+s29], $0x10, s7, s29, $0xb8;
	[tilespmem:$0x8A00] =	vst v63  }
0x60: {  	_ = 	snop  }
0x61: {  	[tilespmem:s10], [sflag:$0x1] =	stream.indirect.gather [hbm4b:s6+s29], $0x10, s9, s29, $0xb8;
	[tilespmem:$0x8A00] =	vst v63  }
0x62: {  	_ = 	snop  }
0x63: {  	[tilespmem:s12], [sflag:$0x1] =	stream.indirect.gather [hbm4b:s6+s29], $0x10, s11, s29, $0xb8;
	[tilespmem:$0x8A00] =	vst v63  }
0x64: {  	_ = 	snop  }
0x65: {  	[tilespmem:s14], [sflag:$0x1] =	stream.indirect.gather [hbm4b:s6+s29], $0x10, s13, s29, $0xb8;
	[tilespmem:$0x8A00] =	vst v63  }
0x66: {  	_ = 	snop  }
0x67: {  	[tilespmem:s16], [sflag:$0x1] =	stream.indirect.gather [hbm4b:s6+s29], $0x10, s15, s29, $0xb8;
	[tilespmem:$0x8A00] =	vst v63  }
0x68: {  	_ = 	snop  }
0x69: {  	[tilespmem:s18], [sflag:$0x1] =	stream.indirect.gather [hbm4b:s6+s29], $0x10, s17, s29, $0xb8;
	[tilespmem:$0x8A00] =	vst v63  }
0x6a: {  	_ = 	snop  }
0x6b: {  	[tilespmem:s20], [sflag:$0x1] =	stream.indirect.gather [hbm4b:s6+s29], $0x10, s19, s29, $0xb8;
	[tilespmem:$0x8A00] =	vst v63  }
0x6c: {  	_ = 	snop  }
0x6d: {  	[tilespmem:s22], [sflag:$0x1] =	stream.indirect.gather [hbm4b:s6+s29], $0x10, s21, s29, $0xb8;
	[tilespmem:$0x8A00] =	vst v63  }
0x6e: {  	_ =	swait.ge [sflag:s23], $0x800  }
0x6f: {  	[sflag:s23] =	ssyncset.done $0x0  }
0x70: {  	[sflag:s23] =	ssyncadd.s32 $0xFFFFF800  }
0x71: {  	_ =	swait.ge [sflag:s23], $0x800  }
0x72: {  	[sflag:s23] =	ssyncset.done $0x0  }
0x73: {  	[sflag:s23] =	ssyncadd.s32 $0xFFFFF800  }
0x74: {  	_ =	swait.ge [sflag:s23], $0x800  }
0x75: {  	[sflag:s23] =	ssyncset.done $0x0  }
0x76: {  	[sflag:s23] =	ssyncadd.s32 $0xFFFFF800  }
0x77: {  	_ =	swait.ge [sflag:s23], $0x800  }
0x78: {  	[sflag:s23] =	ssyncset.done $0x0  }
0x79: {  	[sflag:s23] =	ssyncadd.s32 $0xFFFFF800  }
0x7a: {  	_ =	swait.ge [sflag:s23], $0x800  }
0x7b: {  	[sflag:s23] =	ssyncset.done $0x0  }
0x7c: {  	[sflag:s23] =	ssyncadd.s32 $0xFFFFF800  }
0x7d: {  	_ =	swait.ge [sflag:s23], $0x800  }
0x7e: {  	[sflag:s23] =	ssyncset.done $0x0  }
0x7f: {  	[sflag:s23] =	ssyncadd.s32 $0xFFFFF800  }
0x80: {  	_ =	swait.ge [sflag:s23], $0x800  }
0x81: {  	[sflag:s23] =	ssyncset.done $0x0  }
0x82: {  	[sflag:s23] =	ssyncadd.s32 $0xFFFFF800  }
0x83: {  	_ =	swait.ge [sflag:s23], $0x800  }
0x84: {  	[sflag:s23] =	ssyncset.done $0x0  }
0x85: {  	[sflag:s23] =	ssyncadd.s32 $0xFFFFF800  }
0x86: {  	_ =	swait.ge [sflag:s23], $0x800  }
0x87: {  	[sflag:s23] =	ssyncset.done $0x0  }
0x88: {  	[sflag:s23] =	ssyncadd.s32 $0xFFFFF800  }
0x89: {  	_ =	swait.ge [sflag:s23], $0x800  }
0x8a: {  	[sflag:s23] =	ssyncset.done $0x0  }
0x8b: {  	[sflag:s23] =	ssyncadd.s32 $0xFFFFF800  }
0x8c: {  	_ =	swait.ge [sflag:s23], $0x800  }
0x8d: {  	[sflag:s23] =	ssyncset.done $0x0  }
0x8e: {  	[sflag:s23] =	ssyncadd.s32 $0xFFFFF800  }
0x8f: {  	_ =	swait.ge [sflag:s23], $0x800  }
0x90: {  	[sflag:s23] =	ssyncset.done $0x0  }
0x91: {  	[sflag:s23] =	ssyncadd.s32 $0xFFFFF800  }
0x92: {  	_ =	swait.ge [sflag:s23], $0x800  }
0x93: {  	[sflag:s23] =	ssyncset.done $0x0  }
0x94: {  	s0 =	simm.s32 $0x0;
	s24 =	rddreg [dreg:$0x7];
	[sflag:s23] =	ssyncadd.s32 $0xFFFFF800  }
0x95: {  	[hbm4b:s24+s0] =	stream.linear.scatter [tilespmem:s31], [sflag:$0x2], $0x6800, $0x38;
	[tilespmem:$0x8A00] =	vst v63  }
0x96: {  	_ =	swait.ge [sflag:s25], $0x6800  }
0x97: {  	[sflag:s25] =	ssyncset.done $0x0  }
0x98: {  	s26 =	rddreg [dreg:$0x8];
	[sflag:s25] =	ssyncadd.s32 $0xFFFF9800  }
0x99: {  	[tilespmem:s0], [sflag:$0x2] =	stream.linear.gather [hbm4b:s26+s0], $0x800, $0x38;
	[tilespmem:$0x8A00] =	vst v63  }
0x9a: {  	_ =	swait.ge [sflag:s25], $0x800  }
0x9b: {  	[sflag:s25] =	ssyncset.done $0x0  }
0x9c: {  	s1 =	simm.s32 $0x0;
	[sflag:s25] =	ssyncadd.s32 $0xFFFFF800  }
0x9d: {  	v0 =	vld [tilespmem:s1+$0x800]  }
0x9e: {  	v1 =	vld [tilespmem:s1+$0xE80];
	_ =	sdelay $0x4  }
0x9f: {  	s0 =	simm.s32 $0x10;
	v2 =	vand.u32 $0xFFFFFFF8, v1;
	v0 =	vshll.u32 v0, $0x5  }
0xa0: {  	v1 =	vand.u32 $0x7, v1;
	v0 =	vadd.s32 v0, v2;
	v2 =	vld [tilespmem:s0+$0x800]  }
0xa1: {  	v0 =	vor.u32 v1, v0;
	v1 =	vld [tilespmem:s0+$0xE80];
	_ =	sdelay $0x3  }
0xa2: {  	v4 =	vshll.u32 v2, $0x5;
	v2 =	vld [tilespmem:s1+$0x1500]  }
0xa3: {  	v0 =	vld.idx.msk [tilespmem:v0+s2+$0x0], $0xffff;
	v3 =	vand.u32 $0xFFFFFFF8, v1  }
0xa4: {  	s24 =	simm.s32 $0x20;
	v5 =	vand.u32 $0x7, v1;
	v3 =	vadd.s32 v4, v3  }
0xa5: {  	s26 =	simm.s32 $0xC0;
	v1 =	vld [tilespmem:s24+$0x800];
	v3 =	vor.u32 v5, v3  }
.LBB2_4:
0xa6: {  	p0 =	sne.s32 s26, $0x19C0;
	v4 =	vld [tilespmem:s24+$0xE80];
	_ =	sdelay $0x1  }
0xa7: {  	v0 =	vadd.s32 v0, v2  }
.Ltmp1:
0xa8: {  	[tilespmem:s1+$0x1B80] =	vst v0;
	s1 =	smov.u32 s0;
	s0 =	smov.u32 s24;
	(pc) =	sbr.rel @p0 .LBB2_4-.Ltmp1, $4  }
0xa9: {  	v0 =	vld.idx.msk [tilespmem:v3+s2+$0x0], $0xffff  }
0xaa: {  	v1 =	vshll.u32 v1, $0x5;
	v3 =	vand.u32 $0xFFFFFFF8, v4;
	v2 =	vld [tilespmem:s1+$0x1500]  }
0xab: {  	s24 =	sshra.s32 s26, $0x2;
	v4 =	vand.u32 $0x7, v4;
	v3 =	vadd.s32 v1, v3  }
0xac: {  	s26 =	sadd.s32 $0x40, s26;
	v1 =	vld [tilespmem:s24+$0x800];
	v3 =	vor.u32 v4, v3  }
0xad: {  	v4 =	vld [tilespmem:s24+$0xE80];
	_ =	sdelay $0x1  }
0xae: {  	v0 =	vadd.s32 v0, v2  }
0xaf: {  	[tilespmem:s1+$0x1B80] =	vst v0  }
0xb0: {  	v0 =	vld.idx.msk [tilespmem:v3+s2+$0x0], $0xffff  }
0xb1: {  	v1 =	vshll.u32 v1, $0x5;
	v3 =	vld [tilespmem:s0+$0x1500];
	v2 =	vand.u32 $0xFFFFFFF8, v4  }
0xb2: {  	v4 =	vand.u32 $0x7, v4;
	v1 =	vadd.s32 v1, v2  }
0xb3: {  	v1 =	vor.u32 v4, v1;
	_ =	sdelay $0x2  }
0xb4: {  	v0 =	vadd.s32 v0, v3  }
0xb5: {  	[tilespmem:s0+$0x1B80] =	vst v0  }
0xb6: {  	v0 =	vld.idx.msk [tilespmem:v1+s2+$0x0], $0xffff  }
0xb7: {  	v1 =	vld [tilespmem:s24+$0x1500];
	_ =	sdelay $0x4  }
0xb8: {  	v0 =	vadd.s32 v0, v1  }
0xb9: {  	s1 =	simm.s32 $0x1B80;
	[tilespmem:s24+$0x1B80] =	vst v0  }
0xba: {  	[tilespmem:s31], [sflag:$0x1] =	stream.indirect.gather [hbm4b:s6+s29], $0x10, s1, s29, $0xb8;
	[tilespmem:$0x8A00] =	vst v63  }
0xbb: {  	s26 =	simm.s32 $0x2A00;
	s24 =	simm.s32 $0x1C00  }
0xbc: {  	[tilespmem:s26], [sflag:$0x1] =	stream.indirect.gather [hbm4b:s6+s29], $0x10, s24, s29, $0xb8;
	[tilespmem:$0x8A00] =	vst v63  }
0xbd: {  	s24 =	simm.s32 $0x1C80;
	s26 =	simm.s32 $0x3200  }
0xbe: {  	[tilespmem:s26], [sflag:$0x1] =	stream.indirect.gather [hbm4b:s6+s29], $0x10, s24, s29, $0xb8;
	[tilespmem:$0x8A00] =	vst v63  }
0xbf: {  	_ = 	snop  }
0xc0: {  	[tilespmem:s3], [sflag:$0x1] =	stream.indirect.gather [hbm4b:s6+s29], $0x10, s28, s29, $0xb8;
	[tilespmem:$0x8A00] =	vst v63  }
0xc1: {  	_ = 	snop  }
0xc2: {  	[tilespmem:s5], [sflag:$0x1] =	stream.indirect.gather [hbm4b:s6+s29], $0x10, s4, s29, $0xb8;
	[tilespmem:$0x8A00] =	vst v63  }
0xc3: {  	_ = 	snop  }
0xc4: {  	[tilespmem:s8], [sflag:$0x1] =	stream.indirect.gather [hbm4b:s6+s29], $0x10, s7, s29, $0xb8;
	[tilespmem:$0x8A00] =	vst v63  }
0xc5: {  	_ = 	snop  }
0xc6: {  	[tilespmem:s10], [sflag:$0x1] =	stream.indirect.gather [hbm4b:s6+s29], $0x10, s9, s29, $0xb8;
	[tilespmem:$0x8A00] =	vst v63  }
0xc7: {  	_ = 	snop  }
0xc8: {  	[tilespmem:s12], [sflag:$0x1] =	stream.indirect.gather [hbm4b:s6+s29], $0x10, s11, s29, $0xb8;
	[tilespmem:$0x8A00] =	vst v63  }
0xc9: {  	_ = 	snop  }
0xca: {  	[tilespmem:s14], [sflag:$0x1] =	stream.indirect.gather [hbm4b:s6+s29], $0x10, s13, s29, $0xb8;
	[tilespmem:$0x8A00] =	vst v63  }
0xcb: {  	_ = 	snop  }
0xcc: {  	[tilespmem:s16], [sflag:$0x1] =	stream.indirect.gather [hbm4b:s6+s29], $0x10, s15, s29, $0xb8;
	[tilespmem:$0x8A00] =	vst v63  }
0xcd: {  	_ = 	snop  }
0xce: {  	[tilespmem:s18], [sflag:$0x1] =	stream.indirect.gather [hbm4b:s6+s29], $0x10, s17, s29, $0xb8;
	[tilespmem:$0x8A00] =	vst v63  }
0xcf: {  	_ = 	snop  }
0xd0: {  	[tilespmem:s20], [sflag:$0x1] =	stream.indirect.gather [hbm4b:s6+s29], $0x10, s19, s29, $0xb8;
	[tilespmem:$0x8A00] =	vst v63  }
0xd1: {  	_ = 	snop  }
0xd2: {  	[tilespmem:s22], [sflag:$0x1] =	stream.indirect.gather [hbm4b:s6+s29], $0x10, s21, s29, $0xb8;
	[tilespmem:$0x8A00] =	vst v63  }
0xd3: {  	_ =	swait.ge [sflag:s23], $0x800  }
0xd4: {  	[sflag:s23] =	ssyncset.done $0x0  }
0xd5: {  	[sflag:s23] =	ssyncadd.s32 $0xFFFFF800  }
0xd6: {  	_ =	swait.ge [sflag:s23], $0x800  }
0xd7: {  	[sflag:s23] =	ssyncset.done $0x0  }
0xd8: {  	[sflag:s23] =	ssyncadd.s32 $0xFFFFF800  }
0xd9: {  	_ =	swait.ge [sflag:s23], $0x800  }
0xda: {  	[sflag:s23] =	ssyncset.done $0x0  }
0xdb: {  	[sflag:s23] =	ssyncadd.s32 $0xFFFFF800  }
0xdc: {  	_ =	swait.ge [sflag:s23], $0x800  }
0xdd: {  	[sflag:s23] =	ssyncset.done $0x0  }
0xde: {  	[sflag:s23] =	ssyncadd.s32 $0xFFFFF800  }
0xdf: {  	_ =	swait.ge [sflag:s23], $0x800  }
0xe0: {  	[sflag:s23] =	ssyncset.done $0x0  }
0xe1: {  	[sflag:s23] =	ssyncadd.s32 $0xFFFFF800  }
0xe2: {  	_ =	swait.ge [sflag:s23], $0x800  }
0xe3: {  	[sflag:s23] =	ssyncset.done $0x0  }
0xe4: {  	[sflag:s23] =	ssyncadd.s32 $0xFFFFF800  }
0xe5: {  	_ =	swait.ge [sflag:s23], $0x800  }
0xe6: {  	[sflag:s23] =	ssyncset.done $0x0  }
0xe7: {  	[sflag:s23] =	ssyncadd.s32 $0xFFFFF800  }
0xe8: {  	_ =	swait.ge [sflag:s23], $0x800  }
0xe9: {  	[sflag:s23] =	ssyncset.done $0x0  }
0xea: {  	[sflag:s23] =	ssyncadd.s32 $0xFFFFF800  }
0xeb: {  	_ =	swait.ge [sflag:s23], $0x800  }
0xec: {  	[sflag:s23] =	ssyncset.done $0x0  }
0xed: {  	[sflag:s23] =	ssyncadd.s32 $0xFFFFF800  }
0xee: {  	_ =	swait.ge [sflag:s23], $0x800  }
0xef: {  	[sflag:s23] =	ssyncset.done $0x0  }
0xf0: {  	[sflag:s23] =	ssyncadd.s32 $0xFFFFF800  }
0xf1: {  	_ =	swait.ge [sflag:s23], $0x800  }
0xf2: {  	[sflag:s23] =	ssyncset.done $0x0  }
0xf3: {  	[sflag:s23] =	ssyncadd.s32 $0xFFFFF800  }
0xf4: {  	_ =	swait.ge [sflag:s23], $0x800  }
0xf5: {  	[sflag:s23] =	ssyncset.done $0x0  }
0xf6: {  	[sflag:s23] =	ssyncadd.s32 $0xFFFFF800  }
0xf7: {  	_ =	swait.ge [sflag:s23], $0x800  }
0xf8: {  	[sflag:s23] =	ssyncset.done $0x0  }
0xf9: {  	s0 =	simm.s32 $0x0;
	s24 =	rddreg [dreg:$0x9];
	[sflag:s23] =	ssyncadd.s32 $0xFFFFF800  }
0xfa: {  	[hbm4b:s24+s0] =	stream.linear.scatter [tilespmem:s31], [sflag:$0x2], $0x6800, $0x38;
	[tilespmem:$0x8A00] =	vst v63  }
0xfb: {  	_ =	swait.ge [sflag:s25], $0x6800  }
0xfc: {  	[sflag:s25] =	ssyncset.done $0x0  }
0xfd: {  	s26 =	rddreg [dreg:$0xa];
	[sflag:s25] =	ssyncadd.s32 $0xFFFF9800  }
0xfe: {  	[tilespmem:s0], [sflag:$0x2] =	stream.linear.gather [hbm4b:s26+s0], $0x800, $0x38;
	[tilespmem:$0x8A00] =	vst v63  }
0xff: {  	_ =	swait.ge [sflag:s25], $0x800  }
0x100: {  	[sflag:s25] =	ssyncset.done $0x0  }
0x101: {  	s1 =	simm.s32 $0x0;
	[sflag:s25] =	ssyncadd.s32 $0xFFFFF800  }
0x102: {  	v0 =	vld [tilespmem:s1+$0x800]  }
0x103: {  	v1 =	vld [tilespmem:s1+$0xE80];
	_ =	sdelay $0x4  }
0x104: {  	s0 =	simm.s32 $0x10;
	v2 =	vand.u32 $0xFFFFFFF8, v1;
	v0 =	vshll.u32 v0, $0x5  }
0x105: {  	v1 =	vand.u32 $0x7, v1;
	v0 =	vadd.s32 v0, v2;
	v2 =	vld [tilespmem:s0+$0x800]  }
0x106: {  	v0 =	vor.u32 v1, v0;
	v1 =	vld [tilespmem:s0+$0xE80];
	_ =	sdelay $0x3  }
0x107: {  	v4 =	vshll.u32 v2, $0x5;
	v2 =	vld [tilespmem:s1+$0x1500]  }
0x108: {  	v0 =	vld.idx.msk [tilespmem:v0+s2+$0x0], $0xffff;
	v3 =	vand.u32 $0xFFFFFFF8, v1  }
0x109: {  	s24 =	simm.s32 $0x20;
	v5 =	vand.u32 $0x7, v1;
	v3 =	vadd.s32 v4, v3  }
0x10a: {  	s26 =	simm.s32 $0xC0;
	v1 =	vld [tilespmem:s24+$0x800];
	v3 =	vor.u32 v5, v3  }
.LBB2_6:
0x10b: {  	p0 =	sne.s32 s26, $0x19C0;
	v4 =	vld [tilespmem:s24+$0xE80];
	_ =	sdelay $0x1  }
0x10c: {  	v0 =	vadd.s32 v0, v2  }
.Ltmp2:
0x10d: {  	[tilespmem:s1+$0x1B80] =	vst v0;
	s1 =	smov.u32 s0;
	s0 =	smov.u32 s24;
	(pc) =	sbr.rel @p0 .LBB2_6-.Ltmp2, $4  }
0x10e: {  	v0 =	vld.idx.msk [tilespmem:v3+s2+$0x0], $0xffff  }
0x10f: {  	v1 =	vshll.u32 v1, $0x5;
	v3 =	vand.u32 $0xFFFFFFF8, v4;
	v2 =	vld [tilespmem:s1+$0x1500]  }
0x110: {  	s24 =	sshra.s32 s26, $0x2;
	v4 =	vand.u32 $0x7, v4;
	v3 =	vadd.s32 v1, v3  }
0x111: {  	s26 =	sadd.s32 $0x40, s26;
	v1 =	vld [tilespmem:s24+$0x800];
	v3 =	vor.u32 v4, v3  }
0x112: {  	v4 =	vld [tilespmem:s24+$0xE80];
	_ =	sdelay $0x1  }
0x113: {  	v0 =	vadd.s32 v0, v2  }
0x114: {  	[tilespmem:s1+$0x1B80] =	vst v0  }
0x115: {  	v0 =	vld.idx.msk [tilespmem:v3+s2+$0x0], $0xffff  }
0x116: {  	v1 =	vshll.u32 v1, $0x5;
	v3 =	vld [tilespmem:s0+$0x1500];
	v2 =	vand.u32 $0xFFFFFFF8, v4  }
0x117: {  	v4 =	vand.u32 $0x7, v4;
	v1 =	vadd.s32 v1, v2  }
0x118: {  	v1 =	vor.u32 v4, v1;
	_ =	sdelay $0x2  }
0x119: {  	v0 =	vadd.s32 v0, v3  }
0x11a: {  	[tilespmem:s0+$0x1B80] =	vst v0  }
0x11b: {  	v0 =	vld.idx.msk [tilespmem:v1+s2+$0x0], $0xffff  }
0x11c: {  	v1 =	vld [tilespmem:s24+$0x1500];
	_ =	sdelay $0x4  }
0x11d: {  	v0 =	vadd.s32 v0, v1  }
0x11e: {  	s1 =	simm.s32 $0x1B80;
	[tilespmem:s24+$0x1B80] =	vst v0  }
0x11f: {  	[tilespmem:s31], [sflag:$0x1] =	stream.indirect.gather [hbm4b:s6+s29], $0x10, s1, s29, $0xb8;
	[tilespmem:$0x8A00] =	vst v63  }
0x120: {  	s26 =	simm.s32 $0x2A00;
	s24 =	simm.s32 $0x1C00  }
0x121: {  	[tilespmem:s26], [sflag:$0x1] =	stream.indirect.gather [hbm4b:s6+s29], $0x10, s24, s29, $0xb8;
	[tilespmem:$0x8A00] =	vst v63  }
0x122: {  	s24 =	simm.s32 $0x1C80;
	s26 =	simm.s32 $0x3200  }
0x123: {  	[tilespmem:s26], [sflag:$0x1] =	stream.indirect.gather [hbm4b:s6+s29], $0x10, s24, s29, $0xb8;
	[tilespmem:$0x8A00] =	vst v63  }
0x124: {  	_ = 	snop  }
0x125: {  	[tilespmem:s3], [sflag:$0x1] =	stream.indirect.gather [hbm4b:s6+s29], $0x10, s28, s29, $0xb8;
	[tilespmem:$0x8A00] =	vst v63  }
0x126: {  	_ = 	snop  }
0x127: {  	[tilespmem:s5], [sflag:$0x1] =	stream.indirect.gather [hbm4b:s6+s29], $0x10, s4, s29, $0xb8;
	[tilespmem:$0x8A00] =	vst v63  }
0x128: {  	_ = 	snop  }
0x129: {  	[tilespmem:s8], [sflag:$0x1] =	stream.indirect.gather [hbm4b:s6+s29], $0x10, s7, s29, $0xb8;
	[tilespmem:$0x8A00] =	vst v63  }
0x12a: {  	_ = 	snop  }
0x12b: {  	[tilespmem:s10], [sflag:$0x1] =	stream.indirect.gather [hbm4b:s6+s29], $0x10, s9, s29, $0xb8;
	[tilespmem:$0x8A00] =	vst v63  }
0x12c: {  	_ = 	snop  }
0x12d: {  	[tilespmem:s12], [sflag:$0x1] =	stream.indirect.gather [hbm4b:s6+s29], $0x10, s11, s29, $0xb8;
	[tilespmem:$0x8A00] =	vst v63  }
0x12e: {  	_ = 	snop  }
0x12f: {  	[tilespmem:s14], [sflag:$0x1] =	stream.indirect.gather [hbm4b:s6+s29], $0x10, s13, s29, $0xb8;
	[tilespmem:$0x8A00] =	vst v63  }
0x130: {  	_ = 	snop  }
0x131: {  	[tilespmem:s16], [sflag:$0x1] =	stream.indirect.gather [hbm4b:s6+s29], $0x10, s15, s29, $0xb8;
	[tilespmem:$0x8A00] =	vst v63  }
0x132: {  	_ = 	snop  }
0x133: {  	[tilespmem:s18], [sflag:$0x1] =	stream.indirect.gather [hbm4b:s6+s29], $0x10, s17, s29, $0xb8;
	[tilespmem:$0x8A00] =	vst v63  }
0x134: {  	_ = 	snop  }
0x135: {  	[tilespmem:s20], [sflag:$0x1] =	stream.indirect.gather [hbm4b:s6+s29], $0x10, s19, s29, $0xb8;
	[tilespmem:$0x8A00] =	vst v63  }
0x136: {  	_ = 	snop  }
0x137: {  	[tilespmem:s22], [sflag:$0x1] =	stream.indirect.gather [hbm4b:s6+s29], $0x10, s21, s29, $0xb8;
	[tilespmem:$0x8A00] =	vst v63  }
0x138: {  	_ =	swait.ge [sflag:s23], $0x800  }
0x139: {  	[sflag:s23] =	ssyncset.done $0x0  }
0x13a: {  	[sflag:s23] =	ssyncadd.s32 $0xFFFFF800  }
0x13b: {  	_ =	swait.ge [sflag:s23], $0x800  }
0x13c: {  	[sflag:s23] =	ssyncset.done $0x0  }
0x13d: {  	[sflag:s23] =	ssyncadd.s32 $0xFFFFF800  }
0x13e: {  	_ =	swait.ge [sflag:s23], $0x800  }
0x13f: {  	[sflag:s23] =	ssyncset.done $0x0  }
0x140: {  	[sflag:s23] =	ssyncadd.s32 $0xFFFFF800  }
0x141: {  	_ =	swait.ge [sflag:s23], $0x800  }
0x142: {  	[sflag:s23] =	ssyncset.done $0x0  }
0x143: {  	[sflag:s23] =	ssyncadd.s32 $0xFFFFF800  }
0x144: {  	_ =	swait.ge [sflag:s23], $0x800  }
0x145: {  	[sflag:s23] =	ssyncset.done $0x0  }
0x146: {  	[sflag:s23] =	ssyncadd.s32 $0xFFFFF800  }
0x147: {  	_ =	swait.ge [sflag:s23], $0x800  }
0x148: {  	[sflag:s23] =	ssyncset.done $0x0  }
0x149: {  	[sflag:s23] =	ssyncadd.s32 $0xFFFFF800  }
0x14a: {  	_ =	swait.ge [sflag:s23], $0x800  }
0x14b: {  	[sflag:s23] =	ssyncset.done $0x0  }
0x14c: {  	[sflag:s23] =	ssyncadd.s32 $0xFFFFF800  }
0x14d: {  	_ =	swait.ge [sflag:s23], $0x800  }
0x14e: {  	[sflag:s23] =	ssyncset.done $0x0  }
0x14f: {  	[sflag:s23] =	ssyncadd.s32 $0xFFFFF800  }
0x150: {  	_ =	swait.ge [sflag:s23], $0x800  }
0x151: {  	[sflag:s23] =	ssyncset.done $0x0  }
0x152: {  	[sflag:s23] =	ssyncadd.s32 $0xFFFFF800  }
0x153: {  	_ =	swait.ge [sflag:s23], $0x800  }
0x154: {  	[sflag:s23] =	ssyncset.done $0x0  }
0x155: {  	[sflag:s23] =	ssyncadd.s32 $0xFFFFF800  }
0x156: {  	_ =	swait.ge [sflag:s23], $0x800  }
0x157: {  	[sflag:s23] =	ssyncset.done $0x0  }
0x158: {  	[sflag:s23] =	ssyncadd.s32 $0xFFFFF800  }
0x159: {  	_ =	swait.ge [sflag:s23], $0x800  }
0x15a: {  	[sflag:s23] =	ssyncset.done $0x0  }
0x15b: {  	[sflag:s23] =	ssyncadd.s32 $0xFFFFF800  }
0x15c: {  	_ =	swait.ge [sflag:s23], $0x800  }
0x15d: {  	[sflag:s23] =	ssyncset.done $0x0  }
0x15e: {  	s0 =	simm.s32 $0x0;
	s24 =	rddreg [dreg:$0xb];
	[sflag:s23] =	ssyncadd.s32 $0xFFFFF800  }
0x15f: {  	[hbm4b:s24+s0] =	stream.linear.scatter [tilespmem:s31], [sflag:$0x2], $0x6800, $0x38;
	[tilespmem:$0x8A00] =	vst v63  }
0x160: {  	_ =	swait.ge [sflag:s25], $0x6800  }
0x161: {  	[sflag:s25] =	ssyncset.done $0x0  }
0x162: {  	s26 =	rddreg [dreg:$0xc];
	[sflag:s25] =	ssyncadd.s32 $0xFFFF9800  }
0x163: {  	[tilespmem:s0], [sflag:$0x2] =	stream.linear.gather [hbm4b:s26+s0], $0x800, $0x38;
	[tilespmem:$0x8A00] =	vst v63  }
0x164: {  	_ =	swait.ge [sflag:s25], $0x800  }
0x165: {  	[sflag:s25] =	ssyncset.done $0x0  }
0x166: {  	s1 =	simm.s32 $0x0;
	[sflag:s25] =	ssyncadd.s32 $0xFFFFF800  }
0x167: {  	v0 =	vld [tilespmem:s1+$0x800]  }
0x168: {  	v1 =	vld [tilespmem:s1+$0xE80];
	_ =	sdelay $0x4  }
0x169: {  	s0 =	simm.s32 $0x10;
	v2 =	vand.u32 $0xFFFFFFF8, v1;
	v0 =	vshll.u32 v0, $0x5  }
0x16a: {  	v1 =	vand.u32 $0x7, v1;
	v0 =	vadd.s32 v0, v2;
	v2 =	vld [tilespmem:s0+$0x800]  }
0x16b: {  	v0 =	vor.u32 v1, v0;
	v1 =	vld [tilespmem:s0+$0xE80];
	_ =	sdelay $0x3  }
0x16c: {  	v4 =	vshll.u32 v2, $0x5;
	v2 =	vld [tilespmem:s1+$0x1500]  }
0x16d: {  	v0 =	vld.idx.msk [tilespmem:v0+s2+$0x0], $0xffff;
	v3 =	vand.u32 $0xFFFFFFF8, v1  }
0x16e: {  	s24 =	simm.s32 $0x20;
	v5 =	vand.u32 $0x7, v1;
	v3 =	vadd.s32 v4, v3  }
0x16f: {  	s26 =	simm.s32 $0xC0;
	v1 =	vld [tilespmem:s24+$0x800];
	v3 =	vor.u32 v5, v3  }
.LBB2_8:
0x170: {  	p0 =	sne.s32 s26, $0x19C0;
	v4 =	vld [tilespmem:s24+$0xE80];
	_ =	sdelay $0x1  }
0x171: {  	v0 =	vadd.s32 v0, v2  }
.Ltmp3:
0x172: {  	[tilespmem:s1+$0x1B80] =	vst v0;
	s1 =	smov.u32 s0;
	s0 =	smov.u32 s24;
	(pc) =	sbr.rel @p0 .LBB2_8-.Ltmp3, $4  }
0x173: {  	v0 =	vld.idx.msk [tilespmem:v3+s2+$0x0], $0xffff  }
0x174: {  	v1 =	vshll.u32 v1, $0x5;
	v3 =	vand.u32 $0xFFFFFFF8, v4;
	v2 =	vld [tilespmem:s1+$0x1500]  }
0x175: {  	s24 =	sshra.s32 s26, $0x2;
	v4 =	vand.u32 $0x7, v4;
	v3 =	vadd.s32 v1, v3  }
0x176: {  	s26 =	sadd.s32 $0x40, s26;
	v1 =	vld [tilespmem:s24+$0x800];
	v3 =	vor.u32 v4, v3  }
0x177: {  	v4 =	vld [tilespmem:s24+$0xE80];
	_ =	sdelay $0x1  }
0x178: {  	v0 =	vadd.s32 v0, v2  }
0x179: {  	[tilespmem:s1+$0x1B80] =	vst v0  }
0x17a: {  	v0 =	vld.idx.msk [tilespmem:v3+s2+$0x0], $0xffff  }
0x17b: {  	v1 =	vshll.u32 v1, $0x5;
	v3 =	vld [tilespmem:s0+$0x1500];
	v2 =	vand.u32 $0xFFFFFFF8, v4  }
0x17c: {  	v4 =	vand.u32 $0x7, v4;
	v1 =	vadd.s32 v1, v2  }
0x17d: {  	v1 =	vor.u32 v4, v1;
	_ =	sdelay $0x2  }
0x17e: {  	v0 =	vadd.s32 v0, v3  }
0x17f: {  	[tilespmem:s0+$0x1B80] =	vst v0  }
0x180: {  	v0 =	vld.idx.msk [tilespmem:v1+s2+$0x0], $0xffff  }
0x181: {  	v1 =	vld [tilespmem:s24+$0x1500];
	_ =	sdelay $0x4  }
0x182: {  	v0 =	vadd.s32 v0, v1  }
0x183: {  	s1 =	simm.s32 $0x1B80;
	[tilespmem:s24+$0x1B80] =	vst v0  }
0x184: {  	[tilespmem:s31], [sflag:$0x1] =	stream.indirect.gather [hbm4b:s6+s29], $0x10, s1, s29, $0xb8;
	[tilespmem:$0x8A00] =	vst v63  }
0x185: {  	s26 =	simm.s32 $0x2A00;
	s24 =	simm.s32 $0x1C00  }
0x186: {  	[tilespmem:s26], [sflag:$0x1] =	stream.indirect.gather [hbm4b:s6+s29], $0x10, s24, s29, $0xb8;
	[tilespmem:$0x8A00] =	vst v63  }
0x187: {  	s24 =	simm.s32 $0x1C80;
	s26 =	simm.s32 $0x3200  }
0x188: {  	[tilespmem:s26], [sflag:$0x1] =	stream.indirect.gather [hbm4b:s6+s29], $0x10, s24, s29, $0xb8;
	[tilespmem:$0x8A00] =	vst v63  }
0x189: {  	_ = 	snop  }
0x18a: {  	[tilespmem:s3], [sflag:$0x1] =	stream.indirect.gather [hbm4b:s6+s29], $0x10, s28, s29, $0xb8;
	[tilespmem:$0x8A00] =	vst v63  }
0x18b: {  	_ = 	snop  }
0x18c: {  	[tilespmem:s5], [sflag:$0x1] =	stream.indirect.gather [hbm4b:s6+s29], $0x10, s4, s29, $0xb8;
	[tilespmem:$0x8A00] =	vst v63  }
0x18d: {  	_ = 	snop  }
0x18e: {  	[tilespmem:s8], [sflag:$0x1] =	stream.indirect.gather [hbm4b:s6+s29], $0x10, s7, s29, $0xb8;
	[tilespmem:$0x8A00] =	vst v63  }
0x18f: {  	_ = 	snop  }
0x190: {  	[tilespmem:s10], [sflag:$0x1] =	stream.indirect.gather [hbm4b:s6+s29], $0x10, s9, s29, $0xb8;
	[tilespmem:$0x8A00] =	vst v63  }
0x191: {  	_ = 	snop  }
0x192: {  	[tilespmem:s12], [sflag:$0x1] =	stream.indirect.gather [hbm4b:s6+s29], $0x10, s11, s29, $0xb8;
	[tilespmem:$0x8A00] =	vst v63  }
0x193: {  	_ = 	snop  }
0x194: {  	[tilespmem:s14], [sflag:$0x1] =	stream.indirect.gather [hbm4b:s6+s29], $0x10, s13, s29, $0xb8;
	[tilespmem:$0x8A00] =	vst v63  }
0x195: {  	_ = 	snop  }
0x196: {  	[tilespmem:s16], [sflag:$0x1] =	stream.indirect.gather [hbm4b:s6+s29], $0x10, s15, s29, $0xb8;
	[tilespmem:$0x8A00] =	vst v63  }
0x197: {  	_ = 	snop  }
0x198: {  	[tilespmem:s18], [sflag:$0x1] =	stream.indirect.gather [hbm4b:s6+s29], $0x10, s17, s29, $0xb8;
	[tilespmem:$0x8A00] =	vst v63  }
0x199: {  	_ = 	snop  }
0x19a: {  	[tilespmem:s20], [sflag:$0x1] =	stream.indirect.gather [hbm4b:s6+s29], $0x10, s19, s29, $0xb8;
	[tilespmem:$0x8A00] =	vst v63  }
0x19b: {  	_ = 	snop  }
0x19c: {  	[tilespmem:s22], [sflag:$0x1] =	stream.indirect.gather [hbm4b:s6+s29], $0x10, s21, s29, $0xb8;
	[tilespmem:$0x8A00] =	vst v63  }
0x19d: {  	_ =	swait.ge [sflag:s23], $0x800  }
0x19e: {  	[sflag:s23] =	ssyncset.done $0x0  }
0x19f: {  	[sflag:s23] =	ssyncadd.s32 $0xFFFFF800  }
0x1a0: {  	_ =	swait.ge [sflag:s23], $0x800  }
0x1a1: {  	[sflag:s23] =	ssyncset.done $0x0  }
0x1a2: {  	[sflag:s23] =	ssyncadd.s32 $0xFFFFF800  }
0x1a3: {  	_ =	swait.ge [sflag:s23], $0x800  }
0x1a4: {  	[sflag:s23] =	ssyncset.done $0x0  }
0x1a5: {  	[sflag:s23] =	ssyncadd.s32 $0xFFFFF800  }
0x1a6: {  	_ =	swait.ge [sflag:s23], $0x800  }
0x1a7: {  	[sflag:s23] =	ssyncset.done $0x0  }
0x1a8: {  	[sflag:s23] =	ssyncadd.s32 $0xFFFFF800  }
0x1a9: {  	_ =	swait.ge [sflag:s23], $0x800  }
0x1aa: {  	[sflag:s23] =	ssyncset.done $0x0  }
0x1ab: {  	[sflag:s23] =	ssyncadd.s32 $0xFFFFF800  }
0x1ac: {  	_ =	swait.ge [sflag:s23], $0x800  }
0x1ad: {  	[sflag:s23] =	ssyncset.done $0x0  }
0x1ae: {  	[sflag:s23] =	ssyncadd.s32 $0xFFFFF800  }
0x1af: {  	_ =	swait.ge [sflag:s23], $0x800  }
0x1b0: {  	[sflag:s23] =	ssyncset.done $0x0  }
0x1b1: {  	[sflag:s23] =	ssyncadd.s32 $0xFFFFF800  }
0x1b2: {  	_ =	swait.ge [sflag:s23], $0x800  }
0x1b3: {  	[sflag:s23] =	ssyncset.done $0x0  }
0x1b4: {  	[sflag:s23] =	ssyncadd.s32 $0xFFFFF800  }
0x1b5: {  	_ =	swait.ge [sflag:s23], $0x800  }
0x1b6: {  	[sflag:s23] =	ssyncset.done $0x0  }
0x1b7: {  	[sflag:s23] =	ssyncadd.s32 $0xFFFFF800  }
0x1b8: {  	_ =	swait.ge [sflag:s23], $0x800  }
0x1b9: {  	[sflag:s23] =	ssyncset.done $0x0  }
0x1ba: {  	[sflag:s23] =	ssyncadd.s32 $0xFFFFF800  }
0x1bb: {  	_ =	swait.ge [sflag:s23], $0x800  }
0x1bc: {  	[sflag:s23] =	ssyncset.done $0x0  }
0x1bd: {  	[sflag:s23] =	ssyncadd.s32 $0xFFFFF800  }
0x1be: {  	_ =	swait.ge [sflag:s23], $0x800  }
0x1bf: {  	[sflag:s23] =	ssyncset.done $0x0  }
0x1c0: {  	[sflag:s23] =	ssyncadd.s32 $0xFFFFF800  }
0x1c1: {  	_ =	swait.ge [sflag:s23], $0x800  }
0x1c2: {  	[sflag:s23] =	ssyncset.done $0x0  }
0x1c3: {  	s0 =	simm.s32 $0x0;
	s24 =	rddreg [dreg:$0xd];
	[sflag:s23] =	ssyncadd.s32 $0xFFFFF800  }
0x1c4: {  	[hbm4b:s24+s0] =	stream.linear.scatter [tilespmem:s31], [sflag:$0x2], $0x6800, $0x38;
	[tilespmem:$0x8A00] =	vst v63  }
0x1c5: {  	_ =	swait.ge [sflag:s25], $0x6800  }
0x1c6: {  	[sflag:s25] =	ssyncset.done $0x0  }
0x1c7: {  	s26 =	rddreg [dreg:$0xe];
	[sflag:s25] =	ssyncadd.s32 $0xFFFF9800  }
0x1c8: {  	[tilespmem:s0], [sflag:$0x2] =	stream.linear.gather [hbm4b:s26+s0], $0x800, $0x38;
	[tilespmem:$0x8A00] =	vst v63  }
0x1c9: {  	_ =	swait.ge [sflag:s25], $0x800  }
0x1ca: {  	[sflag:s25] =	ssyncset.done $0x0  }
0x1cb: {  	s1 =	simm.s32 $0x0;
	[sflag:s25] =	ssyncadd.s32 $0xFFFFF800  }
0x1cc: {  	v0 =	vld [tilespmem:s1+$0x800]  }
0x1cd: {  	v1 =	vld [tilespmem:s1+$0xE80];
	_ =	sdelay $0x4  }
0x1ce: {  	s0 =	simm.s32 $0x10;
	v2 =	vand.u32 $0xFFFFFFF8, v1;
	v0 =	vshll.u32 v0, $0x5  }
0x1cf: {  	v1 =	vand.u32 $0x7, v1;
	v0 =	vadd.s32 v0, v2;
	v2 =	vld [tilespmem:s0+$0x800]  }
0x1d0: {  	v0 =	vor.u32 v1, v0;
	v1 =	vld [tilespmem:s0+$0xE80];
	_ =	sdelay $0x3  }
0x1d1: {  	v4 =	vshll.u32 v2, $0x5;
	v2 =	vld [tilespmem:s1+$0x1500]  }
0x1d2: {  	v0 =	vld.idx.msk [tilespmem:v0+s2+$0x0], $0xffff;
	v3 =	vand.u32 $0xFFFFFFF8, v1  }
0x1d3: {  	s24 =	simm.s32 $0x20;
	v5 =	vand.u32 $0x7, v1;
	v3 =	vadd.s32 v4, v3  }
0x1d4: {  	s26 =	simm.s32 $0xC0;
	v1 =	vld [tilespmem:s24+$0x800];
	v3 =	vor.u32 v5, v3  }
.LBB2_10:
0x1d5: {  	p0 =	sne.s32 s26, $0x19C0;
	v4 =	vld [tilespmem:s24+$0xE80];
	_ =	sdelay $0x1  }
0x1d6: {  	v0 =	vadd.s32 v0, v2  }
.Ltmp4:
0x1d7: {  	[tilespmem:s1+$0x1B80] =	vst v0;
	s1 =	smov.u32 s0;
	s0 =	smov.u32 s24;
	(pc) =	sbr.rel @p0 .LBB2_10-.Ltmp4, $4  }
0x1d8: {  	v0 =	vld.idx.msk [tilespmem:v3+s2+$0x0], $0xffff  }
0x1d9: {  	v1 =	vshll.u32 v1, $0x5;
	v3 =	vand.u32 $0xFFFFFFF8, v4;
	v2 =	vld [tilespmem:s1+$0x1500]  }
0x1da: {  	s24 =	sshra.s32 s26, $0x2;
	v4 =	vand.u32 $0x7, v4;
	v3 =	vadd.s32 v1, v3  }
0x1db: {  	s26 =	sadd.s32 $0x40, s26;
	v1 =	vld [tilespmem:s24+$0x800];
	v3 =	vor.u32 v4, v3  }
0x1dc: {  	v4 =	vld [tilespmem:s24+$0xE80];
	_ =	sdelay $0x1  }
0x1dd: {  	v0 =	vadd.s32 v0, v2  }
0x1de: {  	[tilespmem:s1+$0x1B80] =	vst v0  }
0x1df: {  	v0 =	vld.idx.msk [tilespmem:v3+s2+$0x0], $0xffff  }
0x1e0: {  	v1 =	vshll.u32 v1, $0x5;
	v3 =	vld [tilespmem:s0+$0x1500];
	v2 =	vand.u32 $0xFFFFFFF8, v4  }
0x1e1: {  	v4 =	vand.u32 $0x7, v4;
	v1 =	vadd.s32 v1, v2  }
0x1e2: {  	v1 =	vor.u32 v4, v1;
	_ =	sdelay $0x2  }
0x1e3: {  	v0 =	vadd.s32 v0, v3  }
0x1e4: {  	[tilespmem:s0+$0x1B80] =	vst v0  }
0x1e5: {  	v0 =	vld.idx.msk [tilespmem:v1+s2+$0x0], $0xffff  }
0x1e6: {  	v1 =	vld [tilespmem:s24+$0x1500];
	_ =	sdelay $0x4  }
0x1e7: {  	v0 =	vadd.s32 v0, v1  }
0x1e8: {  	s1 =	simm.s32 $0x1B80;
	[tilespmem:s24+$0x1B80] =	vst v0  }
0x1e9: {  	[tilespmem:s31], [sflag:$0x1] =	stream.indirect.gather [hbm4b:s6+s29], $0x10, s1, s29, $0xb8;
	[tilespmem:$0x8A00] =	vst v63  }
0x1ea: {  	s26 =	simm.s32 $0x2A00;
	s24 =	simm.s32 $0x1C00  }
0x1eb: {  	[tilespmem:s26], [sflag:$0x1] =	stream.indirect.gather [hbm4b:s6+s29], $0x10, s24, s29, $0xb8;
	[tilespmem:$0x8A00] =	vst v63  }
0x1ec: {  	s24 =	simm.s32 $0x1C80;
	s26 =	simm.s32 $0x3200  }
0x1ed: {  	[tilespmem:s26], [sflag:$0x1] =	stream.indirect.gather [hbm4b:s6+s29], $0x10, s24, s29, $0xb8;
	[tilespmem:$0x8A00] =	vst v63  }
0x1ee: {  	_ = 	snop  }
0x1ef: {  	[tilespmem:s3], [sflag:$0x1] =	stream.indirect.gather [hbm4b:s6+s29], $0x10, s28, s29, $0xb8;
	[tilespmem:$0x8A00] =	vst v63  }
0x1f0: {  	_ = 	snop  }
0x1f1: {  	[tilespmem:s5], [sflag:$0x1] =	stream.indirect.gather [hbm4b:s6+s29], $0x10, s4, s29, $0xb8;
	[tilespmem:$0x8A00] =	vst v63  }
0x1f2: {  	_ = 	snop  }
0x1f3: {  	[tilespmem:s8], [sflag:$0x1] =	stream.indirect.gather [hbm4b:s6+s29], $0x10, s7, s29, $0xb8;
	[tilespmem:$0x8A00] =	vst v63  }
0x1f4: {  	_ = 	snop  }
0x1f5: {  	[tilespmem:s10], [sflag:$0x1] =	stream.indirect.gather [hbm4b:s6+s29], $0x10, s9, s29, $0xb8;
	[tilespmem:$0x8A00] =	vst v63  }
0x1f6: {  	_ = 	snop  }
0x1f7: {  	[tilespmem:s12], [sflag:$0x1] =	stream.indirect.gather [hbm4b:s6+s29], $0x10, s11, s29, $0xb8;
	[tilespmem:$0x8A00] =	vst v63  }
0x1f8: {  	_ = 	snop  }
0x1f9: {  	[tilespmem:s14], [sflag:$0x1] =	stream.indirect.gather [hbm4b:s6+s29], $0x10, s13, s29, $0xb8;
	[tilespmem:$0x8A00] =	vst v63  }
0x1fa: {  	_ = 	snop  }
0x1fb: {  	[tilespmem:s16], [sflag:$0x1] =	stream.indirect.gather [hbm4b:s6+s29], $0x10, s15, s29, $0xb8;
	[tilespmem:$0x8A00] =	vst v63  }
0x1fc: {  	_ = 	snop  }
0x1fd: {  	[tilespmem:s18], [sflag:$0x1] =	stream.indirect.gather [hbm4b:s6+s29], $0x10, s17, s29, $0xb8;
	[tilespmem:$0x8A00] =	vst v63  }
0x1fe: {  	_ = 	snop  }
0x1ff: {  	[tilespmem:s20], [sflag:$0x1] =	stream.indirect.gather [hbm4b:s6+s29], $0x10, s19, s29, $0xb8;
	[tilespmem:$0x8A00] =	vst v63  }
0x200: {  	_ = 	snop  }
0x201: {  	[tilespmem:s22], [sflag:$0x1] =	stream.indirect.gather [hbm4b:s6+s29], $0x10, s21, s29, $0xb8;
	[tilespmem:$0x8A00] =	vst v63  }
0x202: {  	_ =	swait.ge [sflag:s23], $0x800  }
0x203: {  	[sflag:s23] =	ssyncset.done $0x0  }
0x204: {  	[sflag:s23] =	ssyncadd.s32 $0xFFFFF800  }
0x205: {  	_ =	swait.ge [sflag:s23], $0x800  }
0x206: {  	[sflag:s23] =	ssyncset.done $0x0  }
0x207: {  	[sflag:s23] =	ssyncadd.s32 $0xFFFFF800  }
0x208: {  	_ =	swait.ge [sflag:s23], $0x800  }
0x209: {  	[sflag:s23] =	ssyncset.done $0x0  }
0x20a: {  	[sflag:s23] =	ssyncadd.s32 $0xFFFFF800  }
0x20b: {  	_ =	swait.ge [sflag:s23], $0x800  }
0x20c: {  	[sflag:s23] =	ssyncset.done $0x0  }
0x20d: {  	[sflag:s23] =	ssyncadd.s32 $0xFFFFF800  }
0x20e: {  	_ =	swait.ge [sflag:s23], $0x800  }
0x20f: {  	[sflag:s23] =	ssyncset.done $0x0  }
0x210: {  	[sflag:s23] =	ssyncadd.s32 $0xFFFFF800  }
0x211: {  	_ =	swait.ge [sflag:s23], $0x800  }
0x212: {  	[sflag:s23] =	ssyncset.done $0x0  }
0x213: {  	[sflag:s23] =	ssyncadd.s32 $0xFFFFF800  }
0x214: {  	_ =	swait.ge [sflag:s23], $0x800  }
0x215: {  	[sflag:s23] =	ssyncset.done $0x0  }
0x216: {  	[sflag:s23] =	ssyncadd.s32 $0xFFFFF800  }
0x217: {  	_ =	swait.ge [sflag:s23], $0x800  }
0x218: {  	[sflag:s23] =	ssyncset.done $0x0  }
0x219: {  	[sflag:s23] =	ssyncadd.s32 $0xFFFFF800  }
0x21a: {  	_ =	swait.ge [sflag:s23], $0x800  }
0x21b: {  	[sflag:s23] =	ssyncset.done $0x0  }
0x21c: {  	[sflag:s23] =	ssyncadd.s32 $0xFFFFF800  }
0x21d: {  	_ =	swait.ge [sflag:s23], $0x800  }
0x21e: {  	[sflag:s23] =	ssyncset.done $0x0  }
0x21f: {  	[sflag:s23] =	ssyncadd.s32 $0xFFFFF800  }
0x220: {  	_ =	swait.ge [sflag:s23], $0x800  }
0x221: {  	[sflag:s23] =	ssyncset.done $0x0  }
0x222: {  	[sflag:s23] =	ssyncadd.s32 $0xFFFFF800  }
0x223: {  	_ =	swait.ge [sflag:s23], $0x800  }
0x224: {  	[sflag:s23] =	ssyncset.done $0x0  }
0x225: {  	[sflag:s23] =	ssyncadd.s32 $0xFFFFF800  }
0x226: {  	_ =	swait.ge [sflag:s23], $0x800  }
0x227: {  	[sflag:s23] =	ssyncset.done $0x0  }
0x228: {  	s0 =	simm.s32 $0x0;
	s24 =	rddreg [dreg:$0xf];
	[sflag:s23] =	ssyncadd.s32 $0xFFFFF800  }
0x229: {  	[hbm4b:s24+s0] =	stream.linear.scatter [tilespmem:s31], [sflag:$0x2], $0x6800, $0x38;
	[tilespmem:$0x8A00] =	vst v63  }
0x22a: {  	_ =	swait.ge [sflag:s25], $0x6800  }
0x22b: {  	[sflag:s25] =	ssyncset.done $0x0  }
0x22c: {  	s26 =	rddreg [dreg:$0x10];
	[sflag:s25] =	ssyncadd.s32 $0xFFFF9800  }
0x22d: {  	[tilespmem:s0], [sflag:$0x2] =	stream.linear.gather [hbm4b:s26+s0], $0x800, $0x38;
	[tilespmem:$0x8A00] =	vst v63  }
0x22e: {  	_ =	swait.ge [sflag:s25], $0x800  }
0x22f: {  	[sflag:s25] =	ssyncset.done $0x0  }
0x230: {  	s1 =	simm.s32 $0x0;
	[sflag:s25] =	ssyncadd.s32 $0xFFFFF800  }
0x231: {  	v0 =	vld [tilespmem:s1+$0x800]  }
0x232: {  	v1 =	vld [tilespmem:s1+$0xE80];
	_ =	sdelay $0x4  }
0x233: {  	s0 =	simm.s32 $0x10;
	v2 =	vand.u32 $0xFFFFFFF8, v1;
	v0 =	vshll.u32 v0, $0x5  }
0x234: {  	v1 =	vand.u32 $0x7, v1;
	v0 =	vadd.s32 v0, v2;
	v2 =	vld [tilespmem:s0+$0x800]  }
0x235: {  	v0 =	vor.u32 v1, v0;
	v1 =	vld [tilespmem:s0+$0xE80];
	_ =	sdelay $0x3  }
0x236: {  	v4 =	vshll.u32 v2, $0x5;
	v2 =	vld [tilespmem:s1+$0x1500]  }
0x237: {  	v0 =	vld.idx.msk [tilespmem:v0+s2+$0x0], $0xffff;
	v3 =	vand.u32 $0xFFFFFFF8, v1  }
0x238: {  	s24 =	simm.s32 $0x20;
	v5 =	vand.u32 $0x7, v1;
	v3 =	vadd.s32 v4, v3  }
0x239: {  	s26 =	simm.s32 $0xC0;
	v1 =	vld [tilespmem:s24+$0x800];
	v3 =	vor.u32 v5, v3  }
.LBB2_12:
0x23a: {  	p0 =	sne.s32 s26, $0x19C0;
	v4 =	vld [tilespmem:s24+$0xE80];
	_ =	sdelay $0x1  }
0x23b: {  	v0 =	vadd.s32 v0, v2  }
.Ltmp5:
0x23c: {  	[tilespmem:s1+$0x1B80] =	vst v0;
	s1 =	smov.u32 s0;
	s0 =	smov.u32 s24;
	(pc) =	sbr.rel @p0 .LBB2_12-.Ltmp5, $4  }
0x23d: {  	v0 =	vld.idx.msk [tilespmem:v3+s2+$0x0], $0xffff  }
0x23e: {  	v1 =	vshll.u32 v1, $0x5;
	v3 =	vand.u32 $0xFFFFFFF8, v4;
	v2 =	vld [tilespmem:s1+$0x1500]  }
0x23f: {  	s24 =	sshra.s32 s26, $0x2;
	v4 =	vand.u32 $0x7, v4;
	v3 =	vadd.s32 v1, v3  }
0x240: {  	s26 =	sadd.s32 $0x40, s26;
	v1 =	vld [tilespmem:s24+$0x800];
	v3 =	vor.u32 v4, v3  }
0x241: {  	v4 =	vld [tilespmem:s24+$0xE80];
	_ =	sdelay $0x1  }
0x242: {  	v0 =	vadd.s32 v0, v2  }
0x243: {  	[tilespmem:s1+$0x1B80] =	vst v0  }
0x244: {  	v0 =	vld.idx.msk [tilespmem:v3+s2+$0x0], $0xffff  }
0x245: {  	v1 =	vshll.u32 v1, $0x5;
	v3 =	vld [tilespmem:s0+$0x1500];
	v2 =	vand.u32 $0xFFFFFFF8, v4  }
0x246: {  	v4 =	vand.u32 $0x7, v4;
	v1 =	vadd.s32 v1, v2  }
0x247: {  	v1 =	vor.u32 v4, v1;
	_ =	sdelay $0x2  }
0x248: {  	v0 =	vadd.s32 v0, v3  }
0x249: {  	[tilespmem:s0+$0x1B80] =	vst v0  }
0x24a: {  	v0 =	vld.idx.msk [tilespmem:v1+s2+$0x0], $0xffff  }
0x24b: {  	v1 =	vld [tilespmem:s24+$0x1500];
	_ =	sdelay $0x4  }
0x24c: {  	v0 =	vadd.s32 v0, v1  }
0x24d: {  	s1 =	simm.s32 $0x1B80;
	[tilespmem:s24+$0x1B80] =	vst v0  }
0x24e: {  	[tilespmem:s31], [sflag:$0x1] =	stream.indirect.gather [hbm4b:s6+s29], $0x10, s1, s29, $0xb8;
	[tilespmem:$0x8A00] =	vst v63  }
0x24f: {  	s26 =	simm.s32 $0x2A00;
	s24 =	simm.s32 $0x1C00  }
0x250: {  	[tilespmem:s26], [sflag:$0x1] =	stream.indirect.gather [hbm4b:s6+s29], $0x10, s24, s29, $0xb8;
	[tilespmem:$0x8A00] =	vst v63  }
0x251: {  	s24 =	simm.s32 $0x1C80;
	s26 =	simm.s32 $0x3200  }
0x252: {  	[tilespmem:s26], [sflag:$0x1] =	stream.indirect.gather [hbm4b:s6+s29], $0x10, s24, s29, $0xb8;
	[tilespmem:$0x8A00] =	vst v63  }
0x253: {  	_ = 	snop  }
0x254: {  	[tilespmem:s3], [sflag:$0x1] =	stream.indirect.gather [hbm4b:s6+s29], $0x10, s28, s29, $0xb8;
	[tilespmem:$0x8A00] =	vst v63  }
0x255: {  	_ = 	snop  }
0x256: {  	[tilespmem:s5], [sflag:$0x1] =	stream.indirect.gather [hbm4b:s6+s29], $0x10, s4, s29, $0xb8;
	[tilespmem:$0x8A00] =	vst v63  }
0x257: {  	_ = 	snop  }
0x258: {  	[tilespmem:s8], [sflag:$0x1] =	stream.indirect.gather [hbm4b:s6+s29], $0x10, s7, s29, $0xb8;
	[tilespmem:$0x8A00] =	vst v63  }
0x259: {  	_ = 	snop  }
0x25a: {  	[tilespmem:s10], [sflag:$0x1] =	stream.indirect.gather [hbm4b:s6+s29], $0x10, s9, s29, $0xb8;
	[tilespmem:$0x8A00] =	vst v63  }
0x25b: {  	_ = 	snop  }
0x25c: {  	[tilespmem:s12], [sflag:$0x1] =	stream.indirect.gather [hbm4b:s6+s29], $0x10, s11, s29, $0xb8;
	[tilespmem:$0x8A00] =	vst v63  }
0x25d: {  	_ = 	snop  }
0x25e: {  	[tilespmem:s14], [sflag:$0x1] =	stream.indirect.gather [hbm4b:s6+s29], $0x10, s13, s29, $0xb8;
	[tilespmem:$0x8A00] =	vst v63  }
0x25f: {  	_ = 	snop  }
0x260: {  	[tilespmem:s16], [sflag:$0x1] =	stream.indirect.gather [hbm4b:s6+s29], $0x10, s15, s29, $0xb8;
	[tilespmem:$0x8A00] =	vst v63  }
0x261: {  	_ = 	snop  }
0x262: {  	[tilespmem:s18], [sflag:$0x1] =	stream.indirect.gather [hbm4b:s6+s29], $0x10, s17, s29, $0xb8;
	[tilespmem:$0x8A00] =	vst v63  }
0x263: {  	_ = 	snop  }
0x264: {  	[tilespmem:s20], [sflag:$0x1] =	stream.indirect.gather [hbm4b:s6+s29], $0x10, s19, s29, $0xb8;
	[tilespmem:$0x8A00] =	vst v63  }
0x265: {  	_ = 	snop  }
0x266: {  	[tilespmem:s22], [sflag:$0x1] =	stream.indirect.gather [hbm4b:s6+s29], $0x10, s21, s29, $0xb8;
	[tilespmem:$0x8A00] =	vst v63  }
0x267: {  	_ =	swait.ge [sflag:s23], $0x800  }
0x268: {  	[sflag:s23] =	ssyncset.done $0x0  }
0x269: {  	[sflag:s23] =	ssyncadd.s32 $0xFFFFF800  }
0x26a: {  	_ =	swait.ge [sflag:s23], $0x800  }
0x26b: {  	[sflag:s23] =	ssyncset.done $0x0  }
0x26c: {  	[sflag:s23] =	ssyncadd.s32 $0xFFFFF800  }
0x26d: {  	_ =	swait.ge [sflag:s23], $0x800  }
0x26e: {  	[sflag:s23] =	ssyncset.done $0x0  }
0x26f: {  	[sflag:s23] =	ssyncadd.s32 $0xFFFFF800  }
0x270: {  	_ =	swait.ge [sflag:s23], $0x800  }
0x271: {  	[sflag:s23] =	ssyncset.done $0x0  }
0x272: {  	[sflag:s23] =	ssyncadd.s32 $0xFFFFF800  }
0x273: {  	_ =	swait.ge [sflag:s23], $0x800  }
0x274: {  	[sflag:s23] =	ssyncset.done $0x0  }
0x275: {  	[sflag:s23] =	ssyncadd.s32 $0xFFFFF800  }
0x276: {  	_ =	swait.ge [sflag:s23], $0x800  }
0x277: {  	[sflag:s23] =	ssyncset.done $0x0  }
0x278: {  	[sflag:s23] =	ssyncadd.s32 $0xFFFFF800  }
0x279: {  	_ =	swait.ge [sflag:s23], $0x800  }
0x27a: {  	[sflag:s23] =	ssyncset.done $0x0  }
0x27b: {  	[sflag:s23] =	ssyncadd.s32 $0xFFFFF800  }
0x27c: {  	_ =	swait.ge [sflag:s23], $0x800  }
0x27d: {  	[sflag:s23] =	ssyncset.done $0x0  }
0x27e: {  	[sflag:s23] =	ssyncadd.s32 $0xFFFFF800  }
0x27f: {  	_ =	swait.ge [sflag:s23], $0x800  }
0x280: {  	[sflag:s23] =	ssyncset.done $0x0  }
0x281: {  	[sflag:s23] =	ssyncadd.s32 $0xFFFFF800  }
0x282: {  	_ =	swait.ge [sflag:s23], $0x800  }
0x283: {  	[sflag:s23] =	ssyncset.done $0x0  }
0x284: {  	[sflag:s23] =	ssyncadd.s32 $0xFFFFF800  }
0x285: {  	_ =	swait.ge [sflag:s23], $0x800  }
0x286: {  	[sflag:s23] =	ssyncset.done $0x0  }
0x287: {  	[sflag:s23] =	ssyncadd.s32 $0xFFFFF800  }
0x288: {  	_ =	swait.ge [sflag:s23], $0x800  }
0x289: {  	[sflag:s23] =	ssyncset.done $0x0  }
0x28a: {  	[sflag:s23] =	ssyncadd.s32 $0xFFFFF800  }
0x28b: {  	_ =	swait.ge [sflag:s23], $0x800  }
0x28c: {  	[sflag:s23] =	ssyncset.done $0x0  }
0x28d: {  	s0 =	simm.s32 $0x0;
	s24 =	rddreg [dreg:$0x11];
	[sflag:s23] =	ssyncadd.s32 $0xFFFFF800  }
0x28e: {  	[hbm4b:s24+s0] =	stream.linear.scatter [tilespmem:s31], [sflag:$0x2], $0x6800, $0x38;
	[tilespmem:$0x8A00] =	vst v63  }
0x28f: {  	_ =	swait.ge [sflag:s25], $0x6800  }
0x290: {  	[sflag:s25] =	ssyncset.done $0x0  }
0x291: {  	s26 =	rddreg [dreg:$0x12];
	[sflag:s25] =	ssyncadd.s32 $0xFFFF9800  }
0x292: {  	[tilespmem:s0], [sflag:$0x2] =	stream.linear.gather [hbm4b:s26+s0], $0x800, $0x38;
	[tilespmem:$0x8A00] =	vst v63  }
0x293: {  	_ =	swait.ge [sflag:s25], $0x800  }
0x294: {  	[sflag:s25] =	ssyncset.done $0x0  }
0x295: {  	s1 =	simm.s32 $0x0;
	[sflag:s25] =	ssyncadd.s32 $0xFFFFF800  }
0x296: {  	v0 =	vld [tilespmem:s1+$0x800]  }
0x297: {  	v1 =	vld [tilespmem:s1+$0xE80];
	_ =	sdelay $0x4  }
0x298: {  	s0 =	simm.s32 $0x10;
	v2 =	vand.u32 $0xFFFFFFF8, v1;
	v0 =	vshll.u32 v0, $0x5  }
0x299: {  	v1 =	vand.u32 $0x7, v1;
	v0 =	vadd.s32 v0, v2;
	v2 =	vld [tilespmem:s0+$0x800]  }
0x29a: {  	v0 =	vor.u32 v1, v0;
	v1 =	vld [tilespmem:s0+$0xE80];
	_ =	sdelay $0x3  }
0x29b: {  	v4 =	vshll.u32 v2, $0x5;
	v2 =	vld [tilespmem:s1+$0x1500]  }
0x29c: {  	v0 =	vld.idx.msk [tilespmem:v0+s2+$0x0], $0xffff;
	v3 =	vand.u32 $0xFFFFFFF8, v1  }
0x29d: {  	s24 =	simm.s32 $0x20;
	v5 =	vand.u32 $0x7, v1;
	v3 =	vadd.s32 v4, v3  }
0x29e: {  	s26 =	simm.s32 $0xC0;
	v1 =	vld [tilespmem:s24+$0x800];
	v3 =	vor.u32 v5, v3  }
.LBB2_14:
0x29f: {  	p0 =	sne.s32 s26, $0x19C0;
	v4 =	vld [tilespmem:s24+$0xE80];
	_ =	sdelay $0x1  }
0x2a0: {  	v0 =	vadd.s32 v0, v2  }
.Ltmp6:
0x2a1: {  	[tilespmem:s1+$0x1B80] =	vst v0;
	s1 =	smov.u32 s0;
	s0 =	smov.u32 s24;
	(pc) =	sbr.rel @p0 .LBB2_14-.Ltmp6, $4  }
0x2a2: {  	v0 =	vld.idx.msk [tilespmem:v3+s2+$0x0], $0xffff  }
0x2a3: {  	v1 =	vshll.u32 v1, $0x5;
	v3 =	vand.u32 $0xFFFFFFF8, v4;
	v2 =	vld [tilespmem:s1+$0x1500]  }
0x2a4: {  	s24 =	sshra.s32 s26, $0x2;
	v4 =	vand.u32 $0x7, v4;
	v3 =	vadd.s32 v1, v3  }
0x2a5: {  	s26 =	sadd.s32 $0x40, s26;
	v1 =	vld [tilespmem:s24+$0x800];
	v3 =	vor.u32 v4, v3  }
0x2a6: {  	v4 =	vld [tilespmem:s24+$0xE80];
	_ =	sdelay $0x1  }
0x2a7: {  	v0 =	vadd.s32 v0, v2  }
0x2a8: {  	[tilespmem:s1+$0x1B80] =	vst v0  }
0x2a9: {  	v0 =	vld.idx.msk [tilespmem:v3+s2+$0x0], $0xffff  }
0x2aa: {  	v1 =	vshll.u32 v1, $0x5;
	v3 =	vld [tilespmem:s0+$0x1500];
	v2 =	vand.u32 $0xFFFFFFF8, v4  }
0x2ab: {  	v4 =	vand.u32 $0x7, v4;
	v1 =	vadd.s32 v1, v2  }
0x2ac: {  	v1 =	vor.u32 v4, v1;
	_ =	sdelay $0x2  }
0x2ad: {  	v0 =	vadd.s32 v0, v3  }
0x2ae: {  	[tilespmem:s0+$0x1B80] =	vst v0  }
0x2af: {  	v0 =	vld.idx.msk [tilespmem:v1+s2+$0x0], $0xffff  }
0x2b0: {  	v1 =	vld [tilespmem:s24+$0x1500];
	_ =	sdelay $0x4  }
0x2b1: {  	v0 =	vadd.s32 v0, v1  }
0x2b2: {  	s1 =	simm.s32 $0x1B80;
	[tilespmem:s24+$0x1B80] =	vst v0  }
0x2b3: {  	[tilespmem:s31], [sflag:$0x1] =	stream.indirect.gather [hbm4b:s6+s29], $0x10, s1, s29, $0xb8;
	[tilespmem:$0x8A00] =	vst v63  }
0x2b4: {  	s26 =	simm.s32 $0x2A00;
	s24 =	simm.s32 $0x1C00  }
0x2b5: {  	[tilespmem:s26], [sflag:$0x1] =	stream.indirect.gather [hbm4b:s6+s29], $0x10, s24, s29, $0xb8;
	[tilespmem:$0x8A00] =	vst v63  }
0x2b6: {  	s24 =	simm.s32 $0x1C80;
	s26 =	simm.s32 $0x3200  }
0x2b7: {  	[tilespmem:s26], [sflag:$0x1] =	stream.indirect.gather [hbm4b:s6+s29], $0x10, s24, s29, $0xb8;
	[tilespmem:$0x8A00] =	vst v63  }
0x2b8: {  	_ = 	snop  }
0x2b9: {  	[tilespmem:s3], [sflag:$0x1] =	stream.indirect.gather [hbm4b:s6+s29], $0x10, s28, s29, $0xb8;
	[tilespmem:$0x8A00] =	vst v63  }
0x2ba: {  	_ = 	snop  }
0x2bb: {  	[tilespmem:s5], [sflag:$0x1] =	stream.indirect.gather [hbm4b:s6+s29], $0x10, s4, s29, $0xb8;
	[tilespmem:$0x8A00] =	vst v63  }
0x2bc: {  	_ = 	snop  }
0x2bd: {  	[tilespmem:s8], [sflag:$0x1] =	stream.indirect.gather [hbm4b:s6+s29], $0x10, s7, s29, $0xb8;
	[tilespmem:$0x8A00] =	vst v63  }
0x2be: {  	_ = 	snop  }
0x2bf: {  	[tilespmem:s10], [sflag:$0x1] =	stream.indirect.gather [hbm4b:s6+s29], $0x10, s9, s29, $0xb8;
	[tilespmem:$0x8A00] =	vst v63  }
0x2c0: {  	_ = 	snop  }
0x2c1: {  	[tilespmem:s12], [sflag:$0x1] =	stream.indirect.gather [hbm4b:s6+s29], $0x10, s11, s29, $0xb8;
	[tilespmem:$0x8A00] =	vst v63  }
0x2c2: {  	_ = 	snop  }
0x2c3: {  	[tilespmem:s14], [sflag:$0x1] =	stream.indirect.gather [hbm4b:s6+s29], $0x10, s13, s29, $0xb8;
	[tilespmem:$0x8A00] =	vst v63  }
0x2c4: {  	_ = 	snop  }
0x2c5: {  	[tilespmem:s16], [sflag:$0x1] =	stream.indirect.gather [hbm4b:s6+s29], $0x10, s15, s29, $0xb8;
	[tilespmem:$0x8A00] =	vst v63  }
0x2c6: {  	_ = 	snop  }
0x2c7: {  	[tilespmem:s18], [sflag:$0x1] =	stream.indirect.gather [hbm4b:s6+s29], $0x10, s17, s29, $0xb8;
	[tilespmem:$0x8A00] =	vst v63  }
0x2c8: {  	_ = 	snop  }
0x2c9: {  	[tilespmem:s20], [sflag:$0x1] =	stream.indirect.gather [hbm4b:s6+s29], $0x10, s19, s29, $0xb8;
	[tilespmem:$0x8A00] =	vst v63  }
0x2ca: {  	_ = 	snop  }
0x2cb: {  	[tilespmem:s22], [sflag:$0x1] =	stream.indirect.gather [hbm4b:s6+s29], $0x10, s21, s29, $0xb8;
	[tilespmem:$0x8A00] =	vst v63  }
0x2cc: {  	_ =	swait.ge [sflag:s23], $0x800  }
0x2cd: {  	[sflag:s23] =	ssyncset.done $0x0  }
0x2ce: {  	[sflag:s23] =	ssyncadd.s32 $0xFFFFF800  }
0x2cf: {  	_ =	swait.ge [sflag:s23], $0x800  }
0x2d0: {  	[sflag:s23] =	ssyncset.done $0x0  }
0x2d1: {  	[sflag:s23] =	ssyncadd.s32 $0xFFFFF800  }
0x2d2: {  	_ =	swait.ge [sflag:s23], $0x800  }
0x2d3: {  	[sflag:s23] =	ssyncset.done $0x0  }
0x2d4: {  	[sflag:s23] =	ssyncadd.s32 $0xFFFFF800  }
0x2d5: {  	_ =	swait.ge [sflag:s23], $0x800  }
0x2d6: {  	[sflag:s23] =	ssyncset.done $0x0  }
0x2d7: {  	[sflag:s23] =	ssyncadd.s32 $0xFFFFF800  }
0x2d8: {  	_ =	swait.ge [sflag:s23], $0x800  }
0x2d9: {  	[sflag:s23] =	ssyncset.done $0x0  }
0x2da: {  	[sflag:s23] =	ssyncadd.s32 $0xFFFFF800  }
0x2db: {  	_ =	swait.ge [sflag:s23], $0x800  }
0x2dc: {  	[sflag:s23] =	ssyncset.done $0x0  }
0x2dd: {  	[sflag:s23] =	ssyncadd.s32 $0xFFFFF800  }
0x2de: {  	_ =	swait.ge [sflag:s23], $0x800  }
0x2df: {  	[sflag:s23] =	ssyncset.done $0x0  }
0x2e0: {  	[sflag:s23] =	ssyncadd.s32 $0xFFFFF800  }
0x2e1: {  	_ =	swait.ge [sflag:s23], $0x800  }
0x2e2: {  	[sflag:s23] =	ssyncset.done $0x0  }
0x2e3: {  	[sflag:s23] =	ssyncadd.s32 $0xFFFFF800  }
0x2e4: {  	_ =	swait.ge [sflag:s23], $0x800  }
0x2e5: {  	[sflag:s23] =	ssyncset.done $0x0  }
0x2e6: {  	[sflag:s23] =	ssyncadd.s32 $0xFFFFF800  }
0x2e7: {  	_ =	swait.ge [sflag:s23], $0x800  }
0x2e8: {  	[sflag:s23] =	ssyncset.done $0x0  }
0x2e9: {  	[sflag:s23] =	ssyncadd.s32 $0xFFFFF800  }
0x2ea: {  	_ =	swait.ge [sflag:s23], $0x800  }
0x2eb: {  	[sflag:s23] =	ssyncset.done $0x0  }
0x2ec: {  	[sflag:s23] =	ssyncadd.s32 $0xFFFFF800  }
0x2ed: {  	_ =	swait.ge [sflag:s23], $0x800  }
0x2ee: {  	[sflag:s23] =	ssyncset.done $0x0  }
0x2ef: {  	[sflag:s23] =	ssyncadd.s32 $0xFFFFF800  }
0x2f0: {  	_ =	swait.ge [sflag:s23], $0x800  }
0x2f1: {  	[sflag:s23] =	ssyncset.done $0x0  }
0x2f2: {  	s0 =	simm.s32 $0x0;
	s24 =	rddreg [dreg:$0x13];
	[sflag:s23] =	ssyncadd.s32 $0xFFFFF800  }
0x2f3: {  	[hbm4b:s24+s0] =	stream.linear.scatter [tilespmem:s31], [sflag:$0x2], $0x6800, $0x38;
	[tilespmem:$0x8A00] =	vst v63  }
0x2f4: {  	_ =	swait.ge [sflag:s25], $0x6800  }
0x2f5: {  	[sflag:s25] =	ssyncset.done $0x0  }
0x2f6: {  	s26 =	rddreg [dreg:$0x14];
	[sflag:s25] =	ssyncadd.s32 $0xFFFF9800  }
0x2f7: {  	[tilespmem:s0], [sflag:$0x2] =	stream.linear.gather [hbm4b:s26+s0], $0x800, $0x38;
	[tilespmem:$0x8A00] =	vst v63  }
0x2f8: {  	_ =	swait.ge [sflag:s25], $0x800  }
0x2f9: {  	[sflag:s25] =	ssyncset.done $0x0  }
0x2fa: {  	s1 =	simm.s32 $0x0;
	[sflag:s25] =	ssyncadd.s32 $0xFFFFF800  }
0x2fb: {  	v0 =	vld [tilespmem:s1+$0x800]  }
0x2fc: {  	v1 =	vld [tilespmem:s1+$0xE80];
	_ =	sdelay $0x4  }
0x2fd: {  	s0 =	simm.s32 $0x10;
	v2 =	vand.u32 $0xFFFFFFF8, v1;
	v0 =	vshll.u32 v0, $0x5  }
0x2fe: {  	v1 =	vand.u32 $0x7, v1;
	v0 =	vadd.s32 v0, v2;
	v2 =	vld [tilespmem:s0+$0x800]  }
0x2ff: {  	v0 =	vor.u32 v1, v0;
	v1 =	vld [tilespmem:s0+$0xE80];
	_ =	sdelay $0x3  }
0x300: {  	v4 =	vshll.u32 v2, $0x5;
	v2 =	vld [tilespmem:s1+$0x1500]  }
0x301: {  	v0 =	vld.idx.msk [tilespmem:v0+s2+$0x0], $0xffff;
	v3 =	vand.u32 $0xFFFFFFF8, v1  }
0x302: {  	s24 =	simm.s32 $0x20;
	v5 =	vand.u32 $0x7, v1;
	v3 =	vadd.s32 v4, v3  }
0x303: {  	s26 =	simm.s32 $0xC0;
	v1 =	vld [tilespmem:s24+$0x800];
	v3 =	vor.u32 v5, v3  }
.LBB2_16:
0x304: {  	p0 =	sne.s32 s26, $0x19C0;
	v4 =	vld [tilespmem:s24+$0xE80];
	_ =	sdelay $0x1  }
0x305: {  	v0 =	vadd.s32 v0, v2  }
.Ltmp7:
0x306: {  	[tilespmem:s1+$0x1B80] =	vst v0;
	s1 =	smov.u32 s0;
	s0 =	smov.u32 s24;
	(pc) =	sbr.rel @p0 .LBB2_16-.Ltmp7, $4  }
0x307: {  	v0 =	vld.idx.msk [tilespmem:v3+s2+$0x0], $0xffff  }
0x308: {  	v1 =	vshll.u32 v1, $0x5;
	v3 =	vand.u32 $0xFFFFFFF8, v4;
	v2 =	vld [tilespmem:s1+$0x1500]  }
0x309: {  	s24 =	sshra.s32 s26, $0x2;
	v4 =	vand.u32 $0x7, v4;
	v3 =	vadd.s32 v1, v3  }
0x30a: {  	s26 =	sadd.s32 $0x40, s26;
	v1 =	vld [tilespmem:s24+$0x800];
	v3 =	vor.u32 v4, v3  }
0x30b: {  	_ = 	snop  }
0x30c: {  	v4 =	vld [tilespmem:s24+$0xE80]  }
0x30d: {  	v0 =	vadd.s32 v0, v2  }
0x30e: {  	[tilespmem:s1+$0x1B80] =	vst v0  }
0x30f: {  	v0 =	vld.idx.msk [tilespmem:v3+s2+$0x0], $0xffff  }
0x310: {  	v62 =	vld [tilespmem:s0+$0x1500]  }
0x311: {  	v1 =	vshll.u32 v1, $0x5;
	v61 =	vand.u32 $0xFFFFFFF8, v4  }
0x312: {  	v4 =	vand.u32 $0x7, v4;
	v1 =	vadd.s32 v1, v61  }
0x313: {  	v1 =	vor.u32 v4, v1;
	_ =	sdelay $0x1  }
0x314: {  	v0 =	vadd.s32 v0, v62  }
0x315: {  	[tilespmem:s0+$0x1B80] =	vst v0  }
0x316: {  	v63 =	vld [tilespmem:s24+$0x1500]  }
0x317: {  	v0 =	vld.idx.msk [tilespmem:v1+s2+$0x0], $0xffff;
	_ =	sdelay $0x4  }
0x318: {  	v0 =	vadd.s32 v0, v63  }
0x319: {  	s1 =	simm.s32 $0x1B80;
	[tilespmem:s24+$0x1B80] =	vst v0  }
0x31a: {  	[tilespmem:s31], [sflag:$0x1] =	stream.indirect.gather [hbm4b:s6+s29], $0x10, s1, s29, $0xb8;
	[tilespmem:$0x8A00] =	vst v63  }
0x31b: {  	s26 =	simm.s32 $0x2A00;
	s24 =	simm.s32 $0x1C00  }
0x31c: {  	[tilespmem:s26], [sflag:$0x1] =	stream.indirect.gather [hbm4b:s6+s29], $0x10, s24, s29, $0xb8;
	[tilespmem:$0x8A00] =	vst v63  }
0x31d: {  	s24 =	simm.s32 $0x1C80;
	s26 =	simm.s32 $0x3200  }
0x31e: {  	[tilespmem:s26], [sflag:$0x1] =	stream.indirect.gather [hbm4b:s6+s29], $0x10, s24, s29, $0xb8;
	[tilespmem:$0x8A00] =	vst v63  }
0x31f: {  	_ = 	snop  }
0x320: {  	[tilespmem:s3], [sflag:$0x1] =	stream.indirect.gather [hbm4b:s6+s29], $0x10, s28, s29, $0xb8;
	[tilespmem:$0x8A00] =	vst v63  }
0x321: {  	_ = 	snop  }
0x322: {  	[tilespmem:s5], [sflag:$0x1] =	stream.indirect.gather [hbm4b:s6+s29], $0x10, s4, s29, $0xb8;
	[tilespmem:$0x8A00] =	vst v63  }
0x323: {  	_ = 	snop  }
0x324: {  	[tilespmem:s8], [sflag:$0x1] =	stream.indirect.gather [hbm4b:s6+s29], $0x10, s7, s29, $0xb8;
	[tilespmem:$0x8A00] =	vst v63  }
0x325: {  	_ = 	snop  }
0x326: {  	[tilespmem:s10], [sflag:$0x1] =	stream.indirect.gather [hbm4b:s6+s29], $0x10, s9, s29, $0xb8;
	[tilespmem:$0x8A00] =	vst v63  }
0x327: {  	_ = 	snop  }
0x328: {  	[tilespmem:s12], [sflag:$0x1] =	stream.indirect.gather [hbm4b:s6+s29], $0x10, s11, s29, $0xb8;
	[tilespmem:$0x8A00] =	vst v63  }
0x329: {  	_ = 	snop  }
0x32a: {  	[tilespmem:s14], [sflag:$0x1] =	stream.indirect.gather [hbm4b:s6+s29], $0x10, s13, s29, $0xb8;
	[tilespmem:$0x8A00] =	vst v63  }
0x32b: {  	_ = 	snop  }
0x32c: {  	[tilespmem:s16], [sflag:$0x1] =	stream.indirect.gather [hbm4b:s6+s29], $0x10, s15, s29, $0xb8;
	[tilespmem:$0x8A00] =	vst v63  }
0x32d: {  	_ = 	snop  }
0x32e: {  	[tilespmem:s18], [sflag:$0x1] =	stream.indirect.gather [hbm4b:s6+s29], $0x10, s17, s29, $0xb8;
	[tilespmem:$0x8A00] =	vst v63  }
0x32f: {  	_ = 	snop  }
0x330: {  	[tilespmem:s20], [sflag:$0x1] =	stream.indirect.gather [hbm4b:s6+s29], $0x10, s19, s29, $0xb8;
	[tilespmem:$0x8A00] =	vst v63  }
0x331: {  	_ = 	snop  }
0x332: {  	[tilespmem:s22], [sflag:$0x1] =	stream.indirect.gather [hbm4b:s6+s29], $0x10, s21, s29, $0xb8;
	[tilespmem:$0x8A00] =	vst v63  }
0x333: {  	_ =	swait.ge [sflag:s23], $0x800  }
0x334: {  	[sflag:s23] =	ssyncset.done $0x0  }
0x335: {  	[sflag:s23] =	ssyncadd.s32 $0xFFFFF800  }
0x336: {  	_ =	swait.ge [sflag:s23], $0x800  }
0x337: {  	[sflag:s23] =	ssyncset.done $0x0  }
0x338: {  	[sflag:s23] =	ssyncadd.s32 $0xFFFFF800  }
0x339: {  	_ =	swait.ge [sflag:s23], $0x800  }
0x33a: {  	[sflag:s23] =	ssyncset.done $0x0  }
0x33b: {  	[sflag:s23] =	ssyncadd.s32 $0xFFFFF800  }
0x33c: {  	_ =	swait.ge [sflag:s23], $0x800  }
0x33d: {  	[sflag:s23] =	ssyncset.done $0x0  }
0x33e: {  	[sflag:s23] =	ssyncadd.s32 $0xFFFFF800  }
0x33f: {  	_ =	swait.ge [sflag:s23], $0x800  }
0x340: {  	[sflag:s23] =	ssyncset.done $0x0  }
0x341: {  	[sflag:s23] =	ssyncadd.s32 $0xFFFFF800  }
0x342: {  	_ =	swait.ge [sflag:s23], $0x800  }
0x343: {  	[sflag:s23] =	ssyncset.done $0x0  }
0x344: {  	[sflag:s23] =	ssyncadd.s32 $0xFFFFF800  }
0x345: {  	_ =	swait.ge [sflag:s23], $0x800  }
0x346: {  	[sflag:s23] =	ssyncset.done $0x0  }
0x347: {  	[sflag:s23] =	ssyncadd.s32 $0xFFFFF800  }
0x348: {  	_ =	swait.ge [sflag:s23], $0x800  }
0x349: {  	[sflag:s23] =	ssyncset.done $0x0  }
0x34a: {  	[sflag:s23] =	ssyncadd.s32 $0xFFFFF800  }
0x34b: {  	_ =	swait.ge [sflag:s23], $0x800  }
0x34c: {  	[sflag:s23] =	ssyncset.done $0x0  }
0x34d: {  	[sflag:s23] =	ssyncadd.s32 $0xFFFFF800  }
0x34e: {  	_ =	swait.ge [sflag:s23], $0x800  }
0x34f: {  	[sflag:s23] =	ssyncset.done $0x0  }
0x350: {  	[sflag:s23] =	ssyncadd.s32 $0xFFFFF800  }
0x351: {  	_ =	swait.ge [sflag:s23], $0x800  }
0x352: {  	[sflag:s23] =	ssyncset.done $0x0  }
0x353: {  	[sflag:s23] =	ssyncadd.s32 $0xFFFFF800  }
0x354: {  	_ =	swait.ge [sflag:s23], $0x800  }
0x355: {  	[sflag:s23] =	ssyncset.done $0x0  }
0x356: {  	[sflag:s23] =	ssyncadd.s32 $0xFFFFF800  }
0x357: {  	_ =	swait.ge [sflag:s23], $0x800  }
0x358: {  	[sflag:s23] =	ssyncset.done $0x0  }
0x359: {  	s24 =	rddreg [dreg:$0x15];
	[sflag:s23] =	ssyncadd.s32 $0xFFFFF800  }
0x35a: {  	[hbm4b:s24+s2] =	stream.linear.scatter [tilespmem:s31], [sflag:$0x2], $0x6800, $0x38;
	[tilespmem:$0x8A00] =	vst v63  }
0x35b: {  	_ =	swait.ge [sflag:s25], $0x6800  }
0x35c: {  	s30 =	sadd.s32 $0x1, s30;
	s26 =	rddreg [dreg:$0x16]  }
0x35d: {  	p0 =	sne.s32 s30, s26  }
.Ltmp8:
0x35e: {  	_ = 	snop;
	(pc) =	sbr.rel @p0 .LBB2_1-.Ltmp8, $3  }
0x35f: {  	_ =	sdelay $0x1  }
0x360: {  	[sflag:s25] =	ssyncset.done $0x0  }
0x361: {  	[sflag:s25] =	ssyncadd.s32 $0xFFFF9800  }
0x362: {  	_ =	sfence.sel $0x180000  }
0x363: {  	[bflag:$0x0] =	sbarrier.arrive $0xFFFF  }
0x364: {  	_ =	strace $0x90000047  }
0x365: {  	s0 =	stileid.u32;
	[bflag:$0x2] =	sbarrier.arrive $0xFFFF  }
0x366: {  	p0 =	sne.s32 s0, $0x0;
	s0 =	rddreg [dreg:$0x2]  }
0x367: {  	s0 =	sadd.s32 @!p0 $0x100000, s0  }
0x368: {  	[sflag:s0] =	ssyncadd.tile.s32 @!p0 $0x1;
	_ =	shalt  }
.Lfunc_end2:
_tile_overlayer_lowered:
.L_overlay_start_2:
0x369: {  	(tag) =	ssettag $0x2  }
0x36a: {  	s0 =	rddreg [dreg:$0x0];
	s2 =	stileid.u32  }
0x36b: {  	s1 =	rddreg [dreg:$0x1];
	p0 =	sne.s32 s2, $0x0  }
0x36c: {  	s3 =	rddreg [dreg:$0x2];
	[bflag:$0x3] =	sbarrier.arrive $0xFFFF;
	s2 =	simm.s32 @!p0 $0x1C02  }
0x36d: {  	[timem:s3], [sflag:s2] =	dma.local @!p0 [hbm:s0], s1  }
0x36e: {  	s0 =	simm.s32 @!p0 $0x2  }
0x36f: {  	_ =	swait.ge @!p0 [sflag:s0], s1  }
0x370: {  	s1 =	ssub.s32 @!p0 $0x0, s1;
	[sflag:s0] =	ssyncset.done @!p0 $0x0  }
0x371: {  	[sflag:s0] =	ssyncadd.s32 @!p0 s1  }
0x372: {  	[bflag:$0x3] =	sbarrier.arrive $0xFFFF  }
0x373: {  	_ =	shalt  }

</sc_bundles>
